<compile_context>
chip_gen: v7x
topology: tpu7x:2x2x1
jax: 0.10.2.dev20260603
libtpu: 0.0.44.dev20260713+nightly
codegen_flags: <defaults>
</compile_context>

<pallas_src>
import functools

import jax
import jax.numpy as jnp
from jax import lax
from jax.experimental import pallas as pl
from jax.experimental.pallas import tpu as pltpu
from jax.experimental.pallas import tpu_sc as plsc

N = 10000
E = 320000
D = 128
NC = 2
NS = 16
NW = NC * NS
C = 128
CH = 80
BLK = 16
NBLK = CH // BLK
EPW = CH * C
E_PAD = NW * EPW
AGG_ROWS = 10016
WIN = 640
PAD_DST = N + 8

RB = 1000
GRID = N // RB


def _gelu(x):
    return 0.5 * x * (1.0 + lax.erf(x * 0.7071067811865476))


def _segment_sum_sc(h, src_r, dst_r, zeros):
    mesh = plsc.VectorSubcoreMesh(
        core_axis_name="core", subcore_axis_name="subcore")

    @functools.partial(
        pl.kernel,
        out_type=jax.ShapeDtypeStruct((NC, AGG_ROWS, D), jnp.float32),
        mesh=mesh,
        scratch_types=[
            pltpu.VMEM((BLK, C), jnp.int32),
            pltpu.VMEM((BLK, C), jnp.int32),
            pltpu.VMEM((2, C, D), jnp.float32),
            pltpu.VMEM_SHARED((AGG_ROWS, D), jnp.float32),
            pltpu.SemaphoreType.DMA((2,)),
        ],
    )
    def seg_kernel(h_hbm, src_hbm, dst_hbm, z_hbm, out_hbm,
                   srcb, dstb, rows, agg_sh, gsem):
        c = lax.axis_index("core")
        s = lax.axis_index("subcore")
        w = c * NS + s
        base = pl.multiple_of(jnp.minimum(s * WIN, AGG_ROWS - WIN), 8)
        pltpu.sync_copy(z_hbm.at[pl.ds(base, WIN)],
                        agg_sh.at[pl.ds(base, WIN)])
        plsc.subcore_barrier()

        @pl.loop(0, NBLK)
        def _(blk):
            pltpu.sync_copy(src_hbm.at[w].at[pl.ds(blk * BLK, BLK)], srcb)
            pltpu.sync_copy(dst_hbm.at[w].at[pl.ds(blk * BLK, BLK)], dstb)
            pltpu.async_copy(h_hbm.at[srcb.at[0]], rows.at[0], gsem.at[0])
            pltpu.async_copy(h_hbm.at[srcb.at[1]], rows.at[1], gsem.at[1])
            for k in range(BLK):
                b = k % 2
                pltpu.make_async_copy(
                    h_hbm.at[srcb.at[k]], rows.at[b], gsem.at[b]).wait()
                pltpu.sync_copy(rows.at[b], agg_sh.at[dstb.at[k]], add=True)
                if k + 2 < BLK:
                    pltpu.async_copy(
                        h_hbm.at[srcb.at[k + 2]], rows.at[b], gsem.at[b])

        plsc.subcore_barrier()
        pltpu.sync_copy(agg_sh.at[pl.ds(base, WIN)],
                        out_hbm.at[c, pl.ds(base, WIN)])

    return seg_kernel(h, src_r, dst_r, zeros)


def _enc_tc(x, Wt, b):
    def body(x_ref, w_ref, b_ref, o_ref):
        o_ref[...] = _gelu(
            jnp.dot(x_ref[...], w_ref[...],
                    preferred_element_type=jnp.float32) + b_ref[...])

    return pl.pallas_call(
        body,
        grid=(GRID,),
        in_specs=[
            pl.BlockSpec((RB, D), lambda i: (i, 0)),
            pl.BlockSpec((D, D), lambda i: (0, 0)),
            pl.BlockSpec((1, D), lambda i: (0, 0)),
        ],
        out_specs=pl.BlockSpec((RB, D), lambda i: (i, 0)),
        out_shape=jax.ShapeDtypeStruct((N, D), jnp.float32),
    )(x, Wt, b)


def _layer_tc(h, aggp, lsWt, lsb, lnWt, lnb):
    def body(h_ref, a_ref, lsw_ref, lsb_ref, lnw_ref, lnb_ref, o_ref):
        agg = a_ref[0] + a_ref[1]
        msg = jnp.dot(agg, lnw_ref[...],
                      preferred_element_type=jnp.float32) + lnb_ref[...]
        hs = jnp.dot(h_ref[...], lsw_ref[...],
                     preferred_element_type=jnp.float32) + lsb_ref[...]
        o_ref[...] = _gelu(hs + msg) + h_ref[...]

    return pl.pallas_call(
        body,
        grid=(GRID,),
        in_specs=[
            pl.BlockSpec((RB, D), lambda i: (i, 0)),
            pl.BlockSpec((NC, RB, D), lambda i: (0, i, 0)),
            pl.BlockSpec((D, D), lambda i: (0, 0)),
            pl.BlockSpec((1, D), lambda i: (0, 0)),
            pl.BlockSpec((D, D), lambda i: (0, 0)),
            pl.BlockSpec((1, D), lambda i: (0, 0)),
        ],
        out_specs=pl.BlockSpec((RB, D), lambda i: (i, 0)),
        out_shape=jax.ShapeDtypeStruct((N, D), jnp.float32),
    )(h, aggp, lsWt, lsb, lnWt, lnb)


def _layer_dec_tc(h, aggp, lsWt, lsb, lnWt, lnb, decWt, decb):
    def body(h_ref, a_ref, lsw_ref, lsb_ref, lnw_ref, lnb_ref,
             dw_ref, db_ref, o_ref):
        agg = a_ref[0] + a_ref[1]
        msg = jnp.dot(agg, lnw_ref[...],
                      preferred_element_type=jnp.float32) + lnb_ref[...]
        hs = jnp.dot(h_ref[...], lsw_ref[...],
                     preferred_element_type=jnp.float32) + lsb_ref[...]
        hn = _gelu(hs + msg) + h_ref[...]
        o_ref[...] = jnp.dot(hn, dw_ref[...],
                             preferred_element_type=jnp.float32) + db_ref[...]

    return pl.pallas_call(
        body,
        grid=(GRID,),
        in_specs=[
            pl.BlockSpec((RB, D), lambda i: (i, 0)),
            pl.BlockSpec((NC, RB, D), lambda i: (0, i, 0)),
            pl.BlockSpec((D, D), lambda i: (0, 0)),
            pl.BlockSpec((1, D), lambda i: (0, 0)),
            pl.BlockSpec((D, D), lambda i: (0, 0)),
            pl.BlockSpec((1, D), lambda i: (0, 0)),
            pl.BlockSpec((D, D), lambda i: (0, 0)),
            pl.BlockSpec((1, D), lambda i: (0, 0)),
        ],
        out_specs=pl.BlockSpec((RB, D), lambda i: (i, 0)),
        out_shape=jax.ShapeDtypeStruct((N, D), jnp.float32),
    )(h, aggp, lsWt, lsb, lnWt, lnb, decWt, decb)


def _dec_tc(h, Wt, b):
    def body(h_ref, w_ref, b_ref, o_ref):
        o_ref[...] = jnp.dot(h_ref[...], w_ref[...],
                             preferred_element_type=jnp.float32) + b_ref[...]

    return pl.pallas_call(
        body,
        grid=(GRID,),
        in_specs=[
            pl.BlockSpec((RB, D), lambda i: (i, 0)),
            pl.BlockSpec((D, D), lambda i: (0, 0)),
            pl.BlockSpec((1, D), lambda i: (0, 0)),
        ],
        out_specs=pl.BlockSpec((RB, D), lambda i: (i, 0)),
        out_shape=jax.ShapeDtypeStruct((N, D), jnp.float32),
    )(h, Wt, b)


def kernel(x, edge_index, enc_W, enc_b, ls_W, ls_b, ln_W, ln_b, dec_W, dec_b):
    pad = E_PAD - E
    src_r = jnp.concatenate(
        [edge_index[0], jnp.zeros((pad,), jnp.int32)]).reshape(NW, CH, C)
    dst_r = jnp.concatenate(
        [edge_index[1], jnp.full((pad,), PAD_DST, jnp.int32)]).reshape(NW, CH, C)
    zeros = jnp.zeros((AGG_ROWS, D), jnp.float32)

    h = _enc_tc(x, enc_W.T, enc_b.reshape(1, D))
    aggp = _segment_sum_sc(h, src_r, dst_r, zeros)
    h = _layer_tc(h, aggp, ls_W[0].T, ls_b[0].reshape(1, D),
                  ln_W[0].T, ln_b[0].reshape(1, D))
    aggp = _segment_sum_sc(h, src_r, dst_r, zeros)
    return _layer_dec_tc(h, aggp, ls_W[1].T, ls_b[1].reshape(1, D),
                         ln_W[1].T, ln_b[1].reshape(1, D),
                         dec_W.T, dec_b.reshape(1, D))

# --- scband reference (transcript-rebuilt; emitter-appended) ---
"""Pipeline reference for scband-sum-gnn-5875515261228 (READ-ONLY COPY).

The authoritative reference and input builder live on the scoring server;
editing this copy changes nothing except your own understanding.
"""

import jax, jax.numpy as jnp
import numpy as np

N = 10000
E = 320000
D_IN = 128
H = 128
D_OUT = 128
L = 2


def setup_inputs(seed: int = 0) -> dict:
    key = jax.random.key(seed)
    ks = jax.random.split(key, 10)
    x = jax.random.normal(ks[0], (N, D_IN), dtype=jnp.float32)
    edge_index = jax.random.randint(ks[1], (2, E), 0, N, dtype=jnp.int32)
    s_in = 1.0 / np.sqrt(D_IN)
    s_h = 1.0 / np.sqrt(H)
    enc_W = jax.random.normal(ks[2], (H, D_IN), dtype=jnp.float32) * s_in
    enc_b = jnp.zeros((H,), dtype=jnp.float32)
    ls_W = jax.random.normal(ks[3], (L, H, H), dtype=jnp.float32) * s_h
    ls_b = jnp.zeros((L, H), dtype=jnp.float32)
    ln_W = jax.random.normal(ks[4], (L, H, H), dtype=jnp.float32) * s_h
    ln_b = jnp.zeros((L, H), dtype=jnp.float32)
    dec_W = jax.random.normal(ks[5], (D_OUT, H), dtype=jnp.float32) * s_h
    dec_b = jnp.zeros((D_OUT,), dtype=jnp.float32)
    return {"x": x, "edge_index": edge_index, "enc_W": enc_W, "enc_b": enc_b,
            "ls_W": ls_W, "ls_b": ls_b, "ln_W": ln_W, "ln_b": ln_b,
            "dec_W": dec_W, "dec_b": dec_b}


def reference(x, edge_index, enc_W, enc_b, ls_W, ls_b, ln_W, ln_b, dec_W, dec_b):
    # SumGNN forward: enc -> L residual SumGNNLayer blocks -> dec
    h = jax.nn.gelu(x @ enc_W.T + enc_b, approximate=False)
    src = edge_index[0]
    dst = edge_index[1]
    for k in range(L):
        # MessagePassing.propagate with sum aggregation: gather x_j at src, scatter-add to dst
        agg = jax.ops.segment_sum(h[src], dst, num_segments=N)
        msg = agg @ ln_W[k].T + ln_b[k]
        h_self = h @ ls_W[k].T + ls_b[k]
        h = jax.nn.gelu(h_self + msg, approximate=False) + h
    return h @ dec_W.T + dec_b

if __name__ == "__main__":
    import jax
    _d = setup_inputs()
    print(jax.jit(kernel)(*tuple(_d.values())))

</pallas_src>

<mosaic_0001>
#map = affine_map<(d0, d1) -> (0, 0)>
#map1 = affine_map<(d0, d1) -> (0, 0, 0)>
module attributes {stable_mosaic.version = 14 : i64} {
  func.func @seg_kernel(%arg0: i32, %arg1: i32, %arg2: memref<10000x128xf32, #tpu.memory_space<hbm>>, %arg3: memref<32x80x128xi32, #tpu.memory_space<hbm>>, %arg4: memref<32x80x128xi32, #tpu.memory_space<hbm>>, %arg5: memref<10016x128xf32, #tpu.memory_space<hbm>>, %arg6: memref<2x10016x128xf32, #tpu.memory_space<hbm>>, %arg7: memref<16x128xi32, #tpu.memory_space<vmem>>, %arg8: memref<16x128xi32, #tpu.memory_space<vmem>>, %arg9: memref<2x128x128xf32, #tpu.memory_space<vmem>>, %arg10: memref<10016x128xf32, #tpu.memory_space<vmem_shared>>, %arg11: memref<2x!tpu.dma_semaphore, #tpu.memory_space<semaphore_mem>>) attributes {dimension_semantics = [#tpu.dimension_semantics<core_parallel>, #tpu.dimension_semantics<subcore_parallel>], iteration_bounds = array<i64: 2, 16>, scalar_prefetch = 0 : i64, scratch_operands = 5 : i64, tpu.core_type = #tpu.core_type<sc_vector_subcore>, window_params = [{transform_indices = #map}, {transform_indices = #map1}, {transform_indices = #map1}, {transform_indices = #map}, {transform_indices = #map1}]} {
    %mul3A = arith.constant 16 : i32
    %mul3A_0 = arith.muli %arg0, %mul3A : i32
    %add3A = arith.addi %mul3A_0, %arg1 : i32
    %mul3A_1 = arith.constant 640 : i32
    %mul3A_2 = arith.muli %arg1, %mul3A_1 : i32
    %min3A = arith.constant 9376 : i32
    %min3A_3 = arith.minsi %mul3A_2, %min3A : i32
    %multiple_of3A = tpu.assume_multiple %min3A_3, 8 : i32
    "tpu.region"() ({
      %run_scoped3A = tpu.sem_alloc : memref<!tpu.dma_semaphore, #tpu.memory_space<semaphore_mem>>
      %dma_start3A = arith.constant 0 : i32
      %dma_start3A_9 = tpu.memref_slice %arg10[%multiple_of3A, %dma_start3A] : memref<10016x128xf32, #tpu.memory_space<vmem_shared>> -> memref<640x128xf32, #tpu.memory_space<vmem_shared>>
      %dma_start3A_10 = arith.constant 0 : i32
      %dma_start3A_11 = tpu.memref_slice %arg5[%multiple_of3A, %dma_start3A_10] : memref<10016x128xf32, #tpu.memory_space<hbm>> -> memref<640x128xf32, #tpu.memory_space<hbm>>
      tpu.enqueue_dma source(%dma_start3A_11 : memref<640x128xf32, #tpu.memory_space<hbm>>) target(%dma_start3A_9 : memref<640x128xf32, #tpu.memory_space<vmem_shared>>) target_semaphore(%run_scoped3A : memref<!tpu.dma_semaphore, #tpu.memory_space<semaphore_mem>>)
      %dma_wait3A = arith.constant 0 : i32
      %dma_wait3A_12 = tpu.memref_slice %arg10[%multiple_of3A, %dma_wait3A] : memref<10016x128xf32, #tpu.memory_space<vmem_shared>> -> memref<640x128xf32, #tpu.memory_space<vmem_shared>>
      %dma_wait3A_13 = arith.constant 0 : i32
      %dma_wait3A_14 = tpu.memref_slice %arg5[%multiple_of3A, %dma_wait3A_13] : memref<10016x128xf32, #tpu.memory_space<hbm>> -> memref<640x128xf32, #tpu.memory_space<hbm>>
      tpu.wait_dma2 semaphore(%run_scoped3A : memref<!tpu.dma_semaphore, #tpu.memory_space<semaphore_mem>>) src(%dma_wait3A_14 : memref<640x128xf32, #tpu.memory_space<hbm>>) dst(%dma_wait3A_12 : memref<640x128xf32, #tpu.memory_space<vmem_shared>>)
      tpu.yield
    }) : () -> ()
    %barrier3A = arith.constant 0 : index
    tpu.barrier barrier_id(%barrier3A)
    %scan3A = arith.constant 0 : i32
    %scan3A_4 = arith.constant 5 : i32
    %scan3A_5 = arith.addi %scan3A, %scan3A_4 : i32
    %scan3A_6 = arith.constant 1 : i32
    scf.for %scan3A_9 = %scan3A to %scan3A_5 step %scan3A_6  : i32 {
      %mul3A_10 = arith.constant 1 : i32
      %mul3A_11 = arith.muli %scan3A_9, %mul3A_10 : i32
      %add3A_12 = arith.constant 0 : i32
      %add3A_13 = arith.addi %add3A_12, %mul3A_11 : i32
      %mul3A_14 = arith.constant 16 : i32
      %mul3A_15 = arith.muli %add3A_13, %mul3A_14 : i32
      "tpu.region"() ({
        %run_scoped3A_527 = tpu.sem_alloc : memref<!tpu.dma_semaphore, #tpu.memory_space<semaphore_mem>>
        %dma_start3A_528 = arith.constant 0 : i32
        %dma_start3A_529 = arith.constant 0 : i32
        %dma_start3A_530 = tpu.memref_slice %arg3[%add3A, %dma_start3A_528, %dma_start3A_529] : memref<32x80x128xi32, #tpu.memory_space<hbm>> -> memref<1x80x128xi32, #tpu.memory_space<hbm>>
        %dma_start3A_531 = tpu.memref_squeeze %dma_start3A_530 : memref<1x80x128xi32, #tpu.memory_space<hbm>> -> memref<80x128xi32, #tpu.memory_space<hbm>>
        %dma_start3A_532 = arith.constant 0 : i32
        %dma_start3A_533 = tpu.memref_slice %dma_start3A_531[%mul3A_15, %dma_start3A_532] : memref<80x128xi32, #tpu.memory_space<hbm>> -> memref<16x128xi32, #tpu.memory_space<hbm>>
        %dma_start3A_534 = arith.constant 0 : i32
        %dma_start3A_535 = arith.constant 0 : i32
        %dma_start3A_536 = tpu.memref_slice %arg3[%add3A, %dma_start3A_534, %dma_start3A_535] : memref<32x80x128xi32, #tpu.memory_space<hbm>> -> memref<1x80x128xi32, #tpu.memory_space<hbm>>
        %dma_start3A_537 = tpu.memref_squeeze %dma_start3A_536 : memref<1x80x128xi32, #tpu.memory_space<hbm>> -> memref<80x128xi32, #tpu.memory_space<hbm>>
        %dma_start3A_538 = arith.constant 0 : i32
        %dma_start3A_539 = tpu.memref_slice %dma_start3A_537[%mul3A_15, %dma_start3A_538] : memref<80x128xi32, #tpu.memory_space<hbm>> -> memref<16x128xi32, #tpu.memory_space<hbm>>
        tpu.enqueue_dma source(%dma_start3A_539 : memref<16x128xi32, #tpu.memory_space<hbm>>) target(%arg7 : memref<16x128xi32, #tpu.memory_space<vmem>>) target_semaphore(%run_scoped3A_527 : memref<!tpu.dma_semaphore, #tpu.memory_space<semaphore_mem>>)
        %dma_wait3A_540 = arith.constant 0 : i32
        %dma_wait3A_541 = arith.constant 0 : i32
        %dma_wait3A_542 = tpu.memref_slice %arg3[%add3A, %dma_wait3A_540, %dma_wait3A_541] : memref<32x80x128xi32, #tpu.memory_space<hbm>> -> memref<1x80x128xi32, #tpu.memory_space<hbm>>
        %dma_wait3A_543 = tpu.memref_squeeze %dma_wait3A_542 : memref<1x80x128xi32, #tpu.memory_space<hbm>> -> memref<80x128xi32, #tpu.memory_space<hbm>>
        %dma_wait3A_544 = arith.constant 0 : i32
        %dma_wait3A_545 = tpu.memref_slice %dma_wait3A_543[%mul3A_15, %dma_wait3A_544] : memref<80x128xi32, #tpu.memory_space<hbm>> -> memref<16x128xi32, #tpu.memory_space<hbm>>
        %dma_wait3A_546 = arith.constant 0 : i32
        %dma_wait3A_547 = arith.constant 0 : i32
        %dma_wait3A_548 = tpu.memref_slice %arg3[%add3A, %dma_wait3A_546, %dma_wait3A_547] : memref<32x80x128xi32, #tpu.memory_space<hbm>> -> memref<1x80x128xi32, #tpu.memory_space<hbm>>
        %dma_wait3A_549 = tpu.memref_squeeze %dma_wait3A_548 : memref<1x80x128xi32, #tpu.memory_space<hbm>> -> memref<80x128xi32, #tpu.memory_space<hbm>>
        %dma_wait3A_550 = arith.constant 0 : i32
        %dma_wait3A_551 = tpu.memref_slice %dma_wait3A_549[%mul3A_15, %dma_wait3A_550] : memref<80x128xi32, #tpu.memory_space<hbm>> -> memref<16x128xi32, #tpu.memory_space<hbm>>
        tpu.wait_dma2 semaphore(%run_scoped3A_527 : memref<!tpu.dma_semaphore, #tpu.memory_space<semaphore_mem>>) src(%dma_wait3A_551 : memref<16x128xi32, #tpu.memory_space<hbm>>) dst(%arg7 : memref<16x128xi32, #tpu.memory_space<vmem>>)
        tpu.yield
      }) : () -> ()
      %mul3A_16 = arith.constant 16 : i32
      %mul3A_17 = arith.muli %add3A_13, %mul3A_16 : i32
      "tpu.region"() ({
        %run_scoped3A_527 = tpu.sem_alloc : memref<!tpu.dma_semaphore, #tpu.memory_space<semaphore_mem>>
        %dma_start3A_528 = arith.constant 0 : i32
        %dma_start3A_529 = arith.constant 0 : i32
        %dma_start3A_530 = tpu.memref_slice %arg4[%add3A, %dma_start3A_528, %dma_start3A_529] : memref<32x80x128xi32, #tpu.memory_space<hbm>> -> memref<1x80x128xi32, #tpu.memory_space<hbm>>
        %dma_start3A_531 = tpu.memref_squeeze %dma_start3A_530 : memref<1x80x128xi32, #tpu.memory_space<hbm>> -> memref<80x128xi32, #tpu.memory_space<hbm>>
        %dma_start3A_532 = arith.constant 0 : i32
        %dma_start3A_533 = tpu.memref_slice %dma_start3A_531[%mul3A_17, %dma_start3A_532] : memref<80x128xi32, #tpu.memory_space<hbm>> -> memref<16x128xi32, #tpu.memory_space<hbm>>
        %dma_start3A_534 = arith.constant 0 : i32
        %dma_start3A_535 = arith.constant 0 : i32
        %dma_start3A_536 = tpu.memref_slice %arg4[%add3A, %dma_start3A_534, %dma_start3A_535] : memref<32x80x128xi32, #tpu.memory_space<hbm>> -> memref<1x80x128xi32, #tpu.memory_space<hbm>>
        %dma_start3A_537 = tpu.memref_squeeze %dma_start3A_536 : memref<1x80x128xi32, #tpu.memory_space<hbm>> -> memref<80x128xi32, #tpu.memory_space<hbm>>
        %dma_start3A_538 = arith.constant 0 : i32
        %dma_start3A_539 = tpu.memref_slice %dma_start3A_537[%mul3A_17, %dma_start3A_538] : memref<80x128xi32, #tpu.memory_space<hbm>> -> memref<16x128xi32, #tpu.memory_space<hbm>>
        tpu.enqueue_dma source(%dma_start3A_539 : memref<16x128xi32, #tpu.memory_space<hbm>>) target(%arg8 : memref<16x128xi32, #tpu.memory_space<vmem>>) target_semaphore(%run_scoped3A_527 : memref<!tpu.dma_semaphore, #tpu.memory_space<semaphore_mem>>)
        %dma_wait3A_540 = arith.constant 0 : i32
        %dma_wait3A_541 = arith.constant 0 : i32
        %dma_wait3A_542 = tpu.memref_slice %arg4[%add3A, %dma_wait3A_540, %dma_wait3A_541] : memref<32x80x128xi32, #tpu.memory_space<hbm>> -> memref<1x80x128xi32, #tpu.memory_space<hbm>>
        %dma_wait3A_543 = tpu.memref_squeeze %dma_wait3A_542 : memref<1x80x128xi32, #tpu.memory_space<hbm>> -> memref<80x128xi32, #tpu.memory_space<hbm>>
        %dma_wait3A_544 = arith.constant 0 : i32
        %dma_wait3A_545 = tpu.memref_slice %dma_wait3A_543[%mul3A_17, %dma_wait3A_544] : memref<80x128xi32, #tpu.memory_space<hbm>> -> memref<16x128xi32, #tpu.memory_space<hbm>>
        %dma_wait3A_546 = arith.constant 0 : i32
        %dma_wait3A_547 = arith.constant 0 : i32
        %dma_wait3A_548 = tpu.memref_slice %arg4[%add3A, %dma_wait3A_546, %dma_wait3A_547] : memref<32x80x128xi32, #tpu.memory_space<hbm>> -> memref<1x80x128xi32, #tpu.memory_space<hbm>>
        %dma_wait3A_549 = tpu.memref_squeeze %dma_wait3A_548 : memref<1x80x128xi32, #tpu.memory_space<hbm>> -> memref<80x128xi32, #tpu.memory_space<hbm>>
        %dma_wait3A_550 = arith.constant 0 : i32
        %dma_wait3A_551 = tpu.memref_slice %dma_wait3A_549[%mul3A_17, %dma_wait3A_550] : memref<80x128xi32, #tpu.memory_space<hbm>> -> memref<16x128xi32, #tpu.memory_space<hbm>>
        tpu.wait_dma2 semaphore(%run_scoped3A_527 : memref<!tpu.dma_semaphore, #tpu.memory_space<semaphore_mem>>) src(%dma_wait3A_551 : memref<16x128xi32, #tpu.memory_space<hbm>>) dst(%arg8 : memref<16x128xi32, #tpu.memory_space<vmem>>)
        tpu.yield
      }) : () -> ()
      %dma_start3A = arith.constant 0 : i32
      %dma_start3A_18 = arith.constant 0 : i32
      %dma_start3A_19 = arith.constant 0 : i32
      %dma_start3A_20 = arith.constant 0 : i32
      %dma_start3A_21 = arith.constant 0 : i32
      %dma_start3A_22 = tpu.memref_slice %arg9[%dma_start3A_18, %dma_start3A_20, %dma_start3A_21] : memref<2x128x128xf32, #tpu.memory_space<vmem>> -> memref<1x128x128xf32, #tpu.memory_space<vmem>>
      %dma_start3A_23 = tpu.memref_squeeze %dma_start3A_22 : memref<1x128x128xf32, #tpu.memory_space<vmem>> -> memref<128x128xf32, #tpu.memory_space<vmem>>
      %dma_start3A_24 = arith.constant 0 : i32
      %dma_start3A_25 = tpu.memref_slice %arg7[%dma_start3A, %dma_start3A_24] : memref<16x128xi32, #tpu.memory_space<vmem>> -> memref<1x128xi32, #tpu.memory_space<vmem>>
      %dma_start3A_26 = tpu.memref_squeeze %dma_start3A_25 : memref<1x128xi32, #tpu.memory_space<vmem>> -> memref<128xi32, #tpu.memory_space<vmem>>
      %dma_start3A_27 = arith.constant 0 : i32
      %dma_start3A_28 = arith.constant 0 : i32
      %dma_start3A_29 = tpu.memref_slice %arg2[%dma_start3A_27, %dma_start3A_28] : memref<10000x128xf32, #tpu.memory_space<hbm>> -> memref<10000x128xf32, #tpu.memory_space<hbm>>
      %dma_start3A_30 = tpu.memref_slice %arg11[%dma_start3A_19] : memref<2x!tpu.dma_semaphore, #tpu.memory_space<semaphore_mem>> -> memref<1x!tpu.dma_semaphore, #tpu.memory_space<semaphore_mem>>
      %dma_start3A_31 = tpu.memref_squeeze %dma_start3A_30 : memref<1x!tpu.dma_semaphore, #tpu.memory_space<semaphore_mem>> -> memref<!tpu.dma_semaphore, #tpu.memory_space<semaphore_mem>>
      tpu.enqueue_indirect_dma source(%dma_start3A_29 : memref<10000x128xf32, #tpu.memory_space<hbm>>) target(%dma_start3A_23 : memref<128x128xf32, #tpu.memory_space<vmem>>) offsets(%dma_start3A_26 : memref<128xi32, #tpu.memory_space<vmem>>) semaphore(%dma_start3A_31 : memref<!tpu.dma_semaphore, #tpu.memory_space<semaphore_mem>>)
      %dma_start3A_32 = arith.constant 1 : i32
      %dma_start3A_33 = arith.constant 1 : i32
      %dma_start3A_34 = arith.constant 1 : i32
      %dma_start3A_35 = arith.constant 0 : i32
      %dma_start3A_36 = arith.constant 0 : i32
      %dma_start3A_37 = tpu.memref_slice %arg9[%dma_start3A_33, %dma_start3A_35, %dma_start3A_36] : memref<2x128x128xf32, #tpu.memory_space<vmem>> -> memref<1x128x128xf32, #tpu.memory_space<vmem>>
      %dma_start3A_38 = tpu.memref_squeeze %dma_start3A_37 : memref<1x128x128xf32, #tpu.memory_space<vmem>> -> memref<128x128xf32, #tpu.memory_space<vmem>>
      %dma_start3A_39 = arith.constant 0 : i32
      %dma_start3A_40 = tpu.memref_slice %arg7[%dma_start3A_32, %dma_start3A_39] : memref<16x128xi32, #tpu.memory_space<vmem>> -> memref<1x128xi32, #tpu.memory_space<vmem>>
      %dma_start3A_41 = tpu.memref_squeeze %dma_start3A_40 : memref<1x128xi32, #tpu.memory_space<vmem>> -> memref<128xi32, #tpu.memory_space<vmem>>
      %dma_start3A_42 = arith.constant 0 : i32
      %dma_start3A_43 = arith.constant 0 : i32
      %dma_start3A_44 = tpu.memref_slice %arg2[%dma_start3A_42, %dma_start3A_43] : memref<10000x128xf32, #tpu.memory_space<hbm>> -> memref<10000x128xf32, #tpu.memory_space<hbm>>
      %dma_start3A_45 = tpu.memref_slice %arg11[%dma_start3A_34] : memref<2x!tpu.dma_semaphore, #tpu.memory_space<semaphore_mem>> -> memref<1x!tpu.dma_semaphore, #tpu.memory_space<semaphore_mem>>
      %dma_start3A_46 = tpu.memref_squeeze %dma_start3A_45 : memref<1x!tpu.dma_semaphore, #tpu.memory_space<semaphore_mem>> -> memref<!tpu.dma_semaphore, #tpu.memory_space<semaphore_mem>>
      tpu.enqueue_indirect_dma source(%dma_start3A_44 : memref<10000x128xf32, #tpu.memory_space<hbm>>) target(%dma_start3A_38 : memref<128x128xf32, #tpu.memory_space<vmem>>) offsets(%dma_start3A_41 : memref<128xi32, #tpu.memory_space<vmem>>) semaphore(%dma_start3A_46 : memref<!tpu.dma_semaphore, #tpu.memory_space<semaphore_mem>>)
      %dma_wait3A = arith.constant 0 : i32
      %dma_wait3A_47 = arith.constant 0 : i32
      %dma_wait3A_48 = arith.constant 0 : i32
      %dma_wait3A_49 = arith.constant 0 : i32
      %dma_wait3A_50 = arith.constant 0 : i32
      %dma_wait3A_51 = tpu.memref_slice %arg9[%dma_wait3A_47, %dma_wait3A_49, %dma_wait3A_50] : memref<2x128x128xf32, #tpu.memory_space<vmem>> -> memref<1x128x128xf32, #tpu.memory_space<vmem>>
      %dma_wait3A_52 = tpu.memref_squeeze %dma_wait3A_51 : memref<1x128x128xf32, #tpu.memory_space<vmem>> -> memref<128x128xf32, #tpu.memory_space<vmem>>
      %dma_wait3A_53 = arith.constant 0 : i32
      %dma_wait3A_54 = tpu.memref_slice %arg7[%dma_wait3A, %dma_wait3A_53] : memref<16x128xi32, #tpu.memory_space<vmem>> -> memref<1x128xi32, #tpu.memory_space<vmem>>
      %dma_wait3A_55 = tpu.memref_squeeze %dma_wait3A_54 : memref<1x128xi32, #tpu.memory_space<vmem>> -> memref<128xi32, #tpu.memory_space<vmem>>
      %dma_wait3A_56 = arith.constant 0 : i32
      %dma_wait3A_57 = arith.constant 0 : i32
      %dma_wait3A_58 = tpu.memref_slice %arg2[%dma_wait3A_56, %dma_wait3A_57] : memref<10000x128xf32, #tpu.memory_space<hbm>> -> memref<10000x128xf32, #tpu.memory_space<hbm>>
      %dma_wait3A_59 = tpu.memref_slice %arg11[%dma_wait3A_48] : memref<2x!tpu.dma_semaphore, #tpu.memory_space<semaphore_mem>> -> memref<1x!tpu.dma_semaphore, #tpu.memory_space<semaphore_mem>>
      %dma_wait3A_60 = tpu.memref_squeeze %dma_wait3A_59 : memref<1x!tpu.dma_semaphore, #tpu.memory_space<semaphore_mem>> -> memref<!tpu.dma_semaphore, #tpu.memory_space<semaphore_mem>>
      tpu.wait_indirect_dma semaphore(%dma_wait3A_60 : memref<!tpu.dma_semaphore, #tpu.memory_space<semaphore_mem>>) src(%dma_wait3A_58 : memref<10000x128xf32, #tpu.memory_space<hbm>>) dst(%dma_wait3A_52 : memref<128x128xf32, #tpu.memory_space<vmem>>)
      %run_scoped3A = arith.constant 0 : i32
      %run_scoped3A_61 = arith.constant 0 : i32
      "tpu.region"() ({
        %run_scoped3A_527 = tpu.sem_alloc : memref<!tpu.dma_semaphore, #tpu.memory_space<semaphore_mem>>
        %dma_start3A_528 = arith.constant 0 : i32
        %dma_start3A_529 = arith.constant 0 : i32
        %dma_start3A_530 = tpu.memref_slice %arg9[%run_scoped3A, %dma_start3A_528, %dma_start3A_529] : memref<2x128x128xf32, #tpu.memory_space<vmem>> -> memref<1x128x128xf32, #tpu.memory_space<vmem>>
        %dma_start3A_531 = tpu.memref_squeeze %dma_start3A_530 : memref<1x128x128xf32, #tpu.memory_space<vmem>> -> memref<128x128xf32, #tpu.memory_space<vmem>>
        %dma_start3A_532 = arith.constant 0 : i32
        %dma_start3A_533 = tpu.memref_slice %arg8[%run_scoped3A_61, %dma_start3A_532] : memref<16x128xi32, #tpu.memory_space<vmem>> -> memref<1x128xi32, #tpu.memory_space<vmem>>
        %dma_start3A_534 = tpu.memref_squeeze %dma_start3A_533 : memref<1x128xi32, #tpu.memory_space<vmem>> -> memref<128xi32, #tpu.memory_space<vmem>>
        %dma_start3A_535 = arith.constant 0 : i32
        %dma_start3A_536 = arith.constant 0 : i32
        %dma_start3A_537 = tpu.memref_slice %arg10[%dma_start3A_535, %dma_start3A_536] : memref<10016x128xf32, #tpu.memory_space<vmem_shared>> -> memref<10016x128xf32, #tpu.memory_space<vmem_shared>>
        tpu.enqueue_indirect_dma source(%dma_start3A_531 : memref<128x128xf32, #tpu.memory_space<vmem>>) target(%dma_start3A_537 : memref<10016x128xf32, #tpu.memory_space<vmem_shared>>) offsets(%dma_start3A_534 : memref<128xi32, #tpu.memory_space<vmem>>) semaphore(%run_scoped3A_527 : memref<!tpu.dma_semaphore, #tpu.memory_space<semaphore_mem>>) {add = true}
        %dma_wait3A_538 = arith.constant 0 : i32
        %dma_wait3A_539 = arith.constant 0 : i32
        %dma_wait3A_540 = tpu.memref_slice %arg9[%run_scoped3A, %dma_wait3A_538, %dma_wait3A_539] : memref<2x128x128xf32, #tpu.memory_space<vmem>> -> memref<1x128x128xf32, #tpu.memory_space<vmem>>
        %dma_wait3A_541 = tpu.memref_squeeze %dma_wait3A_540 : memref<1x128x128xf32, #tpu.memory_space<vmem>> -> memref<128x128xf32, #tpu.memory_space<vmem>>
        %dma_wait3A_542 = arith.constant 0 : i32
        %dma_wait3A_543 = tpu.memref_slice %arg8[%run_scoped3A_61, %dma_wait3A_542] : memref<16x128xi32, #tpu.memory_space<vmem>> -> memref<1x128xi32, #tpu.memory_space<vmem>>
        %dma_wait3A_544 = tpu.memref_squeeze %dma_wait3A_543 : memref<1x128xi32, #tpu.memory_space<vmem>> -> memref<128xi32, #tpu.memory_space<vmem>>
        %dma_wait3A_545 = arith.constant 0 : i32
        %dma_wait3A_546 = arith.constant 0 : i32
        %dma_wait3A_547 = tpu.memref_slice %arg10[%dma_wait3A_545, %dma_wait3A_546] : memref<10016x128xf32, #tpu.memory_space<vmem_shared>> -> memref<10016x128xf32, #tpu.memory_space<vmem_shared>>
        tpu.wait_indirect_dma semaphore(%run_scoped3A_527 : memref<!tpu.dma_semaphore, #tpu.memory_space<semaphore_mem>>) src(%dma_wait3A_541 : memref<128x128xf32, #tpu.memory_space<vmem>>) dst(%dma_wait3A_547 : memref<10016x128xf32, #tpu.memory_space<vmem_shared>>)
        tpu.yield
      }) : () -> ()
      %dma_start3A_62 = arith.constant 2 : i32
      %dma_start3A_63 = arith.constant 0 : i32
      %dma_start3A_64 = arith.constant 0 : i32
      %dma_start3A_65 = arith.constant 0 : i32
      %dma_start3A_66 = arith.constant 0 : i32
      %dma_start3A_67 = tpu.memref_slice %arg9[%dma_start3A_63, %dma_start3A_65, %dma_start3A_66] : memref<2x128x128xf32, #tpu.memory_space<vmem>> -> memref<1x128x128xf32, #tpu.memory_space<vmem>>
      %dma_start3A_68 = tpu.memref_squeeze %dma_start3A_67 : memref<1x128x128xf32, #tpu.memory_space<vmem>> -> memref<128x128xf32, #tpu.memory_space<vmem>>
      %dma_start3A_69 = arith.constant 0 : i32
      %dma_start3A_70 = tpu.memref_slice %arg7[%dma_start3A_62, %dma_start3A_69] : memref<16x128xi32, #tpu.memory_space<vmem>> -> memref<1x128xi32, #tpu.memory_space<vmem>>
      %dma_start3A_71 = tpu.memref_squeeze %dma_start3A_70 : memref<1x128xi32, #tpu.memory_space<vmem>> -> memref<128xi32, #tpu.memory_space<vmem>>
      %dma_start3A_72 = arith.constant 0 : i32
      %dma_start3A_73 = arith.constant 0 : i32
      %dma_start3A_74 = tpu.memref_slice %arg2[%dma_start3A_72, %dma_start3A_73] : memref<10000x128xf32, #tpu.memory_space<hbm>> -> memref<10000x128xf32, #tpu.memory_space<hbm>>
      %dma_start3A_75 = tpu.memref_slice %arg11[%dma_start3A_64] : memref<2x!tpu.dma_semaphore, #tpu.memory_space<semaphore_mem>> -> memref<1x!tpu.dma_semaphore, #tpu.memory_space<semaphore_mem>>
      %dma_start3A_76 = tpu.memref_squeeze %dma_start3A_75 : memref<1x!tpu.dma_semaphore, #tpu.memory_space<semaphore_mem>> -> memref<!tpu.dma_semaphore, #tpu.memory_space<semaphore_mem>>
      tpu.enqueue_indirect_dma source(%dma_start3A_74 : memref<10000x128xf32, #tpu.memory_space<hbm>>) target(%dma_start3A_68 : memref<128x128xf32, #tpu.memory_space<vmem>>) offsets(%dma_start3A_71 : memref<128xi32, #tpu.memory_space<vmem>>) semaphore(%dma_start3A_76 : memref<!tpu.dma_semaphore, #tpu.memory_space<semaphore_mem>>)
      %dma_wait3A_77 = arith.constant 1 : i32
      %dma_wait3A_78 = arith.constant 1 : i32
      %dma_wait3A_79 = arith.constant 1 : i32
      %dma_wait3A_80 = arith.constant 0 : i32
      %dma_wait3A_81 = arith.constant 0 : i32
      %dma_wait3A_82 = tpu.memref_slice %arg9[%dma_wait3A_78, %dma_wait3A_80, %dma_wait3A_81] : memref<2x128x128xf32, #tpu.memory_space<vmem>> -> memref<1x128x128xf32, #tpu.memory_space<vmem>>
      %dma_wait3A_83 = tpu.memref_squeeze %dma_wait3A_82 : memref<1x128x128xf32, #tpu.memory_space<vmem>> -> memref<128x128xf32, #tpu.memory_space<vmem>>
      %dma_wait3A_84 = arith.constant 0 : i32
      %dma_wait3A_85 = tpu.memref_slice %arg7[%dma_wait3A_77, %dma_wait3A_84] : memref<16x128xi32, #tpu.memory_space<vmem>> -> memref<1x128xi32, #tpu.memory_space<vmem>>
      %dma_wait3A_86 = tpu.memref_squeeze %dma_wait3A_85 : memref<1x128xi32, #tpu.memory_space<vmem>> -> memref<128xi32, #tpu.memory_space<vmem>>
      %dma_wait3A_87 = arith.constant 0 : i32
      %dma_wait3A_88 = arith.constant 0 : i32
      %dma_wait3A_89 = tpu.memref_slice %arg2[%dma_wait3A_87, %dma_wait3A_88] : memref<10000x128xf32, #tpu.memory_space<hbm>> -> memref<10000x128xf32, #tpu.memory_space<hbm>>
      %dma_wait3A_90 = tpu.memref_slice %arg11[%dma_wait3A_79] : memref<2x!tpu.dma_semaphore, #tpu.memory_space<semaphore_mem>> -> memref<1x!tpu.dma_semaphore, #tpu.memory_space<semaphore_mem>>
      %dma_wait3A_91 = tpu.memref_squeeze %dma_wait3A_90 : memref<1x!tpu.dma_semaphore, #tpu.memory_space<semaphore_mem>> -> memref<!tpu.dma_semaphore, #tpu.memory_space<semaphore_mem>>
      tpu.wait_indirect_dma semaphore(%dma_wait3A_91 : memref<!tpu.dma_semaphore, #tpu.memory_space<semaphore_mem>>) src(%dma_wait3A_89 : memref<10000x128xf32, #tpu.memory_space<hbm>>) dst(%dma_wait3A_83 : memref<128x128xf32, #tpu.memory_space<vmem>>)
      %run_scoped3A_92 = arith.constant 1 : i32
      %run_scoped3A_93 = arith.constant 1 : i32
      "tpu.region"() ({
        %run_scoped3A_527 = tpu.sem_alloc : memref<!tpu.dma_semaphore, #tpu.memory_space<semaphore_mem>>
        %dma_start3A_528 = arith.constant 0 : i32
        %dma_start3A_529 = arith.constant 0 : i32
        %dma_start3A_530 = tpu.memref_slice %arg9[%run_scoped3A_92, %dma_start3A_528, %dma_start3A_529] : memref<2x128x128xf32, #tpu.memory_space<vmem>> -> memref<1x128x128xf32, #tpu.memory_space<vmem>>
        %dma_start3A_531 = tpu.memref_squeeze %dma_start3A_530 : memref<1x128x128xf32, #tpu.memory_space<vmem>> -> memref<128x128xf32, #tpu.memory_space<vmem>>
        %dma_start3A_532 = arith.constant 0 : i32
        %dma_start3A_533 = tpu.memref_slice %arg8[%run_scoped3A_93, %dma_start3A_532] : memref<16x128xi32, #tpu.memory_space<vmem>> -> memref<1x128xi32, #tpu.memory_space<vmem>>
        %dma_start3A_534 = tpu.memref_squeeze %dma_start3A_533 : memref<1x128xi32, #tpu.memory_space<vmem>> -> memref<128xi32, #tpu.memory_space<vmem>>
        %dma_start3A_535 = arith.constant 0 : i32
        %dma_start3A_536 = arith.constant 0 : i32
        %dma_start3A_537 = tpu.memref_slice %arg10[%dma_start3A_535, %dma_start3A_536] : memref<10016x128xf32, #tpu.memory_space<vmem_shared>> -> memref<10016x128xf32, #tpu.memory_space<vmem_shared>>
        tpu.enqueue_indirect_dma source(%dma_start3A_531 : memref<128x128xf32, #tpu.memory_space<vmem>>) target(%dma_start3A_537 : memref<10016x128xf32, #tpu.memory_space<vmem_shared>>) offsets(%dma_start3A_534 : memref<128xi32, #tpu.memory_space<vmem>>) semaphore(%run_scoped3A_527 : memref<!tpu.dma_semaphore, #tpu.memory_space<semaphore_mem>>) {add = true}
        %dma_wait3A_538 = arith.constant 0 : i32
        %dma_wait3A_539 = arith.constant 0 : i32
        %dma_wait3A_540 = tpu.memref_slice %arg9[%run_scoped3A_92, %dma_wait3A_538, %dma_wait3A_539] : memref<2x128x128xf32, #tpu.memory_space<vmem>> -> memref<1x128x128xf32, #tpu.memory_space<vmem>>
        %dma_wait3A_541 = tpu.memref_squeeze %dma_wait3A_540 : memref<1x128x128xf32, #tpu.memory_space<vmem>> -> memref<128x128xf32, #tpu.memory_space<vmem>>
        %dma_wait3A_542 = arith.constant 0 : i32
        %dma_wait3A_543 = tpu.memref_slice %arg8[%run_scoped3A_93, %dma_wait3A_542] : memref<16x128xi32, #tpu.memory_space<vmem>> -> memref<1x128xi32, #tpu.memory_space<vmem>>
        %dma_wait3A_544 = tpu.memref_squeeze %dma_wait3A_543 : memref<1x128xi32, #tpu.memory_space<vmem>> -> memref<128xi32, #tpu.memory_space<vmem>>
        %dma_wait3A_545 = arith.constant 0 : i32
        %dma_wait3A_546 = arith.constant 0 : i32
        %dma_wait3A_547 = tpu.memref_slice %arg10[%dma_wait3A_545, %dma_wait3A_546] : memref<10016x128xf32, #tpu.memory_space<vmem_shared>> -> memref<10016x128xf32, #tpu.memory_space<vmem_shared>>
        tpu.wait_indirect_dma semaphore(%run_scoped3A_527 : memref<!tpu.dma_semaphore, #tpu.memory_space<semaphore_mem>>) src(%dma_wait3A_541 : memref<128x128xf32, #tpu.memory_space<vmem>>) dst(%dma_wait3A_547 : memref<10016x128xf32, #tpu.memory_space<vmem_shared>>)
        tpu.yield
      }) : () -> ()
      %dma_start3A_94 = arith.constant 3 : i32
      %dma_start3A_95 = arith.constant 1 : i32
      %dma_start3A_96 = arith.constant 1 : i32
      %dma_start3A_97 = arith.constant 0 : i32
      %dma_start3A_98 = arith.constant 0 : i32
      %dma_start3A_99 = tpu.memref_slice %arg9[%dma_start3A_95, %dma_start3A_97, %dma_start3A_98] : memref<2x128x128xf32, #tpu.memory_space<vmem>> -> memref<1x128x128xf32, #tpu.memory_space<vmem>>
      %dma_start3A_100 = tpu.memref_squeeze %dma_start3A_99 : memref<1x128x128xf32, #tpu.memory_space<vmem>> -> memref<128x128xf32, #tpu.memory_space<vmem>>
      %dma_start3A_101 = arith.constant 0 : i32
      %dma_start3A_102 = tpu.memref_slice %arg7[%dma_start3A_94, %dma_start3A_101] : memref<16x128xi32, #tpu.memory_space<vmem>> -> memref<1x128xi32, #tpu.memory_space<vmem>>
      %dma_start3A_103 = tpu.memref_squeeze %dma_start3A_102 : memref<1x128xi32, #tpu.memory_space<vmem>> -> memref<128xi32, #tpu.memory_space<vmem>>
      %dma_start3A_104 = arith.constant 0 : i32
      %dma_start3A_105 = arith.constant 0 : i32
      %dma_start3A_106 = tpu.memref_slice %arg2[%dma_start3A_104, %dma_start3A_105] : memref<10000x128xf32, #tpu.memory_space<hbm>> -> memref<10000x128xf32, #tpu.memory_space<hbm>>
      %dma_start3A_107 = tpu.memref_slice %arg11[%dma_start3A_96] : memref<2x!tpu.dma_semaphore, #tpu.memory_space<semaphore_mem>> -> memref<1x!tpu.dma_semaphore, #tpu.memory_space<semaphore_mem>>
      %dma_start3A_108 = tpu.memref_squeeze %dma_start3A_107 : memref<1x!tpu.dma_semaphore, #tpu.memory_space<semaphore_mem>> -> memref<!tpu.dma_semaphore, #tpu.memory_space<semaphore_mem>>
      tpu.enqueue_indirect_dma source(%dma_start3A_106 : memref<10000x128xf32, #tpu.memory_space<hbm>>) target(%dma_start3A_100 : memref<128x128xf32, #tpu.memory_space<vmem>>) offsets(%dma_start3A_103 : memref<128xi32, #tpu.memory_space<vmem>>) semaphore(%dma_start3A_108 : memref<!tpu.dma_semaphore, #tpu.memory_space<semaphore_mem>>)
      %dma_wait3A_109 = arith.constant 2 : i32
      %dma_wait3A_110 = arith.constant 0 : i32
      %dma_wait3A_111 = arith.constant 0 : i32
      %dma_wait3A_112 = arith.constant 0 : i32
      %dma_wait3A_113 = arith.constant 0 : i32
      %dma_wait3A_114 = tpu.memref_slice %arg9[%dma_wait3A_110, %dma_wait3A_112, %dma_wait3A_113] : memref<2x128x128xf32, #tpu.memory_space<vmem>> -> memref<1x128x128xf32, #tpu.memory_space<vmem>>
      %dma_wait3A_115 = tpu.memref_squeeze %dma_wait3A_114 : memref<1x128x128xf32, #tpu.memory_space<vmem>> -> memref<128x128xf32, #tpu.memory_space<vmem>>
      %dma_wait3A_116 = arith.constant 0 : i32
      %dma_wait3A_117 = tpu.memref_slice %arg7[%dma_wait3A_109, %dma_wait3A_116] : memref<16x128xi32, #tpu.memory_space<vmem>> -> memref<1x128xi32, #tpu.memory_space<vmem>>
      %dma_wait3A_118 = tpu.memref_squeeze %dma_wait3A_117 : memref<1x128xi32, #tpu.memory_space<vmem>> -> memref<128xi32, #tpu.memory_space<vmem>>
      %dma_wait3A_119 = arith.constant 0 : i32
      %dma_wait3A_120 = arith.constant 0 : i32
      %dma_wait3A_121 = tpu.memref_slice %arg2[%dma_wait3A_119, %dma_wait3A_120] : memref<10000x128xf32, #tpu.memory_space<hbm>> -> memref<10000x128xf32, #tpu.memory_space<hbm>>
      %dma_wait3A_122 = tpu.memref_slice %arg11[%dma_wait3A_111] : memref<2x!tpu.dma_semaphore, #tpu.memory_space<semaphore_mem>> -> memref<1x!tpu.dma_semaphore, #tpu.memory_space<semaphore_mem>>
      %dma_wait3A_123 = tpu.memref_squeeze %dma_wait3A_122 : memref<1x!tpu.dma_semaphore, #tpu.memory_space<semaphore_mem>> -> memref<!tpu.dma_semaphore, #tpu.memory_space<semaphore_mem>>
      tpu.wait_indirect_dma semaphore(%dma_wait3A_123 : memref<!tpu.dma_semaphore, #tpu.memory_space<semaphore_mem>>) src(%dma_wait3A_121 : memref<10000x128xf32, #tpu.memory_space<hbm>>) dst(%dma_wait3A_115 : memref<128x128xf32, #tpu.memory_space<vmem>>)
      %run_scoped3A_124 = arith.constant 0 : i32
      %run_scoped3A_125 = arith.constant 2 : i32
      "tpu.region"() ({
        %run_scoped3A_527 = tpu.sem_alloc : memref<!tpu.dma_semaphore, #tpu.memory_space<semaphore_mem>>
        %dma_start3A_528 = arith.constant 0 : i32
        %dma_start3A_529 = arith.constant 0 : i32
        %dma_start3A_530 = tpu.memref_slice %arg9[%run_scoped3A_124, %dma_start3A_528, %dma_start3A_529] : memref<2x128x128xf32, #tpu.memory_space<vmem>> -> memref<1x128x128xf32, #tpu.memory_space<vmem>>
        %dma_start3A_531 = tpu.memref_squeeze %dma_start3A_530 : memref<1x128x128xf32, #tpu.memory_space<vmem>> -> memref<128x128xf32, #tpu.memory_space<vmem>>
        %dma_start3A_532 = arith.constant 0 : i32
        %dma_start3A_533 = tpu.memref_slice %arg8[%run_scoped3A_125, %dma_start3A_532] : memref<16x128xi32, #tpu.memory_space<vmem>> -> memref<1x128xi32, #tpu.memory_space<vmem>>
        %dma_start3A_534 = tpu.memref_squeeze %dma_start3A_533 : memref<1x128xi32, #tpu.memory_space<vmem>> -> memref<128xi32, #tpu.memory_space<vmem>>
        %dma_start3A_535 = arith.constant 0 : i32
        %dma_start3A_536 = arith.constant 0 : i32
        %dma_start3A_537 = tpu.memref_slice %arg10[%dma_start3A_535, %dma_start3A_536] : memref<10016x128xf32, #tpu.memory_space<vmem_shared>> -> memref<10016x128xf32, #tpu.memory_space<vmem_shared>>
        tpu.enqueue_indirect_dma source(%dma_start3A_531 : memref<128x128xf32, #tpu.memory_space<vmem>>) target(%dma_start3A_537 : memref<10016x128xf32, #tpu.memory_space<vmem_shared>>) offsets(%dma_start3A_534 : memref<128xi32, #tpu.memory_space<vmem>>) semaphore(%run_scoped3A_527 : memref<!tpu.dma_semaphore, #tpu.memory_space<semaphore_mem>>) {add = true}
        %dma_wait3A_538 = arith.constant 0 : i32
        %dma_wait3A_539 = arith.constant 0 : i32
        %dma_wait3A_540 = tpu.memref_slice %arg9[%run_scoped3A_124, %dma_wait3A_538, %dma_wait3A_539] : memref<2x128x128xf32, #tpu.memory_space<vmem>> -> memref<1x128x128xf32, #tpu.memory_space<vmem>>
        %dma_wait3A_541 = tpu.memref_squeeze %dma_wait3A_540 : memref<1x128x128xf32, #tpu.memory_space<vmem>> -> memref<128x128xf32, #tpu.memory_space<vmem>>
        %dma_wait3A_542 = arith.constant 0 : i32
        %dma_wait3A_543 = tpu.memref_slice %arg8[%run_scoped3A_125, %dma_wait3A_542] : memref<16x128xi32, #tpu.memory_space<vmem>> -> memref<1x128xi32, #tpu.memory_space<vmem>>
        %dma_wait3A_544 = tpu.memref_squeeze %dma_wait3A_543 : memref<1x128xi32, #tpu.memory_space<vmem>> -> memref<128xi32, #tpu.memory_space<vmem>>
        %dma_wait3A_545 = arith.constant 0 : i32
        %dma_wait3A_546 = arith.constant 0 : i32
        %dma_wait3A_547 = tpu.memref_slice %arg10[%dma_wait3A_545, %dma_wait3A_546] : memref<10016x128xf32, #tpu.memory_space<vmem_shared>> -> memref<10016x128xf32, #tpu.memory_space<vmem_shared>>
        tpu.wait_indirect_dma semaphore(%run_scoped3A_527 : memref<!tpu.dma_semaphore, #tpu.memory_space<semaphore_mem>>) src(%dma_wait3A_541 : memref<128x128xf32, #tpu.memory_space<vmem>>) dst(%dma_wait3A_547 : memref<10016x128xf32, #tpu.memory_space<vmem_shared>>)
        tpu.yield
      }) : () -> ()
      %dma_start3A_126 = arith.constant 4 : i32
      %dma_start3A_127 = arith.constant 0 : i32
      %dma_start3A_128 = arith.constant 0 : i32
      %dma_start3A_129 = arith.constant 0 : i32
      %dma_start3A_130 = arith.constant 0 : i32
      %dma_start3A_131 = tpu.memref_slice %arg9[%dma_start3A_127, %dma_start3A_129, %dma_start3A_130] : memref<2x128x128xf32, #tpu.memory_space<vmem>> -> memref<1x128x128xf32, #tpu.memory_space<vmem>>
      %dma_start3A_132 = tpu.memref_squeeze %dma_start3A_131 : memref<1x128x128xf32, #tpu.memory_space<vmem>> -> memref<128x128xf32, #tpu.memory_space<vmem>>
      %dma_start3A_133 = arith.constant 0 : i32
      %dma_start3A_134 = tpu.memref_slice %arg7[%dma_start3A_126, %dma_start3A_133] : memref<16x128xi32, #tpu.memory_space<vmem>> -> memref<1x128xi32, #tpu.memory_space<vmem>>
      %dma_start3A_135 = tpu.memref_squeeze %dma_start3A_134 : memref<1x128xi32, #tpu.memory_space<vmem>> -> memref<128xi32, #tpu.memory_space<vmem>>
      %dma_start3A_136 = arith.constant 0 : i32
      %dma_start3A_137 = arith.constant 0 : i32
      %dma_start3A_138 = tpu.memref_slice %arg2[%dma_start3A_136, %dma_start3A_137] : memref<10000x128xf32, #tpu.memory_space<hbm>> -> memref<10000x128xf32, #tpu.memory_space<hbm>>
      %dma_start3A_139 = tpu.memref_slice %arg11[%dma_start3A_128] : memref<2x!tpu.dma_semaphore, #tpu.memory_space<semaphore_mem>> -> memref<1x!tpu.dma_semaphore, #tpu.memory_space<semaphore_mem>>
      %dma_start3A_140 = tpu.memref_squeeze %dma_start3A_139 : memref<1x!tpu.dma_semaphore, #tpu.memory_space<semaphore_mem>> -> memref<!tpu.dma_semaphore, #tpu.memory_space<semaphore_mem>>
      tpu.enqueue_indirect_dma source(%dma_start3A_138 : memref<10000x128xf32, #tpu.memory_space<hbm>>) target(%dma_start3A_132 : memref<128x128xf32, #tpu.memory_space<vmem>>) offsets(%dma_start3A_135 : memref<128xi32, #tpu.memory_space<vmem>>) semaphore(%dma_start3A_140 : memref<!tpu.dma_semaphore, #tpu.memory_space<semaphore_mem>>)
      %dma_wait3A_141 = arith.constant 3 : i32
      %dma_wait3A_142 = arith.constant 1 : i32
      %dma_wait3A_143 = arith.constant 1 : i32
      %dma_wait3A_144 = arith.constant 0 : i32
      %dma_wait3A_145 = arith.constant 0 : i32
      %dma_wait3A_146 = tpu.memref_slice %arg9[%dma_wait3A_142, %dma_wait3A_144, %dma_wait3A_145] : memref<2x128x128xf32, #tpu.memory_space<vmem>> -> memref<1x128x128xf32, #tpu.memory_space<vmem>>
      %dma_wait3A_147 = tpu.memref_squeeze %dma_wait3A_146 : memref<1x128x128xf32, #tpu.memory_space<vmem>> -> memref<128x128xf32, #tpu.memory_space<vmem>>
      %dma_wait3A_148 = arith.constant 0 : i32
      %dma_wait3A_149 = tpu.memref_slice %arg7[%dma_wait3A_141, %dma_wait3A_148] : memref<16x128xi32, #tpu.memory_space<vmem>> -> memref<1x128xi32, #tpu.memory_space<vmem>>
      %dma_wait3A_150 = tpu.memref_squeeze %dma_wait3A_149 : memref<1x128xi32, #tpu.memory_space<vmem>> -> memref<128xi32, #tpu.memory_space<vmem>>
      %dma_wait3A_151 = arith.constant 0 : i32
      %dma_wait3A_152 = arith.constant 0 : i32
      %dma_wait3A_153 = tpu.memref_slice %arg2[%dma_wait3A_151, %dma_wait3A_152] : memref<10000x128xf32, #tpu.memory_space<hbm>> -> memref<10000x128xf32, #tpu.memory_space<hbm>>
      %dma_wait3A_154 = tpu.memref_slice %arg11[%dma_wait3A_143] : memref<2x!tpu.dma_semaphore, #tpu.memory_space<semaphore_mem>> -> memref<1x!tpu.dma_semaphore, #tpu.memory_space<semaphore_mem>>
      %dma_wait3A_155 = tpu.memref_squeeze %dma_wait3A_154 : memref<1x!tpu.dma_semaphore, #tpu.memory_space<semaphore_mem>> -> memref<!tpu.dma_semaphore, #tpu.memory_space<semaphore_mem>>
      tpu.wait_indirect_dma semaphore(%dma_wait3A_155 : memref<!tpu.dma_semaphore, #tpu.memory_space<semaphore_mem>>) src(%dma_wait3A_153 : memref<10000x128xf32, #tpu.memory_space<hbm>>) dst(%dma_wait3A_147 : memref<128x128xf32, #tpu.memory_space<vmem>>)
      %run_scoped3A_156 = arith.constant 1 : i32
      %run_scoped3A_157 = arith.constant 3 : i32
      "tpu.region"() ({
        %run_scoped3A_527 = tpu.sem_alloc : memref<!tpu.dma_semaphore, #tpu.memory_space<semaphore_mem>>
        %dma_start3A_528 = arith.constant 0 : i32
        %dma_start3A_529 = arith.constant 0 : i32
        %dma_start3A_530 = tpu.memref_slice %arg9[%run_scoped3A_156, %dma_start3A_528, %dma_start3A_529] : memref<2x128x128xf32, #tpu.memory_space<vmem>> -> memref<1x128x128xf32, #tpu.memory_space<vmem>>
        %dma_start3A_531 = tpu.memref_squeeze %dma_start3A_530 : memref<1x128x128xf32, #tpu.memory_space<vmem>> -> memref<128x128xf32, #tpu.memory_space<vmem>>
        %dma_start3A_532 = arith.constant 0 : i32
        %dma_start3A_533 = tpu.memref_slice %arg8[%run_scoped3A_157, %dma_start3A_532] : memref<16x128xi32, #tpu.memory_space<vmem>> -> memref<1x128xi32, #tpu.memory_space<vmem>>
        %dma_start3A_534 = tpu.memref_squeeze %dma_start3A_533 : memref<1x128xi32, #tpu.memory_space<vmem>> -> memref<128xi32, #tpu.memory_space<vmem>>
        %dma_start3A_535 = arith.constant 0 : i32
        %dma_start3A_536 = arith.constant 0 : i32
        %dma_start3A_537 = tpu.memref_slice %arg10[%dma_start3A_535, %dma_start3A_536] : memref<10016x128xf32, #tpu.memory_space<vmem_shared>> -> memref<10016x128xf32, #tpu.memory_space<vmem_shared>>
        tpu.enqueue_indirect_dma source(%dma_start3A_531 : memref<128x128xf32, #tpu.memory_space<vmem>>) target(%dma_start3A_537 : memref<10016x128xf32, #tpu.memory_space<vmem_shared>>) offsets(%dma_start3A_534 : memref<128xi32, #tpu.memory_space<vmem>>) semaphore(%run_scoped3A_527 : memref<!tpu.dma_semaphore, #tpu.memory_space<semaphore_mem>>) {add = true}
        %dma_wait3A_538 = arith.constant 0 : i32
        %dma_wait3A_539 = arith.constant 0 : i32
        %dma_wait3A_540 = tpu.memref_slice %arg9[%run_scoped3A_156, %dma_wait3A_538, %dma_wait3A_539] : memref<2x128x128xf32, #tpu.memory_space<vmem>> -> memref<1x128x128xf32, #tpu.memory_space<vmem>>
        %dma_wait3A_541 = tpu.memref_squeeze %dma_wait3A_540 : memref<1x128x128xf32, #tpu.memory_space<vmem>> -> memref<128x128xf32, #tpu.memory_space<vmem>>
        %dma_wait3A_542 = arith.constant 0 : i32
        %dma_wait3A_543 = tpu.memref_slice %arg8[%run_scoped3A_157, %dma_wait3A_542] : memref<16x128xi32, #tpu.memory_space<vmem>> -> memref<1x128xi32, #tpu.memory_space<vmem>>
        %dma_wait3A_544 = tpu.memref_squeeze %dma_wait3A_543 : memref<1x128xi32, #tpu.memory_space<vmem>> -> memref<128xi32, #tpu.memory_space<vmem>>
        %dma_wait3A_545 = arith.constant 0 : i32
        %dma_wait3A_546 = arith.constant 0 : i32
        %dma_wait3A_547 = tpu.memref_slice %arg10[%dma_wait3A_545, %dma_wait3A_546] : memref<10016x128xf32, #tpu.memory_space<vmem_shared>> -> memref<10016x128xf32, #tpu.memory_space<vmem_shared>>
        tpu.wait_indirect_dma semaphore(%run_scoped3A_527 : memref<!tpu.dma_semaphore, #tpu.memory_space<semaphore_mem>>) src(%dma_wait3A_541 : memref<128x128xf32, #tpu.memory_space<vmem>>) dst(%dma_wait3A_547 : memref<10016x128xf32, #tpu.memory_space<vmem_shared>>)
        tpu.yield
      }) : () -> ()
      %dma_start3A_158 = arith.constant 5 : i32
      %dma_start3A_159 = arith.constant 1 : i32
      %dma_start3A_160 = arith.constant 1 : i32
      %dma_start3A_161 = arith.constant 0 : i32
      %dma_start3A_162 = arith.constant 0 : i32
      %dma_start3A_163 = tpu.memref_slice %arg9[%dma_start3A_159, %dma_start3A_161, %dma_start3A_162] : memref<2x128x128xf32, #tpu.memory_space<vmem>> -> memref<1x128x128xf32, #tpu.memory_space<vmem>>
      %dma_start3A_164 = tpu.memref_squeeze %dma_start3A_163 : memref<1x128x128xf32, #tpu.memory_space<vmem>> -> memref<128x128xf32, #tpu.memory_space<vmem>>
      %dma_start3A_165 = arith.constant 0 : i32
      %dma_start3A_166 = tpu.memref_slice %arg7[%dma_start3A_158, %dma_start3A_165] : memref<16x128xi32, #tpu.memory_space<vmem>> -> memref<1x128xi32, #tpu.memory_space<vmem>>
      %dma_start3A_167 = tpu.memref_squeeze %dma_start3A_166 : memref<1x128xi32, #tpu.memory_space<vmem>> -> memref<128xi32, #tpu.memory_space<vmem>>
      %dma_start3A_168 = arith.constant 0 : i32
      %dma_start3A_169 = arith.constant 0 : i32
      %dma_start3A_170 = tpu.memref_slice %arg2[%dma_start3A_168, %dma_start3A_169] : memref<10000x128xf32, #tpu.memory_space<hbm>> -> memref<10000x128xf32, #tpu.memory_space<hbm>>
      %dma_start3A_171 = tpu.memref_slice %arg11[%dma_start3A_160] : memref<2x!tpu.dma_semaphore, #tpu.memory_space<semaphore_mem>> -> memref<1x!tpu.dma_semaphore, #tpu.memory_space<semaphore_mem>>
      %dma_start3A_172 = tpu.memref_squeeze %dma_start3A_171 : memref<1x!tpu.dma_semaphore, #tpu.memory_space<semaphore_mem>> -> memref<!tpu.dma_semaphore, #tpu.memory_space<semaphore_mem>>
      tpu.enqueue_indirect_dma source(%dma_start3A_170 : memref<10000x128xf32, #tpu.memory_space<hbm>>) target(%dma_start3A_164 : memref<128x128xf32, #tpu.memory_space<vmem>>) offsets(%dma_start3A_167 : memref<128xi32, #tpu.memory_space<vmem>>) semaphore(%dma_start3A_172 : memref<!tpu.dma_semaphore, #tpu.memory_space<semaphore_mem>>)
      %dma_wait3A_173 = arith.constant 4 : i32
      %dma_wait3A_174 = arith.constant 0 : i32
      %dma_wait3A_175 = arith.constant 0 : i32
      %dma_wait3A_176 = arith.constant 0 : i32
      %dma_wait3A_177 = arith.constant 0 : i32
      %dma_wait3A_178 = tpu.memref_slice %arg9[%dma_wait3A_174, %dma_wait3A_176, %dma_wait3A_177] : memref<2x128x128xf32, #tpu.memory_space<vmem>> -> memref<1x128x128xf32, #tpu.memory_space<vmem>>
      %dma_wait3A_179 = tpu.memref_squeeze %dma_wait3A_178 : memref<1x128x128xf32, #tpu.memory_space<vmem>> -> memref<128x128xf32, #tpu.memory_space<vmem>>
      %dma_wait3A_180 = arith.constant 0 : i32
      %dma_wait3A_181 = tpu.memref_slice %arg7[%dma_wait3A_173, %dma_wait3A_180] : memref<16x128xi32, #tpu.memory_space<vmem>> -> memref<1x128xi32, #tpu.memory_space<vmem>>
      %dma_wait3A_182 = tpu.memref_squeeze %dma_wait3A_181 : memref<1x128xi32, #tpu.memory_space<vmem>> -> memref<128xi32, #tpu.memory_space<vmem>>
      %dma_wait3A_183 = arith.constant 0 : i32
      %dma_wait3A_184 = arith.constant 0 : i32
      %dma_wait3A_185 = tpu.memref_slice %arg2[%dma_wait3A_183, %dma_wait3A_184] : memref<10000x128xf32, #tpu.memory_space<hbm>> -> memref<10000x128xf32, #tpu.memory_space<hbm>>
      %dma_wait3A_186 = tpu.memref_slice %arg11[%dma_wait3A_175] : memref<2x!tpu.dma_semaphore, #tpu.memory_space<semaphore_mem>> -> memref<1x!tpu.dma_semaphore, #tpu.memory_space<semaphore_mem>>
      %dma_wait3A_187 = tpu.memref_squeeze %dma_wait3A_186 : memref<1x!tpu.dma_semaphore, #tpu.memory_space<semaphore_mem>> -> memref<!tpu.dma_semaphore, #tpu.memory_space<semaphore_mem>>
      tpu.wait_indirect_dma semaphore(%dma_wait3A_187 : memref<!tpu.dma_semaphore, #tpu.memory_space<semaphore_mem>>) src(%dma_wait3A_185 : memref<10000x128xf32, #tpu.memory_space<hbm>>) dst(%dma_wait3A_179 : memref<128x128xf32, #tpu.memory_space<vmem>>)
      %run_scoped3A_188 = arith.constant 0 : i32
      %run_scoped3A_189 = arith.constant 4 : i32
      "tpu.region"() ({
        %run_scoped3A_527 = tpu.sem_alloc : memref<!tpu.dma_semaphore, #tpu.memory_space<semaphore_mem>>
        %dma_start3A_528 = arith.constant 0 : i32
        %dma_start3A_529 = arith.constant 0 : i32
        %dma_start3A_530 = tpu.memref_slice %arg9[%run_scoped3A_188, %dma_start3A_528, %dma_start3A_529] : memref<2x128x128xf32, #tpu.memory_space<vmem>> -> memref<1x128x128xf32, #tpu.memory_space<vmem>>
        %dma_start3A_531 = tpu.memref_squeeze %dma_start3A_530 : memref<1x128x128xf32, #tpu.memory_space<vmem>> -> memref<128x128xf32, #tpu.memory_space<vmem>>
        %dma_start3A_532 = arith.constant 0 : i32
        %dma_start3A_533 = tpu.memref_slice %arg8[%run_scoped3A_189, %dma_start3A_532] : memref<16x128xi32, #tpu.memory_space<vmem>> -> memref<1x128xi32, #tpu.memory_space<vmem>>
        %dma_start3A_534 = tpu.memref_squeeze %dma_start3A_533 : memref<1x128xi32, #tpu.memory_space<vmem>> -> memref<128xi32, #tpu.memory_space<vmem>>
        %dma_start3A_535 = arith.constant 0 : i32
        %dma_start3A_536 = arith.constant 0 : i32
        %dma_start3A_537 = tpu.memref_slice %arg10[%dma_start3A_535, %dma_start3A_536] : memref<10016x128xf32, #tpu.memory_space<vmem_shared>> -> memref<10016x128xf32, #tpu.memory_space<vmem_shared>>
        tpu.enqueue_indirect_dma source(%dma_start3A_531 : memref<128x128xf32, #tpu.memory_space<vmem>>) target(%dma_start3A_537 : memref<10016x128xf32, #tpu.memory_space<vmem_shared>>) offsets(%dma_start3A_534 : memref<128xi32, #tpu.memory_space<vmem>>) semaphore(%run_scoped3A_527 : memref<!tpu.dma_semaphore, #tpu.memory_space<semaphore_mem>>) {add = true}
        %dma_wait3A_538 = arith.constant 0 : i32
        %dma_wait3A_539 = arith.constant 0 : i32
        %dma_wait3A_540 = tpu.memref_slice %arg9[%run_scoped3A_188, %dma_wait3A_538, %dma_wait3A_539] : memref<2x128x128xf32, #tpu.memory_space<vmem>> -> memref<1x128x128xf32, #tpu.memory_space<vmem>>
        %dma_wait3A_541 = tpu.memref_squeeze %dma_wait3A_540 : memref<1x128x128xf32, #tpu.memory_space<vmem>> -> memref<128x128xf32, #tpu.memory_space<vmem>>
        %dma_wait3A_542 = arith.constant 0 : i32
        %dma_wait3A_543 = tpu.memref_slice %arg8[%run_scoped3A_189, %dma_wait3A_542] : memref<16x128xi32, #tpu.memory_space<vmem>> -> memref<1x128xi32, #tpu.memory_space<vmem>>
        %dma_wait3A_544 = tpu.memref_squeeze %dma_wait3A_543 : memref<1x128xi32, #tpu.memory_space<vmem>> -> memref<128xi32, #tpu.memory_space<vmem>>
        %dma_wait3A_545 = arith.constant 0 : i32
        %dma_wait3A_546 = arith.constant 0 : i32
        %dma_wait3A_547 = tpu.memref_slice %arg10[%dma_wait3A_545, %dma_wait3A_546] : memref<10016x128xf32, #tpu.memory_space<vmem_shared>> -> memref<10016x128xf32, #tpu.memory_space<vmem_shared>>
        tpu.wait_indirect_dma semaphore(%run_scoped3A_527 : memref<!tpu.dma_semaphore, #tpu.memory_space<semaphore_mem>>) src(%dma_wait3A_541 : memref<128x128xf32, #tpu.memory_space<vmem>>) dst(%dma_wait3A_547 : memref<10016x128xf32, #tpu.memory_space<vmem_shared>>)
        tpu.yield
      }) : () -> ()
      %dma_start3A_190 = arith.constant 6 : i32
      %dma_start3A_191 = arith.constant 0 : i32
      %dma_start3A_192 = arith.constant 0 : i32
      %dma_start3A_193 = arith.constant 0 : i32
      %dma_start3A_194 = arith.constant 0 : i32
      %dma_start3A_195 = tpu.memref_slice %arg9[%dma_start3A_191, %dma_start3A_193, %dma_start3A_194] : memref<2x128x128xf32, #tpu.memory_space<vmem>> -> memref<1x128x128xf32, #tpu.memory_space<vmem>>
      %dma_start3A_196 = tpu.memref_squeeze %dma_start3A_195 : memref<1x128x128xf32, #tpu.memory_space<vmem>> -> memref<128x128xf32, #tpu.memory_space<vmem>>
      %dma_start3A_197 = arith.constant 0 : i32
      %dma_start3A_198 = tpu.memref_slice %arg7[%dma_start3A_190, %dma_start3A_197] : memref<16x128xi32, #tpu.memory_space<vmem>> -> memref<1x128xi32, #tpu.memory_space<vmem>>
      %dma_start3A_199 = tpu.memref_squeeze %dma_start3A_198 : memref<1x128xi32, #tpu.memory_space<vmem>> -> memref<128xi32, #tpu.memory_space<vmem>>
      %dma_start3A_200 = arith.constant 0 : i32
      %dma_start3A_201 = arith.constant 0 : i32
      %dma_start3A_202 = tpu.memref_slice %arg2[%dma_start3A_200, %dma_start3A_201] : memref<10000x128xf32, #tpu.memory_space<hbm>> -> memref<10000x128xf32, #tpu.memory_space<hbm>>
      %dma_start3A_203 = tpu.memref_slice %arg11[%dma_start3A_192] : memref<2x!tpu.dma_semaphore, #tpu.memory_space<semaphore_mem>> -> memref<1x!tpu.dma_semaphore, #tpu.memory_space<semaphore_mem>>
      %dma_start3A_204 = tpu.memref_squeeze %dma_start3A_203 : memref<1x!tpu.dma_semaphore, #tpu.memory_space<semaphore_mem>> -> memref<!tpu.dma_semaphore, #tpu.memory_space<semaphore_mem>>
      tpu.enqueue_indirect_dma source(%dma_start3A_202 : memref<10000x128xf32, #tpu.memory_space<hbm>>) target(%dma_start3A_196 : memref<128x128xf32, #tpu.memory_space<vmem>>) offsets(%dma_start3A_199 : memref<128xi32, #tpu.memory_space<vmem>>) semaphore(%dma_start3A_204 : memref<!tpu.dma_semaphore, #tpu.memory_space<semaphore_mem>>)
      %dma_wait3A_205 = arith.constant 5 : i32
      %dma_wait3A_206 = arith.constant 1 : i32
      %dma_wait3A_207 = arith.constant 1 : i32
      %dma_wait3A_208 = arith.constant 0 : i32
      %dma_wait3A_209 = arith.constant 0 : i32
      %dma_wait3A_210 = tpu.memref_slice %arg9[%dma_wait3A_206, %dma_wait3A_208, %dma_wait3A_209] : memref<2x128x128xf32, #tpu.memory_space<vmem>> -> memref<1x128x128xf32, #tpu.memory_space<vmem>>
      %dma_wait3A_211 = tpu.memref_squeeze %dma_wait3A_210 : memref<1x128x128xf32, #tpu.memory_space<vmem>> -> memref<128x128xf32, #tpu.memory_space<vmem>>
      %dma_wait3A_212 = arith.constant 0 : i32
      %dma_wait3A_213 = tpu.memref_slice %arg7[%dma_wait3A_205, %dma_wait3A_212] : memref<16x128xi32, #tpu.memory_space<vmem>> -> memref<1x128xi32, #tpu.memory_space<vmem>>
      %dma_wait3A_214 = tpu.memref_squeeze %dma_wait3A_213 : memref<1x128xi32, #tpu.memory_space<vmem>> -> memref<128xi32, #tpu.memory_space<vmem>>
      %dma_wait3A_215 = arith.constant 0 : i32
      %dma_wait3A_216 = arith.constant 0 : i32
      %dma_wait3A_217 = tpu.memref_slice %arg2[%dma_wait3A_215, %dma_wait3A_216] : memref<10000x128xf32, #tpu.memory_space<hbm>> -> memref<10000x128xf32, #tpu.memory_space<hbm>>
      %dma_wait3A_218 = tpu.memref_slice %arg11[%dma_wait3A_207] : memref<2x!tpu.dma_semaphore, #tpu.memory_space<semaphore_mem>> -> memref<1x!tpu.dma_semaphore, #tpu.memory_space<semaphore_mem>>
      %dma_wait3A_219 = tpu.memref_squeeze %dma_wait3A_218 : memref<1x!tpu.dma_semaphore, #tpu.memory_space<semaphore_mem>> -> memref<!tpu.dma_semaphore, #tpu.memory_space<semaphore_mem>>
      tpu.wait_indirect_dma semaphore(%dma_wait3A_219 : memref<!tpu.dma_semaphore, #tpu.memory_space<semaphore_mem>>) src(%dma_wait3A_217 : memref<10000x128xf32, #tpu.memory_space<hbm>>) dst(%dma_wait3A_211 : memref<128x128xf32, #tpu.memory_space<vmem>>)
      %run_scoped3A_220 = arith.constant 1 : i32
      %run_scoped3A_221 = arith.constant 5 : i32
      "tpu.region"() ({
        %run_scoped3A_527 = tpu.sem_alloc : memref<!tpu.dma_semaphore, #tpu.memory_space<semaphore_mem>>
        %dma_start3A_528 = arith.constant 0 : i32
        %dma_start3A_529 = arith.constant 0 : i32
        %dma_start3A_530 = tpu.memref_slice %arg9[%run_scoped3A_220, %dma_start3A_528, %dma_start3A_529] : memref<2x128x128xf32, #tpu.memory_space<vmem>> -> memref<1x128x128xf32, #tpu.memory_space<vmem>>
        %dma_start3A_531 = tpu.memref_squeeze %dma_start3A_530 : memref<1x128x128xf32, #tpu.memory_space<vmem>> -> memref<128x128xf32, #tpu.memory_space<vmem>>
        %dma_start3A_532 = arith.constant 0 : i32
        %dma_start3A_533 = tpu.memref_slice %arg8[%run_scoped3A_221, %dma_start3A_532] : memref<16x128xi32, #tpu.memory_space<vmem>> -> memref<1x128xi32, #tpu.memory_space<vmem>>
        %dma_start3A_534 = tpu.memref_squeeze %dma_start3A_533 : memref<1x128xi32, #tpu.memory_space<vmem>> -> memref<128xi32, #tpu.memory_space<vmem>>
        %dma_start3A_535 = arith.constant 0 : i32
        %dma_start3A_536 = arith.constant 0 : i32
        %dma_start3A_537 = tpu.memref_slice %arg10[%dma_start3A_535, %dma_start3A_536] : memref<10016x128xf32, #tpu.memory_space<vmem_shared>> -> memref<10016x128xf32, #tpu.memory_space<vmem_shared>>
        tpu.enqueue_indirect_dma source(%dma_start3A_531 : memref<128x128xf32, #tpu.memory_space<vmem>>) target(%dma_start3A_537 : memref<10016x128xf32, #tpu.memory_space<vmem_shared>>) offsets(%dma_start3A_534 : memref<128xi32, #tpu.memory_space<vmem>>) semaphore(%run_scoped3A_527 : memref<!tpu.dma_semaphore, #tpu.memory_space<semaphore_mem>>) {add = true}
        %dma_wait3A_538 = arith.constant 0 : i32
        %dma_wait3A_539 = arith.constant 0 : i32
        %dma_wait3A_540 = tpu.memref_slice %arg9[%run_scoped3A_220, %dma_wait3A_538, %dma_wait3A_539] : memref<2x128x128xf32, #tpu.memory_space<vmem>> -> memref<1x128x128xf32, #tpu.memory_space<vmem>>
        %dma_wait3A_541 = tpu.memref_squeeze %dma_wait3A_540 : memref<1x128x128xf32, #tpu.memory_space<vmem>> -> memref<128x128xf32, #tpu.memory_space<vmem>>
        %dma_wait3A_542 = arith.constant 0 : i32
        %dma_wait3A_543 = tpu.memref_slice %arg8[%run_scoped3A_221, %dma_wait3A_542] : memref<16x128xi32, #tpu.memory_space<vmem>> -> memref<1x128xi32, #tpu.memory_space<vmem>>
        %dma_wait3A_544 = tpu.memref_squeeze %dma_wait3A_543 : memref<1x128xi32, #tpu.memory_space<vmem>> -> memref<128xi32, #tpu.memory_space<vmem>>
        %dma_wait3A_545 = arith.constant 0 : i32
        %dma_wait3A_546 = arith.constant 0 : i32
        %dma_wait3A_547 = tpu.memref_slice %arg10[%dma_wait3A_545, %dma_wait3A_546] : memref<10016x128xf32, #tpu.memory_space<vmem_shared>> -> memref<10016x128xf32, #tpu.memory_space<vmem_shared>>
        tpu.wait_indirect_dma semaphore(%run_scoped3A_527 : memref<!tpu.dma_semaphore, #tpu.memory_space<semaphore_mem>>) src(%dma_wait3A_541 : memref<128x128xf32, #tpu.memory_space<vmem>>) dst(%dma_wait3A_547 : memref<10016x128xf32, #tpu.memory_space<vmem_shared>>)
        tpu.yield
      }) : () -> ()
      %dma_start3A_222 = arith.constant 7 : i32
      %dma_start3A_223 = arith.constant 1 : i32
      %dma_start3A_224 = arith.constant 1 : i32
      %dma_start3A_225 = arith.constant 0 : i32
      %dma_start3A_226 = arith.constant 0 : i32
      %dma_start3A_227 = tpu.memref_slice %arg9[%dma_start3A_223, %dma_start3A_225, %dma_start3A_226] : memref<2x128x128xf32, #tpu.memory_space<vmem>> -> memref<1x128x128xf32, #tpu.memory_space<vmem>>
      %dma_start3A_228 = tpu.memref_squeeze %dma_start3A_227 : memref<1x128x128xf32, #tpu.memory_space<vmem>> -> memref<128x128xf32, #tpu.memory_space<vmem>>
      %dma_start3A_229 = arith.constant 0 : i32
      %dma_start3A_230 = tpu.memref_slice %arg7[%dma_start3A_222, %dma_start3A_229] : memref<16x128xi32, #tpu.memory_space<vmem>> -> memref<1x128xi32, #tpu.memory_space<vmem>>
      %dma_start3A_231 = tpu.memref_squeeze %dma_start3A_230 : memref<1x128xi32, #tpu.memory_space<vmem>> -> memref<128xi32, #tpu.memory_space<vmem>>
      %dma_start3A_232 = arith.constant 0 : i32
      %dma_start3A_233 = arith.constant 0 : i32
      %dma_start3A_234 = tpu.memref_slice %arg2[%dma_start3A_232, %dma_start3A_233] : memref<10000x128xf32, #tpu.memory_space<hbm>> -> memref<10000x128xf32, #tpu.memory_space<hbm>>
      %dma_start3A_235 = tpu.memref_slice %arg11[%dma_start3A_224] : memref<2x!tpu.dma_semaphore, #tpu.memory_space<semaphore_mem>> -> memref<1x!tpu.dma_semaphore, #tpu.memory_space<semaphore_mem>>
      %dma_start3A_236 = tpu.memref_squeeze %dma_start3A_235 : memref<1x!tpu.dma_semaphore, #tpu.memory_space<semaphore_mem>> -> memref<!tpu.dma_semaphore, #tpu.memory_space<semaphore_mem>>
      tpu.enqueue_indirect_dma source(%dma_start3A_234 : memref<10000x128xf32, #tpu.memory_space<hbm>>) target(%dma_start3A_228 : memref<128x128xf32, #tpu.memory_space<vmem>>) offsets(%dma_start3A_231 : memref<128xi32, #tpu.memory_space<vmem>>) semaphore(%dma_start3A_236 : memref<!tpu.dma_semaphore, #tpu.memory_space<semaphore_mem>>)
      %dma_wait3A_237 = arith.constant 6 : i32
      %dma_wait3A_238 = arith.constant 0 : i32
      %dma_wait3A_239 = arith.constant 0 : i32
      %dma_wait3A_240 = arith.constant 0 : i32
      %dma_wait3A_241 = arith.constant 0 : i32
      %dma_wait3A_242 = tpu.memref_slice %arg9[%dma_wait3A_238, %dma_wait3A_240, %dma_wait3A_241] : memref<2x128x128xf32, #tpu.memory_space<vmem>> -> memref<1x128x128xf32, #tpu.memory_space<vmem>>
      %dma_wait3A_243 = tpu.memref_squeeze %dma_wait3A_242 : memref<1x128x128xf32, #tpu.memory_space<vmem>> -> memref<128x128xf32, #tpu.memory_space<vmem>>
      %dma_wait3A_244 = arith.constant 0 : i32
      %dma_wait3A_245 = tpu.memref_slice %arg7[%dma_wait3A_237, %dma_wait3A_244] : memref<16x128xi32, #tpu.memory_space<vmem>> -> memref<1x128xi32, #tpu.memory_space<vmem>>
      %dma_wait3A_246 = tpu.memref_squeeze %dma_wait3A_245 : memref<1x128xi32, #tpu.memory_space<vmem>> -> memref<128xi32, #tpu.memory_space<vmem>>
      %dma_wait3A_247 = arith.constant 0 : i32
      %dma_wait3A_248 = arith.constant 0 : i32
      %dma_wait3A_249 = tpu.memref_slice %arg2[%dma_wait3A_247, %dma_wait3A_248] : memref<10000x128xf32, #tpu.memory_space<hbm>> -> memref<10000x128xf32, #tpu.memory_space<hbm>>
      %dma_wait3A_250 = tpu.memref_slice %arg11[%dma_wait3A_239] : memref<2x!tpu.dma_semaphore, #tpu.memory_space<semaphore_mem>> -> memref<1x!tpu.dma_semaphore, #tpu.memory_space<semaphore_mem>>
      %dma_wait3A_251 = tpu.memref_squeeze %dma_wait3A_250 : memref<1x!tpu.dma_semaphore, #tpu.memory_space<semaphore_mem>> -> memref<!tpu.dma_semaphore, #tpu.memory_space<semaphore_mem>>
      tpu.wait_indirect_dma semaphore(%dma_wait3A_251 : memref<!tpu.dma_semaphore, #tpu.memory_space<semaphore_mem>>) src(%dma_wait3A_249 : memref<10000x128xf32, #tpu.memory_space<hbm>>) dst(%dma_wait3A_243 : memref<128x128xf32, #tpu.memory_space<vmem>>)
      %run_scoped3A_252 = arith.constant 0 : i32
      %run_scoped3A_253 = arith.constant 6 : i32
      "tpu.region"() ({
        %run_scoped3A_527 = tpu.sem_alloc : memref<!tpu.dma_semaphore, #tpu.memory_space<semaphore_mem>>
        %dma_start3A_528 = arith.constant 0 : i32
        %dma_start3A_529 = arith.constant 0 : i32
        %dma_start3A_530 = tpu.memref_slice %arg9[%run_scoped3A_252, %dma_start3A_528, %dma_start3A_529] : memref<2x128x128xf32, #tpu.memory_space<vmem>> -> memref<1x128x128xf32, #tpu.memory_space<vmem>>
        %dma_start3A_531 = tpu.memref_squeeze %dma_start3A_530 : memref<1x128x128xf32, #tpu.memory_space<vmem>> -> memref<128x128xf32, #tpu.memory_space<vmem>>
        %dma_start3A_532 = arith.constant 0 : i32
        %dma_start3A_533 = tpu.memref_slice %arg8[%run_scoped3A_253, %dma_start3A_532] : memref<16x128xi32, #tpu.memory_space<vmem>> -> memref<1x128xi32, #tpu.memory_space<vmem>>
        %dma_start3A_534 = tpu.memref_squeeze %dma_start3A_533 : memref<1x128xi32, #tpu.memory_space<vmem>> -> memref<128xi32, #tpu.memory_space<vmem>>
        %dma_start3A_535 = arith.constant 0 : i32
        %dma_start3A_536 = arith.constant 0 : i32
        %dma_start3A_537 = tpu.memref_slice %arg10[%dma_start3A_535, %dma_start3A_536] : memref<10016x128xf32, #tpu.memory_space<vmem_shared>> -> memref<10016x128xf32, #tpu.memory_space<vmem_shared>>
        tpu.enqueue_indirect_dma source(%dma_start3A_531 : memref<128x128xf32, #tpu.memory_space<vmem>>) target(%dma_start3A_537 : memref<10016x128xf32, #tpu.memory_space<vmem_shared>>) offsets(%dma_start3A_534 : memref<128xi32, #tpu.memory_space<vmem>>) semaphore(%run_scoped3A_527 : memref<!tpu.dma_semaphore, #tpu.memory_space<semaphore_mem>>) {add = true}
        %dma_wait3A_538 = arith.constant 0 : i32
        %dma_wait3A_539 = arith.constant 0 : i32
        %dma_wait3A_540 = tpu.memref_slice %arg9[%run_scoped3A_252, %dma_wait3A_538, %dma_wait3A_539] : memref<2x128x128xf32, #tpu.memory_space<vmem>> -> memref<1x128x128xf32, #tpu.memory_space<vmem>>
        %dma_wait3A_541 = tpu.memref_squeeze %dma_wait3A_540 : memref<1x128x128xf32, #tpu.memory_space<vmem>> -> memref<128x128xf32, #tpu.memory_space<vmem>>
        %dma_wait3A_542 = arith.constant 0 : i32
        %dma_wait3A_543 = tpu.memref_slice %arg8[%run_scoped3A_253, %dma_wait3A_542] : memref<16x128xi32, #tpu.memory_space<vmem>> -> memref<1x128xi32, #tpu.memory_space<vmem>>
        %dma_wait3A_544 = tpu.memref_squeeze %dma_wait3A_543 : memref<1x128xi32, #tpu.memory_space<vmem>> -> memref<128xi32, #tpu.memory_space<vmem>>
        %dma_wait3A_545 = arith.constant 0 : i32
        %dma_wait3A_546 = arith.constant 0 : i32
        %dma_wait3A_547 = tpu.memref_slice %arg10[%dma_wait3A_545, %dma_wait3A_546] : memref<10016x128xf32, #tpu.memory_space<vmem_shared>> -> memref<10016x128xf32, #tpu.memory_space<vmem_shared>>
        tpu.wait_indirect_dma semaphore(%run_scoped3A_527 : memref<!tpu.dma_semaphore, #tpu.memory_space<semaphore_mem>>) src(%dma_wait3A_541 : memref<128x128xf32, #tpu.memory_space<vmem>>) dst(%dma_wait3A_547 : memref<10016x128xf32, #tpu.memory_space<vmem_shared>>)
        tpu.yield
      }) : () -> ()
      %dma_start3A_254 = arith.constant 8 : i32
      %dma_start3A_255 = arith.constant 0 : i32
      %dma_start3A_256 = arith.constant 0 : i32
      %dma_start3A_257 = arith.constant 0 : i32
      %dma_start3A_258 = arith.constant 0 : i32
      %dma_start3A_259 = tpu.memref_slice %arg9[%dma_start3A_255, %dma_start3A_257, %dma_start3A_258] : memref<2x128x128xf32, #tpu.memory_space<vmem>> -> memref<1x128x128xf32, #tpu.memory_space<vmem>>
      %dma_start3A_260 = tpu.memref_squeeze %dma_start3A_259 : memref<1x128x128xf32, #tpu.memory_space<vmem>> -> memref<128x128xf32, #tpu.memory_space<vmem>>
      %dma_start3A_261 = arith.constant 0 : i32
      %dma_start3A_262 = tpu.memref_slice %arg7[%dma_start3A_254, %dma_start3A_261] : memref<16x128xi32, #tpu.memory_space<vmem>> -> memref<1x128xi32, #tpu.memory_space<vmem>>
      %dma_start3A_263 = tpu.memref_squeeze %dma_start3A_262 : memref<1x128xi32, #tpu.memory_space<vmem>> -> memref<128xi32, #tpu.memory_space<vmem>>
      %dma_start3A_264 = arith.constant 0 : i32
      %dma_start3A_265 = arith.constant 0 : i32
      %dma_start3A_266 = tpu.memref_slice %arg2[%dma_start3A_264, %dma_start3A_265] : memref<10000x128xf32, #tpu.memory_space<hbm>> -> memref<10000x128xf32, #tpu.memory_space<hbm>>
      %dma_start3A_267 = tpu.memref_slice %arg11[%dma_start3A_256] : memref<2x!tpu.dma_semaphore, #tpu.memory_space<semaphore_mem>> -> memref<1x!tpu.dma_semaphore, #tpu.memory_space<semaphore_mem>>
      %dma_start3A_268 = tpu.memref_squeeze %dma_start3A_267 : memref<1x!tpu.dma_semaphore, #tpu.memory_space<semaphore_mem>> -> memref<!tpu.dma_semaphore, #tpu.memory_space<semaphore_mem>>
      tpu.enqueue_indirect_dma source(%dma_start3A_266 : memref<10000x128xf32, #tpu.memory_space<hbm>>) target(%dma_start3A_260 : memref<128x128xf32, #tpu.memory_space<vmem>>) offsets(%dma_start3A_263 : memref<128xi32, #tpu.memory_space<vmem>>) semaphore(%dma_start3A_268 : memref<!tpu.dma_semaphore, #tpu.memory_space<semaphore_mem>>)
      %dma_wait3A_269 = arith.constant 7 : i32
      %dma_wait3A_270 = arith.constant 1 : i32
      %dma_wait3A_271 = arith.constant 1 : i32
      %dma_wait3A_272 = arith.constant 0 : i32
      %dma_wait3A_273 = arith.constant 0 : i32
      %dma_wait3A_274 = tpu.memref_slice %arg9[%dma_wait3A_270, %dma_wait3A_272, %dma_wait3A_273] : memref<2x128x128xf32, #tpu.memory_space<vmem>> -> memref<1x128x128xf32, #tpu.memory_space<vmem>>
      %dma_wait3A_275 = tpu.memref_squeeze %dma_wait3A_274 : memref<1x128x128xf32, #tpu.memory_space<vmem>> -> memref<128x128xf32, #tpu.memory_space<vmem>>
      %dma_wait3A_276 = arith.constant 0 : i32
      %dma_wait3A_277 = tpu.memref_slice %arg7[%dma_wait3A_269, %dma_wait3A_276] : memref<16x128xi32, #tpu.memory_space<vmem>> -> memref<1x128xi32, #tpu.memory_space<vmem>>
      %dma_wait3A_278 = tpu.memref_squeeze %dma_wait3A_277 : memref<1x128xi32, #tpu.memory_space<vmem>> -> memref<128xi32, #tpu.memory_space<vmem>>
      %dma_wait3A_279 = arith.constant 0 : i32
      %dma_wait3A_280 = arith.constant 0 : i32
      %dma_wait3A_281 = tpu.memref_slice %arg2[%dma_wait3A_279, %dma_wait3A_280] : memref<10000x128xf32, #tpu.memory_space<hbm>> -> memref<10000x128xf32, #tpu.memory_space<hbm>>
      %dma_wait3A_282 = tpu.memref_slice %arg11[%dma_wait3A_271] : memref<2x!tpu.dma_semaphore, #tpu.memory_space<semaphore_mem>> -> memref<1x!tpu.dma_semaphore, #tpu.memory_space<semaphore_mem>>
      %dma_wait3A_283 = tpu.memref_squeeze %dma_wait3A_282 : memref<1x!tpu.dma_semaphore, #tpu.memory_space<semaphore_mem>> -> memref<!tpu.dma_semaphore, #tpu.memory_space<semaphore_mem>>
      tpu.wait_indirect_dma semaphore(%dma_wait3A_283 : memref<!tpu.dma_semaphore, #tpu.memory_space<semaphore_mem>>) src(%dma_wait3A_281 : memref<10000x128xf32, #tpu.memory_space<hbm>>) dst(%dma_wait3A_275 : memref<128x128xf32, #tpu.memory_space<vmem>>)
      %run_scoped3A_284 = arith.constant 1 : i32
      %run_scoped3A_285 = arith.constant 7 : i32
      "tpu.region"() ({
        %run_scoped3A_527 = tpu.sem_alloc : memref<!tpu.dma_semaphore, #tpu.memory_space<semaphore_mem>>
        %dma_start3A_528 = arith.constant 0 : i32
        %dma_start3A_529 = arith.constant 0 : i32
        %dma_start3A_530 = tpu.memref_slice %arg9[%run_scoped3A_284, %dma_start3A_528, %dma_start3A_529] : memref<2x128x128xf32, #tpu.memory_space<vmem>> -> memref<1x128x128xf32, #tpu.memory_space<vmem>>
        %dma_start3A_531 = tpu.memref_squeeze %dma_start3A_530 : memref<1x128x128xf32, #tpu.memory_space<vmem>> -> memref<128x128xf32, #tpu.memory_space<vmem>>
        %dma_start3A_532 = arith.constant 0 : i32
        %dma_start3A_533 = tpu.memref_slice %arg8[%run_scoped3A_285, %dma_start3A_532] : memref<16x128xi32, #tpu.memory_space<vmem>> -> memref<1x128xi32, #tpu.memory_space<vmem>>
        %dma_start3A_534 = tpu.memref_squeeze %dma_start3A_533 : memref<1x128xi32, #tpu.memory_space<vmem>> -> memref<128xi32, #tpu.memory_space<vmem>>
        %dma_start3A_535 = arith.constant 0 : i32
        %dma_start3A_536 = arith.constant 0 : i32
        %dma_start3A_537 = tpu.memref_slice %arg10[%dma_start3A_535, %dma_start3A_536] : memref<10016x128xf32, #tpu.memory_space<vmem_shared>> -> memref<10016x128xf32, #tpu.memory_space<vmem_shared>>
        tpu.enqueue_indirect_dma source(%dma_start3A_531 : memref<128x128xf32, #tpu.memory_space<vmem>>) target(%dma_start3A_537 : memref<10016x128xf32, #tpu.memory_space<vmem_shared>>) offsets(%dma_start3A_534 : memref<128xi32, #tpu.memory_space<vmem>>) semaphore(%run_scoped3A_527 : memref<!tpu.dma_semaphore, #tpu.memory_space<semaphore_mem>>) {add = true}
        %dma_wait3A_538 = arith.constant 0 : i32
        %dma_wait3A_539 = arith.constant 0 : i32
        %dma_wait3A_540 = tpu.memref_slice %arg9[%run_scoped3A_284, %dma_wait3A_538, %dma_wait3A_539] : memref<2x128x128xf32, #tpu.memory_space<vmem>> -> memref<1x128x128xf32, #tpu.memory_space<vmem>>
        %dma_wait3A_541 = tpu.memref_squeeze %dma_wait3A_540 : memref<1x128x128xf32, #tpu.memory_space<vmem>> -> memref<128x128xf32, #tpu.memory_space<vmem>>
        %dma_wait3A_542 = arith.constant 0 : i32
        %dma_wait3A_543 = tpu.memref_slice %arg8[%run_scoped3A_285, %dma_wait3A_542] : memref<16x128xi32, #tpu.memory_space<vmem>> -> memref<1x128xi32, #tpu.memory_space<vmem>>
        %dma_wait3A_544 = tpu.memref_squeeze %dma_wait3A_543 : memref<1x128xi32, #tpu.memory_space<vmem>> -> memref<128xi32, #tpu.memory_space<vmem>>
        %dma_wait3A_545 = arith.constant 0 : i32
        %dma_wait3A_546 = arith.constant 0 : i32
        %dma_wait3A_547 = tpu.memref_slice %arg10[%dma_wait3A_545, %dma_wait3A_546] : memref<10016x128xf32, #tpu.memory_space<vmem_shared>> -> memref<10016x128xf32, #tpu.memory_space<vmem_shared>>
        tpu.wait_indirect_dma semaphore(%run_scoped3A_527 : memref<!tpu.dma_semaphore, #tpu.memory_space<semaphore_mem>>) src(%dma_wait3A_541 : memref<128x128xf32, #tpu.memory_space<vmem>>) dst(%dma_wait3A_547 : memref<10016x128xf32, #tpu.memory_space<vmem_shared>>)
        tpu.yield
      }) : () -> ()
      %dma_start3A_286 = arith.constant 9 : i32
      %dma_start3A_287 = arith.constant 1 : i32
      %dma_start3A_288 = arith.constant 1 : i32
      %dma_start3A_289 = arith.constant 0 : i32
      %dma_start3A_290 = arith.constant 0 : i32
      %dma_start3A_291 = tpu.memref_slice %arg9[%dma_start3A_287, %dma_start3A_289, %dma_start3A_290] : memref<2x128x128xf32, #tpu.memory_space<vmem>> -> memref<1x128x128xf32, #tpu.memory_space<vmem>>
      %dma_start3A_292 = tpu.memref_squeeze %dma_start3A_291 : memref<1x128x128xf32, #tpu.memory_space<vmem>> -> memref<128x128xf32, #tpu.memory_space<vmem>>
      %dma_start3A_293 = arith.constant 0 : i32
      %dma_start3A_294 = tpu.memref_slice %arg7[%dma_start3A_286, %dma_start3A_293] : memref<16x128xi32, #tpu.memory_space<vmem>> -> memref<1x128xi32, #tpu.memory_space<vmem>>
      %dma_start3A_295 = tpu.memref_squeeze %dma_start3A_294 : memref<1x128xi32, #tpu.memory_space<vmem>> -> memref<128xi32, #tpu.memory_space<vmem>>
      %dma_start3A_296 = arith.constant 0 : i32
      %dma_start3A_297 = arith.constant 0 : i32
      %dma_start3A_298 = tpu.memref_slice %arg2[%dma_start3A_296, %dma_start3A_297] : memref<10000x128xf32, #tpu.memory_space<hbm>> -> memref<10000x128xf32, #tpu.memory_space<hbm>>
      %dma_start3A_299 = tpu.memref_slice %arg11[%dma_start3A_288] : memref<2x!tpu.dma_semaphore, #tpu.memory_space<semaphore_mem>> -> memref<1x!tpu.dma_semaphore, #tpu.memory_space<semaphore_mem>>
      %dma_start3A_300 = tpu.memref_squeeze %dma_start3A_299 : memref<1x!tpu.dma_semaphore, #tpu.memory_space<semaphore_mem>> -> memref<!tpu.dma_semaphore, #tpu.memory_space<semaphore_mem>>
      tpu.enqueue_indirect_dma source(%dma_start3A_298 : memref<10000x128xf32, #tpu.memory_space<hbm>>) target(%dma_start3A_292 : memref<128x128xf32, #tpu.memory_space<vmem>>) offsets(%dma_start3A_295 : memref<128xi32, #tpu.memory_space<vmem>>) semaphore(%dma_start3A_300 : memref<!tpu.dma_semaphore, #tpu.memory_space<semaphore_mem>>)
      %dma_wait3A_301 = arith.constant 8 : i32
      %dma_wait3A_302 = arith.constant 0 : i32
      %dma_wait3A_303 = arith.constant 0 : i32
      %dma_wait3A_304 = arith.constant 0 : i32
      %dma_wait3A_305 = arith.constant 0 : i32
      %dma_wait3A_306 = tpu.memref_slice %arg9[%dma_wait3A_302, %dma_wait3A_304, %dma_wait3A_305] : memref<2x128x128xf32, #tpu.memory_space<vmem>> -> memref<1x128x128xf32, #tpu.memory_space<vmem>>
      %dma_wait3A_307 = tpu.memref_squeeze %dma_wait3A_306 : memref<1x128x128xf32, #tpu.memory_space<vmem>> -> memref<128x128xf32, #tpu.memory_space<vmem>>
      %dma_wait3A_308 = arith.constant 0 : i32
      %dma_wait3A_309 = tpu.memref_slice %arg7[%dma_wait3A_301, %dma_wait3A_308] : memref<16x128xi32, #tpu.memory_space<vmem>> -> memref<1x128xi32, #tpu.memory_space<vmem>>
      %dma_wait3A_310 = tpu.memref_squeeze %dma_wait3A_309 : memref<1x128xi32, #tpu.memory_space<vmem>> -> memref<128xi32, #tpu.memory_space<vmem>>
      %dma_wait3A_311 = arith.constant 0 : i32
      %dma_wait3A_312 = arith.constant 0 : i32
      %dma_wait3A_313 = tpu.memref_slice %arg2[%dma_wait3A_311, %dma_wait3A_312] : memref<10000x128xf32, #tpu.memory_space<hbm>> -> memref<10000x128xf32, #tpu.memory_space<hbm>>
      %dma_wait3A_314 = tpu.memref_slice %arg11[%dma_wait3A_303] : memref<2x!tpu.dma_semaphore, #tpu.memory_space<semaphore_mem>> -> memref<1x!tpu.dma_semaphore, #tpu.memory_space<semaphore_mem>>
      %dma_wait3A_315 = tpu.memref_squeeze %dma_wait3A_314 : memref<1x!tpu.dma_semaphore, #tpu.memory_space<semaphore_mem>> -> memref<!tpu.dma_semaphore, #tpu.memory_space<semaphore_mem>>
      tpu.wait_indirect_dma semaphore(%dma_wait3A_315 : memref<!tpu.dma_semaphore, #tpu.memory_space<semaphore_mem>>) src(%dma_wait3A_313 : memref<10000x128xf32, #tpu.memory_space<hbm>>) dst(%dma_wait3A_307 : memref<128x128xf32, #tpu.memory_space<vmem>>)
      %run_scoped3A_316 = arith.constant 0 : i32
      %run_scoped3A_317 = arith.constant 8 : i32
      "tpu.region"() ({
        %run_scoped3A_527 = tpu.sem_alloc : memref<!tpu.dma_semaphore, #tpu.memory_space<semaphore_mem>>
        %dma_start3A_528 = arith.constant 0 : i32
        %dma_start3A_529 = arith.constant 0 : i32
        %dma_start3A_530 = tpu.memref_slice %arg9[%run_scoped3A_316, %dma_start3A_528, %dma_start3A_529] : memref<2x128x128xf32, #tpu.memory_space<vmem>> -> memref<1x128x128xf32, #tpu.memory_space<vmem>>
        %dma_start3A_531 = tpu.memref_squeeze %dma_start3A_530 : memref<1x128x128xf32, #tpu.memory_space<vmem>> -> memref<128x128xf32, #tpu.memory_space<vmem>>
        %dma_start3A_532 = arith.constant 0 : i32
        %dma_start3A_533 = tpu.memref_slice %arg8[%run_scoped3A_317, %dma_start3A_532] : memref<16x128xi32, #tpu.memory_space<vmem>> -> memref<1x128xi32, #tpu.memory_space<vmem>>
        %dma_start3A_534 = tpu.memref_squeeze %dma_start3A_533 : memref<1x128xi32, #tpu.memory_space<vmem>> -> memref<128xi32, #tpu.memory_space<vmem>>
        %dma_start3A_535 = arith.constant 0 : i32
        %dma_start3A_536 = arith.constant 0 : i32
        %dma_start3A_537 = tpu.memref_slice %arg10[%dma_start3A_535, %dma_start3A_536] : memref<10016x128xf32, #tpu.memory_space<vmem_shared>> -> memref<10016x128xf32, #tpu.memory_space<vmem_shared>>
        tpu.enqueue_indirect_dma source(%dma_start3A_531 : memref<128x128xf32, #tpu.memory_space<vmem>>) target(%dma_start3A_537 : memref<10016x128xf32, #tpu.memory_space<vmem_shared>>) offsets(%dma_start3A_534 : memref<128xi32, #tpu.memory_space<vmem>>) semaphore(%run_scoped3A_527 : memref<!tpu.dma_semaphore, #tpu.memory_space<semaphore_mem>>) {add = true}
        %dma_wait3A_538 = arith.constant 0 : i32
        %dma_wait3A_539 = arith.constant 0 : i32
        %dma_wait3A_540 = tpu.memref_slice %arg9[%run_scoped3A_316, %dma_wait3A_538, %dma_wait3A_539] : memref<2x128x128xf32, #tpu.memory_space<vmem>> -> memref<1x128x128xf32, #tpu.memory_space<vmem>>
        %dma_wait3A_541 = tpu.memref_squeeze %dma_wait3A_540 : memref<1x128x128xf32, #tpu.memory_space<vmem>> -> memref<128x128xf32, #tpu.memory_space<vmem>>
        %dma_wait3A_542 = arith.constant 0 : i32
        %dma_wait3A_543 = tpu.memref_slice %arg8[%run_scoped3A_317, %dma_wait3A_542] : memref<16x128xi32, #tpu.memory_space<vmem>> -> memref<1x128xi32, #tpu.memory_space<vmem>>
        %dma_wait3A_544 = tpu.memref_squeeze %dma_wait3A_543 : memref<1x128xi32, #tpu.memory_space<vmem>> -> memref<128xi32, #tpu.memory_space<vmem>>
        %dma_wait3A_545 = arith.constant 0 : i32
        %dma_wait3A_546 = arith.constant 0 : i32
        %dma_wait3A_547 = tpu.memref_slice %arg10[%dma_wait3A_545, %dma_wait3A_546] : memref<10016x128xf32, #tpu.memory_space<vmem_shared>> -> memref<10016x128xf32, #tpu.memory_space<vmem_shared>>
        tpu.wait_indirect_dma semaphore(%run_scoped3A_527 : memref<!tpu.dma_semaphore, #tpu.memory_space<semaphore_mem>>) src(%dma_wait3A_541 : memref<128x128xf32, #tpu.memory_space<vmem>>) dst(%dma_wait3A_547 : memref<10016x128xf32, #tpu.memory_space<vmem_shared>>)
        tpu.yield
      }) : () -> ()
      %dma_start3A_318 = arith.constant 10 : i32
      %dma_start3A_319 = arith.constant 0 : i32
      %dma_start3A_320 = arith.constant 0 : i32
      %dma_start3A_321 = arith.constant 0 : i32
      %dma_start3A_322 = arith.constant 0 : i32
      %dma_start3A_323 = tpu.memref_slice %arg9[%dma_start3A_319, %dma_start3A_321, %dma_start3A_322] : memref<2x128x128xf32, #tpu.memory_space<vmem>> -> memref<1x128x128xf32, #tpu.memory_space<vmem>>
      %dma_start3A_324 = tpu.memref_squeeze %dma_start3A_323 : memref<1x128x128xf32, #tpu.memory_space<vmem>> -> memref<128x128xf32, #tpu.memory_space<vmem>>
      %dma_start3A_325 = arith.constant 0 : i32
      %dma_start3A_326 = tpu.memref_slice %arg7[%dma_start3A_318, %dma_start3A_325] : memref<16x128xi32, #tpu.memory_space<vmem>> -> memref<1x128xi32, #tpu.memory_space<vmem>>
      %dma_start3A_327 = tpu.memref_squeeze %dma_start3A_326 : memref<1x128xi32, #tpu.memory_space<vmem>> -> memref<128xi32, #tpu.memory_space<vmem>>
      %dma_start3A_328 = arith.constant 0 : i32
      %dma_start3A_329 = arith.constant 0 : i32
      %dma_start3A_330 = tpu.memref_slice %arg2[%dma_start3A_328, %dma_start3A_329] : memref<10000x128xf32, #tpu.memory_space<hbm>> -> memref<10000x128xf32, #tpu.memory_space<hbm>>
      %dma_start3A_331 = tpu.memref_slice %arg11[%dma_start3A_320] : memref<2x!tpu.dma_semaphore, #tpu.memory_space<semaphore_mem>> -> memref<1x!tpu.dma_semaphore, #tpu.memory_space<semaphore_mem>>
      %dma_start3A_332 = tpu.memref_squeeze %dma_start3A_331 : memref<1x!tpu.dma_semaphore, #tpu.memory_space<semaphore_mem>> -> memref<!tpu.dma_semaphore, #tpu.memory_space<semaphore_mem>>
      tpu.enqueue_indirect_dma source(%dma_start3A_330 : memref<10000x128xf32, #tpu.memory_space<hbm>>) target(%dma_start3A_324 : memref<128x128xf32, #tpu.memory_space<vmem>>) offsets(%dma_start3A_327 : memref<128xi32, #tpu.memory_space<vmem>>) semaphore(%dma_start3A_332 : memref<!tpu.dma_semaphore, #tpu.memory_space<semaphore_mem>>)
      %dma_wait3A_333 = arith.constant 9 : i32
      %dma_wait3A_334 = arith.constant 1 : i32
      %dma_wait3A_335 = arith.constant 1 : i32
      %dma_wait3A_336 = arith.constant 0 : i32
      %dma_wait3A_337 = arith.constant 0 : i32
      %dma_wait3A_338 = tpu.memref_slice %arg9[%dma_wait3A_334, %dma_wait3A_336, %dma_wait3A_337] : memref<2x128x128xf32, #tpu.memory_space<vmem>> -> memref<1x128x128xf32, #tpu.memory_space<vmem>>
      %dma_wait3A_339 = tpu.memref_squeeze %dma_wait3A_338 : memref<1x128x128xf32, #tpu.memory_space<vmem>> -> memref<128x128xf32, #tpu.memory_space<vmem>>
      %dma_wait3A_340 = arith.constant 0 : i32
      %dma_wait3A_341 = tpu.memref_slice %arg7[%dma_wait3A_333, %dma_wait3A_340] : memref<16x128xi32, #tpu.memory_space<vmem>> -> memref<1x128xi32, #tpu.memory_space<vmem>>
      %dma_wait3A_342 = tpu.memref_squeeze %dma_wait3A_341 : memref<1x128xi32, #tpu.memory_space<vmem>> -> memref<128xi32, #tpu.memory_space<vmem>>
      %dma_wait3A_343 = arith.constant 0 : i32
      %dma_wait3A_344 = arith.constant 0 : i32
      %dma_wait3A_345 = tpu.memref_slice %arg2[%dma_wait3A_343, %dma_wait3A_344] : memref<10000x128xf32, #tpu.memory_space<hbm>> -> memref<10000x128xf32, #tpu.memory_space<hbm>>
      %dma_wait3A_346 = tpu.memref_slice %arg11[%dma_wait3A_335] : memref<2x!tpu.dma_semaphore, #tpu.memory_space<semaphore_mem>> -> memref<1x!tpu.dma_semaphore, #tpu.memory_space<semaphore_mem>>
      %dma_wait3A_347 = tpu.memref_squeeze %dma_wait3A_346 : memref<1x!tpu.dma_semaphore, #tpu.memory_space<semaphore_mem>> -> memref<!tpu.dma_semaphore, #tpu.memory_space<semaphore_mem>>
      tpu.wait_indirect_dma semaphore(%dma_wait3A_347 : memref<!tpu.dma_semaphore, #tpu.memory_space<semaphore_mem>>) src(%dma_wait3A_345 : memref<10000x128xf32, #tpu.memory_space<hbm>>) dst(%dma_wait3A_339 : memref<128x128xf32, #tpu.memory_space<vmem>>)
      %run_scoped3A_348 = arith.constant 1 : i32
      %run_scoped3A_349 = arith.constant 9 : i32
      "tpu.region"() ({
        %run_scoped3A_527 = tpu.sem_alloc : memref<!tpu.dma_semaphore, #tpu.memory_space<semaphore_mem>>
        %dma_start3A_528 = arith.constant 0 : i32
        %dma_start3A_529 = arith.constant 0 : i32
        %dma_start3A_530 = tpu.memref_slice %arg9[%run_scoped3A_348, %dma_start3A_528, %dma_start3A_529] : memref<2x128x128xf32, #tpu.memory_space<vmem>> -> memref<1x128x128xf32, #tpu.memory_space<vmem>>
        %dma_start3A_531 = tpu.memref_squeeze %dma_start3A_530 : memref<1x128x128xf32, #tpu.memory_space<vmem>> -> memref<128x128xf32, #tpu.memory_space<vmem>>
        %dma_start3A_532 = arith.constant 0 : i32
        %dma_start3A_533 = tpu.memref_slice %arg8[%run_scoped3A_349, %dma_start3A_532] : memref<16x128xi32, #tpu.memory_space<vmem>> -> memref<1x128xi32, #tpu.memory_space<vmem>>
        %dma_start3A_534 = tpu.memref_squeeze %dma_start3A_533 : memref<1x128xi32, #tpu.memory_space<vmem>> -> memref<128xi32, #tpu.memory_space<vmem>>
        %dma_start3A_535 = arith.constant 0 : i32
        %dma_start3A_536 = arith.constant 0 : i32
        %dma_start3A_537 = tpu.memref_slice %arg10[%dma_start3A_535, %dma_start3A_536] : memref<10016x128xf32, #tpu.memory_space<vmem_shared>> -> memref<10016x128xf32, #tpu.memory_space<vmem_shared>>
        tpu.enqueue_indirect_dma source(%dma_start3A_531 : memref<128x128xf32, #tpu.memory_space<vmem>>) target(%dma_start3A_537 : memref<10016x128xf32, #tpu.memory_space<vmem_shared>>) offsets(%dma_start3A_534 : memref<128xi32, #tpu.memory_space<vmem>>) semaphore(%run_scoped3A_527 : memref<!tpu.dma_semaphore, #tpu.memory_space<semaphore_mem>>) {add = true}
        %dma_wait3A_538 = arith.constant 0 : i32
        %dma_wait3A_539 = arith.constant 0 : i32
        %dma_wait3A_540 = tpu.memref_slice %arg9[%run_scoped3A_348, %dma_wait3A_538, %dma_wait3A_539] : memref<2x128x128xf32, #tpu.memory_space<vmem>> -> memref<1x128x128xf32, #tpu.memory_space<vmem>>
        %dma_wait3A_541 = tpu.memref_squeeze %dma_wait3A_540 : memref<1x128x128xf32, #tpu.memory_space<vmem>> -> memref<128x128xf32, #tpu.memory_space<vmem>>
        %dma_wait3A_542 = arith.constant 0 : i32
        %dma_wait3A_543 = tpu.memref_slice %arg8[%run_scoped3A_349, %dma_wait3A_542] : memref<16x128xi32, #tpu.memory_space<vmem>> -> memref<1x128xi32, #tpu.memory_space<vmem>>
        %dma_wait3A_544 = tpu.memref_squeeze %dma_wait3A_543 : memref<1x128xi32, #tpu.memory_space<vmem>> -> memref<128xi32, #tpu.memory_space<vmem>>
        %dma_wait3A_545 = arith.constant 0 : i32
        %dma_wait3A_546 = arith.constant 0 : i32
        %dma_wait3A_547 = tpu.memref_slice %arg10[%dma_wait3A_545, %dma_wait3A_546] : memref<10016x128xf32, #tpu.memory_space<vmem_shared>> -> memref<10016x128xf32, #tpu.memory_space<vmem_shared>>
        tpu.wait_indirect_dma semaphore(%run_scoped3A_527 : memref<!tpu.dma_semaphore, #tpu.memory_space<semaphore_mem>>) src(%dma_wait3A_541 : memref<128x128xf32, #tpu.memory_space<vmem>>) dst(%dma_wait3A_547 : memref<10016x128xf32, #tpu.memory_space<vmem_shared>>)
        tpu.yield
      }) : () -> ()
      %dma_start3A_350 = arith.constant 11 : i32
      %dma_start3A_351 = arith.constant 1 : i32
      %dma_start3A_352 = arith.constant 1 : i32
      %dma_start3A_353 = arith.constant 0 : i32
      %dma_start3A_354 = arith.constant 0 : i32
      %dma_start3A_355 = tpu.memref_slice %arg9[%dma_start3A_351, %dma_start3A_353, %dma_start3A_354] : memref<2x128x128xf32, #tpu.memory_space<vmem>> -> memref<1x128x128xf32, #tpu.memory_space<vmem>>
      %dma_start3A_356 = tpu.memref_squeeze %dma_start3A_355 : memref<1x128x128xf32, #tpu.memory_space<vmem>> -> memref<128x128xf32, #tpu.memory_space<vmem>>
      %dma_start3A_357 = arith.constant 0 : i32
      %dma_start3A_358 = tpu.memref_slice %arg7[%dma_start3A_350, %dma_start3A_357] : memref<16x128xi32, #tpu.memory_space<vmem>> -> memref<1x128xi32, #tpu.memory_space<vmem>>
      %dma_start3A_359 = tpu.memref_squeeze %dma_start3A_358 : memref<1x128xi32, #tpu.memory_space<vmem>> -> memref<128xi32, #tpu.memory_space<vmem>>
      %dma_start3A_360 = arith.constant 0 : i32
      %dma_start3A_361 = arith.constant 0 : i32
      %dma_start3A_362 = tpu.memref_slice %arg2[%dma_start3A_360, %dma_start3A_361] : memref<10000x128xf32, #tpu.memory_space<hbm>> -> memref<10000x128xf32, #tpu.memory_space<hbm>>
      %dma_start3A_363 = tpu.memref_slice %arg11[%dma_start3A_352] : memref<2x!tpu.dma_semaphore, #tpu.memory_space<semaphore_mem>> -> memref<1x!tpu.dma_semaphore, #tpu.memory_space<semaphore_mem>>
      %dma_start3A_364 = tpu.memref_squeeze %dma_start3A_363 : memref<1x!tpu.dma_semaphore, #tpu.memory_space<semaphore_mem>> -> memref<!tpu.dma_semaphore, #tpu.memory_space<semaphore_mem>>
      tpu.enqueue_indirect_dma source(%dma_start3A_362 : memref<10000x128xf32, #tpu.memory_space<hbm>>) target(%dma_start3A_356 : memref<128x128xf32, #tpu.memory_space<vmem>>) offsets(%dma_start3A_359 : memref<128xi32, #tpu.memory_space<vmem>>) semaphore(%dma_start3A_364 : memref<!tpu.dma_semaphore, #tpu.memory_space<semaphore_mem>>)
      %dma_wait3A_365 = arith.constant 10 : i32
      %dma_wait3A_366 = arith.constant 0 : i32
      %dma_wait3A_367 = arith.constant 0 : i32
      %dma_wait3A_368 = arith.constant 0 : i32
      %dma_wait3A_369 = arith.constant 0 : i32
      %dma_wait3A_370 = tpu.memref_slice %arg9[%dma_wait3A_366, %dma_wait3A_368, %dma_wait3A_369] : memref<2x128x128xf32, #tpu.memory_space<vmem>> -> memref<1x128x128xf32, #tpu.memory_space<vmem>>
      %dma_wait3A_371 = tpu.memref_squeeze %dma_wait3A_370 : memref<1x128x128xf32, #tpu.memory_space<vmem>> -> memref<128x128xf32, #tpu.memory_space<vmem>>
      %dma_wait3A_372 = arith.constant 0 : i32
      %dma_wait3A_373 = tpu.memref_slice %arg7[%dma_wait3A_365, %dma_wait3A_372] : memref<16x128xi32, #tpu.memory_space<vmem>> -> memref<1x128xi32, #tpu.memory_space<vmem>>
      %dma_wait3A_374 = tpu.memref_squeeze %dma_wait3A_373 : memref<1x128xi32, #tpu.memory_space<vmem>> -> memref<128xi32, #tpu.memory_space<vmem>>
      %dma_wait3A_375 = arith.constant 0 : i32
      %dma_wait3A_376 = arith.constant 0 : i32
      %dma_wait3A_377 = tpu.memref_slice %arg2[%dma_wait3A_375, %dma_wait3A_376] : memref<10000x128xf32, #tpu.memory_space<hbm>> -> memref<10000x128xf32, #tpu.memory_space<hbm>>
      %dma_wait3A_378 = tpu.memref_slice %arg11[%dma_wait3A_367] : memref<2x!tpu.dma_semaphore, #tpu.memory_space<semaphore_mem>> -> memref<1x!tpu.dma_semaphore, #tpu.memory_space<semaphore_mem>>
      %dma_wait3A_379 = tpu.memref_squeeze %dma_wait3A_378 : memref<1x!tpu.dma_semaphore, #tpu.memory_space<semaphore_mem>> -> memref<!tpu.dma_semaphore, #tpu.memory_space<semaphore_mem>>
      tpu.wait_indirect_dma semaphore(%dma_wait3A_379 : memref<!tpu.dma_semaphore, #tpu.memory_space<semaphore_mem>>) src(%dma_wait3A_377 : memref<10000x128xf32, #tpu.memory_space<hbm>>) dst(%dma_wait3A_371 : memref<128x128xf32, #tpu.memory_space<vmem>>)
      %run_scoped3A_380 = arith.constant 0 : i32
      %run_scoped3A_381 = arith.constant 10 : i32
      "tpu.region"() ({
        %run_scoped3A_527 = tpu.sem_alloc : memref<!tpu.dma_semaphore, #tpu.memory_space<semaphore_mem>>
        %dma_start3A_528 = arith.constant 0 : i32
        %dma_start3A_529 = arith.constant 0 : i32
        %dma_start3A_530 = tpu.memref_slice %arg9[%run_scoped3A_380, %dma_start3A_528, %dma_start3A_529] : memref<2x128x128xf32, #tpu.memory_space<vmem>> -> memref<1x128x128xf32, #tpu.memory_space<vmem>>
        %dma_start3A_531 = tpu.memref_squeeze %dma_start3A_530 : memref<1x128x128xf32, #tpu.memory_space<vmem>> -> memref<128x128xf32, #tpu.memory_space<vmem>>
        %dma_start3A_532 = arith.constant 0 : i32
        %dma_start3A_533 = tpu.memref_slice %arg8[%run_scoped3A_381, %dma_start3A_532] : memref<16x128xi32, #tpu.memory_space<vmem>> -> memref<1x128xi32, #tpu.memory_space<vmem>>
        %dma_start3A_534 = tpu.memref_squeeze %dma_start3A_533 : memref<1x128xi32, #tpu.memory_space<vmem>> -> memref<128xi32, #tpu.memory_space<vmem>>
        %dma_start3A_535 = arith.constant 0 : i32
        %dma_start3A_536 = arith.constant 0 : i32
        %dma_start3A_537 = tpu.memref_slice %arg10[%dma_start3A_535, %dma_start3A_536] : memref<10016x128xf32, #tpu.memory_space<vmem_shared>> -> memref<10016x128xf32, #tpu.memory_space<vmem_shared>>
        tpu.enqueue_indirect_dma source(%dma_start3A_531 : memref<128x128xf32, #tpu.memory_space<vmem>>) target(%dma_start3A_537 : memref<10016x128xf32, #tpu.memory_space<vmem_shared>>) offsets(%dma_start3A_534 : memref<128xi32, #tpu.memory_space<vmem>>) semaphore(%run_scoped3A_527 : memref<!tpu.dma_semaphore, #tpu.memory_space<semaphore_mem>>) {add = true}
        %dma_wait3A_538 = arith.constant 0 : i32
        %dma_wait3A_539 = arith.constant 0 : i32
        %dma_wait3A_540 = tpu.memref_slice %arg9[%run_scoped3A_380, %dma_wait3A_538, %dma_wait3A_539] : memref<2x128x128xf32, #tpu.memory_space<vmem>> -> memref<1x128x128xf32, #tpu.memory_space<vmem>>
        %dma_wait3A_541 = tpu.memref_squeeze %dma_wait3A_540 : memref<1x128x128xf32, #tpu.memory_space<vmem>> -> memref<128x128xf32, #tpu.memory_space<vmem>>
        %dma_wait3A_542 = arith.constant 0 : i32
        %dma_wait3A_543 = tpu.memref_slice %arg8[%run_scoped3A_381, %dma_wait3A_542] : memref<16x128xi32, #tpu.memory_space<vmem>> -> memref<1x128xi32, #tpu.memory_space<vmem>>
        %dma_wait3A_544 = tpu.memref_squeeze %dma_wait3A_543 : memref<1x128xi32, #tpu.memory_space<vmem>> -> memref<128xi32, #tpu.memory_space<vmem>>
        %dma_wait3A_545 = arith.constant 0 : i32
        %dma_wait3A_546 = arith.constant 0 : i32
        %dma_wait3A_547 = tpu.memref_slice %arg10[%dma_wait3A_545, %dma_wait3A_546] : memref<10016x128xf32, #tpu.memory_space<vmem_shared>> -> memref<10016x128xf32, #tpu.memory_space<vmem_shared>>
        tpu.wait_indirect_dma semaphore(%run_scoped3A_527 : memref<!tpu.dma_semaphore, #tpu.memory_space<semaphore_mem>>) src(%dma_wait3A_541 : memref<128x128xf32, #tpu.memory_space<vmem>>) dst(%dma_wait3A_547 : memref<10016x128xf32, #tpu.memory_space<vmem_shared>>)
        tpu.yield
      }) : () -> ()
      %dma_start3A_382 = arith.constant 12 : i32
      %dma_start3A_383 = arith.constant 0 : i32
      %dma_start3A_384 = arith.constant 0 : i32
      %dma_start3A_385 = arith.constant 0 : i32
      %dma_start3A_386 = arith.constant 0 : i32
      %dma_start3A_387 = tpu.memref_slice %arg9[%dma_start3A_383, %dma_start3A_385, %dma_start3A_386] : memref<2x128x128xf32, #tpu.memory_space<vmem>> -> memref<1x128x128xf32, #tpu.memory_space<vmem>>
      %dma_start3A_388 = tpu.memref_squeeze %dma_start3A_387 : memref<1x128x128xf32, #tpu.memory_space<vmem>> -> memref<128x128xf32, #tpu.memory_space<vmem>>
      %dma_start3A_389 = arith.constant 0 : i32
      %dma_start3A_390 = tpu.memref_slice %arg7[%dma_start3A_382, %dma_start3A_389] : memref<16x128xi32, #tpu.memory_space<vmem>> -> memref<1x128xi32, #tpu.memory_space<vmem>>
      %dma_start3A_391 = tpu.memref_squeeze %dma_start3A_390 : memref<1x128xi32, #tpu.memory_space<vmem>> -> memref<128xi32, #tpu.memory_space<vmem>>
      %dma_start3A_392 = arith.constant 0 : i32
      %dma_start3A_393 = arith.constant 0 : i32
      %dma_start3A_394 = tpu.memref_slice %arg2[%dma_start3A_392, %dma_start3A_393] : memref<10000x128xf32, #tpu.memory_space<hbm>> -> memref<10000x128xf32, #tpu.memory_space<hbm>>
      %dma_start3A_395 = tpu.memref_slice %arg11[%dma_start3A_384] : memref<2x!tpu.dma_semaphore, #tpu.memory_space<semaphore_mem>> -> memref<1x!tpu.dma_semaphore, #tpu.memory_space<semaphore_mem>>
      %dma_start3A_396 = tpu.memref_squeeze %dma_start3A_395 : memref<1x!tpu.dma_semaphore, #tpu.memory_space<semaphore_mem>> -> memref<!tpu.dma_semaphore, #tpu.memory_space<semaphore_mem>>
      tpu.enqueue_indirect_dma source(%dma_start3A_394 : memref<10000x128xf32, #tpu.memory_space<hbm>>) target(%dma_start3A_388 : memref<128x128xf32, #tpu.memory_space<vmem>>) offsets(%dma_start3A_391 : memref<128xi32, #tpu.memory_space<vmem>>) semaphore(%dma_start3A_396 : memref<!tpu.dma_semaphore, #tpu.memory_space<semaphore_mem>>)
      %dma_wait3A_397 = arith.constant 11 : i32
      %dma_wait3A_398 = arith.constant 1 : i32
      %dma_wait3A_399 = arith.constant 1 : i32
      %dma_wait3A_400 = arith.constant 0 : i32
      %dma_wait3A_401 = arith.constant 0 : i32
      %dma_wait3A_402 = tpu.memref_slice %arg9[%dma_wait3A_398, %dma_wait3A_400, %dma_wait3A_401] : memref<2x128x128xf32, #tpu.memory_space<vmem>> -> memref<1x128x128xf32, #tpu.memory_space<vmem>>
      %dma_wait3A_403 = tpu.memref_squeeze %dma_wait3A_402 : memref<1x128x128xf32, #tpu.memory_space<vmem>> -> memref<128x128xf32, #tpu.memory_space<vmem>>
      %dma_wait3A_404 = arith.constant 0 : i32
      %dma_wait3A_405 = tpu.memref_slice %arg7[%dma_wait3A_397, %dma_wait3A_404] : memref<16x128xi32, #tpu.memory_space<vmem>> -> memref<1x128xi32, #tpu.memory_space<vmem>>
      %dma_wait3A_406 = tpu.memref_squeeze %dma_wait3A_405 : memref<1x128xi32, #tpu.memory_space<vmem>> -> memref<128xi32, #tpu.memory_space<vmem>>
      %dma_wait3A_407 = arith.constant 0 : i32
      %dma_wait3A_408 = arith.constant 0 : i32
      %dma_wait3A_409 = tpu.memref_slice %arg2[%dma_wait3A_407, %dma_wait3A_408] : memref<10000x128xf32, #tpu.memory_space<hbm>> -> memref<10000x128xf32, #tpu.memory_space<hbm>>
      %dma_wait3A_410 = tpu.memref_slice %arg11[%dma_wait3A_399] : memref<2x!tpu.dma_semaphore, #tpu.memory_space<semaphore_mem>> -> memref<1x!tpu.dma_semaphore, #tpu.memory_space<semaphore_mem>>
      %dma_wait3A_411 = tpu.memref_squeeze %dma_wait3A_410 : memref<1x!tpu.dma_semaphore, #tpu.memory_space<semaphore_mem>> -> memref<!tpu.dma_semaphore, #tpu.memory_space<semaphore_mem>>
      tpu.wait_indirect_dma semaphore(%dma_wait3A_411 : memref<!tpu.dma_semaphore, #tpu.memory_space<semaphore_mem>>) src(%dma_wait3A_409 : memref<10000x128xf32, #tpu.memory_space<hbm>>) dst(%dma_wait3A_403 : memref<128x128xf32, #tpu.memory_space<vmem>>)
      %run_scoped3A_412 = arith.constant 1 : i32
      %run_scoped3A_413 = arith.constant 11 : i32
      "tpu.region"() ({
        %run_scoped3A_527 = tpu.sem_alloc : memref<!tpu.dma_semaphore, #tpu.memory_space<semaphore_mem>>
        %dma_start3A_528 = arith.constant 0 : i32
        %dma_start3A_529 = arith.constant 0 : i32
        %dma_start3A_530 = tpu.memref_slice %arg9[%run_scoped3A_412, %dma_start3A_528, %dma_start3A_529] : memref<2x128x128xf32, #tpu.memory_space<vmem>> -> memref<1x128x128xf32, #tpu.memory_space<vmem>>
        %dma_start3A_531 = tpu.memref_squeeze %dma_start3A_530 : memref<1x128x128xf32, #tpu.memory_space<vmem>> -> memref<128x128xf32, #tpu.memory_space<vmem>>
        %dma_start3A_532 = arith.constant 0 : i32
        %dma_start3A_533 = tpu.memref_slice %arg8[%run_scoped3A_413, %dma_start3A_532] : memref<16x128xi32, #tpu.memory_space<vmem>> -> memref<1x128xi32, #tpu.memory_space<vmem>>
        %dma_start3A_534 = tpu.memref_squeeze %dma_start3A_533 : memref<1x128xi32, #tpu.memory_space<vmem>> -> memref<128xi32, #tpu.memory_space<vmem>>
        %dma_start3A_535 = arith.constant 0 : i32
        %dma_start3A_536 = arith.constant 0 : i32
        %dma_start3A_537 = tpu.memref_slice %arg10[%dma_start3A_535, %dma_start3A_536] : memref<10016x128xf32, #tpu.memory_space<vmem_shared>> -> memref<10016x128xf32, #tpu.memory_space<vmem_shared>>
        tpu.enqueue_indirect_dma source(%dma_start3A_531 : memref<128x128xf32, #tpu.memory_space<vmem>>) target(%dma_start3A_537 : memref<10016x128xf32, #tpu.memory_space<vmem_shared>>) offsets(%dma_start3A_534 : memref<128xi32, #tpu.memory_space<vmem>>) semaphore(%run_scoped3A_527 : memref<!tpu.dma_semaphore, #tpu.memory_space<semaphore_mem>>) {add = true}
        %dma_wait3A_538 = arith.constant 0 : i32
        %dma_wait3A_539 = arith.constant 0 : i32
        %dma_wait3A_540 = tpu.memref_slice %arg9[%run_scoped3A_412, %dma_wait3A_538, %dma_wait3A_539] : memref<2x128x128xf32, #tpu.memory_space<vmem>> -> memref<1x128x128xf32, #tpu.memory_space<vmem>>
        %dma_wait3A_541 = tpu.memref_squeeze %dma_wait3A_540 : memref<1x128x128xf32, #tpu.memory_space<vmem>> -> memref<128x128xf32, #tpu.memory_space<vmem>>
        %dma_wait3A_542 = arith.constant 0 : i32
        %dma_wait3A_543 = tpu.memref_slice %arg8[%run_scoped3A_413, %dma_wait3A_542] : memref<16x128xi32, #tpu.memory_space<vmem>> -> memref<1x128xi32, #tpu.memory_space<vmem>>
        %dma_wait3A_544 = tpu.memref_squeeze %dma_wait3A_543 : memref<1x128xi32, #tpu.memory_space<vmem>> -> memref<128xi32, #tpu.memory_space<vmem>>
        %dma_wait3A_545 = arith.constant 0 : i32
        %dma_wait3A_546 = arith.constant 0 : i32
        %dma_wait3A_547 = tpu.memref_slice %arg10[%dma_wait3A_545, %dma_wait3A_546] : memref<10016x128xf32, #tpu.memory_space<vmem_shared>> -> memref<10016x128xf32, #tpu.memory_space<vmem_shared>>
        tpu.wait_indirect_dma semaphore(%run_scoped3A_527 : memref<!tpu.dma_semaphore, #tpu.memory_space<semaphore_mem>>) src(%dma_wait3A_541 : memref<128x128xf32, #tpu.memory_space<vmem>>) dst(%dma_wait3A_547 : memref<10016x128xf32, #tpu.memory_space<vmem_shared>>)
        tpu.yield
      }) : () -> ()
      %dma_start3A_414 = arith.constant 13 : i32
      %dma_start3A_415 = arith.constant 1 : i32
      %dma_start3A_416 = arith.constant 1 : i32
      %dma_start3A_417 = arith.constant 0 : i32
      %dma_start3A_418 = arith.constant 0 : i32
      %dma_start3A_419 = tpu.memref_slice %arg9[%dma_start3A_415, %dma_start3A_417, %dma_start3A_418] : memref<2x128x128xf32, #tpu.memory_space<vmem>> -> memref<1x128x128xf32, #tpu.memory_space<vmem>>
      %dma_start3A_420 = tpu.memref_squeeze %dma_start3A_419 : memref<1x128x128xf32, #tpu.memory_space<vmem>> -> memref<128x128xf32, #tpu.memory_space<vmem>>
      %dma_start3A_421 = arith.constant 0 : i32
      %dma_start3A_422 = tpu.memref_slice %arg7[%dma_start3A_414, %dma_start3A_421] : memref<16x128xi32, #tpu.memory_space<vmem>> -> memref<1x128xi32, #tpu.memory_space<vmem>>
      %dma_start3A_423 = tpu.memref_squeeze %dma_start3A_422 : memref<1x128xi32, #tpu.memory_space<vmem>> -> memref<128xi32, #tpu.memory_space<vmem>>
      %dma_start3A_424 = arith.constant 0 : i32
      %dma_start3A_425 = arith.constant 0 : i32
      %dma_start3A_426 = tpu.memref_slice %arg2[%dma_start3A_424, %dma_start3A_425] : memref<10000x128xf32, #tpu.memory_space<hbm>> -> memref<10000x128xf32, #tpu.memory_space<hbm>>
      %dma_start3A_427 = tpu.memref_slice %arg11[%dma_start3A_416] : memref<2x!tpu.dma_semaphore, #tpu.memory_space<semaphore_mem>> -> memref<1x!tpu.dma_semaphore, #tpu.memory_space<semaphore_mem>>
      %dma_start3A_428 = tpu.memref_squeeze %dma_start3A_427 : memref<1x!tpu.dma_semaphore, #tpu.memory_space<semaphore_mem>> -> memref<!tpu.dma_semaphore, #tpu.memory_space<semaphore_mem>>
      tpu.enqueue_indirect_dma source(%dma_start3A_426 : memref<10000x128xf32, #tpu.memory_space<hbm>>) target(%dma_start3A_420 : memref<128x128xf32, #tpu.memory_space<vmem>>) offsets(%dma_start3A_423 : memref<128xi32, #tpu.memory_space<vmem>>) semaphore(%dma_start3A_428 : memref<!tpu.dma_semaphore, #tpu.memory_space<semaphore_mem>>)
      %dma_wait3A_429 = arith.constant 12 : i32
      %dma_wait3A_430 = arith.constant 0 : i32
      %dma_wait3A_431 = arith.constant 0 : i32
      %dma_wait3A_432 = arith.constant 0 : i32
      %dma_wait3A_433 = arith.constant 0 : i32
      %dma_wait3A_434 = tpu.memref_slice %arg9[%dma_wait3A_430, %dma_wait3A_432, %dma_wait3A_433] : memref<2x128x128xf32, #tpu.memory_space<vmem>> -> memref<1x128x128xf32, #tpu.memory_space<vmem>>
      %dma_wait3A_435 = tpu.memref_squeeze %dma_wait3A_434 : memref<1x128x128xf32, #tpu.memory_space<vmem>> -> memref<128x128xf32, #tpu.memory_space<vmem>>
      %dma_wait3A_436 = arith.constant 0 : i32
      %dma_wait3A_437 = tpu.memref_slice %arg7[%dma_wait3A_429, %dma_wait3A_436] : memref<16x128xi32, #tpu.memory_space<vmem>> -> memref<1x128xi32, #tpu.memory_space<vmem>>
      %dma_wait3A_438 = tpu.memref_squeeze %dma_wait3A_437 : memref<1x128xi32, #tpu.memory_space<vmem>> -> memref<128xi32, #tpu.memory_space<vmem>>
      %dma_wait3A_439 = arith.constant 0 : i32
      %dma_wait3A_440 = arith.constant 0 : i32
      %dma_wait3A_441 = tpu.memref_slice %arg2[%dma_wait3A_439, %dma_wait3A_440] : memref<10000x128xf32, #tpu.memory_space<hbm>> -> memref<10000x128xf32, #tpu.memory_space<hbm>>
      %dma_wait3A_442 = tpu.memref_slice %arg11[%dma_wait3A_431] : memref<2x!tpu.dma_semaphore, #tpu.memory_space<semaphore_mem>> -> memref<1x!tpu.dma_semaphore, #tpu.memory_space<semaphore_mem>>
      %dma_wait3A_443 = tpu.memref_squeeze %dma_wait3A_442 : memref<1x!tpu.dma_semaphore, #tpu.memory_space<semaphore_mem>> -> memref<!tpu.dma_semaphore, #tpu.memory_space<semaphore_mem>>
      tpu.wait_indirect_dma semaphore(%dma_wait3A_443 : memref<!tpu.dma_semaphore, #tpu.memory_space<semaphore_mem>>) src(%dma_wait3A_441 : memref<10000x128xf32, #tpu.memory_space<hbm>>) dst(%dma_wait3A_435 : memref<128x128xf32, #tpu.memory_space<vmem>>)
      %run_scoped3A_444 = arith.constant 0 : i32
      %run_scoped3A_445 = arith.constant 12 : i32
      "tpu.region"() ({
        %run_scoped3A_527 = tpu.sem_alloc : memref<!tpu.dma_semaphore, #tpu.memory_space<semaphore_mem>>
        %dma_start3A_528 = arith.constant 0 : i32
        %dma_start3A_529 = arith.constant 0 : i32
        %dma_start3A_530 = tpu.memref_slice %arg9[%run_scoped3A_444, %dma_start3A_528, %dma_start3A_529] : memref<2x128x128xf32, #tpu.memory_space<vmem>> -> memref<1x128x128xf32, #tpu.memory_space<vmem>>
        %dma_start3A_531 = tpu.memref_squeeze %dma_start3A_530 : memref<1x128x128xf32, #tpu.memory_space<vmem>> -> memref<128x128xf32, #tpu.memory_space<vmem>>
        %dma_start3A_532 = arith.constant 0 : i32
        %dma_start3A_533 = tpu.memref_slice %arg8[%run_scoped3A_445, %dma_start3A_532] : memref<16x128xi32, #tpu.memory_space<vmem>> -> memref<1x128xi32, #tpu.memory_space<vmem>>
        %dma_start3A_534 = tpu.memref_squeeze %dma_start3A_533 : memref<1x128xi32, #tpu.memory_space<vmem>> -> memref<128xi32, #tpu.memory_space<vmem>>
        %dma_start3A_535 = arith.constant 0 : i32
        %dma_start3A_536 = arith.constant 0 : i32
        %dma_start3A_537 = tpu.memref_slice %arg10[%dma_start3A_535, %dma_start3A_536] : memref<10016x128xf32, #tpu.memory_space<vmem_shared>> -> memref<10016x128xf32, #tpu.memory_space<vmem_shared>>
        tpu.enqueue_indirect_dma source(%dma_start3A_531 : memref<128x128xf32, #tpu.memory_space<vmem>>) target(%dma_start3A_537 : memref<10016x128xf32, #tpu.memory_space<vmem_shared>>) offsets(%dma_start3A_534 : memref<128xi32, #tpu.memory_space<vmem>>) semaphore(%run_scoped3A_527 : memref<!tpu.dma_semaphore, #tpu.memory_space<semaphore_mem>>) {add = true}
        %dma_wait3A_538 = arith.constant 0 : i32
        %dma_wait3A_539 = arith.constant 0 : i32
        %dma_wait3A_540 = tpu.memref_slice %arg9[%run_scoped3A_444, %dma_wait3A_538, %dma_wait3A_539] : memref<2x128x128xf32, #tpu.memory_space<vmem>> -> memref<1x128x128xf32, #tpu.memory_space<vmem>>
        %dma_wait3A_541 = tpu.memref_squeeze %dma_wait3A_540 : memref<1x128x128xf32, #tpu.memory_space<vmem>> -> memref<128x128xf32, #tpu.memory_space<vmem>>
        %dma_wait3A_542 = arith.constant 0 : i32
        %dma_wait3A_543 = tpu.memref_slice %arg8[%run_scoped3A_445, %dma_wait3A_542] : memref<16x128xi32, #tpu.memory_space<vmem>> -> memref<1x128xi32, #tpu.memory_space<vmem>>
        %dma_wait3A_544 = tpu.memref_squeeze %dma_wait3A_543 : memref<1x128xi32, #tpu.memory_space<vmem>> -> memref<128xi32, #tpu.memory_space<vmem>>
        %dma_wait3A_545 = arith.constant 0 : i32
        %dma_wait3A_546 = arith.constant 0 : i32
        %dma_wait3A_547 = tpu.memref_slice %arg10[%dma_wait3A_545, %dma_wait3A_546] : memref<10016x128xf32, #tpu.memory_space<vmem_shared>> -> memref<10016x128xf32, #tpu.memory_space<vmem_shared>>
        tpu.wait_indirect_dma semaphore(%run_scoped3A_527 : memref<!tpu.dma_semaphore, #tpu.memory_space<semaphore_mem>>) src(%dma_wait3A_541 : memref<128x128xf32, #tpu.memory_space<vmem>>) dst(%dma_wait3A_547 : memref<10016x128xf32, #tpu.memory_space<vmem_shared>>)
        tpu.yield
      }) : () -> ()
      %dma_start3A_446 = arith.constant 14 : i32
      %dma_start3A_447 = arith.constant 0 : i32
      %dma_start3A_448 = arith.constant 0 : i32
      %dma_start3A_449 = arith.constant 0 : i32
      %dma_start3A_450 = arith.constant 0 : i32
      %dma_start3A_451 = tpu.memref_slice %arg9[%dma_start3A_447, %dma_start3A_449, %dma_start3A_450] : memref<2x128x128xf32, #tpu.memory_space<vmem>> -> memref<1x128x128xf32, #tpu.memory_space<vmem>>
      %dma_start3A_452 = tpu.memref_squeeze %dma_start3A_451 : memref<1x128x128xf32, #tpu.memory_space<vmem>> -> memref<128x128xf32, #tpu.memory_space<vmem>>
      %dma_start3A_453 = arith.constant 0 : i32
      %dma_start3A_454 = tpu.memref_slice %arg7[%dma_start3A_446, %dma_start3A_453] : memref<16x128xi32, #tpu.memory_space<vmem>> -> memref<1x128xi32, #tpu.memory_space<vmem>>
      %dma_start3A_455 = tpu.memref_squeeze %dma_start3A_454 : memref<1x128xi32, #tpu.memory_space<vmem>> -> memref<128xi32, #tpu.memory_space<vmem>>
      %dma_start3A_456 = arith.constant 0 : i32
      %dma_start3A_457 = arith.constant 0 : i32
      %dma_start3A_458 = tpu.memref_slice %arg2[%dma_start3A_456, %dma_start3A_457] : memref<10000x128xf32, #tpu.memory_space<hbm>> -> memref<10000x128xf32, #tpu.memory_space<hbm>>
      %dma_start3A_459 = tpu.memref_slice %arg11[%dma_start3A_448] : memref<2x!tpu.dma_semaphore, #tpu.memory_space<semaphore_mem>> -> memref<1x!tpu.dma_semaphore, #tpu.memory_space<semaphore_mem>>
      %dma_start3A_460 = tpu.memref_squeeze %dma_start3A_459 : memref<1x!tpu.dma_semaphore, #tpu.memory_space<semaphore_mem>> -> memref<!tpu.dma_semaphore, #tpu.memory_space<semaphore_mem>>
      tpu.enqueue_indirect_dma source(%dma_start3A_458 : memref<10000x128xf32, #tpu.memory_space<hbm>>) target(%dma_start3A_452 : memref<128x128xf32, #tpu.memory_space<vmem>>) offsets(%dma_start3A_455 : memref<128xi32, #tpu.memory_space<vmem>>) semaphore(%dma_start3A_460 : memref<!tpu.dma_semaphore, #tpu.memory_space<semaphore_mem>>)
      %dma_wait3A_461 = arith.constant 13 : i32
      %dma_wait3A_462 = arith.constant 1 : i32
      %dma_wait3A_463 = arith.constant 1 : i32
      %dma_wait3A_464 = arith.constant 0 : i32
      %dma_wait3A_465 = arith.constant 0 : i32
      %dma_wait3A_466 = tpu.memref_slice %arg9[%dma_wait3A_462, %dma_wait3A_464, %dma_wait3A_465] : memref<2x128x128xf32, #tpu.memory_space<vmem>> -> memref<1x128x128xf32, #tpu.memory_space<vmem>>
      %dma_wait3A_467 = tpu.memref_squeeze %dma_wait3A_466 : memref<1x128x128xf32, #tpu.memory_space<vmem>> -> memref<128x128xf32, #tpu.memory_space<vmem>>
      %dma_wait3A_468 = arith.constant 0 : i32
      %dma_wait3A_469 = tpu.memref_slice %arg7[%dma_wait3A_461, %dma_wait3A_468] : memref<16x128xi32, #tpu.memory_space<vmem>> -> memref<1x128xi32, #tpu.memory_space<vmem>>
      %dma_wait3A_470 = tpu.memref_squeeze %dma_wait3A_469 : memref<1x128xi32, #tpu.memory_space<vmem>> -> memref<128xi32, #tpu.memory_space<vmem>>
      %dma_wait3A_471 = arith.constant 0 : i32
      %dma_wait3A_472 = arith.constant 0 : i32
      %dma_wait3A_473 = tpu.memref_slice %arg2[%dma_wait3A_471, %dma_wait3A_472] : memref<10000x128xf32, #tpu.memory_space<hbm>> -> memref<10000x128xf32, #tpu.memory_space<hbm>>
      %dma_wait3A_474 = tpu.memref_slice %arg11[%dma_wait3A_463] : memref<2x!tpu.dma_semaphore, #tpu.memory_space<semaphore_mem>> -> memref<1x!tpu.dma_semaphore, #tpu.memory_space<semaphore_mem>>
      %dma_wait3A_475 = tpu.memref_squeeze %dma_wait3A_474 : memref<1x!tpu.dma_semaphore, #tpu.memory_space<semaphore_mem>> -> memref<!tpu.dma_semaphore, #tpu.memory_space<semaphore_mem>>
      tpu.wait_indirect_dma semaphore(%dma_wait3A_475 : memref<!tpu.dma_semaphore, #tpu.memory_space<semaphore_mem>>) src(%dma_wait3A_473 : memref<10000x128xf32, #tpu.memory_space<hbm>>) dst(%dma_wait3A_467 : memref<128x128xf32, #tpu.memory_space<vmem>>)
      %run_scoped3A_476 = arith.constant 1 : i32
      %run_scoped3A_477 = arith.constant 13 : i32
      "tpu.region"() ({
        %run_scoped3A_527 = tpu.sem_alloc : memref<!tpu.dma_semaphore, #tpu.memory_space<semaphore_mem>>
        %dma_start3A_528 = arith.constant 0 : i32
        %dma_start3A_529 = arith.constant 0 : i32
        %dma_start3A_530 = tpu.memref_slice %arg9[%run_scoped3A_476, %dma_start3A_528, %dma_start3A_529] : memref<2x128x128xf32, #tpu.memory_space<vmem>> -> memref<1x128x128xf32, #tpu.memory_space<vmem>>
        %dma_start3A_531 = tpu.memref_squeeze %dma_start3A_530 : memref<1x128x128xf32, #tpu.memory_space<vmem>> -> memref<128x128xf32, #tpu.memory_space<vmem>>
        %dma_start3A_532 = arith.constant 0 : i32
        %dma_start3A_533 = tpu.memref_slice %arg8[%run_scoped3A_477, %dma_start3A_532] : memref<16x128xi32, #tpu.memory_space<vmem>> -> memref<1x128xi32, #tpu.memory_space<vmem>>
        %dma_start3A_534 = tpu.memref_squeeze %dma_start3A_533 : memref<1x128xi32, #tpu.memory_space<vmem>> -> memref<128xi32, #tpu.memory_space<vmem>>
        %dma_start3A_535 = arith.constant 0 : i32
        %dma_start3A_536 = arith.constant 0 : i32
        %dma_start3A_537 = tpu.memref_slice %arg10[%dma_start3A_535, %dma_start3A_536] : memref<10016x128xf32, #tpu.memory_space<vmem_shared>> -> memref<10016x128xf32, #tpu.memory_space<vmem_shared>>
        tpu.enqueue_indirect_dma source(%dma_start3A_531 : memref<128x128xf32, #tpu.memory_space<vmem>>) target(%dma_start3A_537 : memref<10016x128xf32, #tpu.memory_space<vmem_shared>>) offsets(%dma_start3A_534 : memref<128xi32, #tpu.memory_space<vmem>>) semaphore(%run_scoped3A_527 : memref<!tpu.dma_semaphore, #tpu.memory_space<semaphore_mem>>) {add = true}
        %dma_wait3A_538 = arith.constant 0 : i32
        %dma_wait3A_539 = arith.constant 0 : i32
        %dma_wait3A_540 = tpu.memref_slice %arg9[%run_scoped3A_476, %dma_wait3A_538, %dma_wait3A_539] : memref<2x128x128xf32, #tpu.memory_space<vmem>> -> memref<1x128x128xf32, #tpu.memory_space<vmem>>
        %dma_wait3A_541 = tpu.memref_squeeze %dma_wait3A_540 : memref<1x128x128xf32, #tpu.memory_space<vmem>> -> memref<128x128xf32, #tpu.memory_space<vmem>>
        %dma_wait3A_542 = arith.constant 0 : i32
        %dma_wait3A_543 = tpu.memref_slice %arg8[%run_scoped3A_477, %dma_wait3A_542] : memref<16x128xi32, #tpu.memory_space<vmem>> -> memref<1x128xi32, #tpu.memory_space<vmem>>
        %dma_wait3A_544 = tpu.memref_squeeze %dma_wait3A_543 : memref<1x128xi32, #tpu.memory_space<vmem>> -> memref<128xi32, #tpu.memory_space<vmem>>
        %dma_wait3A_545 = arith.constant 0 : i32
        %dma_wait3A_546 = arith.constant 0 : i32
        %dma_wait3A_547 = tpu.memref_slice %arg10[%dma_wait3A_545, %dma_wait3A_546] : memref<10016x128xf32, #tpu.memory_space<vmem_shared>> -> memref<10016x128xf32, #tpu.memory_space<vmem_shared>>
        tpu.wait_indirect_dma semaphore(%run_scoped3A_527 : memref<!tpu.dma_semaphore, #tpu.memory_space<semaphore_mem>>) src(%dma_wait3A_541 : memref<128x128xf32, #tpu.memory_space<vmem>>) dst(%dma_wait3A_547 : memref<10016x128xf32, #tpu.memory_space<vmem_shared>>)
        tpu.yield
      }) : () -> ()
      %dma_start3A_478 = arith.constant 15 : i32
      %dma_start3A_479 = arith.constant 1 : i32
      %dma_start3A_480 = arith.constant 1 : i32
      %dma_start3A_481 = arith.constant 0 : i32
      %dma_start3A_482 = arith.constant 0 : i32
      %dma_start3A_483 = tpu.memref_slice %arg9[%dma_start3A_479, %dma_start3A_481, %dma_start3A_482] : memref<2x128x128xf32, #tpu.memory_space<vmem>> -> memref<1x128x128xf32, #tpu.memory_space<vmem>>
      %dma_start3A_484 = tpu.memref_squeeze %dma_start3A_483 : memref<1x128x128xf32, #tpu.memory_space<vmem>> -> memref<128x128xf32, #tpu.memory_space<vmem>>
      %dma_start3A_485 = arith.constant 0 : i32
      %dma_start3A_486 = tpu.memref_slice %arg7[%dma_start3A_478, %dma_start3A_485] : memref<16x128xi32, #tpu.memory_space<vmem>> -> memref<1x128xi32, #tpu.memory_space<vmem>>
      %dma_start3A_487 = tpu.memref_squeeze %dma_start3A_486 : memref<1x128xi32, #tpu.memory_space<vmem>> -> memref<128xi32, #tpu.memory_space<vmem>>
      %dma_start3A_488 = arith.constant 0 : i32
      %dma_start3A_489 = arith.constant 0 : i32
      %dma_start3A_490 = tpu.memref_slice %arg2[%dma_start3A_488, %dma_start3A_489] : memref<10000x128xf32, #tpu.memory_space<hbm>> -> memref<10000x128xf32, #tpu.memory_space<hbm>>
      %dma_start3A_491 = tpu.memref_slice %arg11[%dma_start3A_480] : memref<2x!tpu.dma_semaphore, #tpu.memory_space<semaphore_mem>> -> memref<1x!tpu.dma_semaphore, #tpu.memory_space<semaphore_mem>>
      %dma_start3A_492 = tpu.memref_squeeze %dma_start3A_491 : memref<1x!tpu.dma_semaphore, #tpu.memory_space<semaphore_mem>> -> memref<!tpu.dma_semaphore, #tpu.memory_space<semaphore_mem>>
      tpu.enqueue_indirect_dma source(%dma_start3A_490 : memref<10000x128xf32, #tpu.memory_space<hbm>>) target(%dma_start3A_484 : memref<128x128xf32, #tpu.memory_space<vmem>>) offsets(%dma_start3A_487 : memref<128xi32, #tpu.memory_space<vmem>>) semaphore(%dma_start3A_492 : memref<!tpu.dma_semaphore, #tpu.memory_space<semaphore_mem>>)
      %dma_wait3A_493 = arith.constant 14 : i32
      %dma_wait3A_494 = arith.constant 0 : i32
      %dma_wait3A_495 = arith.constant 0 : i32
      %dma_wait3A_496 = arith.constant 0 : i32
      %dma_wait3A_497 = arith.constant 0 : i32
      %dma_wait3A_498 = tpu.memref_slice %arg9[%dma_wait3A_494, %dma_wait3A_496, %dma_wait3A_497] : memref<2x128x128xf32, #tpu.memory_space<vmem>> -> memref<1x128x128xf32, #tpu.memory_space<vmem>>
      %dma_wait3A_499 = tpu.memref_squeeze %dma_wait3A_498 : memref<1x128x128xf32, #tpu.memory_space<vmem>> -> memref<128x128xf32, #tpu.memory_space<vmem>>
      %dma_wait3A_500 = arith.constant 0 : i32
      %dma_wait3A_501 = tpu.memref_slice %arg7[%dma_wait3A_493, %dma_wait3A_500] : memref<16x128xi32, #tpu.memory_space<vmem>> -> memref<1x128xi32, #tpu.memory_space<vmem>>
      %dma_wait3A_502 = tpu.memref_squeeze %dma_wait3A_501 : memref<1x128xi32, #tpu.memory_space<vmem>> -> memref<128xi32, #tpu.memory_space<vmem>>
      %dma_wait3A_503 = arith.constant 0 : i32
      %dma_wait3A_504 = arith.constant 0 : i32
      %dma_wait3A_505 = tpu.memref_slice %arg2[%dma_wait3A_503, %dma_wait3A_504] : memref<10000x128xf32, #tpu.memory_space<hbm>> -> memref<10000x128xf32, #tpu.memory_space<hbm>>
      %dma_wait3A_506 = tpu.memref_slice %arg11[%dma_wait3A_495] : memref<2x!tpu.dma_semaphore, #tpu.memory_space<semaphore_mem>> -> memref<1x!tpu.dma_semaphore, #tpu.memory_space<semaphore_mem>>
      %dma_wait3A_507 = tpu.memref_squeeze %dma_wait3A_506 : memref<1x!tpu.dma_semaphore, #tpu.memory_space<semaphore_mem>> -> memref<!tpu.dma_semaphore, #tpu.memory_space<semaphore_mem>>
      tpu.wait_indirect_dma semaphore(%dma_wait3A_507 : memref<!tpu.dma_semaphore, #tpu.memory_space<semaphore_mem>>) src(%dma_wait3A_505 : memref<10000x128xf32, #tpu.memory_space<hbm>>) dst(%dma_wait3A_499 : memref<128x128xf32, #tpu.memory_space<vmem>>)
      %run_scoped3A_508 = arith.constant 0 : i32
      %run_scoped3A_509 = arith.constant 14 : i32
      "tpu.region"() ({
        %run_scoped3A_527 = tpu.sem_alloc : memref<!tpu.dma_semaphore, #tpu.memory_space<semaphore_mem>>
        %dma_start3A_528 = arith.constant 0 : i32
        %dma_start3A_529 = arith.constant 0 : i32
        %dma_start3A_530 = tpu.memref_slice %arg9[%run_scoped3A_508, %dma_start3A_528, %dma_start3A_529] : memref<2x128x128xf32, #tpu.memory_space<vmem>> -> memref<1x128x128xf32, #tpu.memory_space<vmem>>
        %dma_start3A_531 = tpu.memref_squeeze %dma_start3A_530 : memref<1x128x128xf32, #tpu.memory_space<vmem>> -> memref<128x128xf32, #tpu.memory_space<vmem>>
        %dma_start3A_532 = arith.constant 0 : i32
        %dma_start3A_533 = tpu.memref_slice %arg8[%run_scoped3A_509, %dma_start3A_532] : memref<16x128xi32, #tpu.memory_space<vmem>> -> memref<1x128xi32, #tpu.memory_space<vmem>>
        %dma_start3A_534 = tpu.memref_squeeze %dma_start3A_533 : memref<1x128xi32, #tpu.memory_space<vmem>> -> memref<128xi32, #tpu.memory_space<vmem>>
        %dma_start3A_535 = arith.constant 0 : i32
        %dma_start3A_536 = arith.constant 0 : i32
        %dma_start3A_537 = tpu.memref_slice %arg10[%dma_start3A_535, %dma_start3A_536] : memref<10016x128xf32, #tpu.memory_space<vmem_shared>> -> memref<10016x128xf32, #tpu.memory_space<vmem_shared>>
        tpu.enqueue_indirect_dma source(%dma_start3A_531 : memref<128x128xf32, #tpu.memory_space<vmem>>) target(%dma_start3A_537 : memref<10016x128xf32, #tpu.memory_space<vmem_shared>>) offsets(%dma_start3A_534 : memref<128xi32, #tpu.memory_space<vmem>>) semaphore(%run_scoped3A_527 : memref<!tpu.dma_semaphore, #tpu.memory_space<semaphore_mem>>) {add = true}
        %dma_wait3A_538 = arith.constant 0 : i32
        %dma_wait3A_539 = arith.constant 0 : i32
        %dma_wait3A_540 = tpu.memref_slice %arg9[%run_scoped3A_508, %dma_wait3A_538, %dma_wait3A_539] : memref<2x128x128xf32, #tpu.memory_space<vmem>> -> memref<1x128x128xf32, #tpu.memory_space<vmem>>
        %dma_wait3A_541 = tpu.memref_squeeze %dma_wait3A_540 : memref<1x128x128xf32, #tpu.memory_space<vmem>> -> memref<128x128xf32, #tpu.memory_space<vmem>>
        %dma_wait3A_542 = arith.constant 0 : i32
        %dma_wait3A_543 = tpu.memref_slice %arg8[%run_scoped3A_509, %dma_wait3A_542] : memref<16x128xi32, #tpu.memory_space<vmem>> -> memref<1x128xi32, #tpu.memory_space<vmem>>
        %dma_wait3A_544 = tpu.memref_squeeze %dma_wait3A_543 : memref<1x128xi32, #tpu.memory_space<vmem>> -> memref<128xi32, #tpu.memory_space<vmem>>
        %dma_wait3A_545 = arith.constant 0 : i32
        %dma_wait3A_546 = arith.constant 0 : i32
        %dma_wait3A_547 = tpu.memref_slice %arg10[%dma_wait3A_545, %dma_wait3A_546] : memref<10016x128xf32, #tpu.memory_space<vmem_shared>> -> memref<10016x128xf32, #tpu.memory_space<vmem_shared>>
        tpu.wait_indirect_dma semaphore(%run_scoped3A_527 : memref<!tpu.dma_semaphore, #tpu.memory_space<semaphore_mem>>) src(%dma_wait3A_541 : memref<128x128xf32, #tpu.memory_space<vmem>>) dst(%dma_wait3A_547 : memref<10016x128xf32, #tpu.memory_space<vmem_shared>>)
        tpu.yield
      }) : () -> ()
      %dma_wait3A_510 = arith.constant 15 : i32
      %dma_wait3A_511 = arith.constant 1 : i32
      %dma_wait3A_512 = arith.constant 1 : i32
      %dma_wait3A_513 = arith.constant 0 : i32
      %dma_wait3A_514 = arith.constant 0 : i32
      %dma_wait3A_515 = tpu.memref_slice %arg9[%dma_wait3A_511, %dma_wait3A_513, %dma_wait3A_514] : memref<2x128x128xf32, #tpu.memory_space<vmem>> -> memref<1x128x128xf32, #tpu.memory_space<vmem>>
      %dma_wait3A_516 = tpu.memref_squeeze %dma_wait3A_515 : memref<1x128x128xf32, #tpu.memory_space<vmem>> -> memref<128x128xf32, #tpu.memory_space<vmem>>
      %dma_wait3A_517 = arith.constant 0 : i32
      %dma_wait3A_518 = tpu.memref_slice %arg7[%dma_wait3A_510, %dma_wait3A_517] : memref<16x128xi32, #tpu.memory_space<vmem>> -> memref<1x128xi32, #tpu.memory_space<vmem>>
      %dma_wait3A_519 = tpu.memref_squeeze %dma_wait3A_518 : memref<1x128xi32, #tpu.memory_space<vmem>> -> memref<128xi32, #tpu.memory_space<vmem>>
      %dma_wait3A_520 = arith.constant 0 : i32
      %dma_wait3A_521 = arith.constant 0 : i32
      %dma_wait3A_522 = tpu.memref_slice %arg2[%dma_wait3A_520, %dma_wait3A_521] : memref<10000x128xf32, #tpu.memory_space<hbm>> -> memref<10000x128xf32, #tpu.memory_space<hbm>>
      %dma_wait3A_523 = tpu.memref_slice %arg11[%dma_wait3A_512] : memref<2x!tpu.dma_semaphore, #tpu.memory_space<semaphore_mem>> -> memref<1x!tpu.dma_semaphore, #tpu.memory_space<semaphore_mem>>
      %dma_wait3A_524 = tpu.memref_squeeze %dma_wait3A_523 : memref<1x!tpu.dma_semaphore, #tpu.memory_space<semaphore_mem>> -> memref<!tpu.dma_semaphore, #tpu.memory_space<semaphore_mem>>
      tpu.wait_indirect_dma semaphore(%dma_wait3A_524 : memref<!tpu.dma_semaphore, #tpu.memory_space<semaphore_mem>>) src(%dma_wait3A_522 : memref<10000x128xf32, #tpu.memory_space<hbm>>) dst(%dma_wait3A_516 : memref<128x128xf32, #tpu.memory_space<vmem>>)
      %run_scoped3A_525 = arith.constant 1 : i32
      %run_scoped3A_526 = arith.constant 15 : i32
      "tpu.region"() ({
        %run_scoped3A_527 = tpu.sem_alloc : memref<!tpu.dma_semaphore, #tpu.memory_space<semaphore_mem>>
        %dma_start3A_528 = arith.constant 0 : i32
        %dma_start3A_529 = arith.constant 0 : i32
        %dma_start3A_530 = tpu.memref_slice %arg9[%run_scoped3A_525, %dma_start3A_528, %dma_start3A_529] : memref<2x128x128xf32, #tpu.memory_space<vmem>> -> memref<1x128x128xf32, #tpu.memory_space<vmem>>
        %dma_start3A_531 = tpu.memref_squeeze %dma_start3A_530 : memref<1x128x128xf32, #tpu.memory_space<vmem>> -> memref<128x128xf32, #tpu.memory_space<vmem>>
        %dma_start3A_532 = arith.constant 0 : i32
        %dma_start3A_533 = tpu.memref_slice %arg8[%run_scoped3A_526, %dma_start3A_532] : memref<16x128xi32, #tpu.memory_space<vmem>> -> memref<1x128xi32, #tpu.memory_space<vmem>>
        %dma_start3A_534 = tpu.memref_squeeze %dma_start3A_533 : memref<1x128xi32, #tpu.memory_space<vmem>> -> memref<128xi32, #tpu.memory_space<vmem>>
        %dma_start3A_535 = arith.constant 0 : i32
        %dma_start3A_536 = arith.constant 0 : i32
        %dma_start3A_537 = tpu.memref_slice %arg10[%dma_start3A_535, %dma_start3A_536] : memref<10016x128xf32, #tpu.memory_space<vmem_shared>> -> memref<10016x128xf32, #tpu.memory_space<vmem_shared>>
        tpu.enqueue_indirect_dma source(%dma_start3A_531 : memref<128x128xf32, #tpu.memory_space<vmem>>) target(%dma_start3A_537 : memref<10016x128xf32, #tpu.memory_space<vmem_shared>>) offsets(%dma_start3A_534 : memref<128xi32, #tpu.memory_space<vmem>>) semaphore(%run_scoped3A_527 : memref<!tpu.dma_semaphore, #tpu.memory_space<semaphore_mem>>) {add = true}
        %dma_wait3A_538 = arith.constant 0 : i32
        %dma_wait3A_539 = arith.constant 0 : i32
        %dma_wait3A_540 = tpu.memref_slice %arg9[%run_scoped3A_525, %dma_wait3A_538, %dma_wait3A_539] : memref<2x128x128xf32, #tpu.memory_space<vmem>> -> memref<1x128x128xf32, #tpu.memory_space<vmem>>
        %dma_wait3A_541 = tpu.memref_squeeze %dma_wait3A_540 : memref<1x128x128xf32, #tpu.memory_space<vmem>> -> memref<128x128xf32, #tpu.memory_space<vmem>>
        %dma_wait3A_542 = arith.constant 0 : i32
        %dma_wait3A_543 = tpu.memref_slice %arg8[%run_scoped3A_526, %dma_wait3A_542] : memref<16x128xi32, #tpu.memory_space<vmem>> -> memref<1x128xi32, #tpu.memory_space<vmem>>
        %dma_wait3A_544 = tpu.memref_squeeze %dma_wait3A_543 : memref<1x128xi32, #tpu.memory_space<vmem>> -> memref<128xi32, #tpu.memory_space<vmem>>
        %dma_wait3A_545 = arith.constant 0 : i32
        %dma_wait3A_546 = arith.constant 0 : i32
        %dma_wait3A_547 = tpu.memref_slice %arg10[%dma_wait3A_545, %dma_wait3A_546] : memref<10016x128xf32, #tpu.memory_space<vmem_shared>> -> memref<10016x128xf32, #tpu.memory_space<vmem_shared>>
        tpu.wait_indirect_dma semaphore(%run_scoped3A_527 : memref<!tpu.dma_semaphore, #tpu.memory_space<semaphore_mem>>) src(%dma_wait3A_541 : memref<128x128xf32, #tpu.memory_space<vmem>>) dst(%dma_wait3A_547 : memref<10016x128xf32, #tpu.memory_space<vmem_shared>>)
        tpu.yield
      }) : () -> ()
    }
    %scan3A_7 = arith.constant 5 : i32
    %barrier3A_8 = arith.constant 0 : index
    tpu.barrier barrier_id(%barrier3A_8)
    "tpu.region"() ({
      %run_scoped3A = tpu.sem_alloc : memref<!tpu.dma_semaphore, #tpu.memory_space<semaphore_mem>>
      %dma_start3A = arith.constant 0 : i32
      %dma_start3A_9 = tpu.memref_slice %arg6[%arg0, %multiple_of3A, %dma_start3A] : memref<2x10016x128xf32, #tpu.memory_space<hbm>> -> memref<1x640x128xf32, #tpu.memory_space<hbm>>
      %dma_start3A_10 = tpu.memref_squeeze %dma_start3A_9 : memref<1x640x128xf32, #tpu.memory_space<hbm>> -> memref<640x128xf32, #tpu.memory_space<hbm>>
      %dma_start3A_11 = arith.constant 0 : i32
      %dma_start3A_12 = tpu.memref_slice %arg10[%multiple_of3A, %dma_start3A_11] : memref<10016x128xf32, #tpu.memory_space<vmem_shared>> -> memref<640x128xf32, #tpu.memory_space<vmem_shared>>
      tpu.enqueue_dma source(%dma_start3A_12 : memref<640x128xf32, #tpu.memory_space<vmem_shared>>) target(%dma_start3A_10 : memref<640x128xf32, #tpu.memory_space<hbm>>) target_semaphore(%run_scoped3A : memref<!tpu.dma_semaphore, #tpu.memory_space<semaphore_mem>>)
      %dma_wait3A = arith.constant 0 : i32
      %dma_wait3A_13 = tpu.memref_slice %arg6[%arg0, %multiple_of3A, %dma_wait3A] : memref<2x10016x128xf32, #tpu.memory_space<hbm>> -> memref<1x640x128xf32, #tpu.memory_space<hbm>>
      %dma_wait3A_14 = tpu.memref_squeeze %dma_wait3A_13 : memref<1x640x128xf32, #tpu.memory_space<hbm>> -> memref<640x128xf32, #tpu.memory_space<hbm>>
      %dma_wait3A_15 = arith.constant 0 : i32
      %dma_wait3A_16 = tpu.memref_slice %arg10[%multiple_of3A, %dma_wait3A_15] : memref<10016x128xf32, #tpu.memory_space<vmem_shared>> -> memref<640x128xf32, #tpu.memory_space<vmem_shared>>
      tpu.wait_dma2 semaphore(%run_scoped3A : memref<!tpu.dma_semaphore, #tpu.memory_space<semaphore_mem>>) src(%dma_wait3A_16 : memref<640x128xf32, #tpu.memory_space<vmem_shared>>) dst(%dma_wait3A_14 : memref<640x128xf32, #tpu.memory_space<hbm>>)
      tpu.yield
    }) : () -> ()
    return
  }
}

#map = affine_map<(d0, d1) -> (0, 0)>
#map1 = affine_map<(d0, d1) -> (0, 0, 0)>
module attributes {stable_mosaic.version = 14 : i64} {
  func.func @seg_kernel(%arg0: i32, %arg1: i32, %arg2: memref<10000x128xf32, #tpu.memory_space<hbm>>, %arg3: memref<32x80x128xi32, #tpu.memory_space<hbm>>, %arg4: memref<32x80x128xi32, #tpu.memory_space<hbm>>, %arg5: memref<10016x128xf32, #tpu.memory_space<hbm>>, %arg6: memref<2x10016x128xf32, #tpu.memory_space<hbm>>, %arg7: memref<16x128xi32, #tpu.memory_space<vmem>>, %arg8: memref<16x128xi32, #tpu.memory_space<vmem>>, %arg9: memref<2x128x128xf32, #tpu.memory_space<vmem>>, %arg10: memref<10016x128xf32, #tpu.memory_space<vmem_shared>>, %arg11: memref<2x!tpu.dma_semaphore, #tpu.memory_space<semaphore_mem>>) attributes {dimension_semantics = [#tpu.dimension_semantics<core_parallel>, #tpu.dimension_semantics<subcore_parallel>], iteration_bounds = array<i64: 2, 16>, scalar_prefetch = 0 : i64, scratch_operands = 5 : i64, tpu.core_type = #tpu.core_type<sc_vector_subcore>, window_params = [{transform_indices = #map}, {transform_indices = #map1}, {transform_indices = #map1}, {transform_indices = #map}, {transform_indices = #map1}]} {
    %mul3A = arith.constant 16 : i32
    %mul3A_0 = arith.muli %arg0, %mul3A : i32
    %add3A = arith.addi %mul3A_0, %arg1 : i32
    %mul3A_1 = arith.constant 640 : i32
    %mul3A_2 = arith.muli %arg1, %mul3A_1 : i32
    %min3A = arith.constant 9376 : i32
    %min3A_3 = arith.minsi %mul3A_2, %min3A : i32
    %multiple_of3A = tpu.assume_multiple %min3A_3, 8 : i32
    "tpu.region"() ({
      %run_scoped3A = tpu.sem_alloc : memref<!tpu.dma_semaphore, #tpu.memory_space<semaphore_mem>>
      %dma_start3A = arith.constant 0 : i32
      %dma_start3A_9 = tpu.memref_slice %arg10[%multiple_of3A, %dma_start3A] : memref<10016x128xf32, #tpu.memory_space<vmem_shared>> -> memref<640x128xf32, #tpu.memory_space<vmem_shared>>
      %dma_start3A_10 = arith.constant 0 : i32
      %dma_start3A_11 = tpu.memref_slice %arg5[%multiple_of3A, %dma_start3A_10] : memref<10016x128xf32, #tpu.memory_space<hbm>> -> memref<640x128xf32, #tpu.memory_space<hbm>>
      tpu.enqueue_dma source(%dma_start3A_11 : memref<640x128xf32, #tpu.memory_space<hbm>>) target(%dma_start3A_9 : memref<640x128xf32, #tpu.memory_space<vmem_shared>>) target_semaphore(%run_scoped3A : memref<!tpu.dma_semaphore, #tpu.memory_space<semaphore_mem>>)
      %dma_wait3A = arith.constant 0 : i32
      %dma_wait3A_12 = tpu.memref_slice %arg10[%multiple_of3A, %dma_wait3A] : memref<10016x128xf32, #tpu.memory_space<vmem_shared>> -> memref<640x128xf32, #tpu.memory_space<vmem_shared>>
      %dma_wait3A_13 = arith.constant 0 : i32
      %dma_wait3A_14 = tpu.memref_slice %arg5[%multiple_of3A, %dma_wait3A_13] : memref<10016x128xf32, #tpu.memory_space<hbm>> -> memref<640x128xf32, #tpu.memory_space<hbm>>
      tpu.wait_dma2 semaphore(%run_scoped3A : memref<!tpu.dma_semaphore, #tpu.memory_space<semaphore_mem>>) src(%dma_wait3A_14 : memref<640x128xf32, #tpu.memory_space<hbm>>) dst(%dma_wait3A_12 : memref<640x128xf32, #tpu.memory_space<vmem_shared>>)
      tpu.yield
    }) : () -> ()
    %barrier3A = arith.constant 0 : index
    tpu.barrier barrier_id(%barrier3A)
    %scan3A = arith.constant 0 : i32
    %scan3A_4 = arith.constant 5 : i32
    %scan3A_5 = arith.addi %scan3A, %scan3A_4 : i32
    %scan3A_6 = arith.constant 1 : i32
    scf.for %scan3A_9 = %scan3A to %scan3A_5 step %scan3A_6  : i32 {
      %mul3A_10 = arith.constant 1 : i32
      %mul3A_11 = arith.muli %scan3A_9, %mul3A_10 : i32
      %add3A_12 = arith.constant 0 : i32
      %add3A_13 = arith.addi %add3A_12, %mul3A_11 : i32
      %mul3A_14 = arith.constant 16 : i32
      %mul3A_15 = arith.muli %add3A_13, %mul3A_14 : i32
      "tpu.region"() ({
        %run_scoped3A_527 = tpu.sem_alloc : memref<!tpu.dma_semaphore, #tpu.memory_space<semaphore_mem>>
        %dma_start3A_528 = arith.constant 0 : i32
        %dma_start3A_529 = arith.constant 0 : i32
        %dma_start3A_530 = tpu.memref_slice %arg3[%add3A, %dma_start3A_528, %dma_start3A_529] : memref<32x80x128xi32, #tpu.memory_space<hbm>> -> memref<1x80x128xi32, #tpu.memory_space<hbm>>
        %dma_start3A_531 = tpu.memref_squeeze %dma_start3A_530 : memref<1x80x128xi32, #tpu.memory_space<hbm>> -> memref<80x128xi32, #tpu.memory_space<hbm>>
        %dma_start3A_532 = arith.constant 0 : i32
        %dma_start3A_533 = tpu.memref_slice %dma_start3A_531[%mul3A_15, %dma_start3A_532] : memref<80x128xi32, #tpu.memory_space<hbm>> -> memref<16x128xi32, #tpu.memory_space<hbm>>
        %dma_start3A_534 = arith.constant 0 : i32
        %dma_start3A_535 = arith.constant 0 : i32
        %dma_start3A_536 = tpu.memref_slice %arg3[%add3A, %dma_start3A_534, %dma_start3A_535] : memref<32x80x128xi32, #tpu.memory_space<hbm>> -> memref<1x80x128xi32, #tpu.memory_space<hbm>>
        %dma_start3A_537 = tpu.memref_squeeze %dma_start3A_536 : memref<1x80x128xi32, #tpu.memory_space<hbm>> -> memref<80x128xi32, #tpu.memory_space<hbm>>
        %dma_start3A_538 = arith.constant 0 : i32
        %dma_start3A_539 = tpu.memref_slice %dma_start3A_537[%mul3A_15, %dma_start3A_538] : memref<80x128xi32, #tpu.memory_space<hbm>> -> memref<16x128xi32, #tpu.memory_space<hbm>>
        tpu.enqueue_dma source(%dma_start3A_539 : memref<16x128xi32, #tpu.memory_space<hbm>>) target(%arg7 : memref<16x128xi32, #tpu.memory_space<vmem>>) target_semaphore(%run_scoped3A_527 : memref<!tpu.dma_semaphore, #tpu.memory_space<semaphore_mem>>)
        %dma_wait3A_540 = arith.constant 0 : i32
        %dma_wait3A_541 = arith.constant 0 : i32
        %dma_wait3A_542 = tpu.memref_slice %arg3[%add3A, %dma_wait3A_540, %dma_wait3A_541] : memref<32x80x128xi32, #tpu.memory_space<hbm>> -> memref<1x80x128xi32, #tpu.memory_space<hbm>>
        %dma_wait3A_543 = tpu.memref_squeeze %dma_wait3A_542 : memref<1x80x128xi32, #tpu.memory_space<hbm>> -> memref<80x128xi32, #tpu.memory_space<hbm>>
        %dma_wait3A_544 = arith.constant 0 : i32
        %dma_wait3A_545 = tpu.memref_slice %dma_wait3A_543[%mul3A_15, %dma_wait3A_544] : memref<80x128xi32, #tpu.memory_space<hbm>> -> memref<16x128xi32, #tpu.memory_space<hbm>>
        %dma_wait3A_546 = arith.constant 0 : i32
        %dma_wait3A_547 = arith.constant 0 : i32
        %dma_wait3A_548 = tpu.memref_slice %arg3[%add3A, %dma_wait3A_546, %dma_wait3A_547] : memref<32x80x128xi32, #tpu.memory_space<hbm>> -> memref<1x80x128xi32, #tpu.memory_space<hbm>>
        %dma_wait3A_549 = tpu.memref_squeeze %dma_wait3A_548 : memref<1x80x128xi32, #tpu.memory_space<hbm>> -> memref<80x128xi32, #tpu.memory_space<hbm>>
        %dma_wait3A_550 = arith.constant 0 : i32
        %dma_wait3A_551 = tpu.memref_slice %dma_wait3A_549[%mul3A_15, %dma_wait3A_550] : memref<80x128xi32, #tpu.memory_space<hbm>> -> memref<16x128xi32, #tpu.memory_space<hbm>>
        tpu.wait_dma2 semaphore(%run_scoped3A_527 : memref<!tpu.dma_semaphore, #tpu.memory_space<semaphore_mem>>) src(%dma_wait3A_551 : memref<16x128xi32, #tpu.memory_space<hbm>>) dst(%arg7 : memref<16x128xi32, #tpu.memory_space<vmem>>)
        tpu.yield
      }) : () -> ()
      %mul3A_16 = arith.constant 16 : i32
      %mul3A_17 = arith.muli %add3A_13, %mul3A_16 : i32
      "tpu.region"() ({
        %run_scoped3A_527 = tpu.sem_alloc : memref<!tpu.dma_semaphore, #tpu.memory_space<semaphore_mem>>
        %dma_start3A_528 = arith.constant 0 : i32
        %dma_start3A_529 = arith.constant 0 : i32
        %dma_start3A_530 = tpu.memref_slice %arg4[%add3A, %dma_start3A_528, %dma_start3A_529] : memref<32x80x128xi32, #tpu.memory_space<hbm>> -> memref<1x80x128xi32, #tpu.memory_space<hbm>>
        %dma_start3A_531 = tpu.memref_squeeze %dma_start3A_530 : memref<1x80x128xi32, #tpu.memory_space<hbm>> -> memref<80x128xi32, #tpu.memory_space<hbm>>
        %dma_start3A_532 = arith.constant 0 : i32
        %dma_start3A_533 = tpu.memref_slice %dma_start3A_531[%mul3A_17, %dma_start3A_532] : memref<80x128xi32, #tpu.memory_space<hbm>> -> memref<16x128xi32, #tpu.memory_space<hbm>>
        %dma_start3A_534 = arith.constant 0 : i32
        %dma_start3A_535 = arith.constant 0 : i32
        %dma_start3A_536 = tpu.memref_slice %arg4[%add3A, %dma_start3A_534, %dma_start3A_535] : memref<32x80x128xi32, #tpu.memory_space<hbm>> -> memref<1x80x128xi32, #tpu.memory_space<hbm>>
        %dma_start3A_537 = tpu.memref_squeeze %dma_start3A_536 : memref<1x80x128xi32, #tpu.memory_space<hbm>> -> memref<80x128xi32, #tpu.memory_space<hbm>>
        %dma_start3A_538 = arith.constant 0 : i32
        %dma_start3A_539 = tpu.memref_slice %dma_start3A_537[%mul3A_17, %dma_start3A_538] : memref<80x128xi32, #tpu.memory_space<hbm>> -> memref<16x128xi32, #tpu.memory_space<hbm>>
        tpu.enqueue_dma source(%dma_start3A_539 : memref<16x128xi32, #tpu.memory_space<hbm>>) target(%arg8 : memref<16x128xi32, #tpu.memory_space<vmem>>) target_semaphore(%run_scoped3A_527 : memref<!tpu.dma_semaphore, #tpu.memory_space<semaphore_mem>>)
        %dma_wait3A_540 = arith.constant 0 : i32
        %dma_wait3A_541 = arith.constant 0 : i32
        %dma_wait3A_542 = tpu.memref_slice %arg4[%add3A, %dma_wait3A_540, %dma_wait3A_541] : memref<32x80x128xi32, #tpu.memory_space<hbm>> -> memref<1x80x128xi32, #tpu.memory_space<hbm>>
        %dma_wait3A_543 = tpu.memref_squeeze %dma_wait3A_542 : memref<1x80x128xi32, #tpu.memory_space<hbm>> -> memref<80x128xi32, #tpu.memory_space<hbm>>
        %dma_wait3A_544 = arith.constant 0 : i32
        %dma_wait3A_545 = tpu.memref_slice %dma_wait3A_543[%mul3A_17, %dma_wait3A_544] : memref<80x128xi32, #tpu.memory_space<hbm>> -> memref<16x128xi32, #tpu.memory_space<hbm>>
        %dma_wait3A_546 = arith.constant 0 : i32
        %dma_wait3A_547 = arith.constant 0 : i32
        %dma_wait3A_548 = tpu.memref_slice %arg4[%add3A, %dma_wait3A_546, %dma_wait3A_547] : memref<32x80x128xi32, #tpu.memory_space<hbm>> -> memref<1x80x128xi32, #tpu.memory_space<hbm>>
        %dma_wait3A_549 = tpu.memref_squeeze %dma_wait3A_548 : memref<1x80x128xi32, #tpu.memory_space<hbm>> -> memref<80x128xi32, #tpu.memory_space<hbm>>
        %dma_wait3A_550 = arith.constant 0 : i32
        %dma_wait3A_551 = tpu.memref_slice %dma_wait3A_549[%mul3A_17, %dma_wait3A_550] : memref<80x128xi32, #tpu.memory_space<hbm>> -> memref<16x128xi32, #tpu.memory_space<hbm>>
        tpu.wait_dma2 semaphore(%run_scoped3A_527 : memref<!tpu.dma_semaphore, #tpu.memory_space<semaphore_mem>>) src(%dma_wait3A_551 : memref<16x128xi32, #tpu.memory_space<hbm>>) dst(%arg8 : memref<16x128xi32, #tpu.memory_space<vmem>>)
        tpu.yield
      }) : () -> ()
      %dma_start3A = arith.constant 0 : i32
      %dma_start3A_18 = arith.constant 0 : i32
      %dma_start3A_19 = arith.constant 0 : i32
      %dma_start3A_20 = arith.constant 0 : i32
      %dma_start3A_21 = arith.constant 0 : i32
      %dma_start3A_22 = tpu.memref_slice %arg9[%dma_start3A_18, %dma_start3A_20, %dma_start3A_21] : memref<2x128x128xf32, #tpu.memory_space<vmem>> -> memref<1x128x128xf32, #tpu.memory_space<vmem>>
      %dma_start3A_23 = tpu.memref_squeeze %dma_start3A_22 : memref<1x128x128xf32, #tpu.memory_space<vmem>> -> memref<128x128xf32, #tpu.memory_space<vmem>>
      %dma_start3A_24 = arith.constant 0 : i32
      %dma_start3A_25 = tpu.memref_slice %arg7[%dma_start3A, %dma_start3A_24] : memref<16x128xi32, #tpu.memory_space<vmem>> -> memref<1x128xi32, #tpu.memory_space<vmem>>
      %dma_start3A_26 = tpu.memref_squeeze %dma_start3A_25 : memref<1x128xi32, #tpu.memory_space<vmem>> -> memref<128xi32, #tpu.memory_space<vmem>>
      %dma_start3A_27 = arith.constant 0 : i32
      %dma_start3A_28 = arith.constant 0 : i32
      %dma_start3A_29 = tpu.memref_slice %arg2[%dma_start3A_27, %dma_start3A_28] : memref<10000x128xf32, #tpu.memory_space<hbm>> -> memref<10000x128xf32, #tpu.memory_space<hbm>>
      %dma_start3A_30 = tpu.memref_slice %arg11[%dma_start3A_19] : memref<2x!tpu.dma_semaphore, #tpu.memory_space<semaphore_mem>> -> memref<1x!tpu.dma_semaphore, #tpu.memory_space<semaphore_mem>>
      %dma_start3A_31 = tpu.memref_squeeze %dma_start3A_30 : memref<1x!tpu.dma_semaphore, #tpu.memory_space<semaphore_mem>> -> memref<!tpu.dma_semaphore, #tpu.memory_space<semaphore_mem>>
      tpu.enqueue_indirect_dma source(%dma_start3A_29 : memref<10000x128xf32, #tpu.memory_space<hbm>>) target(%dma_start3A_23 : memref<128x128xf32, #tpu.memory_space<vmem>>) offsets(%dma_start3A_26 : memref<128xi32, #tpu.memory_space<vmem>>) semaphore(%dma_start3A_31 : memref<!tpu.dma_semaphore, #tpu.memory_space<semaphore_mem>>)
      %dma_start3A_32 = arith.constant 1 : i32
      %dma_start3A_33 = arith.constant 1 : i32
      %dma_start3A_34 = arith.constant 1 : i32
      %dma_start3A_35 = arith.constant 0 : i32
      %dma_start3A_36 = arith.constant 0 : i32
      %dma_start3A_37 = tpu.memref_slice %arg9[%dma_start3A_33, %dma_start3A_35, %dma_start3A_36] : memref<2x128x128xf32, #tpu.memory_space<vmem>> -> memref<1x128x128xf32, #tpu.memory_space<vmem>>
      %dma_start3A_38 = tpu.memref_squeeze %dma_start3A_37 : memref<1x128x128xf32, #tpu.memory_space<vmem>> -> memref<128x128xf32, #tpu.memory_space<vmem>>
      %dma_start3A_39 = arith.constant 0 : i32
      %dma_start3A_40 = tpu.memref_slice %arg7[%dma_start3A_32, %dma_start3A_39] : memref<16x128xi32, #tpu.memory_space<vmem>> -> memref<1x128xi32, #tpu.memory_space<vmem>>
      %dma_start3A_41 = tpu.memref_squeeze %dma_start3A_40 : memref<1x128xi32, #tpu.memory_space<vmem>> -> memref<128xi32, #tpu.memory_space<vmem>>
      %dma_start3A_42 = arith.constant 0 : i32
      %dma_start3A_43 = arith.constant 0 : i32
      %dma_start3A_44 = tpu.memref_slice %arg2[%dma_start3A_42, %dma_start3A_43] : memref<10000x128xf32, #tpu.memory_space<hbm>> -> memref<10000x128xf32, #tpu.memory_space<hbm>>
      %dma_start3A_45 = tpu.memref_slice %arg11[%dma_start3A_34] : memref<2x!tpu.dma_semaphore, #tpu.memory_space<semaphore_mem>> -> memref<1x!tpu.dma_semaphore, #tpu.memory_space<semaphore_mem>>
      %dma_start3A_46 = tpu.memref_squeeze %dma_start3A_45 : memref<1x!tpu.dma_semaphore, #tpu.memory_space<semaphore_mem>> -> memref<!tpu.dma_semaphore, #tpu.memory_space<semaphore_mem>>
      tpu.enqueue_indirect_dma source(%dma_start3A_44 : memref<10000x128xf32, #tpu.memory_space<hbm>>) target(%dma_start3A_38 : memref<128x128xf32, #tpu.memory_space<vmem>>) offsets(%dma_start3A_41 : memref<128xi32, #tpu.memory_space<vmem>>) semaphore(%dma_start3A_46 : memref<!tpu.dma_semaphore, #tpu.memory_space<semaphore_mem>>)
      %dma_wait3A = arith.constant 0 : i32
      %dma_wait3A_47 = arith.constant 0 : i32
      %dma_wait3A_48 = arith.constant 0 : i32
      %dma_wait3A_49 = arith.constant 0 : i32
      %dma_wait3A_50 = arith.constant 0 : i32
      %dma_wait3A_51 = tpu.memref_slice %arg9[%dma_wait3A_47, %dma_wait3A_49, %dma_wait3A_50] : memref<2x128x128xf32, #tpu.memory_space<vmem>> -> memref<1x128x128xf32, #tpu.memory_space<vmem>>
      %dma_wait3A_52 = tpu.memref_squeeze %dma_wait3A_51 : memref<1x128x128xf32, #tpu.memory_space<vmem>> -> memref<128x128xf32, #tpu.memory_space<vmem>>
      %dma_wait3A_53 = arith.constant 0 : i32
      %dma_wait3A_54 = tpu.memref_slice %arg7[%dma_wait3A, %dma_wait3A_53] : memref<16x128xi32, #tpu.memory_space<vmem>> -> memref<1x128xi32, #tpu.memory_space<vmem>>
      %dma_wait3A_55 = tpu.memref_squeeze %dma_wait3A_54 : memref<1x128xi32, #tpu.memory_space<vmem>> -> memref<128xi32, #tpu.memory_space<vmem>>
      %dma_wait3A_56 = arith.constant 0 : i32
      %dma_wait3A_57 = arith.constant 0 : i32
      %dma_wait3A_58 = tpu.memref_slice %arg2[%dma_wait3A_56, %dma_wait3A_57] : memref<10000x128xf32, #tpu.memory_space<hbm>> -> memref<10000x128xf32, #tpu.memory_space<hbm>>
      %dma_wait3A_59 = tpu.memref_slice %arg11[%dma_wait3A_48] : memref<2x!tpu.dma_semaphore, #tpu.memory_space<semaphore_mem>> -> memref<1x!tpu.dma_semaphore, #tpu.memory_space<semaphore_mem>>
      %dma_wait3A_60 = tpu.memref_squeeze %dma_wait3A_59 : memref<1x!tpu.dma_semaphore, #tpu.memory_space<semaphore_mem>> -> memref<!tpu.dma_semaphore, #tpu.memory_space<semaphore_mem>>
      tpu.wait_indirect_dma semaphore(%dma_wait3A_60 : memref<!tpu.dma_semaphore, #tpu.memory_space<semaphore_mem>>) src(%dma_wait3A_58 : memref<10000x128xf32, #tpu.memory_space<hbm>>) dst(%dma_wait3A_52 : memref<128x128xf32, #tpu.memory_space<vmem>>)
      %run_scoped3A = arith.constant 0 : i32
      %run_scoped3A_61 = arith.constant 0 : i32
      "tpu.region"() ({
        %run_scoped3A_527 = tpu.sem_alloc : memref<!tpu.dma_semaphore, #tpu.memory_space<semaphore_mem>>
        %dma_start3A_528 = arith.constant 0 : i32
        %dma_start3A_529 = arith.constant 0 : i32
        %dma_start3A_530 = tpu.memref_slice %arg9[%run_scoped3A, %dma_start3A_528, %dma_start3A_529] : memref<2x128x128xf32, #tpu.memory_space<vmem>> -> memref<1x128x128xf32, #tpu.memory_space<vmem>>
        %dma_start3A_531 = tpu.memref_squeeze %dma_start3A_530 : memref<1x128x128xf32, #tpu.memory_space<vmem>> -> memref<128x128xf32, #tpu.memory_space<vmem>>
        %dma_start3A_532 = arith.constant 0 : i32
        %dma_start3A_533 = tpu.memref_slice %arg8[%run_scoped3A_61, %dma_start3A_532] : memref<16x128xi32, #tpu.memory_space<vmem>> -> memref<1x128xi32, #tpu.memory_space<vmem>>
        %dma_start3A_534 = tpu.memref_squeeze %dma_start3A_533 : memref<1x128xi32, #tpu.memory_space<vmem>> -> memref<128xi32, #tpu.memory_space<vmem>>
        %dma_start3A_535 = arith.constant 0 : i32
        %dma_start3A_536 = arith.constant 0 : i32
        %dma_start3A_537 = tpu.memref_slice %arg10[%dma_start3A_535, %dma_start3A_536] : memref<10016x128xf32, #tpu.memory_space<vmem_shared>> -> memref<10016x128xf32, #tpu.memory_space<vmem_shared>>
        tpu.enqueue_indirect_dma source(%dma_start3A_531 : memref<128x128xf32, #tpu.memory_space<vmem>>) target(%dma_start3A_537 : memref<10016x128xf32, #tpu.memory_space<vmem_shared>>) offsets(%dma_start3A_534 : memref<128xi32, #tpu.memory_space<vmem>>) semaphore(%run_scoped3A_527 : memref<!tpu.dma_semaphore, #tpu.memory_space<semaphore_mem>>) {add = true}
        %dma_wait3A_538 = arith.constant 0 : i32
        %dma_wait3A_539 = arith.constant 0 : i32
        %dma_wait3A_540 = tpu.memref_slice %arg9[%run_scoped3A, %dma_wait3A_538, %dma_wait3A_539] : memref<2x128x128xf32, #tpu.memory_space<vmem>> -> memref<1x128x128xf32, #tpu.memory_space<vmem>>
        %dma_wait3A_541 = tpu.memref_squeeze %dma_wait3A_540 : memref<1x128x128xf32, #tpu.memory_space<vmem>> -> memref<128x128xf32, #tpu.memory_space<vmem>>
        %dma_wait3A_542 = arith.constant 0 : i32
        %dma_wait3A_543 = tpu.memref_slice %arg8[%run_scoped3A_61, %dma_wait3A_542] : memref<16x128xi32, #tpu.memory_space<vmem>> -> memref<1x128xi32, #tpu.memory_space<vmem>>
        %dma_wait3A_544 = tpu.memref_squeeze %dma_wait3A_543 : memref<1x128xi32, #tpu.memory_space<vmem>> -> memref<128xi32, #tpu.memory_space<vmem>>
        %dma_wait3A_545 = arith.constant 0 : i32
        %dma_wait3A_546 = arith.constant 0 : i32
        %dma_wait3A_547 = tpu.memref_slice %arg10[%dma_wait3A_545, %dma_wait3A_546] : memref<10016x128xf32, #tpu.memory_space<vmem_shared>> -> memref<10016x128xf32, #tpu.memory_space<vmem_shared>>
        tpu.wait_indirect_dma semaphore(%run_scoped3A_527 : memref<!tpu.dma_semaphore, #tpu.memory_space<semaphore_mem>>) src(%dma_wait3A_541 : memref<128x128xf32, #tpu.memory_space<vmem>>) dst(%dma_wait3A_547 : memref<10016x128xf32, #tpu.memory_space<vmem_shared>>)
        tpu.yield
      }) : () -> ()
      %dma_start3A_62 = arith.constant 2 : i32
      %dma_start3A_63 = arith.constant 0 : i32
      %dma_start3A_64 = arith.constant 0 : i32
      %dma_start3A_65 = arith.constant 0 : i32
      %dma_start3A_66 = arith.constant 0 : i32
      %dma_start3A_67 = tpu.memref_slice %arg9[%dma_start3A_63, %dma_start3A_65, %dma_start3A_66] : memref<2x128x128xf32, #tpu.memory_space<vmem>> -> memref<1x128x128xf32, #tpu.memory_space<vmem>>
      %dma_start3A_68 = tpu.memref_squeeze %dma_start3A_67 : memref<1x128x128xf32, #tpu.memory_space<vmem>> -> memref<128x128xf32, #tpu.memory_space<vmem>>
      %dma_start3A_69 = arith.constant 0 : i32
      %dma_start3A_70 = tpu.memref_slice %arg7[%dma_start3A_62, %dma_start3A_69] : memref<16x128xi32, #tpu.memory_space<vmem>> -> memref<1x128xi32, #tpu.memory_space<vmem>>
      %dma_start3A_71 = tpu.memref_squeeze %dma_start3A_70 : memref<1x128xi32, #tpu.memory_space<vmem>> -> memref<128xi32, #tpu.memory_space<vmem>>
      %dma_start3A_72 = arith.constant 0 : i32
      %dma_start3A_73 = arith.constant 0 : i32
      %dma_start3A_74 = tpu.memref_slice %arg2[%dma_start3A_72, %dma_start3A_73] : memref<10000x128xf32, #tpu.memory_space<hbm>> -> memref<10000x128xf32, #tpu.memory_space<hbm>>
      %dma_start3A_75 = tpu.memref_slice %arg11[%dma_start3A_64] : memref<2x!tpu.dma_semaphore, #tpu.memory_space<semaphore_mem>> -> memref<1x!tpu.dma_semaphore, #tpu.memory_space<semaphore_mem>>
      %dma_start3A_76 = tpu.memref_squeeze %dma_start3A_75 : memref<1x!tpu.dma_semaphore, #tpu.memory_space<semaphore_mem>> -> memref<!tpu.dma_semaphore, #tpu.memory_space<semaphore_mem>>
      tpu.enqueue_indirect_dma source(%dma_start3A_74 : memref<10000x128xf32, #tpu.memory_space<hbm>>) target(%dma_start3A_68 : memref<128x128xf32, #tpu.memory_space<vmem>>) offsets(%dma_start3A_71 : memref<128xi32, #tpu.memory_space<vmem>>) semaphore(%dma_start3A_76 : memref<!tpu.dma_semaphore, #tpu.memory_space<semaphore_mem>>)
      %dma_wait3A_77 = arith.constant 1 : i32
      %dma_wait3A_78 = arith.constant 1 : i32
      %dma_wait3A_79 = arith.constant 1 : i32
      %dma_wait3A_80 = arith.constant 0 : i32
      %dma_wait3A_81 = arith.constant 0 : i32
      %dma_wait3A_82 = tpu.memref_slice %arg9[%dma_wait3A_78, %dma_wait3A_80, %dma_wait3A_81] : memref<2x128x128xf32, #tpu.memory_space<vmem>> -> memref<1x128x128xf32, #tpu.memory_space<vmem>>
      %dma_wait3A_83 = tpu.memref_squeeze %dma_wait3A_82 : memref<1x128x128xf32, #tpu.memory_space<vmem>> -> memref<128x128xf32, #tpu.memory_space<vmem>>
      %dma_wait3A_84 = arith.constant 0 : i32
      %dma_wait3A_85 = tpu.memref_slice %arg7[%dma_wait3A_77, %dma_wait3A_84] : memref<16x128xi32, #tpu.memory_space<vmem>> -> memref<1x128xi32, #tpu.memory_space<vmem>>
      %dma_wait3A_86 = tpu.memref_squeeze %dma_wait3A_85 : memref<1x128xi32, #tpu.memory_space<vmem>> -> memref<128xi32, #tpu.memory_space<vmem>>
      %dma_wait3A_87 = arith.constant 0 : i32
      %dma_wait3A_88 = arith.constant 0 : i32
      %dma_wait3A_89 = tpu.memref_slice %arg2[%dma_wait3A_87, %dma_wait3A_88] : memref<10000x128xf32, #tpu.memory_space<hbm>> -> memref<10000x128xf32, #tpu.memory_space<hbm>>
      %dma_wait3A_90 = tpu.memref_slice %arg11[%dma_wait3A_79] : memref<2x!tpu.dma_semaphore, #tpu.memory_space<semaphore_mem>> -> memref<1x!tpu.dma_semaphore, #tpu.memory_space<semaphore_mem>>
      %dma_wait3A_91 = tpu.memref_squeeze %dma_wait3A_90 : memref<1x!tpu.dma_semaphore, #tpu.memory_space<semaphore_mem>> -> memref<!tpu.dma_semaphore, #tpu.memory_space<semaphore_mem>>
      tpu.wait_indirect_dma semaphore(%dma_wait3A_91 : memref<!tpu.dma_semaphore, #tpu.memory_space<semaphore_mem>>) src(%dma_wait3A_89 : memref<10000x128xf32, #tpu.memory_space<hbm>>) dst(%dma_wait3A_83 : memref<128x128xf32, #tpu.memory_space<vmem>>)
      %run_scoped3A_92 = arith.constant 1 : i32
      %run_scoped3A_93 = arith.constant 1 : i32
      "tpu.region"() ({
        %run_scoped3A_527 = tpu.sem_alloc : memref<!tpu.dma_semaphore, #tpu.memory_space<semaphore_mem>>
        %dma_start3A_528 = arith.constant 0 : i32
        %dma_start3A_529 = arith.constant 0 : i32
        %dma_start3A_530 = tpu.memref_slice %arg9[%run_scoped3A_92, %dma_start3A_528, %dma_start3A_529] : memref<2x128x128xf32, #tpu.memory_space<vmem>> -> memref<1x128x128xf32, #tpu.memory_space<vmem>>
        %dma_start3A_531 = tpu.memref_squeeze %dma_start3A_530 : memref<1x128x128xf32, #tpu.memory_space<vmem>> -> memref<128x128xf32, #tpu.memory_space<vmem>>
        %dma_start3A_532 = arith.constant 0 : i32
        %dma_start3A_533 = tpu.memref_slice %arg8[%run_scoped3A_93, %dma_start3A_532] : memref<16x128xi32, #tpu.memory_space<vmem>> -> memref<1x128xi32, #tpu.memory_space<vmem>>
        %dma_start3A_534 = tpu.memref_squeeze %dma_start3A_533 : memref<1x128xi32, #tpu.memory_space<vmem>> -> memref<128xi32, #tpu.memory_space<vmem>>
        %dma_start3A_535 = arith.constant 0 : i32
        %dma_start3A_536 = arith.constant 0 : i32
        %dma_start3A_537 = tpu.memref_slice %arg10[%dma_start3A_535, %dma_start3A_536] : memref<10016x128xf32, #tpu.memory_space<vmem_shared>> -> memref<10016x128xf32, #tpu.memory_space<vmem_shared>>
        tpu.enqueue_indirect_dma source(%dma_start3A_531 : memref<128x128xf32, #tpu.memory_space<vmem>>) target(%dma_start3A_537 : memref<10016x128xf32, #tpu.memory_space<vmem_shared>>) offsets(%dma_start3A_534 : memref<128xi32, #tpu.memory_space<vmem>>) semaphore(%run_scoped3A_527 : memref<!tpu.dma_semaphore, #tpu.memory_space<semaphore_mem>>) {add = true}
        %dma_wait3A_538 = arith.constant 0 : i32
        %dma_wait3A_539 = arith.constant 0 : i32
        %dma_wait3A_540 = tpu.memref_slice %arg9[%run_scoped3A_92, %dma_wait3A_538, %dma_wait3A_539] : memref<2x128x128xf32, #tpu.memory_space<vmem>> -> memref<1x128x128xf32, #tpu.memory_space<vmem>>
        %dma_wait3A_541 = tpu.memref_squeeze %dma_wait3A_540 : memref<1x128x128xf32, #tpu.memory_space<vmem>> -> memref<128x128xf32, #tpu.memory_space<vmem>>
        %dma_wait3A_542 = arith.constant 0 : i32
        %dma_wait3A_543 = tpu.memref_slice %arg8[%run_scoped3A_93, %dma_wait3A_542] : memref<16x128xi32, #tpu.memory_space<vmem>> -> memref<1x128xi32, #tpu.memory_space<vmem>>
        %dma_wait3A_544 = tpu.memref_squeeze %dma_wait3A_543 : memref<1x128xi32, #tpu.memory_space<vmem>> -> memref<128xi32, #tpu.memory_space<vmem>>
        %dma_wait3A_545 = arith.constant 0 : i32
        %dma_wait3A_546 = arith.constant 0 : i32
        %dma_wait3A_547 = tpu.memref_slice %arg10[%dma_wait3A_545, %dma_wait3A_546] : memref<10016x128xf32, #tpu.memory_space<vmem_shared>> -> memref<10016x128xf32, #tpu.memory_space<vmem_shared>>
        tpu.wait_indirect_dma semaphore(%run_scoped3A_527 : memref<!tpu.dma_semaphore, #tpu.memory_space<semaphore_mem>>) src(%dma_wait3A_541 : memref<128x128xf32, #tpu.memory_space<vmem>>) dst(%dma_wait3A_547 : memref<10016x128xf32, #tpu.memory_space<vmem_shared>>)
        tpu.yield
      }) : () -> ()
      %dma_start3A_94 = arith.constant 3 : i32
      %dma_start3A_95 = arith.constant 1 : i32
      %dma_start3A_96 = arith.constant 1 : i32
      %dma_start3A_97 = arith.constant 0 : i32
      %dma_start3A_98 = arith.constant 0 : i32
      %dma_start3A_99 = tpu.memref_slice %arg9[%dma_start3A_95, %dma_start3A_97, %dma_start3A_98] : memref<2x128x128xf32, #tpu.memory_space<vmem>> -> memref<1x128x128xf32, #tpu.memory_space<vmem>>
      %dma_start3A_100 = tpu.memref_squeeze %dma_start3A_99 : memref<1x128x128xf32, #tpu.memory_space<vmem>> -> memref<128x128xf32, #tpu.memory_space<vmem>>
      %dma_start3A_101 = arith.constant 0 : i32
      %dma_start3A_102 = tpu.memref_slice %arg7[%dma_start3A_94, %dma_start3A_101] : memref<16x128xi32, #tpu.memory_space<vmem>> -> memref<1x128xi32, #tpu.memory_space<vmem>>
      %dma_start3A_103 = tpu.memref_squeeze %dma_start3A_102 : memref<1x128xi32, #tpu.memory_space<vmem>> -> memref<128xi32, #tpu.memory_space<vmem>>
      %dma_start3A_104 = arith.constant 0 : i32
      %dma_start3A_105 = arith.constant 0 : i32
      %dma_start3A_106 = tpu.memref_slice %arg2[%dma_start3A_104, %dma_start3A_105] : memref<10000x128xf32, #tpu.memory_space<hbm>> -> memref<10000x128xf32, #tpu.memory_space<hbm>>
      %dma_start3A_107 = tpu.memref_slice %arg11[%dma_start3A_96] : memref<2x!tpu.dma_semaphore, #tpu.memory_space<semaphore_mem>> -> memref<1x!tpu.dma_semaphore, #tpu.memory_space<semaphore_mem>>
      %dma_start3A_108 = tpu.memref_squeeze %dma_start3A_107 : memref<1x!tpu.dma_semaphore, #tpu.memory_space<semaphore_mem>> -> memref<!tpu.dma_semaphore, #tpu.memory_space<semaphore_mem>>
      tpu.enqueue_indirect_dma source(%dma_start3A_106 : memref<10000x128xf32, #tpu.memory_space<hbm>>) target(%dma_start3A_100 : memref<128x128xf32, #tpu.memory_space<vmem>>) offsets(%dma_start3A_103 : memref<128xi32, #tpu.memory_space<vmem>>) semaphore(%dma_start3A_108 : memref<!tpu.dma_semaphore, #tpu.memory_space<semaphore_mem>>)
      %dma_wait3A_109 = arith.constant 2 : i32
      %dma_wait3A_110 = arith.constant 0 : i32
      %dma_wait3A_111 = arith.constant 0 : i32
      %dma_wait3A_112 = arith.constant 0 : i32
      %dma_wait3A_113 = arith.constant 0 : i32
      %dma_wait3A_114 = tpu.memref_slice %arg9[%dma_wait3A_110, %dma_wait3A_112, %dma_wait3A_113] : memref<2x128x128xf32, #tpu.memory_space<vmem>> -> memref<1x128x128xf32, #tpu.memory_space<vmem>>
      %dma_wait3A_115 = tpu.memref_squeeze %dma_wait3A_114 : memref<1x128x128xf32, #tpu.memory_space<vmem>> -> memref<128x128xf32, #tpu.memory_space<vmem>>
      %dma_wait3A_116 = arith.constant 0 : i32
      %dma_wait3A_117 = tpu.memref_slice %arg7[%dma_wait3A_109, %dma_wait3A_116] : memref<16x128xi32, #tpu.memory_space<vmem>> -> memref<1x128xi32, #tpu.memory_space<vmem>>
      %dma_wait3A_118 = tpu.memref_squeeze %dma_wait3A_117 : memref<1x128xi32, #tpu.memory_space<vmem>> -> memref<128xi32, #tpu.memory_space<vmem>>
      %dma_wait3A_119 = arith.constant 0 : i32
      %dma_wait3A_120 = arith.constant 0 : i32
      %dma_wait3A_121 = tpu.memref_slice %arg2[%dma_wait3A_119, %dma_wait3A_120] : memref<10000x128xf32, #tpu.memory_space<hbm>> -> memref<10000x128xf32, #tpu.memory_space<hbm>>
      %dma_wait3A_122 = tpu.memref_slice %arg11[%dma_wait3A_111] : memref<2x!tpu.dma_semaphore, #tpu.memory_space<semaphore_mem>> -> memref<1x!tpu.dma_semaphore, #tpu.memory_space<semaphore_mem>>
      %dma_wait3A_123 = tpu.memref_squeeze %dma_wait3A_122 : memref<1x!tpu.dma_semaphore, #tpu.memory_space<semaphore_mem>> -> memref<!tpu.dma_semaphore, #tpu.memory_space<semaphore_mem>>
      tpu.wait_indirect_dma semaphore(%dma_wait3A_123 : memref<!tpu.dma_semaphore, #tpu.memory_space<semaphore_mem>>) src(%dma_wait3A_121 : memref<10000x128xf32, #tpu.memory_space<hbm>>) dst(%dma_wait3A_115 : memref<128x128xf32, #tpu.memory_space<vmem>>)
      %run_scoped3A_124 = arith.constant 0 : i32
      %run_scoped3A_125 = arith.constant 2 : i32
      "tpu.region"() ({
        %run_scoped3A_527 = tpu.sem_alloc : memref<!tpu.dma_semaphore, #tpu.memory_space<semaphore_mem>>
        %dma_start3A_528 = arith.constant 0 : i32
        %dma_start3A_529 = arith.constant 0 : i32
        %dma_start3A_530 = tpu.memref_slice %arg9[%run_scoped3A_124, %dma_start3A_528, %dma_start3A_529] : memref<2x128x128xf32, #tpu.memory_space<vmem>> -> memref<1x128x128xf32, #tpu.memory_space<vmem>>
        %dma_start3A_531 = tpu.memref_squeeze %dma_start3A_530 : memref<1x128x128xf32, #tpu.memory_space<vmem>> -> memref<128x128xf32, #tpu.memory_space<vmem>>
        %dma_start3A_532 = arith.constant 0 : i32
        %dma_start3A_533 = tpu.memref_slice %arg8[%run_scoped3A_125, %dma_start3A_532] : memref<16x128xi32, #tpu.memory_space<vmem>> -> memref<1x128xi32, #tpu.memory_space<vmem>>
        %dma_start3A_534 = tpu.memref_squeeze %dma_start3A_533 : memref<1x128xi32, #tpu.memory_space<vmem>> -> memref<128xi32, #tpu.memory_space<vmem>>
        %dma_start3A_535 = arith.constant 0 : i32
        %dma_start3A_536 = arith.constant 0 : i32
        %dma_start3A_537 = tpu.memref_slice %arg10[%dma_start3A_535, %dma_start3A_536] : memref<10016x128xf32, #tpu.memory_space<vmem_shared>> -> memref<10016x128xf32, #tpu.memory_space<vmem_shared>>
        tpu.enqueue_indirect_dma source(%dma_start3A_531 : memref<128x128xf32, #tpu.memory_space<vmem>>) target(%dma_start3A_537 : memref<10016x128xf32, #tpu.memory_space<vmem_shared>>) offsets(%dma_start3A_534 : memref<128xi32, #tpu.memory_space<vmem>>) semaphore(%run_scoped3A_527 : memref<!tpu.dma_semaphore, #tpu.memory_space<semaphore_mem>>) {add = true}
        %dma_wait3A_538 = arith.constant 0 : i32
        %dma_wait3A_539 = arith.constant 0 : i32
        %dma_wait3A_540 = tpu.memref_slice %arg9[%run_scoped3A_124, %dma_wait3A_538, %dma_wait3A_539] : memref<2x128x128xf32, #tpu.memory_space<vmem>> -> memref<1x128x128xf32, #tpu.memory_space<vmem>>
        %dma_wait3A_541 = tpu.memref_squeeze %dma_wait3A_540 : memref<1x128x128xf32, #tpu.memory_space<vmem>> -> memref<128x128xf32, #tpu.memory_space<vmem>>
        %dma_wait3A_542 = arith.constant 0 : i32
        %dma_wait3A_543 = tpu.memref_slice %arg8[%run_scoped3A_125, %dma_wait3A_542] : memref<16x128xi32, #tpu.memory_space<vmem>> -> memref<1x128xi32, #tpu.memory_space<vmem>>
        %dma_wait3A_544 = tpu.memref_squeeze %dma_wait3A_543 : memref<1x128xi32, #tpu.memory_space<vmem>> -> memref<128xi32, #tpu.memory_space<vmem>>
        %dma_wait3A_545 = arith.constant 0 : i32
        %dma_wait3A_546 = arith.constant 0 : i32
        %dma_wait3A_547 = tpu.memref_slice %arg10[%dma_wait3A_545, %dma_wait3A_546] : memref<10016x128xf32, #tpu.memory_space<vmem_shared>> -> memref<10016x128xf32, #tpu.memory_space<vmem_shared>>
        tpu.wait_indirect_dma semaphore(%run_scoped3A_527 : memref<!tpu.dma_semaphore, #tpu.memory_space<semaphore_mem>>) src(%dma_wait3A_541 : memref<128x128xf32, #tpu.memory_space<vmem>>) dst(%dma_wait3A_547 : memref<10016x128xf32, #tpu.memory_space<vmem_shared>>)
        tpu.yield
      }) : () -> ()
      %dma_start3A_126 = arith.constant 4 : i32
      %dma_start3A_127 = arith.constant 0 : i32
      %dma_start3A_128 = arith.constant 0 : i32
      %dma_start3A_129 = arith.constant 0 : i32
      %dma_start3A_130 = arith.constant 0 : i32
      %dma_start3A_131 = tpu.memref_slice %arg9[%dma_start3A_127, %dma_start3A_129, %dma_start3A_130] : memref<2x128x128xf32, #tpu.memory_space<vmem>> -> memref<1x128x128xf32, #tpu.memory_space<vmem>>
      %dma_start3A_132 = tpu.memref_squeeze %dma_start3A_131 : memref<1x128x128xf32, #tpu.memory_space<vmem>> -> memref<128x128xf32, #tpu.memory_space<vmem>>
      %dma_start3A_133 = arith.constant 0 : i32
      %dma_start3A_134 = tpu.memref_slice %arg7[%dma_start3A_126, %dma_start3A_133] : memref<16x128xi32, #tpu.memory_space<vmem>> -> memref<1x128xi32, #tpu.memory_space<vmem>>
      %dma_start3A_135 = tpu.memref_squeeze %dma_start3A_134 : memref<1x128xi32, #tpu.memory_space<vmem>> -> memref<128xi32, #tpu.memory_space<vmem>>
      %dma_start3A_136 = arith.constant 0 : i32
      %dma_start3A_137 = arith.constant 0 : i32
      %dma_start3A_138 = tpu.memref_slice %arg2[%dma_start3A_136, %dma_start3A_137] : memref<10000x128xf32, #tpu.memory_space<hbm>> -> memref<10000x128xf32, #tpu.memory_space<hbm>>
      %dma_start3A_139 = tpu.memref_slice %arg11[%dma_start3A_128] : memref<2x!tpu.dma_semaphore, #tpu.memory_space<semaphore_mem>> -> memref<1x!tpu.dma_semaphore, #tpu.memory_space<semaphore_mem>>
      %dma_start3A_140 = tpu.memref_squeeze %dma_start3A_139 : memref<1x!tpu.dma_semaphore, #tpu.memory_space<semaphore_mem>> -> memref<!tpu.dma_semaphore, #tpu.memory_space<semaphore_mem>>
      tpu.enqueue_indirect_dma source(%dma_start3A_138 : memref<10000x128xf32, #tpu.memory_space<hbm>>) target(%dma_start3A_132 : memref<128x128xf32, #tpu.memory_space<vmem>>) offsets(%dma_start3A_135 : memref<128xi32, #tpu.memory_space<vmem>>) semaphore(%dma_start3A_140 : memref<!tpu.dma_semaphore, #tpu.memory_space<semaphore_mem>>)
      %dma_wait3A_141 = arith.constant 3 : i32
      %dma_wait3A_142 = arith.constant 1 : i32
      %dma_wait3A_143 = arith.constant 1 : i32
      %dma_wait3A_144 = arith.constant 0 : i32
      %dma_wait3A_145 = arith.constant 0 : i32
      %dma_wait3A_146 = tpu.memref_slice %arg9[%dma_wait3A_142, %dma_wait3A_144, %dma_wait3A_145] : memref<2x128x128xf32, #tpu.memory_space<vmem>> -> memref<1x128x128xf32, #tpu.memory_space<vmem>>
      %dma_wait3A_147 = tpu.memref_squeeze %dma_wait3A_146 : memref<1x128x128xf32, #tpu.memory_space<vmem>> -> memref<128x128xf32, #tpu.memory_space<vmem>>
      %dma_wait3A_148 = arith.constant 0 : i32
      %dma_wait3A_149 = tpu.memref_slice %arg7[%dma_wait3A_141, %dma_wait3A_148] : memref<16x128xi32, #tpu.memory_space<vmem>> -> memref<1x128xi32, #tpu.memory_space<vmem>>
      %dma_wait3A_150 = tpu.memref_squeeze %dma_wait3A_149 : memref<1x128xi32, #tpu.memory_space<vmem>> -> memref<128xi32, #tpu.memory_space<vmem>>
      %dma_wait3A_151 = arith.constant 0 : i32
      %dma_wait3A_152 = arith.constant 0 : i32
      %dma_wait3A_153 = tpu.memref_slice %arg2[%dma_wait3A_151, %dma_wait3A_152] : memref<10000x128xf32, #tpu.memory_space<hbm>> -> memref<10000x128xf32, #tpu.memory_space<hbm>>
      %dma_wait3A_154 = tpu.memref_slice %arg11[%dma_wait3A_143] : memref<2x!tpu.dma_semaphore, #tpu.memory_space<semaphore_mem>> -> memref<1x!tpu.dma_semaphore, #tpu.memory_space<semaphore_mem>>
      %dma_wait3A_155 = tpu.memref_squeeze %dma_wait3A_154 : memref<1x!tpu.dma_semaphore, #tpu.memory_space<semaphore_mem>> -> memref<!tpu.dma_semaphore, #tpu.memory_space<semaphore_mem>>
      tpu.wait_indirect_dma semaphore(%dma_wait3A_155 : memref<!tpu.dma_semaphore, #tpu.memory_space<semaphore_mem>>) src(%dma_wait3A_153 : memref<10000x128xf32, #tpu.memory_space<hbm>>) dst(%dma_wait3A_147 : memref<128x128xf32, #tpu.memory_space<vmem>>)
      %run_scoped3A_156 = arith.constant 1 : i32
      %run_scoped3A_157 = arith.constant 3 : i32
      "tpu.region"() ({
        %run_scoped3A_527 = tpu.sem_alloc : memref<!tpu.dma_semaphore, #tpu.memory_space<semaphore_mem>>
        %dma_start3A_528 = arith.constant 0 : i32
        %dma_start3A_529 = arith.constant 0 : i32
        %dma_start3A_530 = tpu.memref_slice %arg9[%run_scoped3A_156, %dma_start3A_528, %dma_start3A_529] : memref<2x128x128xf32, #tpu.memory_space<vmem>> -> memref<1x128x128xf32, #tpu.memory_space<vmem>>
        %dma_start3A_531 = tpu.memref_squeeze %dma_start3A_530 : memref<1x128x128xf32, #tpu.memory_space<vmem>> -> memref<128x128xf32, #tpu.memory_space<vmem>>
        %dma_start3A_532 = arith.constant 0 : i32
        %dma_start3A_533 = tpu.memref_slice %arg8[%run_scoped3A_157, %dma_start3A_532] : memref<16x128xi32, #tpu.memory_space<vmem>> -> memref<1x128xi32, #tpu.memory_space<vmem>>
        %dma_start3A_534 = tpu.memref_squeeze %dma_start3A_533 : memref<1x128xi32, #tpu.memory_space<vmem>> -> memref<128xi32, #tpu.memory_space<vmem>>
        %dma_start3A_535 = arith.constant 0 : i32
        %dma_start3A_536 = arith.constant 0 : i32
        %dma_start3A_537 = tpu.memref_slice %arg10[%dma_start3A_535, %dma_start3A_536] : memref<10016x128xf32, #tpu.memory_space<vmem_shared>> -> memref<10016x128xf32, #tpu.memory_space<vmem_shared>>
        tpu.enqueue_indirect_dma source(%dma_start3A_531 : memref<128x128xf32, #tpu.memory_space<vmem>>) target(%dma_start3A_537 : memref<10016x128xf32, #tpu.memory_space<vmem_shared>>) offsets(%dma_start3A_534 : memref<128xi32, #tpu.memory_space<vmem>>) semaphore(%run_scoped3A_527 : memref<!tpu.dma_semaphore, #tpu.memory_space<semaphore_mem>>) {add = true}
        %dma_wait3A_538 = arith.constant 0 : i32
        %dma_wait3A_539 = arith.constant 0 : i32
        %dma_wait3A_540 = tpu.memref_slice %arg9[%run_scoped3A_156, %dma_wait3A_538, %dma_wait3A_539] : memref<2x128x128xf32, #tpu.memory_space<vmem>> -> memref<1x128x128xf32, #tpu.memory_space<vmem>>
        %dma_wait3A_541 = tpu.memref_squeeze %dma_wait3A_540 : memref<1x128x128xf32, #tpu.memory_space<vmem>> -> memref<128x128xf32, #tpu.memory_space<vmem>>
        %dma_wait3A_542 = arith.constant 0 : i32
        %dma_wait3A_543 = tpu.memref_slice %arg8[%run_scoped3A_157, %dma_wait3A_542] : memref<16x128xi32, #tpu.memory_space<vmem>> -> memref<1x128xi32, #tpu.memory_space<vmem>>
        %dma_wait3A_544 = tpu.memref_squeeze %dma_wait3A_543 : memref<1x128xi32, #tpu.memory_space<vmem>> -> memref<128xi32, #tpu.memory_space<vmem>>
        %dma_wait3A_545 = arith.constant 0 : i32
        %dma_wait3A_546 = arith.constant 0 : i32
        %dma_wait3A_547 = tpu.memref_slice %arg10[%dma_wait3A_545, %dma_wait3A_546] : memref<10016x128xf32, #tpu.memory_space<vmem_shared>> -> memref<10016x128xf32, #tpu.memory_space<vmem_shared>>
        tpu.wait_indirect_dma semaphore(%run_scoped3A_527 : memref<!tpu.dma_semaphore, #tpu.memory_space<semaphore_mem>>) src(%dma_wait3A_541 : memref<128x128xf32, #tpu.memory_space<vmem>>) dst(%dma_wait3A_547 : memref<10016x128xf32, #tpu.memory_space<vmem_shared>>)
        tpu.yield
      }) : () -> ()
      %dma_start3A_158 = arith.constant 5 : i32
      %dma_start3A_159 = arith.constant 1 : i32
      %dma_start3A_160 = arith.constant 1 : i32
      %dma_start3A_161 = arith.constant 0 : i32
      %dma_start3A_162 = arith.constant 0 : i32
      %dma_start3A_163 = tpu.memref_slice %arg9[%dma_start3A_159, %dma_start3A_161, %dma_start3A_162] : memref<2x128x128xf32, #tpu.memory_space<vmem>> -> memref<1x128x128xf32, #tpu.memory_space<vmem>>
      %dma_start3A_164 = tpu.memref_squeeze %dma_start3A_163 : memref<1x128x128xf32, #tpu.memory_space<vmem>> -> memref<128x128xf32, #tpu.memory_space<vmem>>
      %dma_start3A_165 = arith.constant 0 : i32
      %dma_start3A_166 = tpu.memref_slice %arg7[%dma_start3A_158, %dma_start3A_165] : memref<16x128xi32, #tpu.memory_space<vmem>> -> memref<1x128xi32, #tpu.memory_space<vmem>>
      %dma_start3A_167 = tpu.memref_squeeze %dma_start3A_166 : memref<1x128xi32, #tpu.memory_space<vmem>> -> memref<128xi32, #tpu.memory_space<vmem>>
      %dma_start3A_168 = arith.constant 0 : i32
      %dma_start3A_169 = arith.constant 0 : i32
      %dma_start3A_170 = tpu.memref_slice %arg2[%dma_start3A_168, %dma_start3A_169] : memref<10000x128xf32, #tpu.memory_space<hbm>> -> memref<10000x128xf32, #tpu.memory_space<hbm>>
      %dma_start3A_171 = tpu.memref_slice %arg11[%dma_start3A_160] : memref<2x!tpu.dma_semaphore, #tpu.memory_space<semaphore_mem>> -> memref<1x!tpu.dma_semaphore, #tpu.memory_space<semaphore_mem>>
      %dma_start3A_172 = tpu.memref_squeeze %dma_start3A_171 : memref<1x!tpu.dma_semaphore, #tpu.memory_space<semaphore_mem>> -> memref<!tpu.dma_semaphore, #tpu.memory_space<semaphore_mem>>
      tpu.enqueue_indirect_dma source(%dma_start3A_170 : memref<10000x128xf32, #tpu.memory_space<hbm>>) target(%dma_start3A_164 : memref<128x128xf32, #tpu.memory_space<vmem>>) offsets(%dma_start3A_167 : memref<128xi32, #tpu.memory_space<vmem>>) semaphore(%dma_start3A_172 : memref<!tpu.dma_semaphore, #tpu.memory_space<semaphore_mem>>)
      %dma_wait3A_173 = arith.constant 4 : i32
      %dma_wait3A_174 = arith.constant 0 : i32
      %dma_wait3A_175 = arith.constant 0 : i32
      %dma_wait3A_176 = arith.constant 0 : i32
      %dma_wait3A_177 = arith.constant 0 : i32
      %dma_wait3A_178 = tpu.memref_slice %arg9[%dma_wait3A_174, %dma_wait3A_176, %dma_wait3A_177] : memref<2x128x128xf32, #tpu.memory_space<vmem>> -> memref<1x128x128xf32, #tpu.memory_space<vmem>>
      %dma_wait3A_179 = tpu.memref_squeeze %dma_wait3A_178 : memref<1x128x128xf32, #tpu.memory_space<vmem>> -> memref<128x128xf32, #tpu.memory_space<vmem>>
      %dma_wait3A_180 = arith.constant 0 : i32
      %dma_wait3A_181 = tpu.memref_slice %arg7[%dma_wait3A_173, %dma_wait3A_180] : memref<16x128xi32, #tpu.memory_space<vmem>> -> memref<1x128xi32, #tpu.memory_space<vmem>>
      %dma_wait3A_182 = tpu.memref_squeeze %dma_wait3A_181 : memref<1x128xi32, #tpu.memory_space<vmem>> -> memref<128xi32, #tpu.memory_space<vmem>>
      %dma_wait3A_183 = arith.constant 0 : i32
      %dma_wait3A_184 = arith.constant 0 : i32
      %dma_wait3A_185 = tpu.memref_slice %arg2[%dma_wait3A_183, %dma_wait3A_184] : memref<10000x128xf32, #tpu.memory_space<hbm>> -> memref<10000x128xf32, #tpu.memory_space<hbm>>
      %dma_wait3A_186 = tpu.memref_slice %arg11[%dma_wait3A_175] : memref<2x!tpu.dma_semaphore, #tpu.memory_space<semaphore_mem>> -> memref<1x!tpu.dma_semaphore, #tpu.memory_space<semaphore_mem>>
      %dma_wait3A_187 = tpu.memref_squeeze %dma_wait3A_186 : memref<1x!tpu.dma_semaphore, #tpu.memory_space<semaphore_mem>> -> memref<!tpu.dma_semaphore, #tpu.memory_space<semaphore_mem>>
      tpu.wait_indirect_dma semaphore(%dma_wait3A_187 : memref<!tpu.dma_semaphore, #tpu.memory_space<semaphore_mem>>) src(%dma_wait3A_185 : memref<10000x128xf32, #tpu.memory_space<hbm>>) dst(%dma_wait3A_179 : memref<128x128xf32, #tpu.memory_space<vmem>>)
      %run_scoped3A_188 = arith.constant 0 : i32
      %run_scoped3A_189 = arith.constant 4 : i32
      "tpu.region"() ({
        %run_scoped3A_527 = tpu.sem_alloc : memref<!tpu.dma_semaphore, #tpu.memory_space<semaphore_mem>>
        %dma_start3A_528 = arith.constant 0 : i32
        %dma_start3A_529 = arith.constant 0 : i32
        %dma_start3A_530 = tpu.memref_slice %arg9[%run_scoped3A_188, %dma_start3A_528, %dma_start3A_529] : memref<2x128x128xf32, #tpu.memory_space<vmem>> -> memref<1x128x128xf32, #tpu.memory_space<vmem>>
        %dma_start3A_531 = tpu.memref_squeeze %dma_start3A_530 : memref<1x128x128xf32, #tpu.memory_space<vmem>> -> memref<128x128xf32, #tpu.memory_space<vmem>>
        %dma_start3A_532 = arith.constant 0 : i32
        %dma_start3A_533 = tpu.memref_slice %arg8[%run_scoped3A_189, %dma_start3A_532] : memref<16x128xi32, #tpu.memory_space<vmem>> -> memref<1x128xi32, #tpu.memory_space<vmem>>
        %dma_start3A_534 = tpu.memref_squeeze %dma_start3A_533 : memref<1x128xi32, #tpu.memory_space<vmem>> -> memref<128xi32, #tpu.memory_space<vmem>>
        %dma_start3A_535 = arith.constant 0 : i32
        %dma_start3A_536 = arith.constant 0 : i32
        %dma_start3A_537 = tpu.memref_slice %arg10[%dma_start3A_535, %dma_start3A_536] : memref<10016x128xf32, #tpu.memory_space<vmem_shared>> -> memref<10016x128xf32, #tpu.memory_space<vmem_shared>>
        tpu.enqueue_indirect_dma source(%dma_start3A_531 : memref<128x128xf32, #tpu.memory_space<vmem>>) target(%dma_start3A_537 : memref<10016x128xf32, #tpu.memory_space<vmem_shared>>) offsets(%dma_start3A_534 : memref<128xi32, #tpu.memory_space<vmem>>) semaphore(%run_scoped3A_527 : memref<!tpu.dma_semaphore, #tpu.memory_space<semaphore_mem>>) {add = true}
        %dma_wait3A_538 = arith.constant 0 : i32
        %dma_wait3A_539 = arith.constant 0 : i32
        %dma_wait3A_540 = tpu.memref_slice %arg9[%run_scoped3A_188, %dma_wait3A_538, %dma_wait3A_539] : memref<2x128x128xf32, #tpu.memory_space<vmem>> -> memref<1x128x128xf32, #tpu.memory_space<vmem>>
        %dma_wait3A_541 = tpu.memref_squeeze %dma_wait3A_540 : memref<1x128x128xf32, #tpu.memory_space<vmem>> -> memref<128x128xf32, #tpu.memory_space<vmem>>
        %dma_wait3A_542 = arith.constant 0 : i32
        %dma_wait3A_543 = tpu.memref_slice %arg8[%run_scoped3A_189, %dma_wait3A_542] : memref<16x128xi32, #tpu.memory_space<vmem>> -> memref<1x128xi32, #tpu.memory_space<vmem>>
        %dma_wait3A_544 = tpu.memref_squeeze %dma_wait3A_543 : memref<1x128xi32, #tpu.memory_space<vmem>> -> memref<128xi32, #tpu.memory_space<vmem>>
        %dma_wait3A_545 = arith.constant 0 : i32
        %dma_wait3A_546 = arith.constant 0 : i32
        %dma_wait3A_547 = tpu.memref_slice %arg10[%dma_wait3A_545, %dma_wait3A_546] : memref<10016x128xf32, #tpu.memory_space<vmem_shared>> -> memref<10016x128xf32, #tpu.memory_space<vmem_shared>>
        tpu.wait_indirect_dma semaphore(%run_scoped3A_527 : memref<!tpu.dma_semaphore, #tpu.memory_space<semaphore_mem>>) src(%dma_wait3A_541 : memref<128x128xf32, #tpu.memory_space<vmem>>) dst(%dma_wait3A_547 : memref<10016x128xf32, #tpu.memory_space<vmem_shared>>)
        tpu.yield
      }) : () -> ()
      %dma_start3A_190 = arith.constant 6 : i32
      %dma_start3A_191 = arith.constant 0 : i32
      %dma_start3A_192 = arith.constant 0 : i32
      %dma_start3A_193 = arith.constant 0 : i32
      %dma_start3A_194 = arith.constant 0 : i32
      %dma_start3A_195 = tpu.memref_slice %arg9[%dma_start3A_191, %dma_start3A_193, %dma_start3A_194] : memref<2x128x128xf32, #tpu.memory_space<vmem>> -> memref<1x128x128xf32, #tpu.memory_space<vmem>>
      %dma_start3A_196 = tpu.memref_squeeze %dma_start3A_195 : memref<1x128x128xf32, #tpu.memory_space<vmem>> -> memref<128x128xf32, #tpu.memory_space<vmem>>
      %dma_start3A_197 = arith.constant 0 : i32
      %dma_start3A_198 = tpu.memref_slice %arg7[%dma_start3A_190, %dma_start3A_197] : memref<16x128xi32, #tpu.memory_space<vmem>> -> memref<1x128xi32, #tpu.memory_space<vmem>>
      %dma_start3A_199 = tpu.memref_squeeze %dma_start3A_198 : memref<1x128xi32, #tpu.memory_space<vmem>> -> memref<128xi32, #tpu.memory_space<vmem>>
      %dma_start3A_200 = arith.constant 0 : i32
      %dma_start3A_201 = arith.constant 0 : i32
      %dma_start3A_202 = tpu.memref_slice %arg2[%dma_start3A_200, %dma_start3A_201] : memref<10000x128xf32, #tpu.memory_space<hbm>> -> memref<10000x128xf32, #tpu.memory_space<hbm>>
      %dma_start3A_203 = tpu.memref_slice %arg11[%dma_start3A_192] : memref<2x!tpu.dma_semaphore, #tpu.memory_space<semaphore_mem>> -> memref<1x!tpu.dma_semaphore, #tpu.memory_space<semaphore_mem>>
      %dma_start3A_204 = tpu.memref_squeeze %dma_start3A_203 : memref<1x!tpu.dma_semaphore, #tpu.memory_space<semaphore_mem>> -> memref<!tpu.dma_semaphore, #tpu.memory_space<semaphore_mem>>
      tpu.enqueue_indirect_dma source(%dma_start3A_202 : memref<10000x128xf32, #tpu.memory_space<hbm>>) target(%dma_start3A_196 : memref<128x128xf32, #tpu.memory_space<vmem>>) offsets(%dma_start3A_199 : memref<128xi32, #tpu.memory_space<vmem>>) semaphore(%dma_start3A_204 : memref<!tpu.dma_semaphore, #tpu.memory_space<semaphore_mem>>)
      %dma_wait3A_205 = arith.constant 5 : i32
      %dma_wait3A_206 = arith.constant 1 : i32
      %dma_wait3A_207 = arith.constant 1 : i32
      %dma_wait3A_208 = arith.constant 0 : i32
      %dma_wait3A_209 = arith.constant 0 : i32
      %dma_wait3A_210 = tpu.memref_slice %arg9[%dma_wait3A_206, %dma_wait3A_208, %dma_wait3A_209] : memref<2x128x128xf32, #tpu.memory_space<vmem>> -> memref<1x128x128xf32, #tpu.memory_space<vmem>>
      %dma_wait3A_211 = tpu.memref_squeeze %dma_wait3A_210 : memref<1x128x128xf32, #tpu.memory_space<vmem>> -> memref<128x128xf32, #tpu.memory_space<vmem>>
      %dma_wait3A_212 = arith.constant 0 : i32
      %dma_wait3A_213 = tpu.memref_slice %arg7[%dma_wait3A_205, %dma_wait3A_212] : memref<16x128xi32, #tpu.memory_space<vmem>> -> memref<1x128xi32, #tpu.memory_space<vmem>>
      %dma_wait3A_214 = tpu.memref_squeeze %dma_wait3A_213 : memref<1x128xi32, #tpu.memory_space<vmem>> -> memref<128xi32, #tpu.memory_space<vmem>>
      %dma_wait3A_215 = arith.constant 0 : i32
      %dma_wait3A_216 = arith.constant 0 : i32
      %dma_wait3A_217 = tpu.memref_slice %arg2[%dma_wait3A_215, %dma_wait3A_216] : memref<10000x128xf32, #tpu.memory_space<hbm>> -> memref<10000x128xf32, #tpu.memory_space<hbm>>
      %dma_wait3A_218 = tpu.memref_slice %arg11[%dma_wait3A_207] : memref<2x!tpu.dma_semaphore, #tpu.memory_space<semaphore_mem>> -> memref<1x!tpu.dma_semaphore, #tpu.memory_space<semaphore_mem>>
      %dma_wait3A_219 = tpu.memref_squeeze %dma_wait3A_218 : memref<1x!tpu.dma_semaphore, #tpu.memory_space<semaphore_mem>> -> memref<!tpu.dma_semaphore, #tpu.memory_space<semaphore_mem>>
      tpu.wait_indirect_dma semaphore(%dma_wait3A_219 : memref<!tpu.dma_semaphore, #tpu.memory_space<semaphore_mem>>) src(%dma_wait3A_217 : memref<10000x128xf32, #tpu.memory_space<hbm>>) dst(%dma_wait3A_211 : memref<128x128xf32, #tpu.memory_space<vmem>>)
      %run_scoped3A_220 = arith.constant 1 : i32
      %run_scoped3A_221 = arith.constant 5 : i32
      "tpu.region"() ({
        %run_scoped3A_527 = tpu.sem_alloc : memref<!tpu.dma_semaphore, #tpu.memory_space<semaphore_mem>>
        %dma_start3A_528 = arith.constant 0 : i32
        %dma_start3A_529 = arith.constant 0 : i32
        %dma_start3A_530 = tpu.memref_slice %arg9[%run_scoped3A_220, %dma_start3A_528, %dma_start3A_529] : memref<2x128x128xf32, #tpu.memory_space<vmem>> -> memref<1x128x128xf32, #tpu.memory_space<vmem>>
        %dma_start3A_531 = tpu.memref_squeeze %dma_start3A_530 : memref<1x128x128xf32, #tpu.memory_space<vmem>> -> memref<128x128xf32, #tpu.memory_space<vmem>>
        %dma_start3A_532 = arith.constant 0 : i32
        %dma_start3A_533 = tpu.memref_slice %arg8[%run_scoped3A_221, %dma_start3A_532] : memref<16x128xi32, #tpu.memory_space<vmem>> -> memref<1x128xi32, #tpu.memory_space<vmem>>
        %dma_start3A_534 = tpu.memref_squeeze %dma_start3A_533 : memref<1x128xi32, #tpu.memory_space<vmem>> -> memref<128xi32, #tpu.memory_space<vmem>>
        %dma_start3A_535 = arith.constant 0 : i32
        %dma_start3A_536 = arith.constant 0 : i32
        %dma_start3A_537 = tpu.memref_slice %arg10[%dma_start3A_535, %dma_start3A_536] : memref<10016x128xf32, #tpu.memory_space<vmem_shared>> -> memref<10016x128xf32, #tpu.memory_space<vmem_shared>>
        tpu.enqueue_indirect_dma source(%dma_start3A_531 : memref<128x128xf32, #tpu.memory_space<vmem>>) target(%dma_start3A_537 : memref<10016x128xf32, #tpu.memory_space<vmem_shared>>) offsets(%dma_start3A_534 : memref<128xi32, #tpu.memory_space<vmem>>) semaphore(%run_scoped3A_527 : memref<!tpu.dma_semaphore, #tpu.memory_space<semaphore_mem>>) {add = true}
        %dma_wait3A_538 = arith.constant 0 : i32
        %dma_wait3A_539 = arith.constant 0 : i32
        %dma_wait3A_540 = tpu.memref_slice %arg9[%run_scoped3A_220, %dma_wait3A_538, %dma_wait3A_539] : memref<2x128x128xf32, #tpu.memory_space<vmem>> -> memref<1x128x128xf32, #tpu.memory_space<vmem>>
        %dma_wait3A_541 = tpu.memref_squeeze %dma_wait3A_540 : memref<1x128x128xf32, #tpu.memory_space<vmem>> -> memref<128x128xf32, #tpu.memory_space<vmem>>
        %dma_wait3A_542 = arith.constant 0 : i32
        %dma_wait3A_543 = tpu.memref_slice %arg8[%run_scoped3A_221, %dma_wait3A_542] : memref<16x128xi32, #tpu.memory_space<vmem>> -> memref<1x128xi32, #tpu.memory_space<vmem>>
        %dma_wait3A_544 = tpu.memref_squeeze %dma_wait3A_543 : memref<1x128xi32, #tpu.memory_space<vmem>> -> memref<128xi32, #tpu.memory_space<vmem>>
        %dma_wait3A_545 = arith.constant 0 : i32
        %dma_wait3A_546 = arith.constant 0 : i32
        %dma_wait3A_547 = tpu.memref_slice %arg10[%dma_wait3A_545, %dma_wait3A_546] : memref<10016x128xf32, #tpu.memory_space<vmem_shared>> -> memref<10016x128xf32, #tpu.memory_space<vmem_shared>>
        tpu.wait_indirect_dma semaphore(%run_scoped3A_527 : memref<!tpu.dma_semaphore, #tpu.memory_space<semaphore_mem>>) src(%dma_wait3A_541 : memref<128x128xf32, #tpu.memory_space<vmem>>) dst(%dma_wait3A_547 : memref<10016x128xf32, #tpu.memory_space<vmem_shared>>)
        tpu.yield
      }) : () -> ()
      %dma_start3A_222 = arith.constant 7 : i32
      %dma_start3A_223 = arith.constant 1 : i32
      %dma_start3A_224 = arith.constant 1 : i32
      %dma_start3A_225 = arith.constant 0 : i32
      %dma_start3A_226 = arith.constant 0 : i32
      %dma_start3A_227 = tpu.memref_slice %arg9[%dma_start3A_223, %dma_start3A_225, %dma_start3A_226] : memref<2x128x128xf32, #tpu.memory_space<vmem>> -> memref<1x128x128xf32, #tpu.memory_space<vmem>>
      %dma_start3A_228 = tpu.memref_squeeze %dma_start3A_227 : memref<1x128x128xf32, #tpu.memory_space<vmem>> -> memref<128x128xf32, #tpu.memory_space<vmem>>
      %dma_start3A_229 = arith.constant 0 : i32
      %dma_start3A_230 = tpu.memref_slice %arg7[%dma_start3A_222, %dma_start3A_229] : memref<16x128xi32, #tpu.memory_space<vmem>> -> memref<1x128xi32, #tpu.memory_space<vmem>>
      %dma_start3A_231 = tpu.memref_squeeze %dma_start3A_230 : memref<1x128xi32, #tpu.memory_space<vmem>> -> memref<128xi32, #tpu.memory_space<vmem>>
      %dma_start3A_232 = arith.constant 0 : i32
      %dma_start3A_233 = arith.constant 0 : i32
      %dma_start3A_234 = tpu.memref_slice %arg2[%dma_start3A_232, %dma_start3A_233] : memref<10000x128xf32, #tpu.memory_space<hbm>> -> memref<10000x128xf32, #tpu.memory_space<hbm>>
      %dma_start3A_235 = tpu.memref_slice %arg11[%dma_start3A_224] : memref<2x!tpu.dma_semaphore, #tpu.memory_space<semaphore_mem>> -> memref<1x!tpu.dma_semaphore, #tpu.memory_space<semaphore_mem>>
      %dma_start3A_236 = tpu.memref_squeeze %dma_start3A_235 : memref<1x!tpu.dma_semaphore, #tpu.memory_space<semaphore_mem>> -> memref<!tpu.dma_semaphore, #tpu.memory_space<semaphore_mem>>
      tpu.enqueue_indirect_dma source(%dma_start3A_234 : memref<10000x128xf32, #tpu.memory_space<hbm>>) target(%dma_start3A_228 : memref<128x128xf32, #tpu.memory_space<vmem>>) offsets(%dma_start3A_231 : memref<128xi32, #tpu.memory_space<vmem>>) semaphore(%dma_start3A_236 : memref<!tpu.dma_semaphore, #tpu.memory_space<semaphore_mem>>)
      %dma_wait3A_237 = arith.constant 6 : i32
      %dma_wait3A_238 = arith.constant 0 : i32
      %dma_wait3A_239 = arith.constant 0 : i32
      %dma_wait3A_240 = arith.constant 0 : i32
      %dma_wait3A_241 = arith.constant 0 : i32
      %dma_wait3A_242 = tpu.memref_slice %arg9[%dma_wait3A_238, %dma_wait3A_240, %dma_wait3A_241] : memref<2x128x128xf32, #tpu.memory_space<vmem>> -> memref<1x128x128xf32, #tpu.memory_space<vmem>>
      %dma_wait3A_243 = tpu.memref_squeeze %dma_wait3A_242 : memref<1x128x128xf32, #tpu.memory_space<vmem>> -> memref<128x128xf32, #tpu.memory_space<vmem>>
      %dma_wait3A_244 = arith.constant 0 : i32
      %dma_wait3A_245 = tpu.memref_slice %arg7[%dma_wait3A_237, %dma_wait3A_244] : memref<16x128xi32, #tpu.memory_space<vmem>> -> memref<1x128xi32, #tpu.memory_space<vmem>>
      %dma_wait3A_246 = tpu.memref_squeeze %dma_wait3A_245 : memref<1x128xi32, #tpu.memory_space<vmem>> -> memref<128xi32, #tpu.memory_space<vmem>>
      %dma_wait3A_247 = arith.constant 0 : i32
      %dma_wait3A_248 = arith.constant 0 : i32
      %dma_wait3A_249 = tpu.memref_slice %arg2[%dma_wait3A_247, %dma_wait3A_248] : memref<10000x128xf32, #tpu.memory_space<hbm>> -> memref<10000x128xf32, #tpu.memory_space<hbm>>
      %dma_wait3A_250 = tpu.memref_slice %arg11[%dma_wait3A_239] : memref<2x!tpu.dma_semaphore, #tpu.memory_space<semaphore_mem>> -> memref<1x!tpu.dma_semaphore, #tpu.memory_space<semaphore_mem>>
      %dma_wait3A_251 = tpu.memref_squeeze %dma_wait3A_250 : memref<1x!tpu.dma_semaphore, #tpu.memory_space<semaphore_mem>> -> memref<!tpu.dma_semaphore, #tpu.memory_space<semaphore_mem>>
      tpu.wait_indirect_dma semaphore(%dma_wait3A_251 : memref<!tpu.dma_semaphore, #tpu.memory_space<semaphore_mem>>) src(%dma_wait3A_249 : memref<10000x128xf32, #tpu.memory_space<hbm>>) dst(%dma_wait3A_243 : memref<128x128xf32, #tpu.memory_space<vmem>>)
      %run_scoped3A_252 = arith.constant 0 : i32
      %run_scoped3A_253 = arith.constant 6 : i32
      "tpu.region"() ({
        %run_scoped3A_527 = tpu.sem_alloc : memref<!tpu.dma_semaphore, #tpu.memory_space<semaphore_mem>>
        %dma_start3A_528 = arith.constant 0 : i32
        %dma_start3A_529 = arith.constant 0 : i32
        %dma_start3A_530 = tpu.memref_slice %arg9[%run_scoped3A_252, %dma_start3A_528, %dma_start3A_529] : memref<2x128x128xf32, #tpu.memory_space<vmem>> -> memref<1x128x128xf32, #tpu.memory_space<vmem>>
        %dma_start3A_531 = tpu.memref_squeeze %dma_start3A_530 : memref<1x128x128xf32, #tpu.memory_space<vmem>> -> memref<128x128xf32, #tpu.memory_space<vmem>>
        %dma_start3A_532 = arith.constant 0 : i32
        %dma_start3A_533 = tpu.memref_slice %arg8[%run_scoped3A_253, %dma_start3A_532] : memref<16x128xi32, #tpu.memory_space<vmem>> -> memref<1x128xi32, #tpu.memory_space<vmem>>
        %dma_start3A_534 = tpu.memref_squeeze %dma_start3A_533 : memref<1x128xi32, #tpu.memory_space<vmem>> -> memref<128xi32, #tpu.memory_space<vmem>>
        %dma_start3A_535 = arith.constant 0 : i32
        %dma_start3A_536 = arith.constant 0 : i32
        %dma_start3A_537 = tpu.memref_slice %arg10[%dma_start3A_535, %dma_start3A_536] : memref<10016x128xf32, #tpu.memory_space<vmem_shared>> -> memref<10016x128xf32, #tpu.memory_space<vmem_shared>>
        tpu.enqueue_indirect_dma source(%dma_start3A_531 : memref<128x128xf32, #tpu.memory_space<vmem>>) target(%dma_start3A_537 : memref<10016x128xf32, #tpu.memory_space<vmem_shared>>) offsets(%dma_start3A_534 : memref<128xi32, #tpu.memory_space<vmem>>) semaphore(%run_scoped3A_527 : memref<!tpu.dma_semaphore, #tpu.memory_space<semaphore_mem>>) {add = true}
        %dma_wait3A_538 = arith.constant 0 : i32
        %dma_wait3A_539 = arith.constant 0 : i32
        %dma_wait3A_540 = tpu.memref_slice %arg9[%run_scoped3A_252, %dma_wait3A_538, %dma_wait3A_539] : memref<2x128x128xf32, #tpu.memory_space<vmem>> -> memref<1x128x128xf32, #tpu.memory_space<vmem>>
        %dma_wait3A_541 = tpu.memref_squeeze %dma_wait3A_540 : memref<1x128x128xf32, #tpu.memory_space<vmem>> -> memref<128x128xf32, #tpu.memory_space<vmem>>
        %dma_wait3A_542 = arith.constant 0 : i32
        %dma_wait3A_543 = tpu.memref_slice %arg8[%run_scoped3A_253, %dma_wait3A_542] : memref<16x128xi32, #tpu.memory_space<vmem>> -> memref<1x128xi32, #tpu.memory_space<vmem>>
        %dma_wait3A_544 = tpu.memref_squeeze %dma_wait3A_543 : memref<1x128xi32, #tpu.memory_space<vmem>> -> memref<128xi32, #tpu.memory_space<vmem>>
        %dma_wait3A_545 = arith.constant 0 : i32
        %dma_wait3A_546 = arith.constant 0 : i32
        %dma_wait3A_547 = tpu.memref_slice %arg10[%dma_wait3A_545, %dma_wait3A_546] : memref<10016x128xf32, #tpu.memory_space<vmem_shared>> -> memref<10016x128xf32, #tpu.memory_space<vmem_shared>>
        tpu.wait_indirect_dma semaphore(%run_scoped3A_527 : memref<!tpu.dma_semaphore, #tpu.memory_space<semaphore_mem>>) src(%dma_wait3A_541 : memref<128x128xf32, #tpu.memory_space<vmem>>) dst(%dma_wait3A_547 : memref<10016x128xf32, #tpu.memory_space<vmem_shared>>)
        tpu.yield
      }) : () -> ()
      %dma_start3A_254 = arith.constant 8 : i32
      %dma_start3A_255 = arith.constant 0 : i32
      %dma_start3A_256 = arith.constant 0 : i32
      %dma_start3A_257 = arith.constant 0 : i32
      %dma_start3A_258 = arith.constant 0 : i32
      %dma_start3A_259 = tpu.memref_slice %arg9[%dma_start3A_255, %dma_start3A_257, %dma_start3A_258] : memref<2x128x128xf32, #tpu.memory_space<vmem>> -> memref<1x128x128xf32, #tpu.memory_space<vmem>>
      %dma_start3A_260 = tpu.memref_squeeze %dma_start3A_259 : memref<1x128x128xf32, #tpu.memory_space<vmem>> -> memref<128x128xf32, #tpu.memory_space<vmem>>
      %dma_start3A_261 = arith.constant 0 : i32
      %dma_start3A_262 = tpu.memref_slice %arg7[%dma_start3A_254, %dma_start3A_261] : memref<16x128xi32, #tpu.memory_space<vmem>> -> memref<1x128xi32, #tpu.memory_space<vmem>>
      %dma_start3A_263 = tpu.memref_squeeze %dma_start3A_262 : memref<1x128xi32, #tpu.memory_space<vmem>> -> memref<128xi32, #tpu.memory_space<vmem>>
      %dma_start3A_264 = arith.constant 0 : i32
      %dma_start3A_265 = arith.constant 0 : i32
      %dma_start3A_266 = tpu.memref_slice %arg2[%dma_start3A_264, %dma_start3A_265] : memref<10000x128xf32, #tpu.memory_space<hbm>> -> memref<10000x128xf32, #tpu.memory_space<hbm>>
      %dma_start3A_267 = tpu.memref_slice %arg11[%dma_start3A_256] : memref<2x!tpu.dma_semaphore, #tpu.memory_space<semaphore_mem>> -> memref<1x!tpu.dma_semaphore, #tpu.memory_space<semaphore_mem>>
      %dma_start3A_268 = tpu.memref_squeeze %dma_start3A_267 : memref<1x!tpu.dma_semaphore, #tpu.memory_space<semaphore_mem>> -> memref<!tpu.dma_semaphore, #tpu.memory_space<semaphore_mem>>
      tpu.enqueue_indirect_dma source(%dma_start3A_266 : memref<10000x128xf32, #tpu.memory_space<hbm>>) target(%dma_start3A_260 : memref<128x128xf32, #tpu.memory_space<vmem>>) offsets(%dma_start3A_263 : memref<128xi32, #tpu.memory_space<vmem>>) semaphore(%dma_start3A_268 : memref<!tpu.dma_semaphore, #tpu.memory_space<semaphore_mem>>)
      %dma_wait3A_269 = arith.constant 7 : i32
      %dma_wait3A_270 = arith.constant 1 : i32
      %dma_wait3A_271 = arith.constant 1 : i32
      %dma_wait3A_272 = arith.constant 0 : i32
      %dma_wait3A_273 = arith.constant 0 : i32
      %dma_wait3A_274 = tpu.memref_slice %arg9[%dma_wait3A_270, %dma_wait3A_272, %dma_wait3A_273] : memref<2x128x128xf32, #tpu.memory_space<vmem>> -> memref<1x128x128xf32, #tpu.memory_space<vmem>>
      %dma_wait3A_275 = tpu.memref_squeeze %dma_wait3A_274 : memref<1x128x128xf32, #tpu.memory_space<vmem>> -> memref<128x128xf32, #tpu.memory_space<vmem>>
      %dma_wait3A_276 = arith.constant 0 : i32
      %dma_wait3A_277 = tpu.memref_slice %arg7[%dma_wait3A_269, %dma_wait3A_276] : memref<16x128xi32, #tpu.memory_space<vmem>> -> memref<1x128xi32, #tpu.memory_space<vmem>>
      %dma_wait3A_278 = tpu.memref_squeeze %dma_wait3A_277 : memref<1x128xi32, #tpu.memory_space<vmem>> -> memref<128xi32, #tpu.memory_space<vmem>>
      %dma_wait3A_279 = arith.constant 0 : i32
      %dma_wait3A_280 = arith.constant 0 : i32
      %dma_wait3A_281 = tpu.memref_slice %arg2[%dma_wait3A_279, %dma_wait3A_280] : memref<10000x128xf32, #tpu.memory_space<hbm>> -> memref<10000x128xf32, #tpu.memory_space<hbm>>
      %dma_wait3A_282 = tpu.memref_slice %arg11[%dma_wait3A_271] : memref<2x!tpu.dma_semaphore, #tpu.memory_space<semaphore_mem>> -> memref<1x!tpu.dma_semaphore, #tpu.memory_space<semaphore_mem>>
      %dma_wait3A_283 = tpu.memref_squeeze %dma_wait3A_282 : memref<1x!tpu.dma_semaphore, #tpu.memory_space<semaphore_mem>> -> memref<!tpu.dma_semaphore, #tpu.memory_space<semaphore_mem>>
      tpu.wait_indirect_dma semaphore(%dma_wait3A_283 : memref<!tpu.dma_semaphore, #tpu.memory_space<semaphore_mem>>) src(%dma_wait3A_281 : memref<10000x128xf32, #tpu.memory_space<hbm>>) dst(%dma_wait3A_275 : memref<128x128xf32, #tpu.memory_space<vmem>>)
      %run_scoped3A_284 = arith.constant 1 : i32
      %run_scoped3A_285 = arith.constant 7 : i32
      "tpu.region"() ({
        %run_scoped3A_527 = tpu.sem_alloc : memref<!tpu.dma_semaphore, #tpu.memory_space<semaphore_mem>>
        %dma_start3A_528 = arith.constant 0 : i32
        %dma_start3A_529 = arith.constant 0 : i32
        %dma_start3A_530 = tpu.memref_slice %arg9[%run_scoped3A_284, %dma_start3A_528, %dma_start3A_529] : memref<2x128x128xf32, #tpu.memory_space<vmem>> -> memref<1x128x128xf32, #tpu.memory_space<vmem>>
        %dma_start3A_531 = tpu.memref_squeeze %dma_start3A_530 : memref<1x128x128xf32, #tpu.memory_space<vmem>> -> memref<128x128xf32, #tpu.memory_space<vmem>>
        %dma_start3A_532 = arith.constant 0 : i32
        %dma_start3A_533 = tpu.memref_slice %arg8[%run_scoped3A_285, %dma_start3A_532] : memref<16x128xi32, #tpu.memory_space<vmem>> -> memref<1x128xi32, #tpu.memory_space<vmem>>
        %dma_start3A_534 = tpu.memref_squeeze %dma_start3A_533 : memref<1x128xi32, #tpu.memory_space<vmem>> -> memref<128xi32, #tpu.memory_space<vmem>>
        %dma_start3A_535 = arith.constant 0 : i32
        %dma_start3A_536 = arith.constant 0 : i32
        %dma_start3A_537 = tpu.memref_slice %arg10[%dma_start3A_535, %dma_start3A_536] : memref<10016x128xf32, #tpu.memory_space<vmem_shared>> -> memref<10016x128xf32, #tpu.memory_space<vmem_shared>>
        tpu.enqueue_indirect_dma source(%dma_start3A_531 : memref<128x128xf32, #tpu.memory_space<vmem>>) target(%dma_start3A_537 : memref<10016x128xf32, #tpu.memory_space<vmem_shared>>) offsets(%dma_start3A_534 : memref<128xi32, #tpu.memory_space<vmem>>) semaphore(%run_scoped3A_527 : memref<!tpu.dma_semaphore, #tpu.memory_space<semaphore_mem>>) {add = true}
        %dma_wait3A_538 = arith.constant 0 : i32
        %dma_wait3A_539 = arith.constant 0 : i32
        %dma_wait3A_540 = tpu.memref_slice %arg9[%run_scoped3A_284, %dma_wait3A_538, %dma_wait3A_539] : memref<2x128x128xf32, #tpu.memory_space<vmem>> -> memref<1x128x128xf32, #tpu.memory_space<vmem>>
        %dma_wait3A_541 = tpu.memref_squeeze %dma_wait3A_540 : memref<1x128x128xf32, #tpu.memory_space<vmem>> -> memref<128x128xf32, #tpu.memory_space<vmem>>
        %dma_wait3A_542 = arith.constant 0 : i32
        %dma_wait3A_543 = tpu.memref_slice %arg8[%run_scoped3A_285, %dma_wait3A_542] : memref<16x128xi32, #tpu.memory_space<vmem>> -> memref<1x128xi32, #tpu.memory_space<vmem>>
        %dma_wait3A_544 = tpu.memref_squeeze %dma_wait3A_543 : memref<1x128xi32, #tpu.memory_space<vmem>> -> memref<128xi32, #tpu.memory_space<vmem>>
        %dma_wait3A_545 = arith.constant 0 : i32
        %dma_wait3A_546 = arith.constant 0 : i32
        %dma_wait3A_547 = tpu.memref_slice %arg10[%dma_wait3A_545, %dma_wait3A_546] : memref<10016x128xf32, #tpu.memory_space<vmem_shared>> -> memref<10016x128xf32, #tpu.memory_space<vmem_shared>>
        tpu.wait_indirect_dma semaphore(%run_scoped3A_527 : memref<!tpu.dma_semaphore, #tpu.memory_space<semaphore_mem>>) src(%dma_wait3A_541 : memref<128x128xf32, #tpu.memory_space<vmem>>) dst(%dma_wait3A_547 : memref<10016x128xf32, #tpu.memory_space<vmem_shared>>)
        tpu.yield
      }) : () -> ()
      %dma_start3A_286 = arith.constant 9 : i32
      %dma_start3A_287 = arith.constant 1 : i32
      %dma_start3A_288 = arith.constant 1 : i32
      %dma_start3A_289 = arith.constant 0 : i32
      %dma_start3A_290 = arith.constant 0 : i32
      %dma_start3A_291 = tpu.memref_slice %arg9[%dma_start3A_287, %dma_start3A_289, %dma_start3A_290] : memref<2x128x128xf32, #tpu.memory_space<vmem>> -> memref<1x128x128xf32, #tpu.memory_space<vmem>>
      %dma_start3A_292 = tpu.memref_squeeze %dma_start3A_291 : memref<1x128x128xf32, #tpu.memory_space<vmem>> -> memref<128x128xf32, #tpu.memory_space<vmem>>
      %dma_start3A_293 = arith.constant 0 : i32
      %dma_start3A_294 = tpu.memref_slice %arg7[%dma_start3A_286, %dma_start3A_293] : memref<16x128xi32, #tpu.memory_space<vmem>> -> memref<1x128xi32, #tpu.memory_space<vmem>>
      %dma_start3A_295 = tpu.memref_squeeze %dma_start3A_294 : memref<1x128xi32, #tpu.memory_space<vmem>> -> memref<128xi32, #tpu.memory_space<vmem>>
      %dma_start3A_296 = arith.constant 0 : i32
      %dma_start3A_297 = arith.constant 0 : i32
      %dma_start3A_298 = tpu.memref_slice %arg2[%dma_start3A_296, %dma_start3A_297] : memref<10000x128xf32, #tpu.memory_space<hbm>> -> memref<10000x128xf32, #tpu.memory_space<hbm>>
      %dma_start3A_299 = tpu.memref_slice %arg11[%dma_start3A_288] : memref<2x!tpu.dma_semaphore, #tpu.memory_space<semaphore_mem>> -> memref<1x!tpu.dma_semaphore, #tpu.memory_space<semaphore_mem>>
      %dma_start3A_300 = tpu.memref_squeeze %dma_start3A_299 : memref<1x!tpu.dma_semaphore, #tpu.memory_space<semaphore_mem>> -> memref<!tpu.dma_semaphore, #tpu.memory_space<semaphore_mem>>
      tpu.enqueue_indirect_dma source(%dma_start3A_298 : memref<10000x128xf32, #tpu.memory_space<hbm>>) target(%dma_start3A_292 : memref<128x128xf32, #tpu.memory_space<vmem>>) offsets(%dma_start3A_295 : memref<128xi32, #tpu.memory_space<vmem>>) semaphore(%dma_start3A_300 : memref<!tpu.dma_semaphore, #tpu.memory_space<semaphore_mem>>)
      %dma_wait3A_301 = arith.constant 8 : i32
      %dma_wait3A_302 = arith.constant 0 : i32
      %dma_wait3A_303 = arith.constant 0 : i32
      %dma_wait3A_304 = arith.constant 0 : i32
      %dma_wait3A_305 = arith.constant 0 : i32
      %dma_wait3A_306 = tpu.memref_slice %arg9[%dma_wait3A_302, %dma_wait3A_304, %dma_wait3A_305] : memref<2x128x128xf32, #tpu.memory_space<vmem>> -> memref<1x128x128xf32, #tpu.memory_space<vmem>>
      %dma_wait3A_307 = tpu.memref_squeeze %dma_wait3A_306 : memref<1x128x128xf32, #tpu.memory_space<vmem>> -> memref<128x128xf32, #tpu.memory_space<vmem>>
      %dma_wait3A_308 = arith.constant 0 : i32
      %dma_wait3A_309 = tpu.memref_slice %arg7[%dma_wait3A_301, %dma_wait3A_308] : memref<16x128xi32, #tpu.memory_space<vmem>> -> memref<1x128xi32, #tpu.memory_space<vmem>>
      %dma_wait3A_310 = tpu.memref_squeeze %dma_wait3A_309 : memref<1x128xi32, #tpu.memory_space<vmem>> -> memref<128xi32, #tpu.memory_space<vmem>>
      %dma_wait3A_311 = arith.constant 0 : i32
      %dma_wait3A_312 = arith.constant 0 : i32
      %dma_wait3A_313 = tpu.memref_slice %arg2[%dma_wait3A_311, %dma_wait3A_312] : memref<10000x128xf32, #tpu.memory_space<hbm>> -> memref<10000x128xf32, #tpu.memory_space<hbm>>
      %dma_wait3A_314 = tpu.memref_slice %arg11[%dma_wait3A_303] : memref<2x!tpu.dma_semaphore, #tpu.memory_space<semaphore_mem>> -> memref<1x!tpu.dma_semaphore, #tpu.memory_space<semaphore_mem>>
      %dma_wait3A_315 = tpu.memref_squeeze %dma_wait3A_314 : memref<1x!tpu.dma_semaphore, #tpu.memory_space<semaphore_mem>> -> memref<!tpu.dma_semaphore, #tpu.memory_space<semaphore_mem>>
      tpu.wait_indirect_dma semaphore(%dma_wait3A_315 : memref<!tpu.dma_semaphore, #tpu.memory_space<semaphore_mem>>) src(%dma_wait3A_313 : memref<10000x128xf32, #tpu.memory_space<hbm>>) dst(%dma_wait3A_307 : memref<128x128xf32, #tpu.memory_space<vmem>>)
      %run_scoped3A_316 = arith.constant 0 : i32
      %run_scoped3A_317 = arith.constant 8 : i32
      "tpu.region"() ({
        %run_scoped3A_527 = tpu.sem_alloc : memref<!tpu.dma_semaphore, #tpu.memory_space<semaphore_mem>>
        %dma_start3A_528 = arith.constant 0 : i32
        %dma_start3A_529 = arith.constant 0 : i32
        %dma_start3A_530 = tpu.memref_slice %arg9[%run_scoped3A_316, %dma_start3A_528, %dma_start3A_529] : memref<2x128x128xf32, #tpu.memory_space<vmem>> -> memref<1x128x128xf32, #tpu.memory_space<vmem>>
        %dma_start3A_531 = tpu.memref_squeeze %dma_start3A_530 : memref<1x128x128xf32, #tpu.memory_space<vmem>> -> memref<128x128xf32, #tpu.memory_space<vmem>>
        %dma_start3A_532 = arith.constant 0 : i32
        %dma_start3A_533 = tpu.memref_slice %arg8[%run_scoped3A_317, %dma_start3A_532] : memref<16x128xi32, #tpu.memory_space<vmem>> -> memref<1x128xi32, #tpu.memory_space<vmem>>
        %dma_start3A_534 = tpu.memref_squeeze %dma_start3A_533 : memref<1x128xi32, #tpu.memory_space<vmem>> -> memref<128xi32, #tpu.memory_space<vmem>>
        %dma_start3A_535 = arith.constant 0 : i32
        %dma_start3A_536 = arith.constant 0 : i32
        %dma_start3A_537 = tpu.memref_slice %arg10[%dma_start3A_535, %dma_start3A_536] : memref<10016x128xf32, #tpu.memory_space<vmem_shared>> -> memref<10016x128xf32, #tpu.memory_space<vmem_shared>>
        tpu.enqueue_indirect_dma source(%dma_start3A_531 : memref<128x128xf32, #tpu.memory_space<vmem>>) target(%dma_start3A_537 : memref<10016x128xf32, #tpu.memory_space<vmem_shared>>) offsets(%dma_start3A_534 : memref<128xi32, #tpu.memory_space<vmem>>) semaphore(%run_scoped3A_527 : memref<!tpu.dma_semaphore, #tpu.memory_space<semaphore_mem>>) {add = true}
        %dma_wait3A_538 = arith.constant 0 : i32
        %dma_wait3A_539 = arith.constant 0 : i32
        %dma_wait3A_540 = tpu.memref_slice %arg9[%run_scoped3A_316, %dma_wait3A_538, %dma_wait3A_539] : memref<2x128x128xf32, #tpu.memory_space<vmem>> -> memref<1x128x128xf32, #tpu.memory_space<vmem>>
        %dma_wait3A_541 = tpu.memref_squeeze %dma_wait3A_540 : memref<1x128x128xf32, #tpu.memory_space<vmem>> -> memref<128x128xf32, #tpu.memory_space<vmem>>
        %dma_wait3A_542 = arith.constant 0 : i32
        %dma_wait3A_543 = tpu.memref_slice %arg8[%run_scoped3A_317, %dma_wait3A_542] : memref<16x128xi32, #tpu.memory_space<vmem>> -> memref<1x128xi32, #tpu.memory_space<vmem>>
        %dma_wait3A_544 = tpu.memref_squeeze %dma_wait3A_543 : memref<1x128xi32, #tpu.memory_space<vmem>> -> memref<128xi32, #tpu.memory_space<vmem>>
        %dma_wait3A_545 = arith.constant 0 : i32
        %dma_wait3A_546 = arith.constant 0 : i32
        %dma_wait3A_547 = tpu.memref_slice %arg10[%dma_wait3A_545, %dma_wait3A_546] : memref<10016x128xf32, #tpu.memory_space<vmem_shared>> -> memref<10016x128xf32, #tpu.memory_space<vmem_shared>>
        tpu.wait_indirect_dma semaphore(%run_scoped3A_527 : memref<!tpu.dma_semaphore, #tpu.memory_space<semaphore_mem>>) src(%dma_wait3A_541 : memref<128x128xf32, #tpu.memory_space<vmem>>) dst(%dma_wait3A_547 : memref<10016x128xf32, #tpu.memory_space<vmem_shared>>)
        tpu.yield
      }) : () -> ()
      %dma_start3A_318 = arith.constant 10 : i32
      %dma_start3A_319 = arith.constant 0 : i32
      %dma_start3A_320 = arith.constant 0 : i32
      %dma_start3A_321 = arith.constant 0 : i32
      %dma_start3A_322 = arith.constant 0 : i32
      %dma_start3A_323 = tpu.memref_slice %arg9[%dma_start3A_319, %dma_start3A_321, %dma_start3A_322] : memref<2x128x128xf32, #tpu.memory_space<vmem>> -> memref<1x128x128xf32, #tpu.memory_space<vmem>>
      %dma_start3A_324 = tpu.memref_squeeze %dma_start3A_323 : memref<1x128x128xf32, #tpu.memory_space<vmem>> -> memref<128x128xf32, #tpu.memory_space<vmem>>
      %dma_start3A_325 = arith.constant 0 : i32
      %dma_start3A_326 = tpu.memref_slice %arg7[%dma_start3A_318, %dma_start3A_325] : memref<16x128xi32, #tpu.memory_space<vmem>> -> memref<1x128xi32, #tpu.memory_space<vmem>>
      %dma_start3A_327 = tpu.memref_squeeze %dma_start3A_326 : memref<1x128xi32, #tpu.memory_space<vmem>> -> memref<128xi32, #tpu.memory_space<vmem>>
      %dma_start3A_328 = arith.constant 0 : i32
      %dma_start3A_329 = arith.constant 0 : i32
      %dma_start3A_330 = tpu.memref_slice %arg2[%dma_start3A_328, %dma_start3A_329] : memref<10000x128xf32, #tpu.memory_space<hbm>> -> memref<10000x128xf32, #tpu.memory_space<hbm>>
      %dma_start3A_331 = tpu.memref_slice %arg11[%dma_start3A_320] : memref<2x!tpu.dma_semaphore, #tpu.memory_space<semaphore_mem>> -> memref<1x!tpu.dma_semaphore, #tpu.memory_space<semaphore_mem>>
      %dma_start3A_332 = tpu.memref_squeeze %dma_start3A_331 : memref<1x!tpu.dma_semaphore, #tpu.memory_space<semaphore_mem>> -> memref<!tpu.dma_semaphore, #tpu.memory_space<semaphore_mem>>
      tpu.enqueue_indirect_dma source(%dma_start3A_330 : memref<10000x128xf32, #tpu.memory_space<hbm>>) target(%dma_start3A_324 : memref<128x128xf32, #tpu.memory_space<vmem>>) offsets(%dma_start3A_327 : memref<128xi32, #tpu.memory_space<vmem>>) semaphore(%dma_start3A_332 : memref<!tpu.dma_semaphore, #tpu.memory_space<semaphore_mem>>)
      %dma_wait3A_333 = arith.constant 9 : i32
      %dma_wait3A_334 = arith.constant 1 : i32
      %dma_wait3A_335 = arith.constant 1 : i32
      %dma_wait3A_336 = arith.constant 0 : i32
      %dma_wait3A_337 = arith.constant 0 : i32
      %dma_wait3A_338 = tpu.memref_slice %arg9[%dma_wait3A_334, %dma_wait3A_336, %dma_wait3A_337] : memref<2x128x128xf32, #tpu.memory_space<vmem>> -> memref<1x128x128xf32, #tpu.memory_space<vmem>>
      %dma_wait3A_339 = tpu.memref_squeeze %dma_wait3A_338 : memref<1x128x128xf32, #tpu.memory_space<vmem>> -> memref<128x128xf32, #tpu.memory_space<vmem>>
      %dma_wait3A_340 = arith.constant 0 : i32
      %dma_wait3A_341 = tpu.memref_slice %arg7[%dma_wait3A_333, %dma_wait3A_340] : memref<16x128xi32, #tpu.memory_space<vmem>> -> memref<1x128xi32, #tpu.memory_space<vmem>>
      %dma_wait3A_342 = tpu.memref_squeeze %dma_wait3A_341 : memref<1x128xi32, #tpu.memory_space<vmem>> -> memref<128xi32, #tpu.memory_space<vmem>>
      %dma_wait3A_343 = arith.constant 0 : i32
      %dma_wait3A_344 = arith.constant 0 : i32
      %dma_wait3A_345 = tpu.memref_slice %arg2[%dma_wait3A_343, %dma_wait3A_344] : memref<10000x128xf32, #tpu.memory_space<hbm>> -> memref<10000x128xf32, #tpu.memory_space<hbm>>
      %dma_wait3A_346 = tpu.memref_slice %arg11[%dma_wait3A_335] : memref<2x!tpu.dma_semaphore, #tpu.memory_space<semaphore_mem>> -> memref<1x!tpu.dma_semaphore, #tpu.memory_space<semaphore_mem>>
      %dma_wait3A_347 = tpu.memref_squeeze %dma_wait3A_346 : memref<1x!tpu.dma_semaphore, #tpu.memory_space<semaphore_mem>> -> memref<!tpu.dma_semaphore, #tpu.memory_space<semaphore_mem>>
      tpu.wait_indirect_dma semaphore(%dma_wait3A_347 : memref<!tpu.dma_semaphore, #tpu.memory_space<semaphore_mem>>) src(%dma_wait3A_345 : memref<10000x128xf32, #tpu.memory_space<hbm>>) dst(%dma_wait3A_339 : memref<128x128xf32, #tpu.memory_space<vmem>>)
      %run_scoped3A_348 = arith.constant 1 : i32
      %run_scoped3A_349 = arith.constant 9 : i32
      "tpu.region"() ({
        %run_scoped3A_527 = tpu.sem_alloc : memref<!tpu.dma_semaphore, #tpu.memory_space<semaphore_mem>>
        %dma_start3A_528 = arith.constant 0 : i32
        %dma_start3A_529 = arith.constant 0 : i32
        %dma_start3A_530 = tpu.memref_slice %arg9[%run_scoped3A_348, %dma_start3A_528, %dma_start3A_529] : memref<2x128x128xf32, #tpu.memory_space<vmem>> -> memref<1x128x128xf32, #tpu.memory_space<vmem>>
        %dma_start3A_531 = tpu.memref_squeeze %dma_start3A_530 : memref<1x128x128xf32, #tpu.memory_space<vmem>> -> memref<128x128xf32, #tpu.memory_space<vmem>>
        %dma_start3A_532 = arith.constant 0 : i32
        %dma_start3A_533 = tpu.memref_slice %arg8[%run_scoped3A_349, %dma_start3A_532] : memref<16x128xi32, #tpu.memory_space<vmem>> -> memref<1x128xi32, #tpu.memory_space<vmem>>
        %dma_start3A_534 = tpu.memref_squeeze %dma_start3A_533 : memref<1x128xi32, #tpu.memory_space<vmem>> -> memref<128xi32, #tpu.memory_space<vmem>>
        %dma_start3A_535 = arith.constant 0 : i32
        %dma_start3A_536 = arith.constant 0 : i32
        %dma_start3A_537 = tpu.memref_slice %arg10[%dma_start3A_535, %dma_start3A_536] : memref<10016x128xf32, #tpu.memory_space<vmem_shared>> -> memref<10016x128xf32, #tpu.memory_space<vmem_shared>>
        tpu.enqueue_indirect_dma source(%dma_start3A_531 : memref<128x128xf32, #tpu.memory_space<vmem>>) target(%dma_start3A_537 : memref<10016x128xf32, #tpu.memory_space<vmem_shared>>) offsets(%dma_start3A_534 : memref<128xi32, #tpu.memory_space<vmem>>) semaphore(%run_scoped3A_527 : memref<!tpu.dma_semaphore, #tpu.memory_space<semaphore_mem>>) {add = true}
        %dma_wait3A_538 = arith.constant 0 : i32
        %dma_wait3A_539 = arith.constant 0 : i32
        %dma_wait3A_540 = tpu.memref_slice %arg9[%run_scoped3A_348, %dma_wait3A_538, %dma_wait3A_539] : memref<2x128x128xf32, #tpu.memory_space<vmem>> -> memref<1x128x128xf32, #tpu.memory_space<vmem>>
        %dma_wait3A_541 = tpu.memref_squeeze %dma_wait3A_540 : memref<1x128x128xf32, #tpu.memory_space<vmem>> -> memref<128x128xf32, #tpu.memory_space<vmem>>
        %dma_wait3A_542 = arith.constant 0 : i32
        %dma_wait3A_543 = tpu.memref_slice %arg8[%run_scoped3A_349, %dma_wait3A_542] : memref<16x128xi32, #tpu.memory_space<vmem>> -> memref<1x128xi32, #tpu.memory_space<vmem>>
        %dma_wait3A_544 = tpu.memref_squeeze %dma_wait3A_543 : memref<1x128xi32, #tpu.memory_space<vmem>> -> memref<128xi32, #tpu.memory_space<vmem>>
        %dma_wait3A_545 = arith.constant 0 : i32
        %dma_wait3A_546 = arith.constant 0 : i32
        %dma_wait3A_547 = tpu.memref_slice %arg10[%dma_wait3A_545, %dma_wait3A_546] : memref<10016x128xf32, #tpu.memory_space<vmem_shared>> -> memref<10016x128xf32, #tpu.memory_space<vmem_shared>>
        tpu.wait_indirect_dma semaphore(%run_scoped3A_527 : memref<!tpu.dma_semaphore, #tpu.memory_space<semaphore_mem>>) src(%dma_wait3A_541 : memref<128x128xf32, #tpu.memory_space<vmem>>) dst(%dma_wait3A_547 : memref<10016x128xf32, #tpu.memory_space<vmem_shared>>)
        tpu.yield
      }) : () -> ()
      %dma_start3A_350 = arith.constant 11 : i32
      %dma_start3A_351 = arith.constant 1 : i32
      %dma_start3A_352 = arith.constant 1 : i32
      %dma_start3A_353 = arith.constant 0 : i32
      %dma_start3A_354 = arith.constant 0 : i32
      %dma_start3A_355 = tpu.memref_slice %arg9[%dma_start3A_351, %dma_start3A_353, %dma_start3A_354] : memref<2x128x128xf32, #tpu.memory_space<vmem>> -> memref<1x128x128xf32, #tpu.memory_space<vmem>>
      %dma_start3A_356 = tpu.memref_squeeze %dma_start3A_355 : memref<1x128x128xf32, #tpu.memory_space<vmem>> -> memref<128x128xf32, #tpu.memory_space<vmem>>
      %dma_start3A_357 = arith.constant 0 : i32
      %dma_start3A_358 = tpu.memref_slice %arg7[%dma_start3A_350, %dma_start3A_357] : memref<16x128xi32, #tpu.memory_space<vmem>> -> memref<1x128xi32, #tpu.memory_space<vmem>>
      %dma_start3A_359 = tpu.memref_squeeze %dma_start3A_358 : memref<1x128xi32, #tpu.memory_space<vmem>> -> memref<128xi32, #tpu.memory_space<vmem>>
      %dma_start3A_360 = arith.constant 0 : i32
      %dma_start3A_361 = arith.constant 0 : i32
      %dma_start3A_362 = tpu.memref_slice %arg2[%dma_start3A_360, %dma_start3A_361] : memref<10000x128xf32, #tpu.memory_space<hbm>> -> memref<10000x128xf32, #tpu.memory_space<hbm>>
      %dma_start3A_363 = tpu.memref_slice %arg11[%dma_start3A_352] : memref<2x!tpu.dma_semaphore, #tpu.memory_space<semaphore_mem>> -> memref<1x!tpu.dma_semaphore, #tpu.memory_space<semaphore_mem>>
      %dma_start3A_364 = tpu.memref_squeeze %dma_start3A_363 : memref<1x!tpu.dma_semaphore, #tpu.memory_space<semaphore_mem>> -> memref<!tpu.dma_semaphore, #tpu.memory_space<semaphore_mem>>
      tpu.enqueue_indirect_dma source(%dma_start3A_362 : memref<10000x128xf32, #tpu.memory_space<hbm>>) target(%dma_start3A_356 : memref<128x128xf32, #tpu.memory_space<vmem>>) offsets(%dma_start3A_359 : memref<128xi32, #tpu.memory_space<vmem>>) semaphore(%dma_start3A_364 : memref<!tpu.dma_semaphore, #tpu.memory_space<semaphore_mem>>)
      %dma_wait3A_365 = arith.constant 10 : i32
      %dma_wait3A_366 = arith.constant 0 : i32
      %dma_wait3A_367 = arith.constant 0 : i32
      %dma_wait3A_368 = arith.constant 0 : i32
      %dma_wait3A_369 = arith.constant 0 : i32
      %dma_wait3A_370 = tpu.memref_slice %arg9[%dma_wait3A_366, %dma_wait3A_368, %dma_wait3A_369] : memref<2x128x128xf32, #tpu.memory_space<vmem>> -> memref<1x128x128xf32, #tpu.memory_space<vmem>>
      %dma_wait3A_371 = tpu.memref_squeeze %dma_wait3A_370 : memref<1x128x128xf32, #tpu.memory_space<vmem>> -> memref<128x128xf32, #tpu.memory_space<vmem>>
      %dma_wait3A_372 = arith.constant 0 : i32
      %dma_wait3A_373 = tpu.memref_slice %arg7[%dma_wait3A_365, %dma_wait3A_372] : memref<16x128xi32, #tpu.memory_space<vmem>> -> memref<1x128xi32, #tpu.memory_space<vmem>>
      %dma_wait3A_374 = tpu.memref_squeeze %dma_wait3A_373 : memref<1x128xi32, #tpu.memory_space<vmem>> -> memref<128xi32, #tpu.memory_space<vmem>>
      %dma_wait3A_375 = arith.constant 0 : i32
      %dma_wait3A_376 = arith.constant 0 : i32
      %dma_wait3A_377 = tpu.memref_slice %arg2[%dma_wait3A_375, %dma_wait3A_376] : memref<10000x128xf32, #tpu.memory_space<hbm>> -> memref<10000x128xf32, #tpu.memory_space<hbm>>
      %dma_wait3A_378 = tpu.memref_slice %arg11[%dma_wait3A_367] : memref<2x!tpu.dma_semaphore, #tpu.memory_space<semaphore_mem>> -> memref<1x!tpu.dma_semaphore, #tpu.memory_space<semaphore_mem>>
      %dma_wait3A_379 = tpu.memref_squeeze %dma_wait3A_378 : memref<1x!tpu.dma_semaphore, #tpu.memory_space<semaphore_mem>> -> memref<!tpu.dma_semaphore, #tpu.memory_space<semaphore_mem>>
      tpu.wait_indirect_dma semaphore(%dma_wait3A_379 : memref<!tpu.dma_semaphore, #tpu.memory_space<semaphore_mem>>) src(%dma_wait3A_377 : memref<10000x128xf32, #tpu.memory_space<hbm>>) dst(%dma_wait3A_371 : memref<128x128xf32, #tpu.memory_space<vmem>>)
      %run_scoped3A_380 = arith.constant 0 : i32
      %run_scoped3A_381 = arith.constant 10 : i32
      "tpu.region"() ({
        %run_scoped3A_527 = tpu.sem_alloc : memref<!tpu.dma_semaphore, #tpu.memory_space<semaphore_mem>>
        %dma_start3A_528 = arith.constant 0 : i32
        %dma_start3A_529 = arith.constant 0 : i32
        %dma_start3A_530 = tpu.memref_slice %arg9[%run_scoped3A_380, %dma_start3A_528, %dma_start3A_529] : memref<2x128x128xf32, #tpu.memory_space<vmem>> -> memref<1x128x128xf32, #tpu.memory_space<vmem>>
        %dma_start3A_531 = tpu.memref_squeeze %dma_start3A_530 : memref<1x128x128xf32, #tpu.memory_space<vmem>> -> memref<128x128xf32, #tpu.memory_space<vmem>>
        %dma_start3A_532 = arith.constant 0 : i32
        %dma_start3A_533 = tpu.memref_slice %arg8[%run_scoped3A_381, %dma_start3A_532] : memref<16x128xi32, #tpu.memory_space<vmem>> -> memref<1x128xi32, #tpu.memory_space<vmem>>
        %dma_start3A_534 = tpu.memref_squeeze %dma_start3A_533 : memref<1x128xi32, #tpu.memory_space<vmem>> -> memref<128xi32, #tpu.memory_space<vmem>>
        %dma_start3A_535 = arith.constant 0 : i32
        %dma_start3A_536 = arith.constant 0 : i32
        %dma_start3A_537 = tpu.memref_slice %arg10[%dma_start3A_535, %dma_start3A_536] : memref<10016x128xf32, #tpu.memory_space<vmem_shared>> -> memref<10016x128xf32, #tpu.memory_space<vmem_shared>>
        tpu.enqueue_indirect_dma source(%dma_start3A_531 : memref<128x128xf32, #tpu.memory_space<vmem>>) target(%dma_start3A_537 : memref<10016x128xf32, #tpu.memory_space<vmem_shared>>) offsets(%dma_start3A_534 : memref<128xi32, #tpu.memory_space<vmem>>) semaphore(%run_scoped3A_527 : memref<!tpu.dma_semaphore, #tpu.memory_space<semaphore_mem>>) {add = true}
        %dma_wait3A_538 = arith.constant 0 : i32
        %dma_wait3A_539 = arith.constant 0 : i32
        %dma_wait3A_540 = tpu.memref_slice %arg9[%run_scoped3A_380, %dma_wait3A_538, %dma_wait3A_539] : memref<2x128x128xf32, #tpu.memory_space<vmem>> -> memref<1x128x128xf32, #tpu.memory_space<vmem>>
        %dma_wait3A_541 = tpu.memref_squeeze %dma_wait3A_540 : memref<1x128x128xf32, #tpu.memory_space<vmem>> -> memref<128x128xf32, #tpu.memory_space<vmem>>
        %dma_wait3A_542 = arith.constant 0 : i32
        %dma_wait3A_543 = tpu.memref_slice %arg8[%run_scoped3A_381, %dma_wait3A_542] : memref<16x128xi32, #tpu.memory_space<vmem>> -> memref<1x128xi32, #tpu.memory_space<vmem>>
        %dma_wait3A_544 = tpu.memref_squeeze %dma_wait3A_543 : memref<1x128xi32, #tpu.memory_space<vmem>> -> memref<128xi32, #tpu.memory_space<vmem>>
        %dma_wait3A_545 = arith.constant 0 : i32
        %dma_wait3A_546 = arith.constant 0 : i32
        %dma_wait3A_547 = tpu.memref_slice %arg10[%dma_wait3A_545, %dma_wait3A_546] : memref<10016x128xf32, #tpu.memory_space<vmem_shared>> -> memref<10016x128xf32, #tpu.memory_space<vmem_shared>>
        tpu.wait_indirect_dma semaphore(%run_scoped3A_527 : memref<!tpu.dma_semaphore, #tpu.memory_space<semaphore_mem>>) src(%dma_wait3A_541 : memref<128x128xf32, #tpu.memory_space<vmem>>) dst(%dma_wait3A_547 : memref<10016x128xf32, #tpu.memory_space<vmem_shared>>)
        tpu.yield
      }) : () -> ()
      %dma_start3A_382 = arith.constant 12 : i32
      %dma_start3A_383 = arith.constant 0 : i32
      %dma_start3A_384 = arith.constant 0 : i32
      %dma_start3A_385 = arith.constant 0 : i32
      %dma_start3A_386 = arith.constant 0 : i32
      %dma_start3A_387 = tpu.memref_slice %arg9[%dma_start3A_383, %dma_start3A_385, %dma_start3A_386] : memref<2x128x128xf32, #tpu.memory_space<vmem>> -> memref<1x128x128xf32, #tpu.memory_space<vmem>>
      %dma_start3A_388 = tpu.memref_squeeze %dma_start3A_387 : memref<1x128x128xf32, #tpu.memory_space<vmem>> -> memref<128x128xf32, #tpu.memory_space<vmem>>
      %dma_start3A_389 = arith.constant 0 : i32
      %dma_start3A_390 = tpu.memref_slice %arg7[%dma_start3A_382, %dma_start3A_389] : memref<16x128xi32, #tpu.memory_space<vmem>> -> memref<1x128xi32, #tpu.memory_space<vmem>>
      %dma_start3A_391 = tpu.memref_squeeze %dma_start3A_390 : memref<1x128xi32, #tpu.memory_space<vmem>> -> memref<128xi32, #tpu.memory_space<vmem>>
      %dma_start3A_392 = arith.constant 0 : i32
      %dma_start3A_393 = arith.constant 0 : i32
      %dma_start3A_394 = tpu.memref_slice %arg2[%dma_start3A_392, %dma_start3A_393] : memref<10000x128xf32, #tpu.memory_space<hbm>> -> memref<10000x128xf32, #tpu.memory_space<hbm>>
      %dma_start3A_395 = tpu.memref_slice %arg11[%dma_start3A_384] : memref<2x!tpu.dma_semaphore, #tpu.memory_space<semaphore_mem>> -> memref<1x!tpu.dma_semaphore, #tpu.memory_space<semaphore_mem>>
      %dma_start3A_396 = tpu.memref_squeeze %dma_start3A_395 : memref<1x!tpu.dma_semaphore, #tpu.memory_space<semaphore_mem>> -> memref<!tpu.dma_semaphore, #tpu.memory_space<semaphore_mem>>
      tpu.enqueue_indirect_dma source(%dma_start3A_394 : memref<10000x128xf32, #tpu.memory_space<hbm>>) target(%dma_start3A_388 : memref<128x128xf32, #tpu.memory_space<vmem>>) offsets(%dma_start3A_391 : memref<128xi32, #tpu.memory_space<vmem>>) semaphore(%dma_start3A_396 : memref<!tpu.dma_semaphore, #tpu.memory_space<semaphore_mem>>)
      %dma_wait3A_397 = arith.constant 11 : i32
      %dma_wait3A_398 = arith.constant 1 : i32
      %dma_wait3A_399 = arith.constant 1 : i32
      %dma_wait3A_400 = arith.constant 0 : i32
      %dma_wait3A_401 = arith.constant 0 : i32
      %dma_wait3A_402 = tpu.memref_slice %arg9[%dma_wait3A_398, %dma_wait3A_400, %dma_wait3A_401] : memref<2x128x128xf32, #tpu.memory_space<vmem>> -> memref<1x128x128xf32, #tpu.memory_space<vmem>>
      %dma_wait3A_403 = tpu.memref_squeeze %dma_wait3A_402 : memref<1x128x128xf32, #tpu.memory_space<vmem>> -> memref<128x128xf32, #tpu.memory_space<vmem>>
      %dma_wait3A_404 = arith.constant 0 : i32
      %dma_wait3A_405 = tpu.memref_slice %arg7[%dma_wait3A_397, %dma_wait3A_404] : memref<16x128xi32, #tpu.memory_space<vmem>> -> memref<1x128xi32, #tpu.memory_space<vmem>>
      %dma_wait3A_406 = tpu.memref_squeeze %dma_wait3A_405 : memref<1x128xi32, #tpu.memory_space<vmem>> -> memref<128xi32, #tpu.memory_space<vmem>>
      %dma_wait3A_407 = arith.constant 0 : i32
      %dma_wait3A_408 = arith.constant 0 : i32
      %dma_wait3A_409 = tpu.memref_slice %arg2[%dma_wait3A_407, %dma_wait3A_408] : memref<10000x128xf32, #tpu.memory_space<hbm>> -> memref<10000x128xf32, #tpu.memory_space<hbm>>
      %dma_wait3A_410 = tpu.memref_slice %arg11[%dma_wait3A_399] : memref<2x!tpu.dma_semaphore, #tpu.memory_space<semaphore_mem>> -> memref<1x!tpu.dma_semaphore, #tpu.memory_space<semaphore_mem>>
      %dma_wait3A_411 = tpu.memref_squeeze %dma_wait3A_410 : memref<1x!tpu.dma_semaphore, #tpu.memory_space<semaphore_mem>> -> memref<!tpu.dma_semaphore, #tpu.memory_space<semaphore_mem>>
      tpu.wait_indirect_dma semaphore(%dma_wait3A_411 : memref<!tpu.dma_semaphore, #tpu.memory_space<semaphore_mem>>) src(%dma_wait3A_409 : memref<10000x128xf32, #tpu.memory_space<hbm>>) dst(%dma_wait3A_403 : memref<128x128xf32, #tpu.memory_space<vmem>>)
      %run_scoped3A_412 = arith.constant 1 : i32
      %run_scoped3A_413 = arith.constant 11 : i32
      "tpu.region"() ({
        %run_scoped3A_527 = tpu.sem_alloc : memref<!tpu.dma_semaphore, #tpu.memory_space<semaphore_mem>>
        %dma_start3A_528 = arith.constant 0 : i32
        %dma_start3A_529 = arith.constant 0 : i32
        %dma_start3A_530 = tpu.memref_slice %arg9[%run_scoped3A_412, %dma_start3A_528, %dma_start3A_529] : memref<2x128x128xf32, #tpu.memory_space<vmem>> -> memref<1x128x128xf32, #tpu.memory_space<vmem>>
        %dma_start3A_531 = tpu.memref_squeeze %dma_start3A_530 : memref<1x128x128xf32, #tpu.memory_space<vmem>> -> memref<128x128xf32, #tpu.memory_space<vmem>>
        %dma_start3A_532 = arith.constant 0 : i32
        %dma_start3A_533 = tpu.memref_slice %arg8[%run_scoped3A_413, %dma_start3A_532] : memref<16x128xi32, #tpu.memory_space<vmem>> -> memref<1x128xi32, #tpu.memory_space<vmem>>
        %dma_start3A_534 = tpu.memref_squeeze %dma_start3A_533 : memref<1x128xi32, #tpu.memory_space<vmem>> -> memref<128xi32, #tpu.memory_space<vmem>>
        %dma_start3A_535 = arith.constant 0 : i32
        %dma_start3A_536 = arith.constant 0 : i32
        %dma_start3A_537 = tpu.memref_slice %arg10[%dma_start3A_535, %dma_start3A_536] : memref<10016x128xf32, #tpu.memory_space<vmem_shared>> -> memref<10016x128xf32, #tpu.memory_space<vmem_shared>>
        tpu.enqueue_indirect_dma source(%dma_start3A_531 : memref<128x128xf32, #tpu.memory_space<vmem>>) target(%dma_start3A_537 : memref<10016x128xf32, #tpu.memory_space<vmem_shared>>) offsets(%dma_start3A_534 : memref<128xi32, #tpu.memory_space<vmem>>) semaphore(%run_scoped3A_527 : memref<!tpu.dma_semaphore, #tpu.memory_space<semaphore_mem>>) {add = true}
        %dma_wait3A_538 = arith.constant 0 : i32
        %dma_wait3A_539 = arith.constant 0 : i32
        %dma_wait3A_540 = tpu.memref_slice %arg9[%run_scoped3A_412, %dma_wait3A_538, %dma_wait3A_539] : memref<2x128x128xf32, #tpu.memory_space<vmem>> -> memref<1x128x128xf32, #tpu.memory_space<vmem>>
        %dma_wait3A_541 = tpu.memref_squeeze %dma_wait3A_540 : memref<1x128x128xf32, #tpu.memory_space<vmem>> -> memref<128x128xf32, #tpu.memory_space<vmem>>
        %dma_wait3A_542 = arith.constant 0 : i32
        %dma_wait3A_543 = tpu.memref_slice %arg8[%run_scoped3A_413, %dma_wait3A_542] : memref<16x128xi32, #tpu.memory_space<vmem>> -> memref<1x128xi32, #tpu.memory_space<vmem>>
        %dma_wait3A_544 = tpu.memref_squeeze %dma_wait3A_543 : memref<1x128xi32, #tpu.memory_space<vmem>> -> memref<128xi32, #tpu.memory_space<vmem>>
        %dma_wait3A_545 = arith.constant 0 : i32
        %dma_wait3A_546 = arith.constant 0 : i32
        %dma_wait3A_547 = tpu.memref_slice %arg10[%dma_wait3A_545, %dma_wait3A_546] : memref<10016x128xf32, #tpu.memory_space<vmem_shared>> -> memref<10016x128xf32, #tpu.memory_space<vmem_shared>>
        tpu.wait_indirect_dma semaphore(%run_scoped3A_527 : memref<!tpu.dma_semaphore, #tpu.memory_space<semaphore_mem>>) src(%dma_wait3A_541 : memref<128x128xf32, #tpu.memory_space<vmem>>) dst(%dma_wait3A_547 : memref<10016x128xf32, #tpu.memory_space<vmem_shared>>)
        tpu.yield
      }) : () -> ()
      %dma_start3A_414 = arith.constant 13 : i32
      %dma_start3A_415 = arith.constant 1 : i32
      %dma_start3A_416 = arith.constant 1 : i32
      %dma_start3A_417 = arith.constant 0 : i32
      %dma_start3A_418 = arith.constant 0 : i32
      %dma_start3A_419 = tpu.memref_slice %arg9[%dma_start3A_415, %dma_start3A_417, %dma_start3A_418] : memref<2x128x128xf32, #tpu.memory_space<vmem>> -> memref<1x128x128xf32, #tpu.memory_space<vmem>>
      %dma_start3A_420 = tpu.memref_squeeze %dma_start3A_419 : memref<1x128x128xf32, #tpu.memory_space<vmem>> -> memref<128x128xf32, #tpu.memory_space<vmem>>
      %dma_start3A_421 = arith.constant 0 : i32
      %dma_start3A_422 = tpu.memref_slice %arg7[%dma_start3A_414, %dma_start3A_421] : memref<16x128xi32, #tpu.memory_space<vmem>> -> memref<1x128xi32, #tpu.memory_space<vmem>>
      %dma_start3A_423 = tpu.memref_squeeze %dma_start3A_422 : memref<1x128xi32, #tpu.memory_space<vmem>> -> memref<128xi32, #tpu.memory_space<vmem>>
      %dma_start3A_424 = arith.constant 0 : i32
      %dma_start3A_425 = arith.constant 0 : i32
      %dma_start3A_426 = tpu.memref_slice %arg2[%dma_start3A_424, %dma_start3A_425] : memref<10000x128xf32, #tpu.memory_space<hbm>> -> memref<10000x128xf32, #tpu.memory_space<hbm>>
      %dma_start3A_427 = tpu.memref_slice %arg11[%dma_start3A_416] : memref<2x!tpu.dma_semaphore, #tpu.memory_space<semaphore_mem>> -> memref<1x!tpu.dma_semaphore, #tpu.memory_space<semaphore_mem>>
      %dma_start3A_428 = tpu.memref_squeeze %dma_start3A_427 : memref<1x!tpu.dma_semaphore, #tpu.memory_space<semaphore_mem>> -> memref<!tpu.dma_semaphore, #tpu.memory_space<semaphore_mem>>
      tpu.enqueue_indirect_dma source(%dma_start3A_426 : memref<10000x128xf32, #tpu.memory_space<hbm>>) target(%dma_start3A_420 : memref<128x128xf32, #tpu.memory_space<vmem>>) offsets(%dma_start3A_423 : memref<128xi32, #tpu.memory_space<vmem>>) semaphore(%dma_start3A_428 : memref<!tpu.dma_semaphore, #tpu.memory_space<semaphore_mem>>)
      %dma_wait3A_429 = arith.constant 12 : i32
      %dma_wait3A_430 = arith.constant 0 : i32
      %dma_wait3A_431 = arith.constant 0 : i32
      %dma_wait3A_432 = arith.constant 0 : i32
      %dma_wait3A_433 = arith.constant 0 : i32
      %dma_wait3A_434 = tpu.memref_slice %arg9[%dma_wait3A_430, %dma_wait3A_432, %dma_wait3A_433] : memref<2x128x128xf32, #tpu.memory_space<vmem>> -> memref<1x128x128xf32, #tpu.memory_space<vmem>>
      %dma_wait3A_435 = tpu.memref_squeeze %dma_wait3A_434 : memref<1x128x128xf32, #tpu.memory_space<vmem>> -> memref<128x128xf32, #tpu.memory_space<vmem>>
      %dma_wait3A_436 = arith.constant 0 : i32
      %dma_wait3A_437 = tpu.memref_slice %arg7[%dma_wait3A_429, %dma_wait3A_436] : memref<16x128xi32, #tpu.memory_space<vmem>> -> memref<1x128xi32, #tpu.memory_space<vmem>>
      %dma_wait3A_438 = tpu.memref_squeeze %dma_wait3A_437 : memref<1x128xi32, #tpu.memory_space<vmem>> -> memref<128xi32, #tpu.memory_space<vmem>>
      %dma_wait3A_439 = arith.constant 0 : i32
      %dma_wait3A_440 = arith.constant 0 : i32
      %dma_wait3A_441 = tpu.memref_slice %arg2[%dma_wait3A_439, %dma_wait3A_440] : memref<10000x128xf32, #tpu.memory_space<hbm>> -> memref<10000x128xf32, #tpu.memory_space<hbm>>
      %dma_wait3A_442 = tpu.memref_slice %arg11[%dma_wait3A_431] : memref<2x!tpu.dma_semaphore, #tpu.memory_space<semaphore_mem>> -> memref<1x!tpu.dma_semaphore, #tpu.memory_space<semaphore_mem>>
      %dma_wait3A_443 = tpu.memref_squeeze %dma_wait3A_442 : memref<1x!tpu.dma_semaphore, #tpu.memory_space<semaphore_mem>> -> memref<!tpu.dma_semaphore, #tpu.memory_space<semaphore_mem>>
      tpu.wait_indirect_dma semaphore(%dma_wait3A_443 : memref<!tpu.dma_semaphore, #tpu.memory_space<semaphore_mem>>) src(%dma_wait3A_441 : memref<10000x128xf32, #tpu.memory_space<hbm>>) dst(%dma_wait3A_435 : memref<128x128xf32, #tpu.memory_space<vmem>>)
      %run_scoped3A_444 = arith.constant 0 : i32
      %run_scoped3A_445 = arith.constant 12 : i32
      "tpu.region"() ({
        %run_scoped3A_527 = tpu.sem_alloc : memref<!tpu.dma_semaphore, #tpu.memory_space<semaphore_mem>>
        %dma_start3A_528 = arith.constant 0 : i32
        %dma_start3A_529 = arith.constant 0 : i32
        %dma_start3A_530 = tpu.memref_slice %arg9[%run_scoped3A_444, %dma_start3A_528, %dma_start3A_529] : memref<2x128x128xf32, #tpu.memory_space<vmem>> -> memref<1x128x128xf32, #tpu.memory_space<vmem>>
        %dma_start3A_531 = tpu.memref_squeeze %dma_start3A_530 : memref<1x128x128xf32, #tpu.memory_space<vmem>> -> memref<128x128xf32, #tpu.memory_space<vmem>>
        %dma_start3A_532 = arith.constant 0 : i32
        %dma_start3A_533 = tpu.memref_slice %arg8[%run_scoped3A_445, %dma_start3A_532] : memref<16x128xi32, #tpu.memory_space<vmem>> -> memref<1x128xi32, #tpu.memory_space<vmem>>
        %dma_start3A_534 = tpu.memref_squeeze %dma_start3A_533 : memref<1x128xi32, #tpu.memory_space<vmem>> -> memref<128xi32, #tpu.memory_space<vmem>>
        %dma_start3A_535 = arith.constant 0 : i32
        %dma_start3A_536 = arith.constant 0 : i32
        %dma_start3A_537 = tpu.memref_slice %arg10[%dma_start3A_535, %dma_start3A_536] : memref<10016x128xf32, #tpu.memory_space<vmem_shared>> -> memref<10016x128xf32, #tpu.memory_space<vmem_shared>>
        tpu.enqueue_indirect_dma source(%dma_start3A_531 : memref<128x128xf32, #tpu.memory_space<vmem>>) target(%dma_start3A_537 : memref<10016x128xf32, #tpu.memory_space<vmem_shared>>) offsets(%dma_start3A_534 : memref<128xi32, #tpu.memory_space<vmem>>) semaphore(%run_scoped3A_527 : memref<!tpu.dma_semaphore, #tpu.memory_space<semaphore_mem>>) {add = true}
        %dma_wait3A_538 = arith.constant 0 : i32
        %dma_wait3A_539 = arith.constant 0 : i32
        %dma_wait3A_540 = tpu.memref_slice %arg9[%run_scoped3A_444, %dma_wait3A_538, %dma_wait3A_539] : memref<2x128x128xf32, #tpu.memory_space<vmem>> -> memref<1x128x128xf32, #tpu.memory_space<vmem>>
        %dma_wait3A_541 = tpu.memref_squeeze %dma_wait3A_540 : memref<1x128x128xf32, #tpu.memory_space<vmem>> -> memref<128x128xf32, #tpu.memory_space<vmem>>
        %dma_wait3A_542 = arith.constant 0 : i32
        %dma_wait3A_543 = tpu.memref_slice %arg8[%run_scoped3A_445, %dma_wait3A_542] : memref<16x128xi32, #tpu.memory_space<vmem>> -> memref<1x128xi32, #tpu.memory_space<vmem>>
        %dma_wait3A_544 = tpu.memref_squeeze %dma_wait3A_543 : memref<1x128xi32, #tpu.memory_space<vmem>> -> memref<128xi32, #tpu.memory_space<vmem>>
        %dma_wait3A_545 = arith.constant 0 : i32
        %dma_wait3A_546 = arith.constant 0 : i32
        %dma_wait3A_547 = tpu.memref_slice %arg10[%dma_wait3A_545, %dma_wait3A_546] : memref<10016x128xf32, #tpu.memory_space<vmem_shared>> -> memref<10016x128xf32, #tpu.memory_space<vmem_shared>>
        tpu.wait_indirect_dma semaphore(%run_scoped3A_527 : memref<!tpu.dma_semaphore, #tpu.memory_space<semaphore_mem>>) src(%dma_wait3A_541 : memref<128x128xf32, #tpu.memory_space<vmem>>) dst(%dma_wait3A_547 : memref<10016x128xf32, #tpu.memory_space<vmem_shared>>)
        tpu.yield
      }) : () -> ()
      %dma_start3A_446 = arith.constant 14 : i32
      %dma_start3A_447 = arith.constant 0 : i32
      %dma_start3A_448 = arith.constant 0 : i32
      %dma_start3A_449 = arith.constant 0 : i32
      %dma_start3A_450 = arith.constant 0 : i32
      %dma_start3A_451 = tpu.memref_slice %arg9[%dma_start3A_447, %dma_start3A_449, %dma_start3A_450] : memref<2x128x128xf32, #tpu.memory_space<vmem>> -> memref<1x128x128xf32, #tpu.memory_space<vmem>>
      %dma_start3A_452 = tpu.memref_squeeze %dma_start3A_451 : memref<1x128x128xf32, #tpu.memory_space<vmem>> -> memref<128x128xf32, #tpu.memory_space<vmem>>
      %dma_start3A_453 = arith.constant 0 : i32
      %dma_start3A_454 = tpu.memref_slice %arg7[%dma_start3A_446, %dma_start3A_453] : memref<16x128xi32, #tpu.memory_space<vmem>> -> memref<1x128xi32, #tpu.memory_space<vmem>>
      %dma_start3A_455 = tpu.memref_squeeze %dma_start3A_454 : memref<1x128xi32, #tpu.memory_space<vmem>> -> memref<128xi32, #tpu.memory_space<vmem>>
      %dma_start3A_456 = arith.constant 0 : i32
      %dma_start3A_457 = arith.constant 0 : i32
      %dma_start3A_458 = tpu.memref_slice %arg2[%dma_start3A_456, %dma_start3A_457] : memref<10000x128xf32, #tpu.memory_space<hbm>> -> memref<10000x128xf32, #tpu.memory_space<hbm>>
      %dma_start3A_459 = tpu.memref_slice %arg11[%dma_start3A_448] : memref<2x!tpu.dma_semaphore, #tpu.memory_space<semaphore_mem>> -> memref<1x!tpu.dma_semaphore, #tpu.memory_space<semaphore_mem>>
      %dma_start3A_460 = tpu.memref_squeeze %dma_start3A_459 : memref<1x!tpu.dma_semaphore, #tpu.memory_space<semaphore_mem>> -> memref<!tpu.dma_semaphore, #tpu.memory_space<semaphore_mem>>
      tpu.enqueue_indirect_dma source(%dma_start3A_458 : memref<10000x128xf32, #tpu.memory_space<hbm>>) target(%dma_start3A_452 : memref<128x128xf32, #tpu.memory_space<vmem>>) offsets(%dma_start3A_455 : memref<128xi32, #tpu.memory_space<vmem>>) semaphore(%dma_start3A_460 : memref<!tpu.dma_semaphore, #tpu.memory_space<semaphore_mem>>)
      %dma_wait3A_461 = arith.constant 13 : i32
      %dma_wait3A_462 = arith.constant 1 : i32
      %dma_wait3A_463 = arith.constant 1 : i32
      %dma_wait3A_464 = arith.constant 0 : i32
      %dma_wait3A_465 = arith.constant 0 : i32
      %dma_wait3A_466 = tpu.memref_slice %arg9[%dma_wait3A_462, %dma_wait3A_464, %dma_wait3A_465] : memref<2x128x128xf32, #tpu.memory_space<vmem>> -> memref<1x128x128xf32, #tpu.memory_space<vmem>>
      %dma_wait3A_467 = tpu.memref_squeeze %dma_wait3A_466 : memref<1x128x128xf32, #tpu.memory_space<vmem>> -> memref<128x128xf32, #tpu.memory_space<vmem>>
      %dma_wait3A_468 = arith.constant 0 : i32
      %dma_wait3A_469 = tpu.memref_slice %arg7[%dma_wait3A_461, %dma_wait3A_468] : memref<16x128xi32, #tpu.memory_space<vmem>> -> memref<1x128xi32, #tpu.memory_space<vmem>>
      %dma_wait3A_470 = tpu.memref_squeeze %dma_wait3A_469 : memref<1x128xi32, #tpu.memory_space<vmem>> -> memref<128xi32, #tpu.memory_space<vmem>>
      %dma_wait3A_471 = arith.constant 0 : i32
      %dma_wait3A_472 = arith.constant 0 : i32
      %dma_wait3A_473 = tpu.memref_slice %arg2[%dma_wait3A_471, %dma_wait3A_472] : memref<10000x128xf32, #tpu.memory_space<hbm>> -> memref<10000x128xf32, #tpu.memory_space<hbm>>
      %dma_wait3A_474 = tpu.memref_slice %arg11[%dma_wait3A_463] : memref<2x!tpu.dma_semaphore, #tpu.memory_space<semaphore_mem>> -> memref<1x!tpu.dma_semaphore, #tpu.memory_space<semaphore_mem>>
      %dma_wait3A_475 = tpu.memref_squeeze %dma_wait3A_474 : memref<1x!tpu.dma_semaphore, #tpu.memory_space<semaphore_mem>> -> memref<!tpu.dma_semaphore, #tpu.memory_space<semaphore_mem>>
      tpu.wait_indirect_dma semaphore(%dma_wait3A_475 : memref<!tpu.dma_semaphore, #tpu.memory_space<semaphore_mem>>) src(%dma_wait3A_473 : memref<10000x128xf32, #tpu.memory_space<hbm>>) dst(%dma_wait3A_467 : memref<128x128xf32, #tpu.memory_space<vmem>>)
      %run_scoped3A_476 = arith.constant 1 : i32
      %run_scoped3A_477 = arith.constant 13 : i32
      "tpu.region"() ({
        %run_scoped3A_527 = tpu.sem_alloc : memref<!tpu.dma_semaphore, #tpu.memory_space<semaphore_mem>>
        %dma_start3A_528 = arith.constant 0 : i32
        %dma_start3A_529 = arith.constant 0 : i32
        %dma_start3A_530 = tpu.memref_slice %arg9[%run_scoped3A_476, %dma_start3A_528, %dma_start3A_529] : memref<2x128x128xf32, #tpu.memory_space<vmem>> -> memref<1x128x128xf32, #tpu.memory_space<vmem>>
        %dma_start3A_531 = tpu.memref_squeeze %dma_start3A_530 : memref<1x128x128xf32, #tpu.memory_space<vmem>> -> memref<128x128xf32, #tpu.memory_space<vmem>>
        %dma_start3A_532 = arith.constant 0 : i32
        %dma_start3A_533 = tpu.memref_slice %arg8[%run_scoped3A_477, %dma_start3A_532] : memref<16x128xi32, #tpu.memory_space<vmem>> -> memref<1x128xi32, #tpu.memory_space<vmem>>
        %dma_start3A_534 = tpu.memref_squeeze %dma_start3A_533 : memref<1x128xi32, #tpu.memory_space<vmem>> -> memref<128xi32, #tpu.memory_space<vmem>>
        %dma_start3A_535 = arith.constant 0 : i32
        %dma_start3A_536 = arith.constant 0 : i32
        %dma_start3A_537 = tpu.memref_slice %arg10[%dma_start3A_535, %dma_start3A_536] : memref<10016x128xf32, #tpu.memory_space<vmem_shared>> -> memref<10016x128xf32, #tpu.memory_space<vmem_shared>>
        tpu.enqueue_indirect_dma source(%dma_start3A_531 : memref<128x128xf32, #tpu.memory_space<vmem>>) target(%dma_start3A_537 : memref<10016x128xf32, #tpu.memory_space<vmem_shared>>) offsets(%dma_start3A_534 : memref<128xi32, #tpu.memory_space<vmem>>) semaphore(%run_scoped3A_527 : memref<!tpu.dma_semaphore, #tpu.memory_space<semaphore_mem>>) {add = true}
        %dma_wait3A_538 = arith.constant 0 : i32
        %dma_wait3A_539 = arith.constant 0 : i32
        %dma_wait3A_540 = tpu.memref_slice %arg9[%run_scoped3A_476, %dma_wait3A_538, %dma_wait3A_539] : memref<2x128x128xf32, #tpu.memory_space<vmem>> -> memref<1x128x128xf32, #tpu.memory_space<vmem>>
        %dma_wait3A_541 = tpu.memref_squeeze %dma_wait3A_540 : memref<1x128x128xf32, #tpu.memory_space<vmem>> -> memref<128x128xf32, #tpu.memory_space<vmem>>
        %dma_wait3A_542 = arith.constant 0 : i32
        %dma_wait3A_543 = tpu.memref_slice %arg8[%run_scoped3A_477, %dma_wait3A_542] : memref<16x128xi32, #tpu.memory_space<vmem>> -> memref<1x128xi32, #tpu.memory_space<vmem>>
        %dma_wait3A_544 = tpu.memref_squeeze %dma_wait3A_543 : memref<1x128xi32, #tpu.memory_space<vmem>> -> memref<128xi32, #tpu.memory_space<vmem>>
        %dma_wait3A_545 = arith.constant 0 : i32
        %dma_wait3A_546 = arith.constant 0 : i32
        %dma_wait3A_547 = tpu.memref_slice %arg10[%dma_wait3A_545, %dma_wait3A_546] : memref<10016x128xf32, #tpu.memory_space<vmem_shared>> -> memref<10016x128xf32, #tpu.memory_space<vmem_shared>>
        tpu.wait_indirect_dma semaphore(%run_scoped3A_527 : memref<!tpu.dma_semaphore, #tpu.memory_space<semaphore_mem>>) src(%dma_wait3A_541 : memref<128x128xf32, #tpu.memory_space<vmem>>) dst(%dma_wait3A_547 : memref<10016x128xf32, #tpu.memory_space<vmem_shared>>)
        tpu.yield
      }) : () -> ()
      %dma_start3A_478 = arith.constant 15 : i32
      %dma_start3A_479 = arith.constant 1 : i32
      %dma_start3A_480 = arith.constant 1 : i32
      %dma_start3A_481 = arith.constant 0 : i32
      %dma_start3A_482 = arith.constant 0 : i32
      %dma_start3A_483 = tpu.memref_slice %arg9[%dma_start3A_479, %dma_start3A_481, %dma_start3A_482] : memref<2x128x128xf32, #tpu.memory_space<vmem>> -> memref<1x128x128xf32, #tpu.memory_space<vmem>>
      %dma_start3A_484 = tpu.memref_squeeze %dma_start3A_483 : memref<1x128x128xf32, #tpu.memory_space<vmem>> -> memref<128x128xf32, #tpu.memory_space<vmem>>
      %dma_start3A_485 = arith.constant 0 : i32
      %dma_start3A_486 = tpu.memref_slice %arg7[%dma_start3A_478, %dma_start3A_485] : memref<16x128xi32, #tpu.memory_space<vmem>> -> memref<1x128xi32, #tpu.memory_space<vmem>>
      %dma_start3A_487 = tpu.memref_squeeze %dma_start3A_486 : memref<1x128xi32, #tpu.memory_space<vmem>> -> memref<128xi32, #tpu.memory_space<vmem>>
      %dma_start3A_488 = arith.constant 0 : i32
      %dma_start3A_489 = arith.constant 0 : i32
      %dma_start3A_490 = tpu.memref_slice %arg2[%dma_start3A_488, %dma_start3A_489] : memref<10000x128xf32, #tpu.memory_space<hbm>> -> memref<10000x128xf32, #tpu.memory_space<hbm>>
      %dma_start3A_491 = tpu.memref_slice %arg11[%dma_start3A_480] : memref<2x!tpu.dma_semaphore, #tpu.memory_space<semaphore_mem>> -> memref<1x!tpu.dma_semaphore, #tpu.memory_space<semaphore_mem>>
      %dma_start3A_492 = tpu.memref_squeeze %dma_start3A_491 : memref<1x!tpu.dma_semaphore, #tpu.memory_space<semaphore_mem>> -> memref<!tpu.dma_semaphore, #tpu.memory_space<semaphore_mem>>
      tpu.enqueue_indirect_dma source(%dma_start3A_490 : memref<10000x128xf32, #tpu.memory_space<hbm>>) target(%dma_start3A_484 : memref<128x128xf32, #tpu.memory_space<vmem>>) offsets(%dma_start3A_487 : memref<128xi32, #tpu.memory_space<vmem>>) semaphore(%dma_start3A_492 : memref<!tpu.dma_semaphore, #tpu.memory_space<semaphore_mem>>)
      %dma_wait3A_493 = arith.constant 14 : i32
      %dma_wait3A_494 = arith.constant 0 : i32
      %dma_wait3A_495 = arith.constant 0 : i32
      %dma_wait3A_496 = arith.constant 0 : i32
      %dma_wait3A_497 = arith.constant 0 : i32
      %dma_wait3A_498 = tpu.memref_slice %arg9[%dma_wait3A_494, %dma_wait3A_496, %dma_wait3A_497] : memref<2x128x128xf32, #tpu.memory_space<vmem>> -> memref<1x128x128xf32, #tpu.memory_space<vmem>>
      %dma_wait3A_499 = tpu.memref_squeeze %dma_wait3A_498 : memref<1x128x128xf32, #tpu.memory_space<vmem>> -> memref<128x128xf32, #tpu.memory_space<vmem>>
      %dma_wait3A_500 = arith.constant 0 : i32
      %dma_wait3A_501 = tpu.memref_slice %arg7[%dma_wait3A_493, %dma_wait3A_500] : memref<16x128xi32, #tpu.memory_space<vmem>> -> memref<1x128xi32, #tpu.memory_space<vmem>>
      %dma_wait3A_502 = tpu.memref_squeeze %dma_wait3A_501 : memref<1x128xi32, #tpu.memory_space<vmem>> -> memref<128xi32, #tpu.memory_space<vmem>>
      %dma_wait3A_503 = arith.constant 0 : i32
      %dma_wait3A_504 = arith.constant 0 : i32
      %dma_wait3A_505 = tpu.memref_slice %arg2[%dma_wait3A_503, %dma_wait3A_504] : memref<10000x128xf32, #tpu.memory_space<hbm>> -> memref<10000x128xf32, #tpu.memory_space<hbm>>
      %dma_wait3A_506 = tpu.memref_slice %arg11[%dma_wait3A_495] : memref<2x!tpu.dma_semaphore, #tpu.memory_space<semaphore_mem>> -> memref<1x!tpu.dma_semaphore, #tpu.memory_space<semaphore_mem>>
      %dma_wait3A_507 = tpu.memref_squeeze %dma_wait3A_506 : memref<1x!tpu.dma_semaphore, #tpu.memory_space<semaphore_mem>> -> memref<!tpu.dma_semaphore, #tpu.memory_space<semaphore_mem>>
      tpu.wait_indirect_dma semaphore(%dma_wait3A_507 : memref<!tpu.dma_semaphore, #tpu.memory_space<semaphore_mem>>) src(%dma_wait3A_505 : memref<10000x128xf32, #tpu.memory_space<hbm>>) dst(%dma_wait3A_499 : memref<128x128xf32, #tpu.memory_space<vmem>>)
      %run_scoped3A_508 = arith.constant 0 : i32
      %run_scoped3A_509 = arith.constant 14 : i32
      "tpu.region"() ({
        %run_scoped3A_527 = tpu.sem_alloc : memref<!tpu.dma_semaphore, #tpu.memory_space<semaphore_mem>>
        %dma_start3A_528 = arith.constant 0 : i32
        %dma_start3A_529 = arith.constant 0 : i32
        %dma_start3A_530 = tpu.memref_slice %arg9[%run_scoped3A_508, %dma_start3A_528, %dma_start3A_529] : memref<2x128x128xf32, #tpu.memory_space<vmem>> -> memref<1x128x128xf32, #tpu.memory_space<vmem>>
        %dma_start3A_531 = tpu.memref_squeeze %dma_start3A_530 : memref<1x128x128xf32, #tpu.memory_space<vmem>> -> memref<128x128xf32, #tpu.memory_space<vmem>>
        %dma_start3A_532 = arith.constant 0 : i32
        %dma_start3A_533 = tpu.memref_slice %arg8[%run_scoped3A_509, %dma_start3A_532] : memref<16x128xi32, #tpu.memory_space<vmem>> -> memref<1x128xi32, #tpu.memory_space<vmem>>
        %dma_start3A_534 = tpu.memref_squeeze %dma_start3A_533 : memref<1x128xi32, #tpu.memory_space<vmem>> -> memref<128xi32, #tpu.memory_space<vmem>>
        %dma_start3A_535 = arith.constant 0 : i32
        %dma_start3A_536 = arith.constant 0 : i32
        %dma_start3A_537 = tpu.memref_slice %arg10[%dma_start3A_535, %dma_start3A_536] : memref<10016x128xf32, #tpu.memory_space<vmem_shared>> -> memref<10016x128xf32, #tpu.memory_space<vmem_shared>>
        tpu.enqueue_indirect_dma source(%dma_start3A_531 : memref<128x128xf32, #tpu.memory_space<vmem>>) target(%dma_start3A_537 : memref<10016x128xf32, #tpu.memory_space<vmem_shared>>) offsets(%dma_start3A_534 : memref<128xi32, #tpu.memory_space<vmem>>) semaphore(%run_scoped3A_527 : memref<!tpu.dma_semaphore, #tpu.memory_space<semaphore_mem>>) {add = true}
        %dma_wait3A_538 = arith.constant 0 : i32
        %dma_wait3A_539 = arith.constant 0 : i32
        %dma_wait3A_540 = tpu.memref_slice %arg9[%run_scoped3A_508, %dma_wait3A_538, %dma_wait3A_539] : memref<2x128x128xf32, #tpu.memory_space<vmem>> -> memref<1x128x128xf32, #tpu.memory_space<vmem>>
        %dma_wait3A_541 = tpu.memref_squeeze %dma_wait3A_540 : memref<1x128x128xf32, #tpu.memory_space<vmem>> -> memref<128x128xf32, #tpu.memory_space<vmem>>
        %dma_wait3A_542 = arith.constant 0 : i32
        %dma_wait3A_543 = tpu.memref_slice %arg8[%run_scoped3A_509, %dma_wait3A_542] : memref<16x128xi32, #tpu.memory_space<vmem>> -> memref<1x128xi32, #tpu.memory_space<vmem>>
        %dma_wait3A_544 = tpu.memref_squeeze %dma_wait3A_543 : memref<1x128xi32, #tpu.memory_space<vmem>> -> memref<128xi32, #tpu.memory_space<vmem>>
        %dma_wait3A_545 = arith.constant 0 : i32
        %dma_wait3A_546 = arith.constant 0 : i32
        %dma_wait3A_547 = tpu.memref_slice %arg10[%dma_wait3A_545, %dma_wait3A_546] : memref<10016x128xf32, #tpu.memory_space<vmem_shared>> -> memref<10016x128xf32, #tpu.memory_space<vmem_shared>>
        tpu.wait_indirect_dma semaphore(%run_scoped3A_527 : memref<!tpu.dma_semaphore, #tpu.memory_space<semaphore_mem>>) src(%dma_wait3A_541 : memref<128x128xf32, #tpu.memory_space<vmem>>) dst(%dma_wait3A_547 : memref<10016x128xf32, #tpu.memory_space<vmem_shared>>)
        tpu.yield
      }) : () -> ()
      %dma_wait3A_510 = arith.constant 15 : i32
      %dma_wait3A_511 = arith.constant 1 : i32
      %dma_wait3A_512 = arith.constant 1 : i32
      %dma_wait3A_513 = arith.constant 0 : i32
      %dma_wait3A_514 = arith.constant 0 : i32
      %dma_wait3A_515 = tpu.memref_slice %arg9[%dma_wait3A_511, %dma_wait3A_513, %dma_wait3A_514] : memref<2x128x128xf32, #tpu.memory_space<vmem>> -> memref<1x128x128xf32, #tpu.memory_space<vmem>>
      %dma_wait3A_516 = tpu.memref_squeeze %dma_wait3A_515 : memref<1x128x128xf32, #tpu.memory_space<vmem>> -> memref<128x128xf32, #tpu.memory_space<vmem>>
      %dma_wait3A_517 = arith.constant 0 : i32
      %dma_wait3A_518 = tpu.memref_slice %arg7[%dma_wait3A_510, %dma_wait3A_517] : memref<16x128xi32, #tpu.memory_space<vmem>> -> memref<1x128xi32, #tpu.memory_space<vmem>>
      %dma_wait3A_519 = tpu.memref_squeeze %dma_wait3A_518 : memref<1x128xi32, #tpu.memory_space<vmem>> -> memref<128xi32, #tpu.memory_space<vmem>>
      %dma_wait3A_520 = arith.constant 0 : i32
      %dma_wait3A_521 = arith.constant 0 : i32
      %dma_wait3A_522 = tpu.memref_slice %arg2[%dma_wait3A_520, %dma_wait3A_521] : memref<10000x128xf32, #tpu.memory_space<hbm>> -> memref<10000x128xf32, #tpu.memory_space<hbm>>
      %dma_wait3A_523 = tpu.memref_slice %arg11[%dma_wait3A_512] : memref<2x!tpu.dma_semaphore, #tpu.memory_space<semaphore_mem>> -> memref<1x!tpu.dma_semaphore, #tpu.memory_space<semaphore_mem>>
      %dma_wait3A_524 = tpu.memref_squeeze %dma_wait3A_523 : memref<1x!tpu.dma_semaphore, #tpu.memory_space<semaphore_mem>> -> memref<!tpu.dma_semaphore, #tpu.memory_space<semaphore_mem>>
      tpu.wait_indirect_dma semaphore(%dma_wait3A_524 : memref<!tpu.dma_semaphore, #tpu.memory_space<semaphore_mem>>) src(%dma_wait3A_522 : memref<10000x128xf32, #tpu.memory_space<hbm>>) dst(%dma_wait3A_516 : memref<128x128xf32, #tpu.memory_space<vmem>>)
      %run_scoped3A_525 = arith.constant 1 : i32
      %run_scoped3A_526 = arith.constant 15 : i32
      "tpu.region"() ({
        %run_scoped3A_527 = tpu.sem_alloc : memref<!tpu.dma_semaphore, #tpu.memory_space<semaphore_mem>>
        %dma_start3A_528 = arith.constant 0 : i32
        %dma_start3A_529 = arith.constant 0 : i32
        %dma_start3A_530 = tpu.memref_slice %arg9[%run_scoped3A_525, %dma_start3A_528, %dma_start3A_529] : memref<2x128x128xf32, #tpu.memory_space<vmem>> -> memref<1x128x128xf32, #tpu.memory_space<vmem>>
        %dma_start3A_531 = tpu.memref_squeeze %dma_start3A_530 : memref<1x128x128xf32, #tpu.memory_space<vmem>> -> memref<128x128xf32, #tpu.memory_space<vmem>>
        %dma_start3A_532 = arith.constant 0 : i32
        %dma_start3A_533 = tpu.memref_slice %arg8[%run_scoped3A_526, %dma_start3A_532] : memref<16x128xi32, #tpu.memory_space<vmem>> -> memref<1x128xi32, #tpu.memory_space<vmem>>
        %dma_start3A_534 = tpu.memref_squeeze %dma_start3A_533 : memref<1x128xi32, #tpu.memory_space<vmem>> -> memref<128xi32, #tpu.memory_space<vmem>>
        %dma_start3A_535 = arith.constant 0 : i32
        %dma_start3A_536 = arith.constant 0 : i32
        %dma_start3A_537 = tpu.memref_slice %arg10[%dma_start3A_535, %dma_start3A_536] : memref<10016x128xf32, #tpu.memory_space<vmem_shared>> -> memref<10016x128xf32, #tpu.memory_space<vmem_shared>>
        tpu.enqueue_indirect_dma source(%dma_start3A_531 : memref<128x128xf32, #tpu.memory_space<vmem>>) target(%dma_start3A_537 : memref<10016x128xf32, #tpu.memory_space<vmem_shared>>) offsets(%dma_start3A_534 : memref<128xi32, #tpu.memory_space<vmem>>) semaphore(%run_scoped3A_527 : memref<!tpu.dma_semaphore, #tpu.memory_space<semaphore_mem>>) {add = true}
        %dma_wait3A_538 = arith.constant 0 : i32
        %dma_wait3A_539 = arith.constant 0 : i32
        %dma_wait3A_540 = tpu.memref_slice %arg9[%run_scoped3A_525, %dma_wait3A_538, %dma_wait3A_539] : memref<2x128x128xf32, #tpu.memory_space<vmem>> -> memref<1x128x128xf32, #tpu.memory_space<vmem>>
        %dma_wait3A_541 = tpu.memref_squeeze %dma_wait3A_540 : memref<1x128x128xf32, #tpu.memory_space<vmem>> -> memref<128x128xf32, #tpu.memory_space<vmem>>
        %dma_wait3A_542 = arith.constant 0 : i32
        %dma_wait3A_543 = tpu.memref_slice %arg8[%run_scoped3A_526, %dma_wait3A_542] : memref<16x128xi32, #tpu.memory_space<vmem>> -> memref<1x128xi32, #tpu.memory_space<vmem>>
        %dma_wait3A_544 = tpu.memref_squeeze %dma_wait3A_543 : memref<1x128xi32, #tpu.memory_space<vmem>> -> memref<128xi32, #tpu.memory_space<vmem>>
        %dma_wait3A_545 = arith.constant 0 : i32
        %dma_wait3A_546 = arith.constant 0 : i32
        %dma_wait3A_547 = tpu.memref_slice %arg10[%dma_wait3A_545, %dma_wait3A_546] : memref<10016x128xf32, #tpu.memory_space<vmem_shared>> -> memref<10016x128xf32, #tpu.memory_space<vmem_shared>>
        tpu.wait_indirect_dma semaphore(%run_scoped3A_527 : memref<!tpu.dma_semaphore, #tpu.memory_space<semaphore_mem>>) src(%dma_wait3A_541 : memref<128x128xf32, #tpu.memory_space<vmem>>) dst(%dma_wait3A_547 : memref<10016x128xf32, #tpu.memory_space<vmem_shared>>)
        tpu.yield
      }) : () -> ()
    }
    %scan3A_7 = arith.constant 5 : i32
    %barrier3A_8 = arith.constant 0 : index
    tpu.barrier barrier_id(%barrier3A_8)
    "tpu.region"() ({
      %run_scoped3A = tpu.sem_alloc : memref<!tpu.dma_semaphore, #tpu.memory_space<semaphore_mem>>
      %dma_start3A = arith.constant 0 : i32
      %dma_start3A_9 = tpu.memref_slice %arg6[%arg0, %multiple_of3A, %dma_start3A] : memref<2x10016x128xf32, #tpu.memory_space<hbm>> -> memref<1x640x128xf32, #tpu.memory_space<hbm>>
      %dma_start3A_10 = tpu.memref_squeeze %dma_start3A_9 : memref<1x640x128xf32, #tpu.memory_space<hbm>> -> memref<640x128xf32, #tpu.memory_space<hbm>>
      %dma_start3A_11 = arith.constant 0 : i32
      %dma_start3A_12 = tpu.memref_slice %arg10[%multiple_of3A, %dma_start3A_11] : memref<10016x128xf32, #tpu.memory_space<vmem_shared>> -> memref<640x128xf32, #tpu.memory_space<vmem_shared>>
      tpu.enqueue_dma source(%dma_start3A_12 : memref<640x128xf32, #tpu.memory_space<vmem_shared>>) target(%dma_start3A_10 : memref<640x128xf32, #tpu.memory_space<hbm>>) target_semaphore(%run_scoped3A : memref<!tpu.dma_semaphore, #tpu.memory_space<semaphore_mem>>)
      %dma_wait3A = arith.constant 0 : i32
      %dma_wait3A_13 = tpu.memref_slice %arg6[%arg0, %multiple_of3A, %dma_wait3A] : memref<2x10016x128xf32, #tpu.memory_space<hbm>> -> memref<1x640x128xf32, #tpu.memory_space<hbm>>
      %dma_wait3A_14 = tpu.memref_squeeze %dma_wait3A_13 : memref<1x640x128xf32, #tpu.memory_space<hbm>> -> memref<640x128xf32, #tpu.memory_space<hbm>>
      %dma_wait3A_15 = arith.constant 0 : i32
      %dma_wait3A_16 = tpu.memref_slice %arg10[%multiple_of3A, %dma_wait3A_15] : memref<10016x128xf32, #tpu.memory_space<vmem_shared>> -> memref<640x128xf32, #tpu.memory_space<vmem_shared>>
      tpu.wait_dma2 semaphore(%run_scoped3A : memref<!tpu.dma_semaphore, #tpu.memory_space<semaphore_mem>>) src(%dma_wait3A_16 : memref<640x128xf32, #tpu.memory_space<vmem_shared>>) dst(%dma_wait3A_14 : memref<640x128xf32, #tpu.memory_space<hbm>>)
      tpu.yield
    }) : () -> ()
    return
  }
}

module attributes {stable_mosaic.version = 14 : i64} {
  func.func @body(%arg0: i32, %arg1: memref<1000x128xf32, #tpu.memory_space<vmem>>, %arg2: memref<128x128xf32, #tpu.memory_space<vmem>>, %arg3: memref<1x128xf32, #tpu.memory_space<vmem>>, %arg4: memref<1000x128xf32, #tpu.memory_space<vmem>>) attributes {dimension_semantics = [#tpu.dimension_semantics<arbitrary>], iteration_bounds = array<i64: 10>, scalar_prefetch = 0 : i64, scratch_operands = 0 : i64, tpu.core_type = #tpu.core_type<tc>, window_params = [{transform_indices = @transform_0, window_bounds = array<i64: 1000, 128>}, {pipeline_mode = #tpu.pipeline_mode<synchronous>, transform_indices = @transform_1, window_bounds = array<i64: 128, 128>}, {pipeline_mode = #tpu.pipeline_mode<synchronous>, transform_indices = @transform_2, window_bounds = array<i64: 1, 128>}, {transform_indices = @transform_3, window_bounds = array<i64: 1000, 128>}]} {
    %get3A = arith.constant 0 : index
    %get3A_0 = arith.constant 0 : index
    %get3A_1 = vector.load %arg1[%get3A, %get3A_0] : memref<1000x128xf32, #tpu.memory_space<vmem>>, vector<1000x128xf32>
    %get3A_2 = arith.constant 0 : index
    %get3A_3 = arith.constant 0 : index
    %get3A_4 = vector.load %arg2[%get3A_2, %get3A_3] : memref<128x128xf32, #tpu.memory_space<vmem>>, vector<128x128xf32>
    %dot_general3A = arith.constant dense<0.000000e+00> : vector<1000x128xf32>
    %dot_general3A_5 = tpu.matmul %get3A_1, %get3A_4, %dot_general3A {dimension_numbers = #tpu.dot_dimension_numbers<[1], [0], [0], [1], [0, 0, 1, 1], [], []>, transpose_lhs_hint = false} : vector<1000x128xf32>, vector<128x128xf32>, vector<1000x128xf32> -> vector<1000x128xf32>
    %get3A_6 = arith.constant 0 : index
    %get3A_7 = arith.constant 0 : index
    %get3A_8 = vector.load %arg3[%get3A_6, %get3A_7] : memref<1x128xf32, #tpu.memory_space<vmem>>, vector<1x128xf32>
    %add3A = vector.broadcast %get3A_8 : vector<1x128xf32> to vector<1000x128xf32>
    %add3A_9 = arith.addf %dot_general3A_5, %add3A : vector<1000x128xf32>
    %mul3A = arith.constant 5.000000e-01 : f32
    %mul3A_10 = vector.broadcast %mul3A : f32 to vector<1000x128xf32>
    %mul3A_11 = arith.mulf %mul3A_10, %add3A_9 : vector<1000x128xf32>
    %mul3A_12 = arith.constant 0.707106769 : f32
    %mul3A_13 = vector.broadcast %mul3A_12 : f32 to vector<1000x128xf32>
    %mul3A_14 = arith.mulf %add3A_9, %mul3A_13 : vector<1000x128xf32>
    %erf3A = math.erf %mul3A_14 : vector<1000x128xf32>
    %add3A_15 = arith.constant 1.000000e+00 : f32
    %add3A_16 = vector.broadcast %add3A_15 : f32 to vector<1000x128xf32>
    %add3A_17 = arith.addf %add3A_16, %erf3A : vector<1000x128xf32>
    %mul3A_18 = arith.mulf %mul3A_11, %add3A_17 : vector<1000x128xf32>
    %swap3A = arith.constant 0 : index
    %swap3A_19 = arith.constant 0 : index
    %swap3A_20 = vector.load %arg4[%swap3A, %swap3A_19] : memref<1000x128xf32, #tpu.memory_space<vmem>>, vector<1000x128xf32>
    tpu.vector_store %arg4[%swap3A, %swap3A_19], %mul3A_18 {strides = array<i32>} : memref<1000x128xf32, #tpu.memory_space<vmem>>, vector<1000x128xf32>,
    return
  }
  func.func @transform_0(%arg0: i32) -> (i32, i32) {
    %c0_i32 = arith.constant 0 : i32
    %c0_i32_0 = arith.constant 0 : i32
    return %arg0, %c0_i32 : i32, i32
  }
  func.func @transform_1(%arg0: i32) -> (i32, i32) {
    %c0_i32 = arith.constant 0 : i32
    %c0_i32_0 = arith.constant 0 : i32
    %c0_i32_1 = arith.constant 0 : i32
    return %c0_i32, %c0_i32_0 : i32, i32
  }
  func.func @transform_2(%arg0: i32) -> (i32, i32) {
    %c0_i32 = arith.constant 0 : i32
    %c0_i32_0 = arith.constant 0 : i32
    %c0_i32_1 = arith.constant 0 : i32
    return %c0_i32, %c0_i32_0 : i32, i32
  }
  func.func @transform_3(%arg0: i32) -> (i32, i32) {
    %c0_i32 = arith.constant 0 : i32
    %c0_i32_0 = arith.constant 0 : i32
    return %arg0, %c0_i32 : i32, i32
  }
}

module attributes {stable_mosaic.version = 14 : i64} {
  func.func @body(%arg0: i32, %arg1: memref<1000x128xf32, #tpu.memory_space<vmem>>, %arg2: memref<2x1000x128xf32, #tpu.memory_space<vmem>>, %arg3: memref<128x128xf32, #tpu.memory_space<vmem>>, %arg4: memref<1x128xf32, #tpu.memory_space<vmem>>, %arg5: memref<128x128xf32, #tpu.memory_space<vmem>>, %arg6: memref<1x128xf32, #tpu.memory_space<vmem>>, %arg7: memref<1000x128xf32, #tpu.memory_space<vmem>>) attributes {dimension_semantics = [#tpu.dimension_semantics<arbitrary>], iteration_bounds = array<i64: 10>, scalar_prefetch = 0 : i64, scratch_operands = 0 : i64, tpu.core_type = #tpu.core_type<tc>, window_params = [{transform_indices = @transform_0, window_bounds = array<i64: 1000, 128>}, {transform_indices = @transform_1, window_bounds = array<i64: 2, 1000, 128>}, {pipeline_mode = #tpu.pipeline_mode<synchronous>, transform_indices = @transform_2, window_bounds = array<i64: 128, 128>}, {pipeline_mode = #tpu.pipeline_mode<synchronous>, transform_indices = @transform_3, window_bounds = array<i64: 1, 128>}, {pipeline_mode = #tpu.pipeline_mode<synchronous>, transform_indices = @transform_4, window_bounds = array<i64: 128, 128>}, {pipeline_mode = #tpu.pipeline_mode<synchronous>, transform_indices = @transform_5, window_bounds = array<i64: 1, 128>}, {transform_indices = @transform_6, window_bounds = array<i64: 1000, 128>}]} {
    %get3A = arith.constant 0 : index
    %get3A_0 = arith.constant 0 : index
    %get3A_1 = arith.constant 0 : index
    %get3A_2 = vector.load %arg2[%get3A, %get3A_0, %get3A_1] : memref<2x1000x128xf32, #tpu.memory_space<vmem>>, vector<1x1000x128xf32>
    %get3A_3 = vector.shape_cast %get3A_2 : vector<1x1000x128xf32> to vector<1000x128xf32>
    %get3A_4 = arith.constant 1 : index
    %get3A_5 = arith.constant 0 : index
    %get3A_6 = arith.constant 0 : index
    %get3A_7 = vector.load %arg2[%get3A_4, %get3A_5, %get3A_6] : memref<2x1000x128xf32, #tpu.memory_space<vmem>>, vector<1x1000x128xf32>
    %get3A_8 = vector.shape_cast %get3A_7 : vector<1x1000x128xf32> to vector<1000x128xf32>
    %add3A = arith.addf %get3A_3, %get3A_8 : vector<1000x128xf32>
    %get3A_9 = arith.constant 0 : index
    %get3A_10 = arith.constant 0 : index
    %get3A_11 = vector.load %arg5[%get3A_9, %get3A_10] : memref<128x128xf32, #tpu.memory_space<vmem>>, vector<128x128xf32>
    %dot_general3A = arith.constant dense<0.000000e+00> : vector<1000x128xf32>
    %dot_general3A_12 = tpu.matmul %add3A, %get3A_11, %dot_general3A {dimension_numbers = #tpu.dot_dimension_numbers<[1], [0], [0], [1], [0, 0, 1, 1], [], []>, transpose_lhs_hint = false} : vector<1000x128xf32>, vector<128x128xf32>, vector<1000x128xf32> -> vector<1000x128xf32>
    %get3A_13 = arith.constant 0 : index
    %get3A_14 = arith.constant 0 : index
    %get3A_15 = vector.load %arg6[%get3A_13, %get3A_14] : memref<1x128xf32, #tpu.memory_space<vmem>>, vector<1x128xf32>
    %add3A_16 = vector.broadcast %get3A_15 : vector<1x128xf32> to vector<1000x128xf32>
    %add3A_17 = arith.addf %dot_general3A_12, %add3A_16 : vector<1000x128xf32>
    %get3A_18 = arith.constant 0 : index
    %get3A_19 = arith.constant 0 : index
    %get3A_20 = vector.load %arg1[%get3A_18, %get3A_19] : memref<1000x128xf32, #tpu.memory_space<vmem>>, vector<1000x128xf32>
    %get3A_21 = arith.constant 0 : index
    %get3A_22 = arith.constant 0 : index
    %get3A_23 = vector.load %arg3[%get3A_21, %get3A_22] : memref<128x128xf32, #tpu.memory_space<vmem>>, vector<128x128xf32>
    %dot_general3A_24 = arith.constant dense<0.000000e+00> : vector<1000x128xf32>
    %dot_general3A_25 = tpu.matmul %get3A_20, %get3A_23, %dot_general3A_24 {dimension_numbers = #tpu.dot_dimension_numbers<[1], [0], [0], [1], [0, 0, 1, 1], [], []>, transpose_lhs_hint = false} : vector<1000x128xf32>, vector<128x128xf32>, vector<1000x128xf32> -> vector<1000x128xf32>
    %get3A_26 = arith.constant 0 : index
    %get3A_27 = arith.constant 0 : index
    %get3A_28 = vector.load %arg4[%get3A_26, %get3A_27] : memref<1x128xf32, #tpu.memory_space<vmem>>, vector<1x128xf32>
    %add3A_29 = vector.broadcast %get3A_28 : vector<1x128xf32> to vector<1000x128xf32>
    %add3A_30 = arith.addf %dot_general3A_25, %add3A_29 : vector<1000x128xf32>
    %add3A_31 = arith.addf %add3A_30, %add3A_17 : vector<1000x128xf32>
    %mul3A = arith.constant 5.000000e-01 : f32
    %mul3A_32 = vector.broadcast %mul3A : f32 to vector<1000x128xf32>
    %mul3A_33 = arith.mulf %mul3A_32, %add3A_31 : vector<1000x128xf32>
    %mul3A_34 = arith.constant 0.707106769 : f32
    %mul3A_35 = vector.broadcast %mul3A_34 : f32 to vector<1000x128xf32>
    %mul3A_36 = arith.mulf %add3A_31, %mul3A_35 : vector<1000x128xf32>
    %erf3A = math.erf %mul3A_36 : vector<1000x128xf32>
    %add3A_37 = arith.constant 1.000000e+00 : f32
    %add3A_38 = vector.broadcast %add3A_37 : f32 to vector<1000x128xf32>
    %add3A_39 = arith.addf %add3A_38, %erf3A : vector<1000x128xf32>
    %mul3A_40 = arith.mulf %mul3A_33, %add3A_39 : vector<1000x128xf32>
    %get3A_41 = arith.constant 0 : index
    %get3A_42 = arith.constant 0 : index
    %get3A_43 = vector.load %arg1[%get3A_41, %get3A_42] : memref<1000x128xf32, #tpu.memory_space<vmem>>, vector<1000x128xf32>
    %add3A_44 = arith.addf %mul3A_40, %get3A_43 : vector<1000x128xf32>
    %swap3A = arith.constant 0 : index
    %swap3A_45 = arith.constant 0 : index
    %swap3A_46 = vector.load %arg7[%swap3A, %swap3A_45] : memref<1000x128xf32, #tpu.memory_space<vmem>>, vector<1000x128xf32>
    tpu.vector_store %arg7[%swap3A, %swap3A_45], %add3A_44 {strides = array<i32>} : memref<1000x128xf32, #tpu.memory_space<vmem>>, vector<1000x128xf32>,
    return
  }
  func.func @transform_0(%arg0: i32) -> (i32, i32) {
    %c0_i32 = arith.constant 0 : i32
    %c0_i32_0 = arith.constant 0 : i32
    return %arg0, %c0_i32 : i32, i32
  }
  func.func @transform_1(%arg0: i32) -> (i32, i32, i32) {
    %c0_i32 = arith.constant 0 : i32
    %c0_i32_0 = arith.constant 0 : i32
    %c0_i32_1 = arith.constant 0 : i32
    return %c0_i32, %arg0, %c0_i32_0 : i32, i32, i32
  }
  func.func @transform_2(%arg0: i32) -> (i32, i32) {
    %c0_i32 = arith.constant 0 : i32
    %c0_i32_0 = arith.constant 0 : i32
    %c0_i32_1 = arith.constant 0 : i32
    return %c0_i32, %c0_i32_0 : i32, i32
  }
  func.func @transform_3(%arg0: i32) -> (i32, i32) {
    %c0_i32 = arith.constant 0 : i32
    %c0_i32_0 = arith.constant 0 : i32
    %c0_i32_1 = arith.constant 0 : i32
    return %c0_i32, %c0_i32_0 : i32, i32
  }
  func.func @transform_4(%arg0: i32) -> (i32, i32) {
    %c0_i32 = arith.constant 0 : i32
    %c0_i32_0 = arith.constant 0 : i32
    %c0_i32_1 = arith.constant 0 : i32
    return %c0_i32, %c0_i32_0 : i32, i32
  }
  func.func @transform_5(%arg0: i32) -> (i32, i32) {
    %c0_i32 = arith.constant 0 : i32
    %c0_i32_0 = arith.constant 0 : i32
    %c0_i32_1 = arith.constant 0 : i32
    return %c0_i32, %c0_i32_0 : i32, i32
  }
  func.func @transform_6(%arg0: i32) -> (i32, i32) {
    %c0_i32 = arith.constant 0 : i32
    %c0_i32_0 = arith.constant 0 : i32
    return %arg0, %c0_i32 : i32, i32
  }
}

module attributes {stable_mosaic.version = 14 : i64} {
  func.func @body(%arg0: i32, %arg1: memref<1000x128xf32, #tpu.memory_space<vmem>>, %arg2: memref<2x1000x128xf32, #tpu.memory_space<vmem>>, %arg3: memref<128x128xf32, #tpu.memory_space<vmem>>, %arg4: memref<1x128xf32, #tpu.memory_space<vmem>>, %arg5: memref<128x128xf32, #tpu.memory_space<vmem>>, %arg6: memref<1x128xf32, #tpu.memory_space<vmem>>, %arg7: memref<128x128xf32, #tpu.memory_space<vmem>>, %arg8: memref<1x128xf32, #tpu.memory_space<vmem>>, %arg9: memref<1000x128xf32, #tpu.memory_space<vmem>>) attributes {dimension_semantics = [#tpu.dimension_semantics<arbitrary>], iteration_bounds = array<i64: 10>, scalar_prefetch = 0 : i64, scratch_operands = 0 : i64, tpu.core_type = #tpu.core_type<tc>, window_params = [{transform_indices = @transform_0, window_bounds = array<i64: 1000, 128>}, {transform_indices = @transform_1, window_bounds = array<i64: 2, 1000, 128>}, {pipeline_mode = #tpu.pipeline_mode<synchronous>, transform_indices = @transform_2, window_bounds = array<i64: 128, 128>}, {pipeline_mode = #tpu.pipeline_mode<synchronous>, transform_indices = @transform_3, window_bounds = array<i64: 1, 128>}, {pipeline_mode = #tpu.pipeline_mode<synchronous>, transform_indices = @transform_4, window_bounds = array<i64: 128, 128>}, {pipeline_mode = #tpu.pipeline_mode<synchronous>, transform_indices = @transform_5, window_bounds = array<i64: 1, 128>}, {pipeline_mode = #tpu.pipeline_mode<synchronous>, transform_indices = @transform_6, window_bounds = array<i64: 128, 128>}, {pipeline_mode = #tpu.pipeline_mode<synchronous>, transform_indices = @transform_7, window_bounds = array<i64: 1, 128>}, {transform_indices = @transform_8, window_bounds = array<i64: 1000, 128>}]} {
    %get3A = arith.constant 0 : index
    %get3A_0 = arith.constant 0 : index
    %get3A_1 = arith.constant 0 : index
    %get3A_2 = vector.load %arg2[%get3A, %get3A_0, %get3A_1] : memref<2x1000x128xf32, #tpu.memory_space<vmem>>, vector<1x1000x128xf32>
    %get3A_3 = vector.shape_cast %get3A_2 : vector<1x1000x128xf32> to vector<1000x128xf32>
    %get3A_4 = arith.constant 1 : index
    %get3A_5 = arith.constant 0 : index
    %get3A_6 = arith.constant 0 : index
    %get3A_7 = vector.load %arg2[%get3A_4, %get3A_5, %get3A_6] : memref<2x1000x128xf32, #tpu.memory_space<vmem>>, vector<1x1000x128xf32>
    %get3A_8 = vector.shape_cast %get3A_7 : vector<1x1000x128xf32> to vector<1000x128xf32>
    %add3A = arith.addf %get3A_3, %get3A_8 : vector<1000x128xf32>
    %get3A_9 = arith.constant 0 : index
    %get3A_10 = arith.constant 0 : index
    %get3A_11 = vector.load %arg5[%get3A_9, %get3A_10] : memref<128x128xf32, #tpu.memory_space<vmem>>, vector<128x128xf32>
    %dot_general3A = arith.constant dense<0.000000e+00> : vector<1000x128xf32>
    %dot_general3A_12 = tpu.matmul %add3A, %get3A_11, %dot_general3A {dimension_numbers = #tpu.dot_dimension_numbers<[1], [0], [0], [1], [0, 0, 1, 1], [], []>, transpose_lhs_hint = false} : vector<1000x128xf32>, vector<128x128xf32>, vector<1000x128xf32> -> vector<1000x128xf32>
    %get3A_13 = arith.constant 0 : index
    %get3A_14 = arith.constant 0 : index
    %get3A_15 = vector.load %arg6[%get3A_13, %get3A_14] : memref<1x128xf32, #tpu.memory_space<vmem>>, vector<1x128xf32>
    %add3A_16 = vector.broadcast %get3A_15 : vector<1x128xf32> to vector<1000x128xf32>
    %add3A_17 = arith.addf %dot_general3A_12, %add3A_16 : vector<1000x128xf32>
    %get3A_18 = arith.constant 0 : index
    %get3A_19 = arith.constant 0 : index
    %get3A_20 = vector.load %arg1[%get3A_18, %get3A_19] : memref<1000x128xf32, #tpu.memory_space<vmem>>, vector<1000x128xf32>
    %get3A_21 = arith.constant 0 : index
    %get3A_22 = arith.constant 0 : index
    %get3A_23 = vector.load %arg3[%get3A_21, %get3A_22] : memref<128x128xf32, #tpu.memory_space<vmem>>, vector<128x128xf32>
    %dot_general3A_24 = arith.constant dense<0.000000e+00> : vector<1000x128xf32>
    %dot_general3A_25 = tpu.matmul %get3A_20, %get3A_23, %dot_general3A_24 {dimension_numbers = #tpu.dot_dimension_numbers<[1], [0], [0], [1], [0, 0, 1, 1], [], []>, transpose_lhs_hint = false} : vector<1000x128xf32>, vector<128x128xf32>, vector<1000x128xf32> -> vector<1000x128xf32>
    %get3A_26 = arith.constant 0 : index
    %get3A_27 = arith.constant 0 : index
    %get3A_28 = vector.load %arg4[%get3A_26, %get3A_27] : memref<1x128xf32, #tpu.memory_space<vmem>>, vector<1x128xf32>
    %add3A_29 = vector.broadcast %get3A_28 : vector<1x128xf32> to vector<1000x128xf32>
    %add3A_30 = arith.addf %dot_general3A_25, %add3A_29 : vector<1000x128xf32>
    %add3A_31 = arith.addf %add3A_30, %add3A_17 : vector<1000x128xf32>
    %mul3A = arith.constant 5.000000e-01 : f32
    %mul3A_32 = vector.broadcast %mul3A : f32 to vector<1000x128xf32>
    %mul3A_33 = arith.mulf %mul3A_32, %add3A_31 : vector<1000x128xf32>
    %mul3A_34 = arith.constant 0.707106769 : f32
    %mul3A_35 = vector.broadcast %mul3A_34 : f32 to vector<1000x128xf32>
    %mul3A_36 = arith.mulf %add3A_31, %mul3A_35 : vector<1000x128xf32>
    %erf3A = math.erf %mul3A_36 : vector<1000x128xf32>
    %add3A_37 = arith.constant 1.000000e+00 : f32
    %add3A_38 = vector.broadcast %add3A_37 : f32 to vector<1000x128xf32>
    %add3A_39 = arith.addf %add3A_38, %erf3A : vector<1000x128xf32>
    %mul3A_40 = arith.mulf %mul3A_33, %add3A_39 : vector<1000x128xf32>
    %get3A_41 = arith.constant 0 : index
    %get3A_42 = arith.constant 0 : index
    %get3A_43 = vector.load %arg1[%get3A_41, %get3A_42] : memref<1000x128xf32, #tpu.memory_space<vmem>>, vector<1000x128xf32>
    %add3A_44 = arith.addf %mul3A_40, %get3A_43 : vector<1000x128xf32>
    %get3A_45 = arith.constant 0 : index
    %get3A_46 = arith.constant 0 : index
    %get3A_47 = vector.load %arg7[%get3A_45, %get3A_46] : memref<128x128xf32, #tpu.memory_space<vmem>>, vector<128x128xf32>
    %dot_general3A_48 = arith.constant dense<0.000000e+00> : vector<1000x128xf32>
    %dot_general3A_49 = tpu.matmul %add3A_44, %get3A_47, %dot_general3A_48 {dimension_numbers = #tpu.dot_dimension_numbers<[1], [0], [0], [1], [0, 0, 1, 1], [], []>, transpose_lhs_hint = false} : vector<1000x128xf32>, vector<128x128xf32>, vector<1000x128xf32> -> vector<1000x128xf32>
    %get3A_50 = arith.constant 0 : index
    %get3A_51 = arith.constant 0 : index
    %get3A_52 = vector.load %arg8[%get3A_50, %get3A_51] : memref<1x128xf32, #tpu.memory_space<vmem>>, vector<1x128xf32>
    %add3A_53 = vector.broadcast %get3A_52 : vector<1x128xf32> to vector<1000x128xf32>
    %add3A_54 = arith.addf %dot_general3A_49, %add3A_53 : vector<1000x128xf32>
    %swap3A = arith.constant 0 : index
    %swap3A_55 = arith.constant 0 : index
    %swap3A_56 = vector.load %arg9[%swap3A, %swap3A_55] : memref<1000x128xf32, #tpu.memory_space<vmem>>, vector<1000x128xf32>
    tpu.vector_store %arg9[%swap3A, %swap3A_55], %add3A_54 {strides = array<i32>} : memref<1000x128xf32, #tpu.memory_space<vmem>>, vector<1000x128xf32>,
    return
  }
  func.func @transform_0(%arg0: i32) -> (i32, i32) {
    %c0_i32 = arith.constant 0 : i32
    %c0_i32_0 = arith.constant 0 : i32
    return %arg0, %c0_i32 : i32, i32
  }
  func.func @transform_1(%arg0: i32) -> (i32, i32, i32) {
    %c0_i32 = arith.constant 0 : i32
    %c0_i32_0 = arith.constant 0 : i32
    %c0_i32_1 = arith.constant 0 : i32
    return %c0_i32, %arg0, %c0_i32_0 : i32, i32, i32
  }
  func.func @transform_2(%arg0: i32) -> (i32, i32) {
    %c0_i32 = arith.constant 0 : i32
    %c0_i32_0 = arith.constant 0 : i32
    %c0_i32_1 = arith.constant 0 : i32
    return %c0_i32, %c0_i32_0 : i32, i32
  }
  func.func @transform_3(%arg0: i32) -> (i32, i32) {
    %c0_i32 = arith.constant 0 : i32
    %c0_i32_0 = arith.constant 0 : i32
    %c0_i32_1 = arith.constant 0 : i32
    return %c0_i32, %c0_i32_0 : i32, i32
  }
  func.func @transform_4(%arg0: i32) -> (i32, i32) {
    %c0_i32 = arith.constant 0 : i32
    %c0_i32_0 = arith.constant 0 : i32
    %c0_i32_1 = arith.constant 0 : i32
    return %c0_i32, %c0_i32_0 : i32, i32
  }
  func.func @transform_5(%arg0: i32) -> (i32, i32) {
    %c0_i32 = arith.constant 0 : i32
    %c0_i32_0 = arith.constant 0 : i32
    %c0_i32_1 = arith.constant 0 : i32
    return %c0_i32, %c0_i32_0 : i32, i32
  }
  func.func @transform_6(%arg0: i32) -> (i32, i32) {
    %c0_i32 = arith.constant 0 : i32
    %c0_i32_0 = arith.constant 0 : i32
    %c0_i32_1 = arith.constant 0 : i32
    return %c0_i32, %c0_i32_0 : i32, i32
  }
  func.func @transform_7(%arg0: i32) -> (i32, i32) {
    %c0_i32 = arith.constant 0 : i32
    %c0_i32_0 = arith.constant 0 : i32
    %c0_i32_1 = arith.constant 0 : i32
    return %c0_i32, %c0_i32_0 : i32, i32
  }
  func.func @transform_8(%arg0: i32) -> (i32, i32) {
    %c0_i32 = arith.constant 0 : i32
    %c0_i32_0 = arith.constant 0 : i32
    return %arg0, %c0_i32 : i32, i32
  }
}

</mosaic_0001>

<sc_bundles>
// kernel: kernel.10.cloned.1.call-start
scs
__scs_entry_jumppad:
0x0: {  	(pc) =	sbr.rel $0x88, $3  }
0x1: {  	(tag) =	ssettag $0x0;
	lr =	simm.s32 $0x1  }
0x2: {  	[smem:$0x3F97] =	sst lr;
	_ =	strace $0xD0000000  }
0x3: {  	_ = 	snop  }
0x4: {  	_ = 	snop  }
0x5: {  	_ = 	snop  }
0x6: {  	_ = 	snop  }
0x7: {  	_ = 	snop  }
__scs_overlays_trampoline_lowered:
0x8: {  	[smem:$0x3FA6] =	sst s0  }
0x9: {  	[smem:$0x3FA7] =	sst s1  }
0xa: {  	[smem:$0x3FA8] =	sst s2  }
0xb: {  	[smem:$0x3FA9] =	sst s3  }
0xc: {  	[smem:$0x3FAA] =	sst s4  }
0xd: {  	[smem:$0x3FAB] =	sst s5  }
0xe: {  	[smem:$0x3FAC] =	sst s6  }
0xf: {  	[smem:$0x3FAD] =	sst s7  }
0x10: {  	[smem:$0x3FAE] =	sst s8  }
0x11: {  	[smem:$0x3FAF] =	sst s9;
	s0 =	simm.s32 @!p0 $0x0  }
0x12: {  	s1 =	sld [smem:$0x3F95];
	s0 =	simm.s32 @p0 $0x1  }
0x13: {  	[smem:$0x3FB0] =	sst s0;
	s0 =	simm.s32 @!p1 $0x0  }
0x14: {  	s2 =	sld [smem:$0x3F94];
	s0 =	simm.s32 @p1 $0x1  }
0x15: {  	[smem:$0x3FB1] =	sst s0;
	s0 =	simm.s32 @!p2 $0x0  }
0x16: {  	s3 =	sld [smem:$0x3FDB];
	s0 =	simm.s32 @p2 $0x1  }
0x17: {  	s4 =	simm.s32 $0x1BF5;
	[smem:$0x3FB3] =	sst s0  }
0x18: {  	s0 =	sld [smem:$0x3F96];
	_ =	swait.ge [sflag:s4], $0x0  }
0x19: {  	s7 =	sld [smem:$0x3F97]  }
0x1a: {  	s8 =	sadd.s32 $0xFFFFE003, lr  }
0x1b: {  	s9 =	sadd.s32 $0xFFFFFEF7, lr;
	s5 =	simm.s32 $0xFFFFFFFF;
	p2 =	slt.u32 s8, $0xFFFFF086  }
0x1c: {  	p1 =	slt.u32 s9, $0xF7A;
	s5 =	simm.s32 @!p2 $0x0  }
0x1d: {  	s5 =	simm.s32 @p1 $0x1;
	p0 =	seq.s32 s7, s2  }
0x1e: {  	s7 =	smul.u32 @!p0 $0xF7A, s2;
	p2 =	seq.s32 @!p0 s5, $0x0  }
0x1f: {  	s9 =	smul.u32 $0xF7A, s1;
	s8 =	simm.s32 @!p0 $0x1BF5;
	p2 =	por !p2, p0  }
0x20: {  	[sflag:s8] =	ssyncset.s32 @!p0 $0xFFFFF086;
	s6 =	sadd.s32 @!p0 s3, s7;
	s7 =	simm.s32 @!p0 $0x108  }
0x21: {  	s3 =	sadd.s32 s3, s9;
	s6 =	sadd.s32 @!p0 $0x88, s6;
	s7 =	simm.s32 @p2 $0x1082  }
0x22: {  	[simem:s7], [sflag:s8] =	dma.local @!p0 [hbm:s6], $0xF7A  }
0x23: {  	s9 =	sor.u32 $0xD0000000, s2;
	s6 =	simm.s32 $0x108;
	_ =	swait.ge @!p0 [sflag:s8], $0x0  }
0x24: {  	s3 =	sadd.s32 $0x88, s3;
	s6 =	simm.s32 @!p1 $0x1082;
	[sflag:s4] =	ssyncset.s32 $0xFFFFF086  }
0x25: {  	[simem:s6], [sflag:s4] =	dma.local [hbm:s3], $0xF7A  }
0x26: {  	[smem:$0x3F97] =	sst s1;
	(tag) =	ssettag s2;
	_ =	strace s9  }
0x27: {  	s1 =	sld [smem:$0x3FA7]  }
0x28: {  	s2 =	sld [smem:$0x3FA8]  }
0x29: {  	s4 =	sld [smem:$0x3FAA]  }
0x2a: {  	p0 =	seq.s32 s5, $0x0;
	s5 =	sld [smem:$0x3FAB]  }
0x2b: {  	s6 =	sld [smem:$0x3FAC]  }
0x2c: {  	s7 =	sld [smem:$0x3FAD]  }
0x2d: {  	s3 =	simm.s32 $0x108;
	s8 =	sld [smem:$0x3FAE]  }
0x2e: {  	s3 =	simm.s32 @!p0 $0x1082;
	s9 =	sld [smem:$0x3FAF]  }
0x2f: {  	lr =	sadd.s32 s0, s3;
	s0 =	sld [smem:$0x3FA6]  }
0x30: {  	s3 =	sld [smem:$0x3FA9]  }
0x31: {  	[smem:$0x3FB2] =	sst s10  }
0x32: {  	s10 =	sld [smem:$0x3FB0];
	_ =	sdelay $0x3  }
0x33: {  	p0 =	seq.s32 s10, $0x1;
	s10 =	sld [smem:$0x3FB2];
	_ =	sdelay $0x3  }
0x34: {  	[smem:$0x3FB2] =	sst s10  }
0x35: {  	s10 =	sld [smem:$0x3FB1];
	_ =	sdelay $0x3  }
0x36: {  	p1 =	seq.s32 s10, $0x1;
	s10 =	sld [smem:$0x3FB2];
	_ =	sdelay $0x3  }
0x37: {  	[smem:$0x3FB2] =	sst s10  }
0x38: {  	s10 =	sld [smem:$0x3FB3]  }
0x39: {  	_ = 	snop;
	(pc) =	sbr.ind lr, $3  }
0x3a: {  	_ = 	snop  }
0x3b: {  	_ = 	snop  }
0x3c: {  	p2 =	seq.s32 s10, $0x1;
	s10 =	sld [smem:$0x3FB2]  }
0x3d: {  	_ =	shalt  }
0x3e: {  	_ =	shalt  }
0x3f: {  	_ =	shalt  }
0x40: {  	_ =	shalt  }
0x41: {  	_ =	shalt  }
0x42: {  	_ =	shalt  }
0x43: {  	_ =	shalt  }
0x44: {  	_ =	shalt  }
0x45: {  	_ =	shalt  }
0x46: {  	_ =	shalt  }
0x47: {  	_ =	shalt  }
0x48: {  	_ =	shalt  }
0x49: {  	_ =	shalt  }
0x4a: {  	_ =	shalt  }
0x4b: {  	_ =	shalt  }
0x4c: {  	_ =	shalt  }
0x4d: {  	_ =	shalt  }
0x4e: {  	_ =	shalt  }
0x4f: {  	_ =	shalt  }
0x50: {  	_ =	shalt  }
0x51: {  	_ =	shalt  }
0x52: {  	_ =	shalt  }
0x53: {  	_ =	shalt  }
0x54: {  	_ =	shalt  }
0x55: {  	_ =	shalt  }
0x56: {  	_ =	shalt  }
0x57: {  	_ =	shalt  }
0x58: {  	_ =	shalt  }
0x59: {  	_ =	shalt  }
0x5a: {  	_ =	shalt  }
0x5b: {  	_ =	shalt  }
0x5c: {  	_ =	shalt  }
0x5d: {  	_ =	shalt  }
0x5e: {  	_ =	shalt  }
0x5f: {  	_ =	shalt  }
0x60: {  	_ =	shalt  }
0x61: {  	_ =	shalt  }
0x62: {  	_ =	shalt  }
0x63: {  	_ =	shalt  }
0x64: {  	_ =	shalt  }
0x65: {  	_ =	shalt  }
0x66: {  	_ =	shalt  }
0x67: {  	_ =	shalt  }
0x68: {  	_ =	shalt  }
0x69: {  	_ =	shalt  }
0x6a: {  	_ =	shalt  }
0x6b: {  	_ =	shalt  }
0x6c: {  	_ =	shalt  }
0x6d: {  	_ =	shalt  }
0x6e: {  	_ =	shalt  }
0x6f: {  	_ =	shalt  }
0x70: {  	_ =	shalt  }
0x71: {  	_ =	shalt  }
0x72: {  	_ =	shalt  }
0x73: {  	_ =	shalt  }
0x74: {  	_ =	shalt  }
0x75: {  	_ =	shalt  }
0x76: {  	_ =	shalt  }
0x77: {  	_ =	shalt  }
0x78: {  	_ =	shalt  }
0x79: {  	_ =	shalt  }
0x7a: {  	_ =	shalt  }
0x7b: {  	_ =	shalt  }
0x7c: {  	_ =	shalt  }
0x7d: {  	_ =	shalt  }
0x7e: {  	_ =	shalt  }
0x7f: {  	_ =	shalt  }
0x80: {  	_ =	shalt  }
0x81: {  	_ =	shalt  }
0x82: {  	_ =	shalt  }
0x83: {  	_ =	shalt  }
0x84: {  	_ =	shalt  }
0x85: {  	_ =	shalt  }
0x86: {  	_ =	shalt  }
0x87: {  	_ =	shalt  }
.Lfunc_end0:
.L_simem_size_0:
called_computation.1_lowered:
.L_overlay_start_0:
0x88: {  	s2 =	sld [smem:$0x3FD9]  }
0x89: {  	s3 =	sld [smem:$0x3FFE];
	_ =	sdelay $0x1  }
0x8a: {  	s1 =	srdreg.scid  }
0x8b: {  	s0 =	sand.u32 $0x1, s1  }
0x8c: {  	s17 =	sshll.u32 s0, $0xA;
	s2 =	sadd.s32 s3, s2  }
0x8d: {  	s2 =	sadd.s32 s2, s17  }
0x8e: {  	[smem:$0x3FBE] =	sst s2  }
0x8f: {  	_ = 	snop  }
0x90: {  	s2 =	sld [smem:$0x3FD0];
	(tm) =	ssettm $0x1  }
0x91: {  	s18 =	sld [smem:$0x3FFB];
	_ =	sdelay $0x3  }
0x92: {  	_ =	strace s18  }
0x93: {  	s3 =	sld [smem:$0x3FFC];
	_ =	sdelay $0x3  }
0x94: {  	_ =	strace s3  }
0x95: {  	s3 =	sld [smem:$0x3FFD];
	_ =	sdelay $0x3  }
0x96: {  	_ =	strace s3  }
0x97: {  	_ =	strace $0x8FFFFFFF  }
0x98: {  	s19 =	sld [smem:$0x3FDB];
	_ =	sdelay $0x1  }
0x99: {  	s4 =	simm.s32 $_scs_section_size  }
0x9a: {  	s5 =	simm.s32 $_size__tile_overlayer_lowered;
	s6 =	simm.s32 $_tile_overlayer_lowered  }
0x9b: {  	s22 =	simm.s32 $0x1BFF;
	s21 =	sshll.u32 s6, $0x1;
	s3 =	sadd.s32 s4, s19  }
0x9c: {  	s7 =	simm.s32 $0x0;
	s20 =	sshll.u32 s5, $0x1;
	s5 =	sadd.s32 s21, s3  }
0x9d: {  	[timem:s7], [sflag:s22] =	dma.local [hbm:s5], s20  }
0x9e: {  	_ =	swait.ge [sflag:s22], s20  }
0x9f: {  	s4 =	ssub.s32 $0x0, s20;
	[sflag:s22] =	ssyncset.done $0x0  }
0xa0: {  	[sflag:s22] =	ssyncadd.s32 s4;
	_ =	sdelay $0x1  }
0xa1: {  	s23 =	simm.s32 $0x1B8B  }
0xa2: {  	_ =	swait.ge [sflag:s23], $0x1  }
0xa3: {  	[sflag:s23] =	ssyncset.done $0x0  }
0xa4: {  	s25 =	simm.s32 $0x1B8E;
	s24 =	sld [smem:$0x3FFE];
	[sflag:s23] =	ssyncadd.s32 $0xFFFFFFFF  }
0xa5: {  	s26 =	simm.s32 $execute0_lowered;
	[smem:$0x3FD2] =	sst s25  }
0xa6: {  	s5 =	sshll.u32 s26, $0x1;
	_ =	strace $0x80000049;
	[dreg:$0x1] =	wrdreg $0xFFFFFFFF  }
0xa7: {  	s28 =	simm.s32 $_size_execute0_lowered;
	s3 =	sadd.s32 s3, s5;
	[dreg:$0x0] =	wrdreg $0x0  }
0xa8: {  	s5 =	sshll.u32 s28, $0x1;
	[dreg:$0x2] =	wrdreg s3  }
0xa9: {  	[dreg:$0x3] =	wrdreg s5  }
0xaa: {  	[dreg:$0x4] =	wrdreg $0xC0  }
0xab: {  	_ =	task [dreg:s7], $0x5FFFF  }
0xac: {  	[dreg:$0x1] =	wrdreg $0xFFFFFFFF  }
0xad: {  	[dreg:$0x0] =	wrdreg $0x60  }
0xae: {  	[dreg:$0x2] =	wrdreg s2  }
0xaf: {  	[dreg:$0x3] =	wrdreg s24  }
0xb0: {  	[dreg:$0x4] =	wrdreg $0x90000  }
0xb1: {  	[dreg:$0x5] =	wrdreg $0x9  }
0xb2: {  	_ =	task.clear_ibuf [dreg:s7], $0x6FFFF;
	_ =	strace $0x90000049  }
0xb3: {  	s29 =	simm.s32 $0x9;
	_ =	strace $0x8000004B  }
0xb4: {  	_ =	swait.ge [sflag:s29], $0x1  }
0xb5: {  	[sflag:s29] =	ssyncadd.s32 $0xFFFFFFFF  }
0xb6: {  	_ =	strace $0x9000004B  }
0xb7: {  	_ =	sfence  }
0xb8: {  	s30 =	sld [smem:$0x0];
	_ =	sdelay $0x2  }
0xb9: {  	s31 =	sshll.u32 s1, $0xD;
	s1 =	sshrl.u32 s1, $0x2  }
0xba: {  	s3 =	sand.u32 $0x4000, s31;
	s1 =	sadd.s32 s1, s30  }
0xbb: {  	s0 =	sor.u32 s3, s0;
	s1 =	sshll.u32 s1, $0x11  }
0xbc: {  	s0 =	sor.u32 s1, s0  }
0xbd: {  	s0 =	sadd.s32 $0x8F2B, s0  }
0xbe: {  	[sflag:s0] =	ssyncadd.remote.s32 $0x1  }
0xbf: {  	_ =	sfence.sel $0xFFFF  }
0xc0: {  	[dreg:$0x0] =	wrdreg $0xFFFFFFFF;
	(pc) =	sbr.abs _section_cstart, $3  }
0xc1: {  	[dreg:$0x1] =	wrdreg $0xFFFFFFFF  }
0xc2: {  	_ =	task.clear_ibuf [dreg:s7], $0x2FFFF;
	_ =	strace $0x9FFFFFFF  }
0xc3: {  	(tm) =	ssettm $0x7FFFFFFF  }
tec
execute0_lowered:
.L_overlay_start_1:
0x0: {  	(tag) =	ssettag $0x1  }
0x1: {  	s1 =	rddreg [dreg:$0x0]  }
0x2: {  	s0 =	srdreg.scid;
	s2 =	rddreg [dreg:$0x1]  }
0x3: {  	s10 =	stileid.u32;
	s3 =	rddreg [dreg:$0x2];
	s14 =	simm.s32 $0x100  }
0x4: {  	s15 =	simm.s32 $0x880;
	s17 =	simm.s32 $0x180;
	s18 =	simm.s32 $0x900  }
0x5: {  	s19 =	simm.s32 $0x200;
	s20 =	simm.s32 $0x980;
	s21 =	simm.s32 $0x280  }
0x6: {  	s22 =	simm.s32 $0xA00;
	s11 =	simm.s32 $0x800;
	s0 =	sand.u32 $0x1, s0  }
0x7: {  	s23 =	simm.s32 $0x300;
	s24 =	simm.s32 $0xA80;
	s4 =	sshll.u32 s0, $0x4  }
0x8: {  	s25 =	simm.s32 $0x380;
	s5 =	sor.u32 s10, s4;
	s4 =	simm.s32 $0x0  }
0x9: {  	s26 =	simm.s32 $0xB00;
	s28 =	simm.s32 $0x680;
	[smem:$0x7FF] =	sst s4  }
0xa: {  	s29 =	simm.s32 $0xE00;
	_ =	strace $0x8000004A;
	[dreg:$0x6] =	wrdreg s14  }
0xb: {  	s30 =	simm.s32 $0x700;
	s31 =	simm.s32 $0xE80;
	[dreg:$0x7] =	wrdreg s15  }
0xc: {  	s6 =	smul.u32 $0x280, s10;
	s16 =	sshll.u32 s10, $0x6;
	[dreg:$0x8] =	wrdreg s17  }
0xd: {  	s7 =	smul.u32 $0x139000, s0;
	s0 =	ssub.s32 $0x2, s0;
	[dreg:$0x9] =	wrdreg s18  }
0xe: {  	s6 =	smin.u32 s6, $0x24A0;
	s12 =	sshrl.u32 s0, $0x1;
	[dreg:$0xa] =	wrdreg s19  }
0xf: {  	s10 =	simm.s32 $0x3;
	s5 =	smul.u32 $0x500, s5;
	[dreg:$0xb] =	wrdreg s20  }
0x10: {  	s8 =	sshll.u32 s6, $0x7;
	s6 =	sshll.u32 s6, $0x4;
	[dreg:$0xc] =	wrdreg s21  }
0x11: {  	s0 =	ssub.s32 s0, s12;
	s12 =	simm.s32 $0x80;
	[dreg:$0xd] =	wrdreg s22  }
0x12: {  	s7 =	sadd.s32 s7, s8;
	s6 =	sadd.s32 s6, s2;
	[dreg:$0xe] =	wrdreg s23  }
0x13: {  	s13 =	sadd.s32 s8, s3;
	s8 =	sor.u32 $0x1C03, s16;
	[dreg:$0xf] =	wrdreg s24  }
0x14: {  	s0 =	smax.u32 s0, $0x1;
	s14 =	simm.s32 $0x5000;
	[dreg:$0x10] =	wrdreg s25  }
0x15: {  	s15 =	simm.s32 $0x1;
	s16 =	simm.s32 $0x2;
	[dreg:$0x11] =	wrdreg s26  }
0x16: {  	s17 =	simm.s32 $0x400;
	s18 =	simm.s32 $0xB80;
	s19 =	simm.s32 $0x480  }
0x17: {  	s20 =	simm.s32 $0xC00;
	s21 =	simm.s32 $0x500;
	s22 =	simm.s32 $0xC80  }
0x18: {  	s23 =	simm.s32 $0x580;
	s24 =	simm.s32 $0xD00;
	s25 =	simm.s32 $0x600  }
0x19: {  	s26 =	simm.s32 $0xD80;
	s5 =	sadd.s32 s5, s2;
	[dreg:$0x15] =	wrdreg s0  }
0x1a: {  	s7 =	sshrl.u32 s7, $0x3;
	s6 =	sadd.s32 $0x16400, s6;
	[dreg:$0x13] =	wrdreg s8  }
0x1b: {  	s0 =	simm.s32 $0xF00;
	s9 =	sadd.s32 $0x2400, s5;
	[dreg:$0x12] =	wrdreg s6  }
0x1c: {  	s2 =	sadd.s32 s7, s2;
	s5 =	sadd.s32 $0xC400, s5;
	[dreg:$0x4] =	wrdreg s9  }
0x1d: {  	s7 =	sshrl.u32 s13, $0x3;
	s13 =	simm.s32 $0x1000;
	[dreg:$0x5] =	wrdreg s5  }
0x1e: {  	s2 =	sadd.s32 $0x3D600, s2;
	s5 =	simm.s32 $0xF80;
	[dreg:$0x16] =	wrdreg s7  }
0x1f: {  	s9 =	simm.s32 $0x0;
	[dreg:$0x14] =	wrdreg s2;
	s2 =	simm.s32 $0x780  }
.LBB2_1:
0x20: {  	[dreg:$0x17] =	wrdreg s9  }
0x21: {  	s6 =	rddreg [dreg:$0x12]  }
0x22: {  	[spmem:s7], [sflag:s8] =	dma.local [hbm:s6], $0x2800  }
0x23: {  	_ =	swait.ge [sflag:s10], $0x2800  }
0x24: {  	[sflag:s10] =	ssyncset.done $0x0  }
0x25: {  	[sflag:s10] =	ssyncadd.s32 $0xFFFFD800  }
0x26: {  	[bflag:$0x0] =	sbarrier.arrive $0xFFFF  }
0x27: {  	s8 =	rddreg [dreg:$0x4]  }
0x28: {  	s6 =	sadd.s32 $0x0, s8  }
0x29: {  	[tilespmem:s4], [sflag:$0x3] =	stream.linear.gather [hbm4b:s6+s4], $0x800, $0x38;
	[tilespmem:$0x1C900] =	vst v63  }
0x2a: {  	_ =	swait.ge [sflag:s10], $0x800  }
0x2b: {  	s9 =	rddreg [dreg:$0x5];
	[sflag:s10] =	ssyncset.done $0x0  }
0x2c: {  	[sflag:s10] =	ssyncadd.s32 $0xFFFFF800;
	s6 =	sadd.s32 $0x0, s9  }
0x2d: {  	[tilespmem:s11], [sflag:$0x3] =	stream.linear.gather [hbm4b:s6+s4], $0x800, $0x38;
	[tilespmem:$0x1C900] =	vst v63  }
0x2e: {  	_ =	swait.ge [sflag:s10], $0x800  }
0x2f: {  	[sflag:s10] =	ssyncset.done $0x0  }
0x30: {  	[sflag:s10] =	ssyncadd.s32 $0xFFFFF800  }
0x31: {  	[tilespmem:s13], [sflag:$0x1] =	stream.indirect.gather [hbm4b:s1+s12], $0x80, s4, s12, $0xb8;
	[tilespmem:$0x1C900] =	vst v63  }
0x32: {  	_ = 	snop  }
0x33: {  	[tilespmem:s14], [sflag:$0x2] =	stream.indirect.gather [hbm4b:s1+s12], $0x80, s12, s12, $0xb8;
	[tilespmem:$0x1C900] =	vst v63  }
0x34: {  	_ =	swait.ge [sflag:s15], $0x4000  }
0x35: {  	[sflag:s15] =	ssyncset.done $0x0  }
0x36: {  	[sflag:s15] =	ssyncadd.s32 $0xFFFFC000  }
0x37: {  	[spmem:s3] =	stream.indirect.scatter.add.f32 [tilespmem:s13], [sflag:$0x3], $0x80, s11, s12, $0xb8;
	[tilespmem:$0x1C900] =	vst v63  }
0x38: {  	_ =	swait.ge [sflag:s10], $0x4000  }
0x39: {  	[sflag:s10] =	ssyncset.done $0x0  }
0x3a: {  	s7 =	rddreg [dreg:$0x6];
	[sflag:s10] =	ssyncadd.s32 $0xFFFFC000  }
0x3b: {  	[tilespmem:s13], [sflag:$0x1] =	stream.indirect.gather [hbm4b:s1+s12], $0x80, s7, s12, $0xb8;
	[tilespmem:$0x1C900] =	vst v63  }
0x3c: {  	_ =	swait.ge [sflag:s16], $0x4000  }
0x3d: {  	[sflag:s16] =	ssyncset.done $0x0  }
0x3e: {  	s8 =	rddreg [dreg:$0x7];
	[sflag:s16] =	ssyncadd.s32 $0xFFFFC000  }
0x3f: {  	[spmem:s3] =	stream.indirect.scatter.add.f32 [tilespmem:s14], [sflag:$0x3], $0x80, s8, s12, $0xb8;
	[tilespmem:$0x1C900] =	vst v63  }
0x40: {  	_ =	swait.ge [sflag:s10], $0x4000  }
0x41: {  	[sflag:s10] =	ssyncset.done $0x0  }
0x42: {  	s9 =	rddreg [dreg:$0x8];
	[sflag:s10] =	ssyncadd.s32 $0xFFFFC000  }
0x43: {  	[tilespmem:s14], [sflag:$0x2] =	stream.indirect.gather [hbm4b:s1+s12], $0x80, s9, s12, $0xb8;
	[tilespmem:$0x1C900] =	vst v63  }
0x44: {  	_ =	swait.ge [sflag:s15], $0x4000  }
0x45: {  	[sflag:s15] =	ssyncset.done $0x0  }
0x46: {  	s7 =	rddreg [dreg:$0x9];
	[sflag:s15] =	ssyncadd.s32 $0xFFFFC000  }
0x47: {  	[spmem:s3] =	stream.indirect.scatter.add.f32 [tilespmem:s13], [sflag:$0x3], $0x80, s7, s12, $0xb8;
	[tilespmem:$0x1C900] =	vst v63  }
0x48: {  	_ =	swait.ge [sflag:s10], $0x4000  }
0x49: {  	[sflag:s10] =	ssyncset.done $0x0  }
0x4a: {  	s8 =	rddreg [dreg:$0xa];
	[sflag:s10] =	ssyncadd.s32 $0xFFFFC000  }
0x4b: {  	[tilespmem:s13], [sflag:$0x1] =	stream.indirect.gather [hbm4b:s1+s12], $0x80, s8, s12, $0xb8;
	[tilespmem:$0x1C900] =	vst v63  }
0x4c: {  	_ =	swait.ge [sflag:s16], $0x4000  }
0x4d: {  	[sflag:s16] =	ssyncset.done $0x0  }
0x4e: {  	s9 =	rddreg [dreg:$0xb];
	[sflag:s16] =	ssyncadd.s32 $0xFFFFC000  }
0x4f: {  	[spmem:s3] =	stream.indirect.scatter.add.f32 [tilespmem:s14], [sflag:$0x3], $0x80, s9, s12, $0xb8;
	[tilespmem:$0x1C900] =	vst v63  }
0x50: {  	_ =	swait.ge [sflag:s10], $0x4000  }
0x51: {  	[sflag:s10] =	ssyncset.done $0x0  }
0x52: {  	s7 =	rddreg [dreg:$0xc];
	[sflag:s10] =	ssyncadd.s32 $0xFFFFC000  }
0x53: {  	[tilespmem:s14], [sflag:$0x2] =	stream.indirect.gather [hbm4b:s1+s12], $0x80, s7, s12, $0xb8;
	[tilespmem:$0x1C900] =	vst v63  }
0x54: {  	_ =	swait.ge [sflag:s15], $0x4000  }
0x55: {  	[sflag:s15] =	ssyncset.done $0x0  }
0x56: {  	s8 =	rddreg [dreg:$0xd];
	[sflag:s15] =	ssyncadd.s32 $0xFFFFC000  }
0x57: {  	[spmem:s3] =	stream.indirect.scatter.add.f32 [tilespmem:s13], [sflag:$0x3], $0x80, s8, s12, $0xb8;
	[tilespmem:$0x1C900] =	vst v63  }
0x58: {  	_ =	swait.ge [sflag:s10], $0x4000  }
0x59: {  	[sflag:s10] =	ssyncset.done $0x0  }
0x5a: {  	s9 =	rddreg [dreg:$0xe];
	[sflag:s10] =	ssyncadd.s32 $0xFFFFC000  }
0x5b: {  	[tilespmem:s13], [sflag:$0x1] =	stream.indirect.gather [hbm4b:s1+s12], $0x80, s9, s12, $0xb8;
	[tilespmem:$0x1C900] =	vst v63  }
0x5c: {  	_ =	swait.ge [sflag:s16], $0x4000  }
0x5d: {  	[sflag:s16] =	ssyncset.done $0x0  }
0x5e: {  	s7 =	rddreg [dreg:$0xf];
	[sflag:s16] =	ssyncadd.s32 $0xFFFFC000  }
0x5f: {  	[spmem:s3] =	stream.indirect.scatter.add.f32 [tilespmem:s14], [sflag:$0x3], $0x80, s7, s12, $0xb8;
	[tilespmem:$0x1C900] =	vst v63  }
0x60: {  	_ =	swait.ge [sflag:s10], $0x4000  }
0x61: {  	[sflag:s10] =	ssyncset.done $0x0  }
0x62: {  	s8 =	rddreg [dreg:$0x10];
	[sflag:s10] =	ssyncadd.s32 $0xFFFFC000  }
0x63: {  	[tilespmem:s14], [sflag:$0x2] =	stream.indirect.gather [hbm4b:s1+s12], $0x80, s8, s12, $0xb8;
	[tilespmem:$0x1C900] =	vst v63  }
0x64: {  	_ =	swait.ge [sflag:s15], $0x4000  }
0x65: {  	[sflag:s15] =	ssyncset.done $0x0  }
0x66: {  	s9 =	rddreg [dreg:$0x11];
	[sflag:s15] =	ssyncadd.s32 $0xFFFFC000  }
0x67: {  	[spmem:s3] =	stream.indirect.scatter.add.f32 [tilespmem:s13], [sflag:$0x3], $0x80, s9, s12, $0xb8;
	[tilespmem:$0x1C900] =	vst v63  }
0x68: {  	_ =	swait.ge [sflag:s10], $0x4000  }
0x69: {  	[sflag:s10] =	ssyncset.done $0x0  }
0x6a: {  	[sflag:s10] =	ssyncadd.s32 $0xFFFFC000  }
0x6b: {  	[tilespmem:s13], [sflag:$0x1] =	stream.indirect.gather [hbm4b:s1+s12], $0x80, s17, s12, $0xb8;
	[tilespmem:$0x1C900] =	vst v63  }
0x6c: {  	_ =	swait.ge [sflag:s16], $0x4000  }
0x6d: {  	[sflag:s16] =	ssyncset.done $0x0  }
0x6e: {  	[sflag:s16] =	ssyncadd.s32 $0xFFFFC000  }
0x6f: {  	[spmem:s3] =	stream.indirect.scatter.add.f32 [tilespmem:s14], [sflag:$0x3], $0x80, s18, s12, $0xb8;
	[tilespmem:$0x1C900] =	vst v63  }
0x70: {  	_ =	swait.ge [sflag:s10], $0x4000  }
0x71: {  	[sflag:s10] =	ssyncset.done $0x0  }
0x72: {  	[sflag:s10] =	ssyncadd.s32 $0xFFFFC000  }
0x73: {  	[tilespmem:s14], [sflag:$0x2] =	stream.indirect.gather [hbm4b:s1+s12], $0x80, s19, s12, $0xb8;
	[tilespmem:$0x1C900] =	vst v63  }
0x74: {  	_ =	swait.ge [sflag:s15], $0x4000  }
0x75: {  	[sflag:s15] =	ssyncset.done $0x0  }
0x76: {  	[sflag:s15] =	ssyncadd.s32 $0xFFFFC000  }
0x77: {  	[spmem:s3] =	stream.indirect.scatter.add.f32 [tilespmem:s13], [sflag:$0x3], $0x80, s20, s12, $0xb8;
	[tilespmem:$0x1C900] =	vst v63  }
0x78: {  	_ =	swait.ge [sflag:s10], $0x4000  }
0x79: {  	[sflag:s10] =	ssyncset.done $0x0  }
0x7a: {  	[sflag:s10] =	ssyncadd.s32 $0xFFFFC000  }
0x7b: {  	[tilespmem:s13], [sflag:$0x1] =	stream.indirect.gather [hbm4b:s1+s12], $0x80, s21, s12, $0xb8;
	[tilespmem:$0x1C900] =	vst v63  }
0x7c: {  	_ =	swait.ge [sflag:s16], $0x4000  }
0x7d: {  	[sflag:s16] =	ssyncset.done $0x0  }
0x7e: {  	[sflag:s16] =	ssyncadd.s32 $0xFFFFC000  }
0x7f: {  	[spmem:s3] =	stream.indirect.scatter.add.f32 [tilespmem:s14], [sflag:$0x3], $0x80, s22, s12, $0xb8;
	[tilespmem:$0x1C900] =	vst v63  }
0x80: {  	_ =	swait.ge [sflag:s10], $0x4000  }
0x81: {  	[sflag:s10] =	ssyncset.done $0x0  }
0x82: {  	[sflag:s10] =	ssyncadd.s32 $0xFFFFC000  }
0x83: {  	[tilespmem:s14], [sflag:$0x2] =	stream.indirect.gather [hbm4b:s1+s12], $0x80, s23, s12, $0xb8;
	[tilespmem:$0x1C900] =	vst v63  }
0x84: {  	_ =	swait.ge [sflag:s15], $0x4000  }
0x85: {  	[sflag:s15] =	ssyncset.done $0x0  }
0x86: {  	[sflag:s15] =	ssyncadd.s32 $0xFFFFC000  }
0x87: {  	[spmem:s3] =	stream.indirect.scatter.add.f32 [tilespmem:s13], [sflag:$0x3], $0x80, s24, s12, $0xb8;
	[tilespmem:$0x1C900] =	vst v63  }
0x88: {  	_ =	swait.ge [sflag:s10], $0x4000  }
0x89: {  	[sflag:s10] =	ssyncset.done $0x0  }
0x8a: {  	[sflag:s10] =	ssyncadd.s32 $0xFFFFC000  }
0x8b: {  	[tilespmem:s13], [sflag:$0x1] =	stream.indirect.gather [hbm4b:s1+s12], $0x80, s25, s12, $0xb8;
	[tilespmem:$0x1C900] =	vst v63  }
0x8c: {  	_ =	swait.ge [sflag:s16], $0x4000  }
0x8d: {  	[sflag:s16] =	ssyncset.done $0x0  }
0x8e: {  	[sflag:s16] =	ssyncadd.s32 $0xFFFFC000  }
0x8f: {  	[spmem:s3] =	stream.indirect.scatter.add.f32 [tilespmem:s14], [sflag:$0x3], $0x80, s26, s12, $0xb8;
	[tilespmem:$0x1C900] =	vst v63  }
0x90: {  	_ =	swait.ge [sflag:s10], $0x4000  }
0x91: {  	[sflag:s10] =	ssyncset.done $0x0  }
0x92: {  	[sflag:s10] =	ssyncadd.s32 $0xFFFFC000  }
0x93: {  	[tilespmem:s14], [sflag:$0x2] =	stream.indirect.gather [hbm4b:s1+s12], $0x80, s28, s12, $0xb8;
	[tilespmem:$0x1C900] =	vst v63  }
0x94: {  	_ =	swait.ge [sflag:s15], $0x4000  }
0x95: {  	[sflag:s15] =	ssyncset.done $0x0  }
0x96: {  	[sflag:s15] =	ssyncadd.s32 $0xFFFFC000  }
0x97: {  	[spmem:s3] =	stream.indirect.scatter.add.f32 [tilespmem:s13], [sflag:$0x3], $0x80, s29, s12, $0xb8;
	[tilespmem:$0x1C900] =	vst v63  }
0x98: {  	_ =	swait.ge [sflag:s10], $0x4000  }
0x99: {  	[sflag:s10] =	ssyncset.done $0x0  }
0x9a: {  	[sflag:s10] =	ssyncadd.s32 $0xFFFFC000  }
0x9b: {  	[tilespmem:s13], [sflag:$0x1] =	stream.indirect.gather [hbm4b:s1+s12], $0x80, s30, s12, $0xb8;
	[tilespmem:$0x1C900] =	vst v63  }
0x9c: {  	_ =	swait.ge [sflag:s16], $0x4000  }
0x9d: {  	[sflag:s16] =	ssyncset.done $0x0  }
0x9e: {  	[sflag:s16] =	ssyncadd.s32 $0xFFFFC000  }
0x9f: {  	[spmem:s3] =	stream.indirect.scatter.add.f32 [tilespmem:s14], [sflag:$0x3], $0x80, s31, s12, $0xb8;
	[tilespmem:$0x1C900] =	vst v63  }
0xa0: {  	_ =	swait.ge [sflag:s10], $0x4000  }
0xa1: {  	[sflag:s10] =	ssyncset.done $0x0  }
0xa2: {  	[sflag:s10] =	ssyncadd.s32 $0xFFFFC000  }
0xa3: {  	[tilespmem:s14], [sflag:$0x2] =	stream.indirect.gather [hbm4b:s1+s12], $0x80, s2, s12, $0xb8;
	[tilespmem:$0x1C900] =	vst v63  }
0xa4: {  	_ =	swait.ge [sflag:s15], $0x4000  }
0xa5: {  	[sflag:s15] =	ssyncset.done $0x0  }
0xa6: {  	[sflag:s15] =	ssyncadd.s32 $0xFFFFC000  }
0xa7: {  	[spmem:s3] =	stream.indirect.scatter.add.f32 [tilespmem:s13], [sflag:$0x3], $0x80, s0, s12, $0xb8;
	[tilespmem:$0x1C900] =	vst v63  }
0xa8: {  	_ =	swait.ge [sflag:s10], $0x4000  }
0xa9: {  	[sflag:s10] =	ssyncset.done $0x0  }
0xaa: {  	[sflag:s10] =	ssyncadd.s32 $0xFFFFC000  }
0xab: {  	_ =	swait.ge [sflag:s16], $0x4000  }
0xac: {  	[sflag:s16] =	ssyncset.done $0x0  }
0xad: {  	[sflag:s16] =	ssyncadd.s32 $0xFFFFC000  }
0xae: {  	[spmem:s3] =	stream.indirect.scatter.add.f32 [tilespmem:s14], [sflag:$0x3], $0x80, s5, s12, $0xb8;
	[tilespmem:$0x1C900] =	vst v63  }
0xaf: {  	s6 =	simm.s32 $0x200;
	_ =	swait.ge [sflag:s10], $0x4000  }
0xb0: {  	s8 =	simm.s32 $0x100;
	s9 =	rddreg [dreg:$0x4];
	[sflag:s10] =	ssyncset.done $0x0  }
.LBB2_2:
0xb1: {  	[sflag:s10] =	ssyncadd.s32 $0xFFFFC000;
	s9 =	sadd.s32 s8, s9  }
0xb2: {  	[tilespmem:s4], [sflag:$0x3] =	stream.linear.gather [hbm4b:s9+s4], $0x800, $0x38;
	[tilespmem:$0x1C900] =	vst v63  }
0xb3: {  	_ =	swait.ge [sflag:s10], $0x800  }
0xb4: {  	s9 =	rddreg [dreg:$0x5];
	[sflag:s10] =	ssyncset.done $0x0  }
0xb5: {  	[sflag:s10] =	ssyncadd.s32 $0xFFFFF800;
	s9 =	sadd.s32 s8, s9  }
0xb6: {  	[tilespmem:s11], [sflag:$0x3] =	stream.linear.gather [hbm4b:s9+s4], $0x800, $0x38;
	[tilespmem:$0x1C900] =	vst v63  }
0xb7: {  	_ =	swait.ge [sflag:s10], $0x800  }
0xb8: {  	[sflag:s10] =	ssyncset.done $0x0  }
0xb9: {  	[sflag:s10] =	ssyncadd.s32 $0xFFFFF800  }
0xba: {  	[tilespmem:s13], [sflag:$0x1] =	stream.indirect.gather [hbm4b:s1+s12], $0x80, s4, s12, $0xb8;
	[tilespmem:$0x1C900] =	vst v63  }
0xbb: {  	_ = 	snop  }
0xbc: {  	[tilespmem:s14], [sflag:$0x2] =	stream.indirect.gather [hbm4b:s1+s12], $0x80, s12, s12, $0xb8;
	[tilespmem:$0x1C900] =	vst v63  }
0xbd: {  	_ =	swait.ge [sflag:s15], $0x4000  }
0xbe: {  	[sflag:s15] =	ssyncset.done $0x0  }
0xbf: {  	[sflag:s15] =	ssyncadd.s32 $0xFFFFC000  }
0xc0: {  	[spmem:s3] =	stream.indirect.scatter.add.f32 [tilespmem:s13], [sflag:$0x3], $0x80, s11, s12, $0xb8;
	[tilespmem:$0x1C900] =	vst v63  }
0xc1: {  	_ =	swait.ge [sflag:s10], $0x4000  }
0xc2: {  	[sflag:s10] =	ssyncset.done $0x0  }
0xc3: {  	s9 =	rddreg [dreg:$0x6];
	[sflag:s10] =	ssyncadd.s32 $0xFFFFC000  }
0xc4: {  	[tilespmem:s13], [sflag:$0x1] =	stream.indirect.gather [hbm4b:s1+s12], $0x80, s9, s12, $0xb8;
	[tilespmem:$0x1C900] =	vst v63  }
0xc5: {  	_ =	swait.ge [sflag:s16], $0x4000  }
0xc6: {  	[sflag:s16] =	ssyncset.done $0x0  }
0xc7: {  	s9 =	rddreg [dreg:$0x7];
	[sflag:s16] =	ssyncadd.s32 $0xFFFFC000  }
0xc8: {  	[spmem:s3] =	stream.indirect.scatter.add.f32 [tilespmem:s14], [sflag:$0x3], $0x80, s9, s12, $0xb8;
	[tilespmem:$0x1C900] =	vst v63  }
0xc9: {  	_ =	swait.ge [sflag:s10], $0x4000  }
0xca: {  	[sflag:s10] =	ssyncset.done $0x0  }
0xcb: {  	s9 =	rddreg [dreg:$0x8];
	[sflag:s10] =	ssyncadd.s32 $0xFFFFC000  }
0xcc: {  	[tilespmem:s14], [sflag:$0x2] =	stream.indirect.gather [hbm4b:s1+s12], $0x80, s9, s12, $0xb8;
	[tilespmem:$0x1C900] =	vst v63  }
0xcd: {  	_ =	swait.ge [sflag:s15], $0x4000  }
0xce: {  	[sflag:s15] =	ssyncset.done $0x0  }
0xcf: {  	s9 =	rddreg [dreg:$0x9];
	[sflag:s15] =	ssyncadd.s32 $0xFFFFC000  }
0xd0: {  	[spmem:s3] =	stream.indirect.scatter.add.f32 [tilespmem:s13], [sflag:$0x3], $0x80, s9, s12, $0xb8;
	[tilespmem:$0x1C900] =	vst v63  }
0xd1: {  	_ =	swait.ge [sflag:s10], $0x4000  }
0xd2: {  	[sflag:s10] =	ssyncset.done $0x0  }
0xd3: {  	s9 =	rddreg [dreg:$0xa];
	[sflag:s10] =	ssyncadd.s32 $0xFFFFC000  }
0xd4: {  	[tilespmem:s13], [sflag:$0x1] =	stream.indirect.gather [hbm4b:s1+s12], $0x80, s9, s12, $0xb8;
	[tilespmem:$0x1C900] =	vst v63  }
0xd5: {  	_ =	swait.ge [sflag:s16], $0x4000  }
0xd6: {  	[sflag:s16] =	ssyncset.done $0x0  }
0xd7: {  	s9 =	rddreg [dreg:$0xb];
	[sflag:s16] =	ssyncadd.s32 $0xFFFFC000  }
0xd8: {  	[spmem:s3] =	stream.indirect.scatter.add.f32 [tilespmem:s14], [sflag:$0x3], $0x80, s9, s12, $0xb8;
	[tilespmem:$0x1C900] =	vst v63  }
0xd9: {  	_ =	swait.ge [sflag:s10], $0x4000  }
0xda: {  	[sflag:s10] =	ssyncset.done $0x0  }
0xdb: {  	s9 =	rddreg [dreg:$0xc];
	[sflag:s10] =	ssyncadd.s32 $0xFFFFC000  }
0xdc: {  	[tilespmem:s14], [sflag:$0x2] =	stream.indirect.gather [hbm4b:s1+s12], $0x80, s9, s12, $0xb8;
	[tilespmem:$0x1C900] =	vst v63  }
0xdd: {  	_ =	swait.ge [sflag:s15], $0x4000  }
0xde: {  	[sflag:s15] =	ssyncset.done $0x0  }
0xdf: {  	s9 =	rddreg [dreg:$0xd];
	[sflag:s15] =	ssyncadd.s32 $0xFFFFC000  }
0xe0: {  	[spmem:s3] =	stream.indirect.scatter.add.f32 [tilespmem:s13], [sflag:$0x3], $0x80, s9, s12, $0xb8;
	[tilespmem:$0x1C900] =	vst v63  }
0xe1: {  	_ =	swait.ge [sflag:s10], $0x4000  }
0xe2: {  	[sflag:s10] =	ssyncset.done $0x0  }
0xe3: {  	s9 =	rddreg [dreg:$0xe];
	[sflag:s10] =	ssyncadd.s32 $0xFFFFC000  }
0xe4: {  	[tilespmem:s13], [sflag:$0x1] =	stream.indirect.gather [hbm4b:s1+s12], $0x80, s9, s12, $0xb8;
	[tilespmem:$0x1C900] =	vst v63  }
0xe5: {  	_ =	swait.ge [sflag:s16], $0x4000  }
0xe6: {  	[sflag:s16] =	ssyncset.done $0x0  }
0xe7: {  	s9 =	rddreg [dreg:$0xf];
	[sflag:s16] =	ssyncadd.s32 $0xFFFFC000  }
0xe8: {  	[spmem:s3] =	stream.indirect.scatter.add.f32 [tilespmem:s14], [sflag:$0x3], $0x80, s9, s12, $0xb8;
	[tilespmem:$0x1C900] =	vst v63  }
0xe9: {  	_ =	swait.ge [sflag:s10], $0x4000  }
0xea: {  	[sflag:s10] =	ssyncset.done $0x0  }
0xeb: {  	s9 =	rddreg [dreg:$0x10];
	[sflag:s10] =	ssyncadd.s32 $0xFFFFC000  }
0xec: {  	[tilespmem:s14], [sflag:$0x2] =	stream.indirect.gather [hbm4b:s1+s12], $0x80, s9, s12, $0xb8;
	[tilespmem:$0x1C900] =	vst v63  }
0xed: {  	_ =	swait.ge [sflag:s15], $0x4000  }
0xee: {  	[sflag:s15] =	ssyncset.done $0x0  }
0xef: {  	s9 =	rddreg [dreg:$0x11];
	[sflag:s15] =	ssyncadd.s32 $0xFFFFC000  }
0xf0: {  	[spmem:s3] =	stream.indirect.scatter.add.f32 [tilespmem:s13], [sflag:$0x3], $0x80, s9, s12, $0xb8;
	[tilespmem:$0x1C900] =	vst v63  }
0xf1: {  	_ =	swait.ge [sflag:s10], $0x4000  }
0xf2: {  	[sflag:s10] =	ssyncset.done $0x0  }
0xf3: {  	[sflag:s10] =	ssyncadd.s32 $0xFFFFC000  }
0xf4: {  	[tilespmem:s13], [sflag:$0x1] =	stream.indirect.gather [hbm4b:s1+s12], $0x80, s17, s12, $0xb8;
	[tilespmem:$0x1C900] =	vst v63  }
0xf5: {  	_ =	swait.ge [sflag:s16], $0x4000  }
0xf6: {  	[sflag:s16] =	ssyncset.done $0x0  }
0xf7: {  	[sflag:s16] =	ssyncadd.s32 $0xFFFFC000  }
0xf8: {  	[spmem:s3] =	stream.indirect.scatter.add.f32 [tilespmem:s14], [sflag:$0x3], $0x80, s18, s12, $0xb8;
	[tilespmem:$0x1C900] =	vst v63  }
0xf9: {  	_ =	swait.ge [sflag:s10], $0x4000  }
0xfa: {  	[sflag:s10] =	ssyncset.done $0x0  }
0xfb: {  	[sflag:s10] =	ssyncadd.s32 $0xFFFFC000  }
0xfc: {  	[tilespmem:s14], [sflag:$0x2] =	stream.indirect.gather [hbm4b:s1+s12], $0x80, s19, s12, $0xb8;
	[tilespmem:$0x1C900] =	vst v63  }
0xfd: {  	_ =	swait.ge [sflag:s15], $0x4000  }
0xfe: {  	[sflag:s15] =	ssyncset.done $0x0  }
0xff: {  	[sflag:s15] =	ssyncadd.s32 $0xFFFFC000  }
0x100: {  	[spmem:s3] =	stream.indirect.scatter.add.f32 [tilespmem:s13], [sflag:$0x3], $0x80, s20, s12, $0xb8;
	[tilespmem:$0x1C900] =	vst v63  }
0x101: {  	_ =	swait.ge [sflag:s10], $0x4000  }
0x102: {  	[sflag:s10] =	ssyncset.done $0x0  }
0x103: {  	[sflag:s10] =	ssyncadd.s32 $0xFFFFC000  }
0x104: {  	[tilespmem:s13], [sflag:$0x1] =	stream.indirect.gather [hbm4b:s1+s12], $0x80, s21, s12, $0xb8;
	[tilespmem:$0x1C900] =	vst v63  }
0x105: {  	_ =	swait.ge [sflag:s16], $0x4000  }
0x106: {  	[sflag:s16] =	ssyncset.done $0x0  }
0x107: {  	[sflag:s16] =	ssyncadd.s32 $0xFFFFC000  }
0x108: {  	[spmem:s3] =	stream.indirect.scatter.add.f32 [tilespmem:s14], [sflag:$0x3], $0x80, s22, s12, $0xb8;
	[tilespmem:$0x1C900] =	vst v63  }
0x109: {  	_ =	swait.ge [sflag:s10], $0x4000  }
0x10a: {  	[sflag:s10] =	ssyncset.done $0x0  }
0x10b: {  	[sflag:s10] =	ssyncadd.s32 $0xFFFFC000  }
0x10c: {  	[tilespmem:s14], [sflag:$0x2] =	stream.indirect.gather [hbm4b:s1+s12], $0x80, s23, s12, $0xb8;
	[tilespmem:$0x1C900] =	vst v63  }
0x10d: {  	_ =	swait.ge [sflag:s15], $0x4000  }
0x10e: {  	[sflag:s15] =	ssyncset.done $0x0  }
0x10f: {  	[sflag:s15] =	ssyncadd.s32 $0xFFFFC000  }
0x110: {  	[spmem:s3] =	stream.indirect.scatter.add.f32 [tilespmem:s13], [sflag:$0x3], $0x80, s24, s12, $0xb8;
	[tilespmem:$0x1C900] =	vst v63  }
0x111: {  	_ =	swait.ge [sflag:s10], $0x4000  }
0x112: {  	[sflag:s10] =	ssyncset.done $0x0  }
0x113: {  	[sflag:s10] =	ssyncadd.s32 $0xFFFFC000  }
0x114: {  	[tilespmem:s13], [sflag:$0x1] =	stream.indirect.gather [hbm4b:s1+s12], $0x80, s25, s12, $0xb8;
	[tilespmem:$0x1C900] =	vst v63  }
0x115: {  	_ =	swait.ge [sflag:s16], $0x4000  }
0x116: {  	[sflag:s16] =	ssyncset.done $0x0  }
0x117: {  	[sflag:s16] =	ssyncadd.s32 $0xFFFFC000  }
0x118: {  	[spmem:s3] =	stream.indirect.scatter.add.f32 [tilespmem:s14], [sflag:$0x3], $0x80, s26, s12, $0xb8;
	[tilespmem:$0x1C900] =	vst v63  }
0x119: {  	_ =	swait.ge [sflag:s10], $0x4000  }
0x11a: {  	[sflag:s10] =	ssyncset.done $0x0  }
0x11b: {  	[sflag:s10] =	ssyncadd.s32 $0xFFFFC000  }
0x11c: {  	[tilespmem:s14], [sflag:$0x2] =	stream.indirect.gather [hbm4b:s1+s12], $0x80, s28, s12, $0xb8;
	[tilespmem:$0x1C900] =	vst v63  }
0x11d: {  	_ =	swait.ge [sflag:s15], $0x4000  }
0x11e: {  	[sflag:s15] =	ssyncset.done $0x0  }
0x11f: {  	[sflag:s15] =	ssyncadd.s32 $0xFFFFC000  }
0x120: {  	[spmem:s3] =	stream.indirect.scatter.add.f32 [tilespmem:s13], [sflag:$0x3], $0x80, s29, s12, $0xb8;
	[tilespmem:$0x1C900] =	vst v63  }
0x121: {  	_ =	swait.ge [sflag:s10], $0x4000  }
0x122: {  	[sflag:s10] =	ssyncset.done $0x0  }
0x123: {  	[sflag:s10] =	ssyncadd.s32 $0xFFFFC000  }
0x124: {  	[tilespmem:s13], [sflag:$0x1] =	stream.indirect.gather [hbm4b:s1+s12], $0x80, s30, s12, $0xb8;
	[tilespmem:$0x1C900] =	vst v63  }
0x125: {  	_ =	swait.ge [sflag:s16], $0x4000  }
0x126: {  	[sflag:s16] =	ssyncset.done $0x0  }
0x127: {  	[sflag:s16] =	ssyncadd.s32 $0xFFFFC000  }
0x128: {  	[spmem:s3] =	stream.indirect.scatter.add.f32 [tilespmem:s14], [sflag:$0x3], $0x80, s31, s12, $0xb8;
	[tilespmem:$0x1C900] =	vst v63  }
0x129: {  	_ =	swait.ge [sflag:s10], $0x4000  }
0x12a: {  	[sflag:s10] =	ssyncset.done $0x0  }
0x12b: {  	[sflag:s10] =	ssyncadd.s32 $0xFFFFC000  }
0x12c: {  	[tilespmem:s14], [sflag:$0x2] =	stream.indirect.gather [hbm4b:s1+s12], $0x80, s2, s12, $0xb8;
	[tilespmem:$0x1C900] =	vst v63  }
0x12d: {  	_ =	swait.ge [sflag:s15], $0x4000  }
0x12e: {  	[sflag:s15] =	ssyncset.done $0x0  }
0x12f: {  	[sflag:s15] =	ssyncadd.s32 $0xFFFFC000  }
0x130: {  	[spmem:s3] =	stream.indirect.scatter.add.f32 [tilespmem:s13], [sflag:$0x3], $0x80, s0, s12, $0xb8;
	[tilespmem:$0x1C900] =	vst v63  }
0x131: {  	_ =	swait.ge [sflag:s10], $0x4000  }
0x132: {  	[sflag:s10] =	ssyncset.done $0x0  }
0x133: {  	[sflag:s10] =	ssyncadd.s32 $0xFFFFC000  }
0x134: {  	p0 =	sne.s32 s6, $0x400;
	_ =	swait.ge [sflag:s16], $0x4000  }
.Ltmp0:
0x135: {  	[sflag:s16] =	ssyncset.done $0x0;
	(pc) =	sbr.rel @p0 .LBB2_2-.Ltmp0, $4  }
0x136: {  	[sflag:s16] =	ssyncadd.s32 $0xFFFFC000  }
0x137: {  	[spmem:s3] =	stream.indirect.scatter.add.f32 [tilespmem:s14], [sflag:$0x3], $0x80, s5, s12, $0xb8;
	[tilespmem:$0x1C900] =	vst v63  }
0x138: {  	s7 =	smov.u32 s6;
	s6 =	sadd.s32 $0x100, s6;
	_ =	swait.ge [sflag:s10], $0x4000  }
0x139: {  	s8 =	smov.u32 s7;
	s9 =	rddreg [dreg:$0x4];
	[sflag:s10] =	ssyncset.done $0x0  }
0x13a: {  	[sflag:s10] =	ssyncadd.s32 $0xFFFFC000;
	s6 =	sadd.s32 s8, s9  }
0x13b: {  	[tilespmem:s4], [sflag:$0x3] =	stream.linear.gather [hbm4b:s6+s4], $0x800, $0x38;
	[tilespmem:$0x1C900] =	vst v63  }
0x13c: {  	_ =	swait.ge [sflag:s10], $0x800  }
0x13d: {  	s7 =	rddreg [dreg:$0x5];
	[sflag:s10] =	ssyncset.done $0x0  }
0x13e: {  	s6 =	sadd.s32 s8, s7;
	[sflag:s10] =	ssyncadd.s32 $0xFFFFF800  }
0x13f: {  	[tilespmem:s11], [sflag:$0x3] =	stream.linear.gather [hbm4b:s6+s4], $0x800, $0x38;
	[tilespmem:$0x1C900] =	vst v63  }
0x140: {  	_ =	swait.ge [sflag:s10], $0x800  }
0x141: {  	[sflag:s10] =	ssyncset.done $0x0  }
0x142: {  	[sflag:s10] =	ssyncadd.s32 $0xFFFFF800  }
0x143: {  	[tilespmem:s13], [sflag:$0x1] =	stream.indirect.gather [hbm4b:s1+s12], $0x80, s4, s12, $0xb8;
	[tilespmem:$0x1C900] =	vst v63  }
0x144: {  	_ = 	snop  }
0x145: {  	[tilespmem:s14], [sflag:$0x2] =	stream.indirect.gather [hbm4b:s1+s12], $0x80, s12, s12, $0xb8;
	[tilespmem:$0x1C900] =	vst v63  }
0x146: {  	_ =	swait.ge [sflag:s15], $0x4000  }
0x147: {  	[sflag:s15] =	ssyncset.done $0x0  }
0x148: {  	[sflag:s15] =	ssyncadd.s32 $0xFFFFC000  }
0x149: {  	[spmem:s3] =	stream.indirect.scatter.add.f32 [tilespmem:s13], [sflag:$0x3], $0x80, s11, s12, $0xb8;
	[tilespmem:$0x1C900] =	vst v63  }
0x14a: {  	_ =	swait.ge [sflag:s10], $0x4000  }
0x14b: {  	[sflag:s10] =	ssyncset.done $0x0  }
0x14c: {  	s9 =	rddreg [dreg:$0x6];
	[sflag:s10] =	ssyncadd.s32 $0xFFFFC000  }
0x14d: {  	[tilespmem:s13], [sflag:$0x1] =	stream.indirect.gather [hbm4b:s1+s12], $0x80, s9, s12, $0xb8;
	[tilespmem:$0x1C900] =	vst v63  }
0x14e: {  	_ =	swait.ge [sflag:s16], $0x4000  }
0x14f: {  	[sflag:s16] =	ssyncset.done $0x0  }
0x150: {  	s7 =	rddreg [dreg:$0x7];
	[sflag:s16] =	ssyncadd.s32 $0xFFFFC000  }
0x151: {  	[spmem:s3] =	stream.indirect.scatter.add.f32 [tilespmem:s14], [sflag:$0x3], $0x80, s7, s12, $0xb8;
	[tilespmem:$0x1C900] =	vst v63  }
0x152: {  	_ =	swait.ge [sflag:s10], $0x4000  }
0x153: {  	[sflag:s10] =	ssyncset.done $0x0  }
0x154: {  	s8 =	rddreg [dreg:$0x8];
	[sflag:s10] =	ssyncadd.s32 $0xFFFFC000  }
0x155: {  	[tilespmem:s14], [sflag:$0x2] =	stream.indirect.gather [hbm4b:s1+s12], $0x80, s8, s12, $0xb8;
	[tilespmem:$0x1C900] =	vst v63  }
0x156: {  	_ =	swait.ge [sflag:s15], $0x4000  }
0x157: {  	[sflag:s15] =	ssyncset.done $0x0  }
0x158: {  	s9 =	rddreg [dreg:$0x9];
	[sflag:s15] =	ssyncadd.s32 $0xFFFFC000  }
0x159: {  	[spmem:s3] =	stream.indirect.scatter.add.f32 [tilespmem:s13], [sflag:$0x3], $0x80, s9, s12, $0xb8;
	[tilespmem:$0x1C900] =	vst v63  }
0x15a: {  	_ =	swait.ge [sflag:s10], $0x4000  }
0x15b: {  	[sflag:s10] =	ssyncset.done $0x0  }
0x15c: {  	s7 =	rddreg [dreg:$0xa];
	[sflag:s10] =	ssyncadd.s32 $0xFFFFC000  }
0x15d: {  	[tilespmem:s13], [sflag:$0x1] =	stream.indirect.gather [hbm4b:s1+s12], $0x80, s7, s12, $0xb8;
	[tilespmem:$0x1C900] =	vst v63  }
0x15e: {  	_ =	swait.ge [sflag:s16], $0x4000  }
0x15f: {  	[sflag:s16] =	ssyncset.done $0x0  }
0x160: {  	s8 =	rddreg [dreg:$0xb];
	[sflag:s16] =	ssyncadd.s32 $0xFFFFC000  }
0x161: {  	[spmem:s3] =	stream.indirect.scatter.add.f32 [tilespmem:s14], [sflag:$0x3], $0x80, s8, s12, $0xb8;
	[tilespmem:$0x1C900] =	vst v63  }
0x162: {  	_ =	swait.ge [sflag:s10], $0x4000  }
0x163: {  	[sflag:s10] =	ssyncset.done $0x0  }
0x164: {  	s9 =	rddreg [dreg:$0xc];
	[sflag:s10] =	ssyncadd.s32 $0xFFFFC000  }
0x165: {  	[tilespmem:s14], [sflag:$0x2] =	stream.indirect.gather [hbm4b:s1+s12], $0x80, s9, s12, $0xb8;
	[tilespmem:$0x1C900] =	vst v63  }
0x166: {  	_ =	swait.ge [sflag:s15], $0x4000  }
0x167: {  	[sflag:s15] =	ssyncset.done $0x0  }
0x168: {  	s7 =	rddreg [dreg:$0xd];
	[sflag:s15] =	ssyncadd.s32 $0xFFFFC000  }
0x169: {  	[spmem:s3] =	stream.indirect.scatter.add.f32 [tilespmem:s13], [sflag:$0x3], $0x80, s7, s12, $0xb8;
	[tilespmem:$0x1C900] =	vst v63  }
0x16a: {  	_ =	swait.ge [sflag:s10], $0x4000  }
0x16b: {  	[sflag:s10] =	ssyncset.done $0x0  }
0x16c: {  	s8 =	rddreg [dreg:$0xe];
	[sflag:s10] =	ssyncadd.s32 $0xFFFFC000  }
0x16d: {  	[tilespmem:s13], [sflag:$0x1] =	stream.indirect.gather [hbm4b:s1+s12], $0x80, s8, s12, $0xb8;
	[tilespmem:$0x1C900] =	vst v63  }
0x16e: {  	_ =	swait.ge [sflag:s16], $0x4000  }
0x16f: {  	[sflag:s16] =	ssyncset.done $0x0  }
0x170: {  	s9 =	rddreg [dreg:$0xf];
	[sflag:s16] =	ssyncadd.s32 $0xFFFFC000  }
0x171: {  	[spmem:s3] =	stream.indirect.scatter.add.f32 [tilespmem:s14], [sflag:$0x3], $0x80, s9, s12, $0xb8;
	[tilespmem:$0x1C900] =	vst v63  }
0x172: {  	_ =	swait.ge [sflag:s10], $0x4000  }
0x173: {  	[sflag:s10] =	ssyncset.done $0x0  }
0x174: {  	s7 =	rddreg [dreg:$0x10];
	[sflag:s10] =	ssyncadd.s32 $0xFFFFC000  }
0x175: {  	[tilespmem:s14], [sflag:$0x2] =	stream.indirect.gather [hbm4b:s1+s12], $0x80, s7, s12, $0xb8;
	[tilespmem:$0x1C900] =	vst v63  }
0x176: {  	_ =	swait.ge [sflag:s15], $0x4000  }
0x177: {  	[sflag:s15] =	ssyncset.done $0x0  }
0x178: {  	s8 =	rddreg [dreg:$0x11];
	[sflag:s15] =	ssyncadd.s32 $0xFFFFC000  }
0x179: {  	[spmem:s3] =	stream.indirect.scatter.add.f32 [tilespmem:s13], [sflag:$0x3], $0x80, s8, s12, $0xb8;
	[tilespmem:$0x1C900] =	vst v63  }
0x17a: {  	_ =	swait.ge [sflag:s10], $0x4000  }
0x17b: {  	[sflag:s10] =	ssyncset.done $0x0  }
0x17c: {  	[sflag:s10] =	ssyncadd.s32 $0xFFFFC000  }
0x17d: {  	[tilespmem:s13], [sflag:$0x1] =	stream.indirect.gather [hbm4b:s1+s12], $0x80, s17, s12, $0xb8;
	[tilespmem:$0x1C900] =	vst v63  }
0x17e: {  	_ =	swait.ge [sflag:s16], $0x4000  }
0x17f: {  	[sflag:s16] =	ssyncset.done $0x0  }
0x180: {  	[sflag:s16] =	ssyncadd.s32 $0xFFFFC000  }
0x181: {  	[spmem:s3] =	stream.indirect.scatter.add.f32 [tilespmem:s14], [sflag:$0x3], $0x80, s18, s12, $0xb8;
	[tilespmem:$0x1C900] =	vst v63  }
0x182: {  	_ =	swait.ge [sflag:s10], $0x4000  }
0x183: {  	[sflag:s10] =	ssyncset.done $0x0  }
0x184: {  	[sflag:s10] =	ssyncadd.s32 $0xFFFFC000  }
0x185: {  	[tilespmem:s14], [sflag:$0x2] =	stream.indirect.gather [hbm4b:s1+s12], $0x80, s19, s12, $0xb8;
	[tilespmem:$0x1C900] =	vst v63  }
0x186: {  	_ =	swait.ge [sflag:s15], $0x4000  }
0x187: {  	[sflag:s15] =	ssyncset.done $0x0  }
0x188: {  	[sflag:s15] =	ssyncadd.s32 $0xFFFFC000  }
0x189: {  	[spmem:s3] =	stream.indirect.scatter.add.f32 [tilespmem:s13], [sflag:$0x3], $0x80, s20, s12, $0xb8;
	[tilespmem:$0x1C900] =	vst v63  }
0x18a: {  	_ =	swait.ge [sflag:s10], $0x4000  }
0x18b: {  	[sflag:s10] =	ssyncset.done $0x0  }
0x18c: {  	[sflag:s10] =	ssyncadd.s32 $0xFFFFC000  }
0x18d: {  	[tilespmem:s13], [sflag:$0x1] =	stream.indirect.gather [hbm4b:s1+s12], $0x80, s21, s12, $0xb8;
	[tilespmem:$0x1C900] =	vst v63  }
0x18e: {  	_ =	swait.ge [sflag:s16], $0x4000  }
0x18f: {  	[sflag:s16] =	ssyncset.done $0x0  }
0x190: {  	[sflag:s16] =	ssyncadd.s32 $0xFFFFC000  }
0x191: {  	[spmem:s3] =	stream.indirect.scatter.add.f32 [tilespmem:s14], [sflag:$0x3], $0x80, s22, s12, $0xb8;
	[tilespmem:$0x1C900] =	vst v63  }
0x192: {  	_ =	swait.ge [sflag:s10], $0x4000  }
0x193: {  	[sflag:s10] =	ssyncset.done $0x0  }
0x194: {  	[sflag:s10] =	ssyncadd.s32 $0xFFFFC000  }
0x195: {  	[tilespmem:s14], [sflag:$0x2] =	stream.indirect.gather [hbm4b:s1+s12], $0x80, s23, s12, $0xb8;
	[tilespmem:$0x1C900] =	vst v63  }
0x196: {  	_ =	swait.ge [sflag:s15], $0x4000  }
0x197: {  	[sflag:s15] =	ssyncset.done $0x0  }
0x198: {  	[sflag:s15] =	ssyncadd.s32 $0xFFFFC000  }
0x199: {  	[spmem:s3] =	stream.indirect.scatter.add.f32 [tilespmem:s13], [sflag:$0x3], $0x80, s24, s12, $0xb8;
	[tilespmem:$0x1C900] =	vst v63  }
0x19a: {  	_ =	swait.ge [sflag:s10], $0x4000  }
0x19b: {  	[sflag:s10] =	ssyncset.done $0x0  }
0x19c: {  	[sflag:s10] =	ssyncadd.s32 $0xFFFFC000  }
0x19d: {  	[tilespmem:s13], [sflag:$0x1] =	stream.indirect.gather [hbm4b:s1+s12], $0x80, s25, s12, $0xb8;
	[tilespmem:$0x1C900] =	vst v63  }
0x19e: {  	_ =	swait.ge [sflag:s16], $0x4000  }
0x19f: {  	[sflag:s16] =	ssyncset.done $0x0  }
0x1a0: {  	[sflag:s16] =	ssyncadd.s32 $0xFFFFC000  }
0x1a1: {  	[spmem:s3] =	stream.indirect.scatter.add.f32 [tilespmem:s14], [sflag:$0x3], $0x80, s26, s12, $0xb8;
	[tilespmem:$0x1C900] =	vst v63  }
0x1a2: {  	_ =	swait.ge [sflag:s10], $0x4000  }
0x1a3: {  	[sflag:s10] =	ssyncset.done $0x0  }
0x1a4: {  	[sflag:s10] =	ssyncadd.s32 $0xFFFFC000  }
0x1a5: {  	[tilespmem:s14], [sflag:$0x2] =	stream.indirect.gather [hbm4b:s1+s12], $0x80, s28, s12, $0xb8;
	[tilespmem:$0x1C900] =	vst v63  }
0x1a6: {  	_ =	swait.ge [sflag:s15], $0x4000  }
0x1a7: {  	[sflag:s15] =	ssyncset.done $0x0  }
0x1a8: {  	[sflag:s15] =	ssyncadd.s32 $0xFFFFC000  }
0x1a9: {  	[spmem:s3] =	stream.indirect.scatter.add.f32 [tilespmem:s13], [sflag:$0x3], $0x80, s29, s12, $0xb8;
	[tilespmem:$0x1C900] =	vst v63  }
0x1aa: {  	_ =	swait.ge [sflag:s10], $0x4000  }
0x1ab: {  	[sflag:s10] =	ssyncset.done $0x0  }
0x1ac: {  	[sflag:s10] =	ssyncadd.s32 $0xFFFFC000  }
0x1ad: {  	[tilespmem:s13], [sflag:$0x1] =	stream.indirect.gather [hbm4b:s1+s12], $0x80, s30, s12, $0xb8;
	[tilespmem:$0x1C900] =	vst v63  }
0x1ae: {  	_ =	swait.ge [sflag:s16], $0x4000  }
0x1af: {  	[sflag:s16] =	ssyncset.done $0x0  }
0x1b0: {  	[sflag:s16] =	ssyncadd.s32 $0xFFFFC000  }
0x1b1: {  	[spmem:s3] =	stream.indirect.scatter.add.f32 [tilespmem:s14], [sflag:$0x3], $0x80, s31, s12, $0xb8;
	[tilespmem:$0x1C900] =	vst v63  }
0x1b2: {  	_ =	swait.ge [sflag:s10], $0x4000  }
0x1b3: {  	[sflag:s10] =	ssyncset.done $0x0  }
0x1b4: {  	[sflag:s10] =	ssyncadd.s32 $0xFFFFC000  }
0x1b5: {  	[tilespmem:s14], [sflag:$0x2] =	stream.indirect.gather [hbm4b:s1+s12], $0x80, s2, s12, $0xb8;
	[tilespmem:$0x1C900] =	vst v63  }
0x1b6: {  	_ =	swait.ge [sflag:s15], $0x4000  }
0x1b7: {  	[sflag:s15] =	ssyncset.done $0x0  }
0x1b8: {  	[sflag:s15] =	ssyncadd.s32 $0xFFFFC000  }
0x1b9: {  	[spmem:s3] =	stream.indirect.scatter.add.f32 [tilespmem:s13], [sflag:$0x3], $0x80, s0, s12, $0xb8;
	[tilespmem:$0x1C900] =	vst v63  }
0x1ba: {  	_ =	swait.ge [sflag:s10], $0x4000  }
0x1bb: {  	[sflag:s10] =	ssyncset.done $0x0  }
0x1bc: {  	[sflag:s10] =	ssyncadd.s32 $0xFFFFC000  }
0x1bd: {  	_ =	swait.ge [sflag:s16], $0x4000  }
0x1be: {  	[sflag:s16] =	ssyncset.done $0x0  }
0x1bf: {  	[sflag:s16] =	ssyncadd.s32 $0xFFFFC000  }
0x1c0: {  	[spmem:s3] =	stream.indirect.scatter.add.f32 [tilespmem:s14], [sflag:$0x3], $0x80, s5, s12, $0xb8;
	[tilespmem:$0x1C900] =	vst v63  }
0x1c1: {  	_ =	swait.ge [sflag:s10], $0x4000  }
0x1c2: {  	[sflag:s10] =	ssyncset.done $0x0  }
0x1c3: {  	[sflag:s10] =	ssyncadd.s32 $0xFFFFC000  }
0x1c4: {  	[bflag:$0x0] =	sbarrier.arrive $0xFFFF  }
0x1c5: {  	s8 =	rddreg [dreg:$0x13]  }
0x1c6: {  	s9 =	rddreg [dreg:$0x14]  }
0x1c7: {  	s7 =	rddreg [dreg:$0x16]  }
0x1c8: {  	[hbm:s9], [sflag:s8] =	dma.local [spmem:s7], $0x2800  }
0x1c9: {  	_ =	swait.ge [sflag:s10], $0x2800  }
0x1ca: {  	s6 =	rddreg [dreg:$0x17]  }
0x1cb: {  	s9 =	sadd.s32 $0x1, s6;
	s6 =	rddreg [dreg:$0x15]  }
0x1cc: {  	p0 =	sne.s32 s9, s6  }
.Ltmp1:
0x1cd: {  	_ = 	snop;
	(pc) =	sbr.rel @p0 .LBB2_1-.Ltmp1, $3  }
0x1ce: {  	_ =	sdelay $0x1  }
0x1cf: {  	[sflag:s10] =	ssyncset.done $0x0  }
0x1d0: {  	[sflag:s10] =	ssyncadd.s32 $0xFFFFD800  }
0x1d1: {  	_ =	sfence.sel $0x180000  }
0x1d2: {  	[bflag:$0x0] =	sbarrier.arrive $0xFFFF  }
0x1d3: {  	_ =	strace $0x9000004A  }
0x1d4: {  	s0 =	stileid.u32;
	[bflag:$0x2] =	sbarrier.arrive $0xFFFF  }
0x1d5: {  	p0 =	sne.s32 s0, $0x0;
	s0 =	rddreg [dreg:$0x3]  }
0x1d6: {  	s0 =	sadd.s32 @!p0 $0x100000, s0  }
0x1d7: {  	[sflag:s0] =	ssyncadd.tile.s32 @!p0 $0x1;
	_ =	shalt  }
.Lfunc_end2:
_tile_overlayer_lowered:
.L_overlay_start_2:
0x1d8: {  	(tag) =	ssettag $0x2  }
0x1d9: {  	s0 =	rddreg [dreg:$0x0];
	s2 =	stileid.u32  }
0x1da: {  	s1 =	rddreg [dreg:$0x1];
	p0 =	sne.s32 s2, $0x0  }
0x1db: {  	s3 =	rddreg [dreg:$0x2];
	[bflag:$0x3] =	sbarrier.arrive $0xFFFF;
	s2 =	simm.s32 @!p0 $0x1C03  }
0x1dc: {  	[timem:s3], [sflag:s2] =	dma.local @!p0 [hbm:s0], s1  }
0x1dd: {  	s0 =	simm.s32 @!p0 $0x3  }
0x1de: {  	_ =	swait.ge @!p0 [sflag:s0], s1  }
0x1df: {  	s1 =	ssub.s32 @!p0 $0x0, s1;
	[sflag:s0] =	ssyncset.done @!p0 $0x0  }
0x1e0: {  	[sflag:s0] =	ssyncadd.s32 @!p0 s1  }
0x1e1: {  	[bflag:$0x3] =	sbarrier.arrive $0xFFFF  }
0x1e2: {  	_ =	shalt  }

// kernel: kernel.7.cloned.1.call-start
scs
__scs_entry_jumppad:
0x0: {  	(pc) =	sbr.rel $0x88, $3  }
0x1: {  	(tag) =	ssettag $0x0;
	lr =	simm.s32 $0x1  }
0x2: {  	[smem:$0x3F97] =	sst lr;
	_ =	strace $0xD0000000  }
0x3: {  	_ = 	snop  }
0x4: {  	_ = 	snop  }
0x5: {  	_ = 	snop  }
0x6: {  	_ = 	snop  }
0x7: {  	_ = 	snop  }
__scs_overlays_trampoline_lowered:
0x8: {  	[smem:$0x3FA6] =	sst s0  }
0x9: {  	[smem:$0x3FA7] =	sst s1  }
0xa: {  	[smem:$0x3FA8] =	sst s2  }
0xb: {  	[smem:$0x3FA9] =	sst s3  }
0xc: {  	[smem:$0x3FAA] =	sst s4  }
0xd: {  	[smem:$0x3FAB] =	sst s5  }
0xe: {  	[smem:$0x3FAC] =	sst s6  }
0xf: {  	[smem:$0x3FAD] =	sst s7  }
0x10: {  	[smem:$0x3FAE] =	sst s8  }
0x11: {  	[smem:$0x3FAF] =	sst s9;
	s0 =	simm.s32 @!p0 $0x0  }
0x12: {  	s1 =	sld [smem:$0x3F95];
	s0 =	simm.s32 @p0 $0x1  }
0x13: {  	[smem:$0x3FB0] =	sst s0;
	s0 =	simm.s32 @!p1 $0x0  }
0x14: {  	s2 =	sld [smem:$0x3F94];
	s0 =	simm.s32 @p1 $0x1  }
0x15: {  	[smem:$0x3FB1] =	sst s0;
	s0 =	simm.s32 @!p2 $0x0  }
0x16: {  	s3 =	sld [smem:$0x3FDB];
	s0 =	simm.s32 @p2 $0x1  }
0x17: {  	s4 =	simm.s32 $0x1BF5;
	[smem:$0x3FB3] =	sst s0  }
0x18: {  	s0 =	sld [smem:$0x3F96];
	_ =	swait.ge [sflag:s4], $0x0  }
0x19: {  	s7 =	sld [smem:$0x3F97]  }
0x1a: {  	s8 =	sadd.s32 $0xFFFFE003, lr  }
0x1b: {  	s9 =	sadd.s32 $0xFFFFFEF7, lr;
	s5 =	simm.s32 $0xFFFFFFFF;
	p2 =	slt.u32 s8, $0xFFFFF086  }
0x1c: {  	p1 =	slt.u32 s9, $0xF7A;
	s5 =	simm.s32 @!p2 $0x0  }
0x1d: {  	s5 =	simm.s32 @p1 $0x1;
	p0 =	seq.s32 s7, s2  }
0x1e: {  	s7 =	smul.u32 @!p0 $0xF7A, s2;
	p2 =	seq.s32 @!p0 s5, $0x0  }
0x1f: {  	s9 =	smul.u32 $0xF7A, s1;
	s8 =	simm.s32 @!p0 $0x1BF5;
	p2 =	por !p2, p0  }
0x20: {  	[sflag:s8] =	ssyncset.s32 @!p0 $0xFFFFF086;
	s6 =	sadd.s32 @!p0 s3, s7;
	s7 =	simm.s32 @!p0 $0x108  }
0x21: {  	s3 =	sadd.s32 s3, s9;
	s6 =	sadd.s32 @!p0 $0x88, s6;
	s7 =	simm.s32 @p2 $0x1082  }
0x22: {  	[simem:s7], [sflag:s8] =	dma.local @!p0 [hbm:s6], $0xF7A  }
0x23: {  	s9 =	sor.u32 $0xD0000000, s2;
	s6 =	simm.s32 $0x108;
	_ =	swait.ge @!p0 [sflag:s8], $0x0  }
0x24: {  	s3 =	sadd.s32 $0x88, s3;
	s6 =	simm.s32 @!p1 $0x1082;
	[sflag:s4] =	ssyncset.s32 $0xFFFFF086  }
0x25: {  	[simem:s6], [sflag:s4] =	dma.local [hbm:s3], $0xF7A  }
0x26: {  	[smem:$0x3F97] =	sst s1;
	(tag) =	ssettag s2;
	_ =	strace s9  }
0x27: {  	s1 =	sld [smem:$0x3FA7]  }
0x28: {  	s2 =	sld [smem:$0x3FA8]  }
0x29: {  	s4 =	sld [smem:$0x3FAA]  }
0x2a: {  	p0 =	seq.s32 s5, $0x0;
	s5 =	sld [smem:$0x3FAB]  }
0x2b: {  	s6 =	sld [smem:$0x3FAC]  }
0x2c: {  	s7 =	sld [smem:$0x3FAD]  }
0x2d: {  	s3 =	simm.s32 $0x108;
	s8 =	sld [smem:$0x3FAE]  }
0x2e: {  	s3 =	simm.s32 @!p0 $0x1082;
	s9 =	sld [smem:$0x3FAF]  }
0x2f: {  	lr =	sadd.s32 s0, s3;
	s0 =	sld [smem:$0x3FA6]  }
0x30: {  	s3 =	sld [smem:$0x3FA9]  }
0x31: {  	[smem:$0x3FB2] =	sst s10  }
0x32: {  	s10 =	sld [smem:$0x3FB0];
	_ =	sdelay $0x3  }
0x33: {  	p0 =	seq.s32 s10, $0x1;
	s10 =	sld [smem:$0x3FB2];
	_ =	sdelay $0x3  }
0x34: {  	[smem:$0x3FB2] =	sst s10  }
0x35: {  	s10 =	sld [smem:$0x3FB1];
	_ =	sdelay $0x3  }
0x36: {  	p1 =	seq.s32 s10, $0x1;
	s10 =	sld [smem:$0x3FB2];
	_ =	sdelay $0x3  }
0x37: {  	[smem:$0x3FB2] =	sst s10  }
0x38: {  	s10 =	sld [smem:$0x3FB3]  }
0x39: {  	_ = 	snop;
	(pc) =	sbr.ind lr, $3  }
0x3a: {  	_ = 	snop  }
0x3b: {  	_ = 	snop  }
0x3c: {  	p2 =	seq.s32 s10, $0x1;
	s10 =	sld [smem:$0x3FB2]  }
0x3d: {  	_ =	shalt  }
0x3e: {  	_ =	shalt  }
0x3f: {  	_ =	shalt  }
0x40: {  	_ =	shalt  }
0x41: {  	_ =	shalt  }
0x42: {  	_ =	shalt  }
0x43: {  	_ =	shalt  }
0x44: {  	_ =	shalt  }
0x45: {  	_ =	shalt  }
0x46: {  	_ =	shalt  }
0x47: {  	_ =	shalt  }
0x48: {  	_ =	shalt  }
0x49: {  	_ =	shalt  }
0x4a: {  	_ =	shalt  }
0x4b: {  	_ =	shalt  }
0x4c: {  	_ =	shalt  }
0x4d: {  	_ =	shalt  }
0x4e: {  	_ =	shalt  }
0x4f: {  	_ =	shalt  }
0x50: {  	_ =	shalt  }
0x51: {  	_ =	shalt  }
0x52: {  	_ =	shalt  }
0x53: {  	_ =	shalt  }
0x54: {  	_ =	shalt  }
0x55: {  	_ =	shalt  }
0x56: {  	_ =	shalt  }
0x57: {  	_ =	shalt  }
0x58: {  	_ =	shalt  }
0x59: {  	_ =	shalt  }
0x5a: {  	_ =	shalt  }
0x5b: {  	_ =	shalt  }
0x5c: {  	_ =	shalt  }
0x5d: {  	_ =	shalt  }
0x5e: {  	_ =	shalt  }
0x5f: {  	_ =	shalt  }
0x60: {  	_ =	shalt  }
0x61: {  	_ =	shalt  }
0x62: {  	_ =	shalt  }
0x63: {  	_ =	shalt  }
0x64: {  	_ =	shalt  }
0x65: {  	_ =	shalt  }
0x66: {  	_ =	shalt  }
0x67: {  	_ =	shalt  }
0x68: {  	_ =	shalt  }
0x69: {  	_ =	shalt  }
0x6a: {  	_ =	shalt  }
0x6b: {  	_ =	shalt  }
0x6c: {  	_ =	shalt  }
0x6d: {  	_ =	shalt  }
0x6e: {  	_ =	shalt  }
0x6f: {  	_ =	shalt  }
0x70: {  	_ =	shalt  }
0x71: {  	_ =	shalt  }
0x72: {  	_ =	shalt  }
0x73: {  	_ =	shalt  }
0x74: {  	_ =	shalt  }
0x75: {  	_ =	shalt  }
0x76: {  	_ =	shalt  }
0x77: {  	_ =	shalt  }
0x78: {  	_ =	shalt  }
0x79: {  	_ =	shalt  }
0x7a: {  	_ =	shalt  }
0x7b: {  	_ =	shalt  }
0x7c: {  	_ =	shalt  }
0x7d: {  	_ =	shalt  }
0x7e: {  	_ =	shalt  }
0x7f: {  	_ =	shalt  }
0x80: {  	_ =	shalt  }
0x81: {  	_ =	shalt  }
0x82: {  	_ =	shalt  }
0x83: {  	_ =	shalt  }
0x84: {  	_ =	shalt  }
0x85: {  	_ =	shalt  }
0x86: {  	_ =	shalt  }
0x87: {  	_ =	shalt  }
.Lfunc_end0:
.L_simem_size_0:
called_computation_lowered:
.L_overlay_start_0:
0x88: {  	s2 =	sld [smem:$0x3FD9]  }
0x89: {  	s3 =	sld [smem:$0x3FFE];
	_ =	sdelay $0x1  }
0x8a: {  	s1 =	srdreg.scid  }
0x8b: {  	s0 =	sand.u32 $0x1, s1  }
0x8c: {  	s17 =	sshll.u32 s0, $0xA;
	s2 =	sadd.s32 s3, s2  }
0x8d: {  	s2 =	sadd.s32 s2, s17  }
0x8e: {  	[smem:$0x3FBE] =	sst s2  }
0x8f: {  	_ = 	snop  }
0x90: {  	s2 =	sld [smem:$0x3FD0];
	(tm) =	ssettm $0x1  }
0x91: {  	s18 =	sld [smem:$0x3FFB];
	_ =	sdelay $0x3  }
0x92: {  	_ =	strace s18  }
0x93: {  	s3 =	sld [smem:$0x3FFC];
	_ =	sdelay $0x3  }
0x94: {  	_ =	strace s3  }
0x95: {  	s3 =	sld [smem:$0x3FFD];
	_ =	sdelay $0x3  }
0x96: {  	_ =	strace s3  }
0x97: {  	_ =	strace $0x8FFFFFFF  }
0x98: {  	s19 =	sld [smem:$0x3FDB];
	_ =	sdelay $0x1  }
0x99: {  	s4 =	simm.s32 $_scs_section_size  }
0x9a: {  	s5 =	simm.s32 $_size__tile_overlayer_lowered;
	s6 =	simm.s32 $_tile_overlayer_lowered  }
0x9b: {  	s22 =	simm.s32 $0x1BFF;
	s21 =	sshll.u32 s6, $0x1;
	s3 =	sadd.s32 s4, s19  }
0x9c: {  	s7 =	simm.s32 $0x0;
	s20 =	sshll.u32 s5, $0x1;
	s5 =	sadd.s32 s21, s3  }
0x9d: {  	[timem:s7], [sflag:s22] =	dma.local [hbm:s5], s20  }
0x9e: {  	_ =	swait.ge [sflag:s22], s20  }
0x9f: {  	s4 =	ssub.s32 $0x0, s20;
	[sflag:s22] =	ssyncset.done $0x0  }
0xa0: {  	[sflag:s22] =	ssyncadd.s32 s4;
	_ =	sdelay $0x1  }
0xa1: {  	s23 =	simm.s32 $0x1B8B  }
0xa2: {  	_ =	swait.ge [sflag:s23], $0x1  }
0xa3: {  	[sflag:s23] =	ssyncset.done $0x0  }
0xa4: {  	s25 =	simm.s32 $0x1B8E;
	s24 =	sld [smem:$0x3FFE];
	[sflag:s23] =	ssyncadd.s32 $0xFFFFFFFF  }
0xa5: {  	s26 =	simm.s32 $execute0_lowered;
	[smem:$0x3FD2] =	sst s25  }
0xa6: {  	s5 =	sshll.u32 s26, $0x1;
	_ =	strace $0x80000046;
	[dreg:$0x1] =	wrdreg $0xFFFFFFFF  }
0xa7: {  	s28 =	simm.s32 $_size_execute0_lowered;
	s3 =	sadd.s32 s3, s5;
	[dreg:$0x0] =	wrdreg $0x0  }
0xa8: {  	s5 =	sshll.u32 s28, $0x1;
	[dreg:$0x2] =	wrdreg s3  }
0xa9: {  	[dreg:$0x3] =	wrdreg s5  }
0xaa: {  	[dreg:$0x4] =	wrdreg $0xC0  }
0xab: {  	_ =	task [dreg:s7], $0x5FFFF  }
0xac: {  	[dreg:$0x1] =	wrdreg $0xFFFFFFFF  }
0xad: {  	[dreg:$0x0] =	wrdreg $0x60  }
0xae: {  	[dreg:$0x2] =	wrdreg s2  }
0xaf: {  	[dreg:$0x3] =	wrdreg s24  }
0xb0: {  	[dreg:$0x4] =	wrdreg $0x90000  }
0xb1: {  	[dreg:$0x5] =	wrdreg $0x9  }
0xb2: {  	_ =	task.clear_ibuf [dreg:s7], $0x6FFFF;
	_ =	strace $0x90000046  }
0xb3: {  	s29 =	simm.s32 $0x9;
	_ =	strace $0x80000048  }
0xb4: {  	_ =	swait.ge [sflag:s29], $0x1  }
0xb5: {  	[sflag:s29] =	ssyncadd.s32 $0xFFFFFFFF  }
0xb6: {  	_ =	strace $0x90000048  }
0xb7: {  	_ =	sfence  }
0xb8: {  	s30 =	sld [smem:$0x0];
	_ =	sdelay $0x2  }
0xb9: {  	s31 =	sshll.u32 s1, $0xD;
	s1 =	sshrl.u32 s1, $0x2  }
0xba: {  	s3 =	sand.u32 $0x4000, s31;
	s1 =	sadd.s32 s1, s30  }
0xbb: {  	s0 =	sor.u32 s3, s0;
	s1 =	sshll.u32 s1, $0x11  }
0xbc: {  	s0 =	sor.u32 s1, s0  }
0xbd: {  	s0 =	sadd.s32 $0x8F2B, s0  }
0xbe: {  	[sflag:s0] =	ssyncadd.remote.s32 $0x1  }
0xbf: {  	_ =	sfence.sel $0xFFFF  }
0xc0: {  	[dreg:$0x0] =	wrdreg $0xFFFFFFFF;
	(pc) =	sbr.abs _section_cstart, $3  }
0xc1: {  	[dreg:$0x1] =	wrdreg $0xFFFFFFFF  }
0xc2: {  	_ =	task.clear_ibuf [dreg:s7], $0x2FFFF;
	_ =	strace $0x9FFFFFFF  }
0xc3: {  	(tm) =	ssettm $0x7FFFFFFF  }
tec
execute0_lowered:
.L_overlay_start_1:
0x0: {  	(tag) =	ssettag $0x1  }
0x1: {  	s1 =	rddreg [dreg:$0x0]  }
0x2: {  	s0 =	srdreg.scid;
	s2 =	rddreg [dreg:$0x1]  }
0x3: {  	s10 =	stileid.u32;
	s3 =	rddreg [dreg:$0x2];
	s14 =	simm.s32 $0x100  }
0x4: {  	s15 =	simm.s32 $0x880;
	s17 =	simm.s32 $0x180;
	s18 =	simm.s32 $0x900  }
0x5: {  	s19 =	simm.s32 $0x200;
	s20 =	simm.s32 $0x980;
	s21 =	simm.s32 $0x280  }
0x6: {  	s22 =	simm.s32 $0xA00;
	s11 =	simm.s32 $0x800;
	s0 =	sand.u32 $0x1, s0  }
0x7: {  	s23 =	simm.s32 $0x300;
	s24 =	simm.s32 $0xA80;
	s4 =	sshll.u32 s0, $0x4  }
0x8: {  	s25 =	simm.s32 $0x380;
	s5 =	sor.u32 s10, s4;
	s4 =	simm.s32 $0x0  }
0x9: {  	s26 =	simm.s32 $0xB00;
	s28 =	simm.s32 $0x680;
	[smem:$0x7FF] =	sst s4  }
0xa: {  	s29 =	simm.s32 $0xE00;
	_ =	strace $0x80000047;
	[dreg:$0x6] =	wrdreg s14  }
0xb: {  	s30 =	simm.s32 $0x700;
	s31 =	simm.s32 $0xE80;
	[dreg:$0x7] =	wrdreg s15  }
0xc: {  	s6 =	smul.u32 $0x280, s10;
	s16 =	sshll.u32 s10, $0x6;
	[dreg:$0x8] =	wrdreg s17  }
0xd: {  	s7 =	smul.u32 $0x139000, s0;
	s0 =	ssub.s32 $0x2, s0;
	[dreg:$0x9] =	wrdreg s18  }
0xe: {  	s6 =	smin.u32 s6, $0x24A0;
	s12 =	sshrl.u32 s0, $0x1;
	[dreg:$0xa] =	wrdreg s19  }
0xf: {  	s10 =	simm.s32 $0x3;
	s5 =	smul.u32 $0x500, s5;
	[dreg:$0xb] =	wrdreg s20  }
0x10: {  	s8 =	sshll.u32 s6, $0x7;
	s6 =	sshll.u32 s6, $0x4;
	[dreg:$0xc] =	wrdreg s21  }
0x11: {  	s0 =	ssub.s32 s0, s12;
	s12 =	simm.s32 $0x80;
	[dreg:$0xd] =	wrdreg s22  }
0x12: {  	s7 =	sadd.s32 s7, s8;
	s6 =	sadd.s32 s6, s2;
	[dreg:$0xe] =	wrdreg s23  }
0x13: {  	s13 =	sadd.s32 s8, s3;
	s8 =	sor.u32 $0x1C03, s16;
	[dreg:$0xf] =	wrdreg s24  }
0x14: {  	s0 =	smax.u32 s0, $0x1;
	s14 =	simm.s32 $0x5000;
	[dreg:$0x10] =	wrdreg s25  }
0x15: {  	s15 =	simm.s32 $0x1;
	s16 =	simm.s32 $0x2;
	[dreg:$0x11] =	wrdreg s26  }
0x16: {  	s17 =	simm.s32 $0x400;
	s18 =	simm.s32 $0xB80;
	s19 =	simm.s32 $0x480  }
0x17: {  	s20 =	simm.s32 $0xC00;
	s21 =	simm.s32 $0x500;
	s22 =	simm.s32 $0xC80  }
0x18: {  	s23 =	simm.s32 $0x580;
	s24 =	simm.s32 $0xD00;
	s25 =	simm.s32 $0x600  }
0x19: {  	s26 =	simm.s32 $0xD80;
	s5 =	sadd.s32 s5, s2;
	[dreg:$0x15] =	wrdreg s0  }
0x1a: {  	s7 =	sshrl.u32 s7, $0x3;
	s6 =	sadd.s32 $0x16400, s6;
	[dreg:$0x13] =	wrdreg s8  }
0x1b: {  	s0 =	simm.s32 $0xF00;
	s9 =	sadd.s32 $0x2400, s5;
	[dreg:$0x12] =	wrdreg s6  }
0x1c: {  	s2 =	sadd.s32 s7, s2;
	s5 =	sadd.s32 $0xC400, s5;
	[dreg:$0x4] =	wrdreg s9  }
0x1d: {  	s7 =	sshrl.u32 s13, $0x3;
	s13 =	simm.s32 $0x1000;
	[dreg:$0x5] =	wrdreg s5  }
0x1e: {  	s2 =	sadd.s32 $0x3D600, s2;
	s5 =	simm.s32 $0xF80;
	[dreg:$0x16] =	wrdreg s7  }
0x1f: {  	s9 =	simm.s32 $0x0;
	[dreg:$0x14] =	wrdreg s2;
	s2 =	simm.s32 $0x780  }
.LBB2_1:
0x20: {  	[dreg:$0x17] =	wrdreg s9  }
0x21: {  	s6 =	rddreg [dreg:$0x12]  }
0x22: {  	[spmem:s7], [sflag:s8] =	dma.local [hbm:s6], $0x2800  }
0x23: {  	_ =	swait.ge [sflag:s10], $0x2800  }
0x24: {  	[sflag:s10] =	ssyncset.done $0x0  }
0x25: {  	[sflag:s10] =	ssyncadd.s32 $0xFFFFD800  }
0x26: {  	[bflag:$0x0] =	sbarrier.arrive $0xFFFF  }
0x27: {  	s8 =	rddreg [dreg:$0x4]  }
0x28: {  	s6 =	sadd.s32 $0x0, s8  }
0x29: {  	[tilespmem:s4], [sflag:$0x3] =	stream.linear.gather [hbm4b:s6+s4], $0x800, $0x38;
	[tilespmem:$0x1C900] =	vst v63  }
0x2a: {  	_ =	swait.ge [sflag:s10], $0x800  }
0x2b: {  	s9 =	rddreg [dreg:$0x5];
	[sflag:s10] =	ssyncset.done $0x0  }
0x2c: {  	[sflag:s10] =	ssyncadd.s32 $0xFFFFF800;
	s6 =	sadd.s32 $0x0, s9  }
0x2d: {  	[tilespmem:s11], [sflag:$0x3] =	stream.linear.gather [hbm4b:s6+s4], $0x800, $0x38;
	[tilespmem:$0x1C900] =	vst v63  }
0x2e: {  	_ =	swait.ge [sflag:s10], $0x800  }
0x2f: {  	[sflag:s10] =	ssyncset.done $0x0  }
0x30: {  	[sflag:s10] =	ssyncadd.s32 $0xFFFFF800  }
0x31: {  	[tilespmem:s13], [sflag:$0x1] =	stream.indirect.gather [hbm4b:s1+s12], $0x80, s4, s12, $0xb8;
	[tilespmem:$0x1C900] =	vst v63  }
0x32: {  	_ = 	snop  }
0x33: {  	[tilespmem:s14], [sflag:$0x2] =	stream.indirect.gather [hbm4b:s1+s12], $0x80, s12, s12, $0xb8;
	[tilespmem:$0x1C900] =	vst v63  }
0x34: {  	_ =	swait.ge [sflag:s15], $0x4000  }
0x35: {  	[sflag:s15] =	ssyncset.done $0x0  }
0x36: {  	[sflag:s15] =	ssyncadd.s32 $0xFFFFC000  }
0x37: {  	[spmem:s3] =	stream.indirect.scatter.add.f32 [tilespmem:s13], [sflag:$0x3], $0x80, s11, s12, $0xb8;
	[tilespmem:$0x1C900] =	vst v63  }
0x38: {  	_ =	swait.ge [sflag:s10], $0x4000  }
0x39: {  	[sflag:s10] =	ssyncset.done $0x0  }
0x3a: {  	s7 =	rddreg [dreg:$0x6];
	[sflag:s10] =	ssyncadd.s32 $0xFFFFC000  }
0x3b: {  	[tilespmem:s13], [sflag:$0x1] =	stream.indirect.gather [hbm4b:s1+s12], $0x80, s7, s12, $0xb8;
	[tilespmem:$0x1C900] =	vst v63  }
0x3c: {  	_ =	swait.ge [sflag:s16], $0x4000  }
0x3d: {  	[sflag:s16] =	ssyncset.done $0x0  }
0x3e: {  	s8 =	rddreg [dreg:$0x7];
	[sflag:s16] =	ssyncadd.s32 $0xFFFFC000  }
0x3f: {  	[spmem:s3] =	stream.indirect.scatter.add.f32 [tilespmem:s14], [sflag:$0x3], $0x80, s8, s12, $0xb8;
	[tilespmem:$0x1C900] =	vst v63  }
0x40: {  	_ =	swait.ge [sflag:s10], $0x4000  }
0x41: {  	[sflag:s10] =	ssyncset.done $0x0  }
0x42: {  	s9 =	rddreg [dreg:$0x8];
	[sflag:s10] =	ssyncadd.s32 $0xFFFFC000  }
0x43: {  	[tilespmem:s14], [sflag:$0x2] =	stream.indirect.gather [hbm4b:s1+s12], $0x80, s9, s12, $0xb8;
	[tilespmem:$0x1C900] =	vst v63  }
0x44: {  	_ =	swait.ge [sflag:s15], $0x4000  }
0x45: {  	[sflag:s15] =	ssyncset.done $0x0  }
0x46: {  	s7 =	rddreg [dreg:$0x9];
	[sflag:s15] =	ssyncadd.s32 $0xFFFFC000  }
0x47: {  	[spmem:s3] =	stream.indirect.scatter.add.f32 [tilespmem:s13], [sflag:$0x3], $0x80, s7, s12, $0xb8;
	[tilespmem:$0x1C900] =	vst v63  }
0x48: {  	_ =	swait.ge [sflag:s10], $0x4000  }
0x49: {  	[sflag:s10] =	ssyncset.done $0x0  }
0x4a: {  	s8 =	rddreg [dreg:$0xa];
	[sflag:s10] =	ssyncadd.s32 $0xFFFFC000  }
0x4b: {  	[tilespmem:s13], [sflag:$0x1] =	stream.indirect.gather [hbm4b:s1+s12], $0x80, s8, s12, $0xb8;
	[tilespmem:$0x1C900] =	vst v63  }
0x4c: {  	_ =	swait.ge [sflag:s16], $0x4000  }
0x4d: {  	[sflag:s16] =	ssyncset.done $0x0  }
0x4e: {  	s9 =	rddreg [dreg:$0xb];
	[sflag:s16] =	ssyncadd.s32 $0xFFFFC000  }
0x4f: {  	[spmem:s3] =	stream.indirect.scatter.add.f32 [tilespmem:s14], [sflag:$0x3], $0x80, s9, s12, $0xb8;
	[tilespmem:$0x1C900] =	vst v63  }
0x50: {  	_ =	swait.ge [sflag:s10], $0x4000  }
0x51: {  	[sflag:s10] =	ssyncset.done $0x0  }
0x52: {  	s7 =	rddreg [dreg:$0xc];
	[sflag:s10] =	ssyncadd.s32 $0xFFFFC000  }
0x53: {  	[tilespmem:s14], [sflag:$0x2] =	stream.indirect.gather [hbm4b:s1+s12], $0x80, s7, s12, $0xb8;
	[tilespmem:$0x1C900] =	vst v63  }
0x54: {  	_ =	swait.ge [sflag:s15], $0x4000  }
0x55: {  	[sflag:s15] =	ssyncset.done $0x0  }
0x56: {  	s8 =	rddreg [dreg:$0xd];
	[sflag:s15] =	ssyncadd.s32 $0xFFFFC000  }
0x57: {  	[spmem:s3] =	stream.indirect.scatter.add.f32 [tilespmem:s13], [sflag:$0x3], $0x80, s8, s12, $0xb8;
	[tilespmem:$0x1C900] =	vst v63  }
0x58: {  	_ =	swait.ge [sflag:s10], $0x4000  }
0x59: {  	[sflag:s10] =	ssyncset.done $0x0  }
0x5a: {  	s9 =	rddreg [dreg:$0xe];
	[sflag:s10] =	ssyncadd.s32 $0xFFFFC000  }
0x5b: {  	[tilespmem:s13], [sflag:$0x1] =	stream.indirect.gather [hbm4b:s1+s12], $0x80, s9, s12, $0xb8;
	[tilespmem:$0x1C900] =	vst v63  }
0x5c: {  	_ =	swait.ge [sflag:s16], $0x4000  }
0x5d: {  	[sflag:s16] =	ssyncset.done $0x0  }
0x5e: {  	s7 =	rddreg [dreg:$0xf];
	[sflag:s16] =	ssyncadd.s32 $0xFFFFC000  }
0x5f: {  	[spmem:s3] =	stream.indirect.scatter.add.f32 [tilespmem:s14], [sflag:$0x3], $0x80, s7, s12, $0xb8;
	[tilespmem:$0x1C900] =	vst v63  }
0x60: {  	_ =	swait.ge [sflag:s10], $0x4000  }
0x61: {  	[sflag:s10] =	ssyncset.done $0x0  }
0x62: {  	s8 =	rddreg [dreg:$0x10];
	[sflag:s10] =	ssyncadd.s32 $0xFFFFC000  }
0x63: {  	[tilespmem:s14], [sflag:$0x2] =	stream.indirect.gather [hbm4b:s1+s12], $0x80, s8, s12, $0xb8;
	[tilespmem:$0x1C900] =	vst v63  }
0x64: {  	_ =	swait.ge [sflag:s15], $0x4000  }
0x65: {  	[sflag:s15] =	ssyncset.done $0x0  }
0x66: {  	s9 =	rddreg [dreg:$0x11];
	[sflag:s15] =	ssyncadd.s32 $0xFFFFC000  }
0x67: {  	[spmem:s3] =	stream.indirect.scatter.add.f32 [tilespmem:s13], [sflag:$0x3], $0x80, s9, s12, $0xb8;
	[tilespmem:$0x1C900] =	vst v63  }
0x68: {  	_ =	swait.ge [sflag:s10], $0x4000  }
0x69: {  	[sflag:s10] =	ssyncset.done $0x0  }
0x6a: {  	[sflag:s10] =	ssyncadd.s32 $0xFFFFC000  }
0x6b: {  	[tilespmem:s13], [sflag:$0x1] =	stream.indirect.gather [hbm4b:s1+s12], $0x80, s17, s12, $0xb8;
	[tilespmem:$0x1C900] =	vst v63  }
0x6c: {  	_ =	swait.ge [sflag:s16], $0x4000  }
0x6d: {  	[sflag:s16] =	ssyncset.done $0x0  }
0x6e: {  	[sflag:s16] =	ssyncadd.s32 $0xFFFFC000  }
0x6f: {  	[spmem:s3] =	stream.indirect.scatter.add.f32 [tilespmem:s14], [sflag:$0x3], $0x80, s18, s12, $0xb8;
	[tilespmem:$0x1C900] =	vst v63  }
0x70: {  	_ =	swait.ge [sflag:s10], $0x4000  }
0x71: {  	[sflag:s10] =	ssyncset.done $0x0  }
0x72: {  	[sflag:s10] =	ssyncadd.s32 $0xFFFFC000  }
0x73: {  	[tilespmem:s14], [sflag:$0x2] =	stream.indirect.gather [hbm4b:s1+s12], $0x80, s19, s12, $0xb8;
	[tilespmem:$0x1C900] =	vst v63  }
0x74: {  	_ =	swait.ge [sflag:s15], $0x4000  }
0x75: {  	[sflag:s15] =	ssyncset.done $0x0  }
0x76: {  	[sflag:s15] =	ssyncadd.s32 $0xFFFFC000  }
0x77: {  	[spmem:s3] =	stream.indirect.scatter.add.f32 [tilespmem:s13], [sflag:$0x3], $0x80, s20, s12, $0xb8;
	[tilespmem:$0x1C900] =	vst v63  }
0x78: {  	_ =	swait.ge [sflag:s10], $0x4000  }
0x79: {  	[sflag:s10] =	ssyncset.done $0x0  }
0x7a: {  	[sflag:s10] =	ssyncadd.s32 $0xFFFFC000  }
0x7b: {  	[tilespmem:s13], [sflag:$0x1] =	stream.indirect.gather [hbm4b:s1+s12], $0x80, s21, s12, $0xb8;
	[tilespmem:$0x1C900] =	vst v63  }
0x7c: {  	_ =	swait.ge [sflag:s16], $0x4000  }
0x7d: {  	[sflag:s16] =	ssyncset.done $0x0  }
0x7e: {  	[sflag:s16] =	ssyncadd.s32 $0xFFFFC000  }
0x7f: {  	[spmem:s3] =	stream.indirect.scatter.add.f32 [tilespmem:s14], [sflag:$0x3], $0x80, s22, s12, $0xb8;
	[tilespmem:$0x1C900] =	vst v63  }
0x80: {  	_ =	swait.ge [sflag:s10], $0x4000  }
0x81: {  	[sflag:s10] =	ssyncset.done $0x0  }
0x82: {  	[sflag:s10] =	ssyncadd.s32 $0xFFFFC000  }
0x83: {  	[tilespmem:s14], [sflag:$0x2] =	stream.indirect.gather [hbm4b:s1+s12], $0x80, s23, s12, $0xb8;
	[tilespmem:$0x1C900] =	vst v63  }
0x84: {  	_ =	swait.ge [sflag:s15], $0x4000  }
0x85: {  	[sflag:s15] =	ssyncset.done $0x0  }
0x86: {  	[sflag:s15] =	ssyncadd.s32 $0xFFFFC000  }
0x87: {  	[spmem:s3] =	stream.indirect.scatter.add.f32 [tilespmem:s13], [sflag:$0x3], $0x80, s24, s12, $0xb8;
	[tilespmem:$0x1C900] =	vst v63  }
0x88: {  	_ =	swait.ge [sflag:s10], $0x4000  }
0x89: {  	[sflag:s10] =	ssyncset.done $0x0  }
0x8a: {  	[sflag:s10] =	ssyncadd.s32 $0xFFFFC000  }
0x8b: {  	[tilespmem:s13], [sflag:$0x1] =	stream.indirect.gather [hbm4b:s1+s12], $0x80, s25, s12, $0xb8;
	[tilespmem:$0x1C900] =	vst v63  }
0x8c: {  	_ =	swait.ge [sflag:s16], $0x4000  }
0x8d: {  	[sflag:s16] =	ssyncset.done $0x0  }
0x8e: {  	[sflag:s16] =	ssyncadd.s32 $0xFFFFC000  }
0x8f: {  	[spmem:s3] =	stream.indirect.scatter.add.f32 [tilespmem:s14], [sflag:$0x3], $0x80, s26, s12, $0xb8;
	[tilespmem:$0x1C900] =	vst v63  }
0x90: {  	_ =	swait.ge [sflag:s10], $0x4000  }
0x91: {  	[sflag:s10] =	ssyncset.done $0x0  }
0x92: {  	[sflag:s10] =	ssyncadd.s32 $0xFFFFC000  }
0x93: {  	[tilespmem:s14], [sflag:$0x2] =	stream.indirect.gather [hbm4b:s1+s12], $0x80, s28, s12, $0xb8;
	[tilespmem:$0x1C900] =	vst v63  }
0x94: {  	_ =	swait.ge [sflag:s15], $0x4000  }
0x95: {  	[sflag:s15] =	ssyncset.done $0x0  }
0x96: {  	[sflag:s15] =	ssyncadd.s32 $0xFFFFC000  }
0x97: {  	[spmem:s3] =	stream.indirect.scatter.add.f32 [tilespmem:s13], [sflag:$0x3], $0x80, s29, s12, $0xb8;
	[tilespmem:$0x1C900] =	vst v63  }
0x98: {  	_ =	swait.ge [sflag:s10], $0x4000  }
0x99: {  	[sflag:s10] =	ssyncset.done $0x0  }
0x9a: {  	[sflag:s10] =	ssyncadd.s32 $0xFFFFC000  }
0x9b: {  	[tilespmem:s13], [sflag:$0x1] =	stream.indirect.gather [hbm4b:s1+s12], $0x80, s30, s12, $0xb8;
	[tilespmem:$0x1C900] =	vst v63  }
0x9c: {  	_ =	swait.ge [sflag:s16], $0x4000  }
0x9d: {  	[sflag:s16] =	ssyncset.done $0x0  }
0x9e: {  	[sflag:s16] =	ssyncadd.s32 $0xFFFFC000  }
0x9f: {  	[spmem:s3] =	stream.indirect.scatter.add.f32 [tilespmem:s14], [sflag:$0x3], $0x80, s31, s12, $0xb8;
	[tilespmem:$0x1C900] =	vst v63  }
0xa0: {  	_ =	swait.ge [sflag:s10], $0x4000  }
0xa1: {  	[sflag:s10] =	ssyncset.done $0x0  }
0xa2: {  	[sflag:s10] =	ssyncadd.s32 $0xFFFFC000  }
0xa3: {  	[tilespmem:s14], [sflag:$0x2] =	stream.indirect.gather [hbm4b:s1+s12], $0x80, s2, s12, $0xb8;
	[tilespmem:$0x1C900] =	vst v63  }
0xa4: {  	_ =	swait.ge [sflag:s15], $0x4000  }
0xa5: {  	[sflag:s15] =	ssyncset.done $0x0  }
0xa6: {  	[sflag:s15] =	ssyncadd.s32 $0xFFFFC000  }
0xa7: {  	[spmem:s3] =	stream.indirect.scatter.add.f32 [tilespmem:s13], [sflag:$0x3], $0x80, s0, s12, $0xb8;
	[tilespmem:$0x1C900] =	vst v63  }
0xa8: {  	_ =	swait.ge [sflag:s10], $0x4000  }
0xa9: {  	[sflag:s10] =	ssyncset.done $0x0  }
0xaa: {  	[sflag:s10] =	ssyncadd.s32 $0xFFFFC000  }
0xab: {  	_ =	swait.ge [sflag:s16], $0x4000  }
0xac: {  	[sflag:s16] =	ssyncset.done $0x0  }
0xad: {  	[sflag:s16] =	ssyncadd.s32 $0xFFFFC000  }
0xae: {  	[spmem:s3] =	stream.indirect.scatter.add.f32 [tilespmem:s14], [sflag:$0x3], $0x80, s5, s12, $0xb8;
	[tilespmem:$0x1C900] =	vst v63  }
0xaf: {  	s6 =	simm.s32 $0x200;
	_ =	swait.ge [sflag:s10], $0x4000  }
0xb0: {  	s8 =	simm.s32 $0x100;
	s9 =	rddreg [dreg:$0x4];
	[sflag:s10] =	ssyncset.done $0x0  }
.LBB2_2:
0xb1: {  	[sflag:s10] =	ssyncadd.s32 $0xFFFFC000;
	s9 =	sadd.s32 s8, s9  }
0xb2: {  	[tilespmem:s4], [sflag:$0x3] =	stream.linear.gather [hbm4b:s9+s4], $0x800, $0x38;
	[tilespmem:$0x1C900] =	vst v63  }
0xb3: {  	_ =	swait.ge [sflag:s10], $0x800  }
0xb4: {  	s9 =	rddreg [dreg:$0x5];
	[sflag:s10] =	ssyncset.done $0x0  }
0xb5: {  	[sflag:s10] =	ssyncadd.s32 $0xFFFFF800;
	s9 =	sadd.s32 s8, s9  }
0xb6: {  	[tilespmem:s11], [sflag:$0x3] =	stream.linear.gather [hbm4b:s9+s4], $0x800, $0x38;
	[tilespmem:$0x1C900] =	vst v63  }
0xb7: {  	_ =	swait.ge [sflag:s10], $0x800  }
0xb8: {  	[sflag:s10] =	ssyncset.done $0x0  }
0xb9: {  	[sflag:s10] =	ssyncadd.s32 $0xFFFFF800  }
0xba: {  	[tilespmem:s13], [sflag:$0x1] =	stream.indirect.gather [hbm4b:s1+s12], $0x80, s4, s12, $0xb8;
	[tilespmem:$0x1C900] =	vst v63  }
0xbb: {  	_ = 	snop  }
0xbc: {  	[tilespmem:s14], [sflag:$0x2] =	stream.indirect.gather [hbm4b:s1+s12], $0x80, s12, s12, $0xb8;
	[tilespmem:$0x1C900] =	vst v63  }
0xbd: {  	_ =	swait.ge [sflag:s15], $0x4000  }
0xbe: {  	[sflag:s15] =	ssyncset.done $0x0  }
0xbf: {  	[sflag:s15] =	ssyncadd.s32 $0xFFFFC000  }
0xc0: {  	[spmem:s3] =	stream.indirect.scatter.add.f32 [tilespmem:s13], [sflag:$0x3], $0x80, s11, s12, $0xb8;
	[tilespmem:$0x1C900] =	vst v63  }
0xc1: {  	_ =	swait.ge [sflag:s10], $0x4000  }
0xc2: {  	[sflag:s10] =	ssyncset.done $0x0  }
0xc3: {  	s9 =	rddreg [dreg:$0x6];
	[sflag:s10] =	ssyncadd.s32 $0xFFFFC000  }
0xc4: {  	[tilespmem:s13], [sflag:$0x1] =	stream.indirect.gather [hbm4b:s1+s12], $0x80, s9, s12, $0xb8;
	[tilespmem:$0x1C900] =	vst v63  }
0xc5: {  	_ =	swait.ge [sflag:s16], $0x4000  }
0xc6: {  	[sflag:s16] =	ssyncset.done $0x0  }
0xc7: {  	s9 =	rddreg [dreg:$0x7];
	[sflag:s16] =	ssyncadd.s32 $0xFFFFC000  }
0xc8: {  	[spmem:s3] =	stream.indirect.scatter.add.f32 [tilespmem:s14], [sflag:$0x3], $0x80, s9, s12, $0xb8;
	[tilespmem:$0x1C900] =	vst v63  }
0xc9: {  	_ =	swait.ge [sflag:s10], $0x4000  }
0xca: {  	[sflag:s10] =	ssyncset.done $0x0  }
0xcb: {  	s9 =	rddreg [dreg:$0x8];
	[sflag:s10] =	ssyncadd.s32 $0xFFFFC000  }
0xcc: {  	[tilespmem:s14], [sflag:$0x2] =	stream.indirect.gather [hbm4b:s1+s12], $0x80, s9, s12, $0xb8;
	[tilespmem:$0x1C900] =	vst v63  }
0xcd: {  	_ =	swait.ge [sflag:s15], $0x4000  }
0xce: {  	[sflag:s15] =	ssyncset.done $0x0  }
0xcf: {  	s9 =	rddreg [dreg:$0x9];
	[sflag:s15] =	ssyncadd.s32 $0xFFFFC000  }
0xd0: {  	[spmem:s3] =	stream.indirect.scatter.add.f32 [tilespmem:s13], [sflag:$0x3], $0x80, s9, s12, $0xb8;
	[tilespmem:$0x1C900] =	vst v63  }
0xd1: {  	_ =	swait.ge [sflag:s10], $0x4000  }
0xd2: {  	[sflag:s10] =	ssyncset.done $0x0  }
0xd3: {  	s9 =	rddreg [dreg:$0xa];
	[sflag:s10] =	ssyncadd.s32 $0xFFFFC000  }
0xd4: {  	[tilespmem:s13], [sflag:$0x1] =	stream.indirect.gather [hbm4b:s1+s12], $0x80, s9, s12, $0xb8;
	[tilespmem:$0x1C900] =	vst v63  }
0xd5: {  	_ =	swait.ge [sflag:s16], $0x4000  }
0xd6: {  	[sflag:s16] =	ssyncset.done $0x0  }
0xd7: {  	s9 =	rddreg [dreg:$0xb];
	[sflag:s16] =	ssyncadd.s32 $0xFFFFC000  }
0xd8: {  	[spmem:s3] =	stream.indirect.scatter.add.f32 [tilespmem:s14], [sflag:$0x3], $0x80, s9, s12, $0xb8;
	[tilespmem:$0x1C900] =	vst v63  }
0xd9: {  	_ =	swait.ge [sflag:s10], $0x4000  }
0xda: {  	[sflag:s10] =	ssyncset.done $0x0  }
0xdb: {  	s9 =	rddreg [dreg:$0xc];
	[sflag:s10] =	ssyncadd.s32 $0xFFFFC000  }
0xdc: {  	[tilespmem:s14], [sflag:$0x2] =	stream.indirect.gather [hbm4b:s1+s12], $0x80, s9, s12, $0xb8;
	[tilespmem:$0x1C900] =	vst v63  }
0xdd: {  	_ =	swait.ge [sflag:s15], $0x4000  }
0xde: {  	[sflag:s15] =	ssyncset.done $0x0  }
0xdf: {  	s9 =	rddreg [dreg:$0xd];
	[sflag:s15] =	ssyncadd.s32 $0xFFFFC000  }
0xe0: {  	[spmem:s3] =	stream.indirect.scatter.add.f32 [tilespmem:s13], [sflag:$0x3], $0x80, s9, s12, $0xb8;
	[tilespmem:$0x1C900] =	vst v63  }
0xe1: {  	_ =	swait.ge [sflag:s10], $0x4000  }
0xe2: {  	[sflag:s10] =	ssyncset.done $0x0  }
0xe3: {  	s9 =	rddreg [dreg:$0xe];
	[sflag:s10] =	ssyncadd.s32 $0xFFFFC000  }
0xe4: {  	[tilespmem:s13], [sflag:$0x1] =	stream.indirect.gather [hbm4b:s1+s12], $0x80, s9, s12, $0xb8;
	[tilespmem:$0x1C900] =	vst v63  }
0xe5: {  	_ =	swait.ge [sflag:s16], $0x4000  }
0xe6: {  	[sflag:s16] =	ssyncset.done $0x0  }
0xe7: {  	s9 =	rddreg [dreg:$0xf];
	[sflag:s16] =	ssyncadd.s32 $0xFFFFC000  }
0xe8: {  	[spmem:s3] =	stream.indirect.scatter.add.f32 [tilespmem:s14], [sflag:$0x3], $0x80, s9, s12, $0xb8;
	[tilespmem:$0x1C900] =	vst v63  }
0xe9: {  	_ =	swait.ge [sflag:s10], $0x4000  }
0xea: {  	[sflag:s10] =	ssyncset.done $0x0  }
0xeb: {  	s9 =	rddreg [dreg:$0x10];
	[sflag:s10] =	ssyncadd.s32 $0xFFFFC000  }
0xec: {  	[tilespmem:s14], [sflag:$0x2] =	stream.indirect.gather [hbm4b:s1+s12], $0x80, s9, s12, $0xb8;
	[tilespmem:$0x1C900] =	vst v63  }
0xed: {  	_ =	swait.ge [sflag:s15], $0x4000  }
0xee: {  	[sflag:s15] =	ssyncset.done $0x0  }
0xef: {  	s9 =	rddreg [dreg:$0x11];
	[sflag:s15] =	ssyncadd.s32 $0xFFFFC000  }
0xf0: {  	[spmem:s3] =	stream.indirect.scatter.add.f32 [tilespmem:s13], [sflag:$0x3], $0x80, s9, s12, $0xb8;
	[tilespmem:$0x1C900] =	vst v63  }
0xf1: {  	_ =	swait.ge [sflag:s10], $0x4000  }
0xf2: {  	[sflag:s10] =	ssyncset.done $0x0  }
0xf3: {  	[sflag:s10] =	ssyncadd.s32 $0xFFFFC000  }
0xf4: {  	[tilespmem:s13], [sflag:$0x1] =	stream.indirect.gather [hbm4b:s1+s12], $0x80, s17, s12, $0xb8;
	[tilespmem:$0x1C900] =	vst v63  }
0xf5: {  	_ =	swait.ge [sflag:s16], $0x4000  }
0xf6: {  	[sflag:s16] =	ssyncset.done $0x0  }
0xf7: {  	[sflag:s16] =	ssyncadd.s32 $0xFFFFC000  }
0xf8: {  	[spmem:s3] =	stream.indirect.scatter.add.f32 [tilespmem:s14], [sflag:$0x3], $0x80, s18, s12, $0xb8;
	[tilespmem:$0x1C900] =	vst v63  }
0xf9: {  	_ =	swait.ge [sflag:s10], $0x4000  }
0xfa: {  	[sflag:s10] =	ssyncset.done $0x0  }
0xfb: {  	[sflag:s10] =	ssyncadd.s32 $0xFFFFC000  }
0xfc: {  	[tilespmem:s14], [sflag:$0x2] =	stream.indirect.gather [hbm4b:s1+s12], $0x80, s19, s12, $0xb8;
	[tilespmem:$0x1C900] =	vst v63  }
0xfd: {  	_ =	swait.ge [sflag:s15], $0x4000  }
0xfe: {  	[sflag:s15] =	ssyncset.done $0x0  }
0xff: {  	[sflag:s15] =	ssyncadd.s32 $0xFFFFC000  }
0x100: {  	[spmem:s3] =	stream.indirect.scatter.add.f32 [tilespmem:s13], [sflag:$0x3], $0x80, s20, s12, $0xb8;
	[tilespmem:$0x1C900] =	vst v63  }
0x101: {  	_ =	swait.ge [sflag:s10], $0x4000  }
0x102: {  	[sflag:s10] =	ssyncset.done $0x0  }
0x103: {  	[sflag:s10] =	ssyncadd.s32 $0xFFFFC000  }
0x104: {  	[tilespmem:s13], [sflag:$0x1] =	stream.indirect.gather [hbm4b:s1+s12], $0x80, s21, s12, $0xb8;
	[tilespmem:$0x1C900] =	vst v63  }
0x105: {  	_ =	swait.ge [sflag:s16], $0x4000  }
0x106: {  	[sflag:s16] =	ssyncset.done $0x0  }
0x107: {  	[sflag:s16] =	ssyncadd.s32 $0xFFFFC000  }
0x108: {  	[spmem:s3] =	stream.indirect.scatter.add.f32 [tilespmem:s14], [sflag:$0x3], $0x80, s22, s12, $0xb8;
	[tilespmem:$0x1C900] =	vst v63  }
0x109: {  	_ =	swait.ge [sflag:s10], $0x4000  }
0x10a: {  	[sflag:s10] =	ssyncset.done $0x0  }
0x10b: {  	[sflag:s10] =	ssyncadd.s32 $0xFFFFC000  }
0x10c: {  	[tilespmem:s14], [sflag:$0x2] =	stream.indirect.gather [hbm4b:s1+s12], $0x80, s23, s12, $0xb8;
	[tilespmem:$0x1C900] =	vst v63  }
0x10d: {  	_ =	swait.ge [sflag:s15], $0x4000  }
0x10e: {  	[sflag:s15] =	ssyncset.done $0x0  }
0x10f: {  	[sflag:s15] =	ssyncadd.s32 $0xFFFFC000  }
0x110: {  	[spmem:s3] =	stream.indirect.scatter.add.f32 [tilespmem:s13], [sflag:$0x3], $0x80, s24, s12, $0xb8;
	[tilespmem:$0x1C900] =	vst v63  }
0x111: {  	_ =	swait.ge [sflag:s10], $0x4000  }
0x112: {  	[sflag:s10] =	ssyncset.done $0x0  }
0x113: {  	[sflag:s10] =	ssyncadd.s32 $0xFFFFC000  }
0x114: {  	[tilespmem:s13], [sflag:$0x1] =	stream.indirect.gather [hbm4b:s1+s12], $0x80, s25, s12, $0xb8;
	[tilespmem:$0x1C900] =	vst v63  }
0x115: {  	_ =	swait.ge [sflag:s16], $0x4000  }
0x116: {  	[sflag:s16] =	ssyncset.done $0x0  }
0x117: {  	[sflag:s16] =	ssyncadd.s32 $0xFFFFC000  }
0x118: {  	[spmem:s3] =	stream.indirect.scatter.add.f32 [tilespmem:s14], [sflag:$0x3], $0x80, s26, s12, $0xb8;
	[tilespmem:$0x1C900] =	vst v63  }
0x119: {  	_ =	swait.ge [sflag:s10], $0x4000  }
0x11a: {  	[sflag:s10] =	ssyncset.done $0x0  }
0x11b: {  	[sflag:s10] =	ssyncadd.s32 $0xFFFFC000  }
0x11c: {  	[tilespmem:s14], [sflag:$0x2] =	stream.indirect.gather [hbm4b:s1+s12], $0x80, s28, s12, $0xb8;
	[tilespmem:$0x1C900] =	vst v63  }
0x11d: {  	_ =	swait.ge [sflag:s15], $0x4000  }
0x11e: {  	[sflag:s15] =	ssyncset.done $0x0  }
0x11f: {  	[sflag:s15] =	ssyncadd.s32 $0xFFFFC000  }
0x120: {  	[spmem:s3] =	stream.indirect.scatter.add.f32 [tilespmem:s13], [sflag:$0x3], $0x80, s29, s12, $0xb8;
	[tilespmem:$0x1C900] =	vst v63  }
0x121: {  	_ =	swait.ge [sflag:s10], $0x4000  }
0x122: {  	[sflag:s10] =	ssyncset.done $0x0  }
0x123: {  	[sflag:s10] =	ssyncadd.s32 $0xFFFFC000  }
0x124: {  	[tilespmem:s13], [sflag:$0x1] =	stream.indirect.gather [hbm4b:s1+s12], $0x80, s30, s12, $0xb8;
	[tilespmem:$0x1C900] =	vst v63  }
0x125: {  	_ =	swait.ge [sflag:s16], $0x4000  }
0x126: {  	[sflag:s16] =	ssyncset.done $0x0  }
0x127: {  	[sflag:s16] =	ssyncadd.s32 $0xFFFFC000  }
0x128: {  	[spmem:s3] =	stream.indirect.scatter.add.f32 [tilespmem:s14], [sflag:$0x3], $0x80, s31, s12, $0xb8;
	[tilespmem:$0x1C900] =	vst v63  }
0x129: {  	_ =	swait.ge [sflag:s10], $0x4000  }
0x12a: {  	[sflag:s10] =	ssyncset.done $0x0  }
0x12b: {  	[sflag:s10] =	ssyncadd.s32 $0xFFFFC000  }
0x12c: {  	[tilespmem:s14], [sflag:$0x2] =	stream.indirect.gather [hbm4b:s1+s12], $0x80, s2, s12, $0xb8;
	[tilespmem:$0x1C900] =	vst v63  }
0x12d: {  	_ =	swait.ge [sflag:s15], $0x4000  }
0x12e: {  	[sflag:s15] =	ssyncset.done $0x0  }
0x12f: {  	[sflag:s15] =	ssyncadd.s32 $0xFFFFC000  }
0x130: {  	[spmem:s3] =	stream.indirect.scatter.add.f32 [tilespmem:s13], [sflag:$0x3], $0x80, s0, s12, $0xb8;
	[tilespmem:$0x1C900] =	vst v63  }
0x131: {  	_ =	swait.ge [sflag:s10], $0x4000  }
0x132: {  	[sflag:s10] =	ssyncset.done $0x0  }
0x133: {  	[sflag:s10] =	ssyncadd.s32 $0xFFFFC000  }
0x134: {  	p0 =	sne.s32 s6, $0x400;
	_ =	swait.ge [sflag:s16], $0x4000  }
.Ltmp0:
0x135: {  	[sflag:s16] =	ssyncset.done $0x0;
	(pc) =	sbr.rel @p0 .LBB2_2-.Ltmp0, $4  }
0x136: {  	[sflag:s16] =	ssyncadd.s32 $0xFFFFC000  }
0x137: {  	[spmem:s3] =	stream.indirect.scatter.add.f32 [tilespmem:s14], [sflag:$0x3], $0x80, s5, s12, $0xb8;
	[tilespmem:$0x1C900] =	vst v63  }
0x138: {  	s7 =	smov.u32 s6;
	s6 =	sadd.s32 $0x100, s6;
	_ =	swait.ge [sflag:s10], $0x4000  }
0x139: {  	s8 =	smov.u32 s7;
	s9 =	rddreg [dreg:$0x4];
	[sflag:s10] =	ssyncset.done $0x0  }
0x13a: {  	[sflag:s10] =	ssyncadd.s32 $0xFFFFC000;
	s6 =	sadd.s32 s8, s9  }
0x13b: {  	[tilespmem:s4], [sflag:$0x3] =	stream.linear.gather [hbm4b:s6+s4], $0x800, $0x38;
	[tilespmem:$0x1C900] =	vst v63  }
0x13c: {  	_ =	swait.ge [sflag:s10], $0x800  }
0x13d: {  	s7 =	rddreg [dreg:$0x5];
	[sflag:s10] =	ssyncset.done $0x0  }
0x13e: {  	s6 =	sadd.s32 s8, s7;
	[sflag:s10] =	ssyncadd.s32 $0xFFFFF800  }
0x13f: {  	[tilespmem:s11], [sflag:$0x3] =	stream.linear.gather [hbm4b:s6+s4], $0x800, $0x38;
	[tilespmem:$0x1C900] =	vst v63  }
0x140: {  	_ =	swait.ge [sflag:s10], $0x800  }
0x141: {  	[sflag:s10] =	ssyncset.done $0x0  }
0x142: {  	[sflag:s10] =	ssyncadd.s32 $0xFFFFF800  }
0x143: {  	[tilespmem:s13], [sflag:$0x1] =	stream.indirect.gather [hbm4b:s1+s12], $0x80, s4, s12, $0xb8;
	[tilespmem:$0x1C900] =	vst v63  }
0x144: {  	_ = 	snop  }
0x145: {  	[tilespmem:s14], [sflag:$0x2] =	stream.indirect.gather [hbm4b:s1+s12], $0x80, s12, s12, $0xb8;
	[tilespmem:$0x1C900] =	vst v63  }
0x146: {  	_ =	swait.ge [sflag:s15], $0x4000  }
0x147: {  	[sflag:s15] =	ssyncset.done $0x0  }
0x148: {  	[sflag:s15] =	ssyncadd.s32 $0xFFFFC000  }
0x149: {  	[spmem:s3] =	stream.indirect.scatter.add.f32 [tilespmem:s13], [sflag:$0x3], $0x80, s11, s12, $0xb8;
	[tilespmem:$0x1C900] =	vst v63  }
0x14a: {  	_ =	swait.ge [sflag:s10], $0x4000  }
0x14b: {  	[sflag:s10] =	ssyncset.done $0x0  }
0x14c: {  	s9 =	rddreg [dreg:$0x6];
	[sflag:s10] =	ssyncadd.s32 $0xFFFFC000  }
0x14d: {  	[tilespmem:s13], [sflag:$0x1] =	stream.indirect.gather [hbm4b:s1+s12], $0x80, s9, s12, $0xb8;
	[tilespmem:$0x1C900] =	vst v63  }
0x14e: {  	_ =	swait.ge [sflag:s16], $0x4000  }
0x14f: {  	[sflag:s16] =	ssyncset.done $0x0  }
0x150: {  	s7 =	rddreg [dreg:$0x7];
	[sflag:s16] =	ssyncadd.s32 $0xFFFFC000  }
0x151: {  	[spmem:s3] =	stream.indirect.scatter.add.f32 [tilespmem:s14], [sflag:$0x3], $0x80, s7, s12, $0xb8;
	[tilespmem:$0x1C900] =	vst v63  }
0x152: {  	_ =	swait.ge [sflag:s10], $0x4000  }
0x153: {  	[sflag:s10] =	ssyncset.done $0x0  }
0x154: {  	s8 =	rddreg [dreg:$0x8];
	[sflag:s10] =	ssyncadd.s32 $0xFFFFC000  }
0x155: {  	[tilespmem:s14], [sflag:$0x2] =	stream.indirect.gather [hbm4b:s1+s12], $0x80, s8, s12, $0xb8;
	[tilespmem:$0x1C900] =	vst v63  }
0x156: {  	_ =	swait.ge [sflag:s15], $0x4000  }
0x157: {  	[sflag:s15] =	ssyncset.done $0x0  }
0x158: {  	s9 =	rddreg [dreg:$0x9];
	[sflag:s15] =	ssyncadd.s32 $0xFFFFC000  }
0x159: {  	[spmem:s3] =	stream.indirect.scatter.add.f32 [tilespmem:s13], [sflag:$0x3], $0x80, s9, s12, $0xb8;
	[tilespmem:$0x1C900] =	vst v63  }
0x15a: {  	_ =	swait.ge [sflag:s10], $0x4000  }
0x15b: {  	[sflag:s10] =	ssyncset.done $0x0  }
0x15c: {  	s7 =	rddreg [dreg:$0xa];
	[sflag:s10] =	ssyncadd.s32 $0xFFFFC000  }
0x15d: {  	[tilespmem:s13], [sflag:$0x1] =	stream.indirect.gather [hbm4b:s1+s12], $0x80, s7, s12, $0xb8;
	[tilespmem:$0x1C900] =	vst v63  }
0x15e: {  	_ =	swait.ge [sflag:s16], $0x4000  }
0x15f: {  	[sflag:s16] =	ssyncset.done $0x0  }
0x160: {  	s8 =	rddreg [dreg:$0xb];
	[sflag:s16] =	ssyncadd.s32 $0xFFFFC000  }
0x161: {  	[spmem:s3] =	stream.indirect.scatter.add.f32 [tilespmem:s14], [sflag:$0x3], $0x80, s8, s12, $0xb8;
	[tilespmem:$0x1C900] =	vst v63  }
0x162: {  	_ =	swait.ge [sflag:s10], $0x4000  }
0x163: {  	[sflag:s10] =	ssyncset.done $0x0  }
0x164: {  	s9 =	rddreg [dreg:$0xc];
	[sflag:s10] =	ssyncadd.s32 $0xFFFFC000  }
0x165: {  	[tilespmem:s14], [sflag:$0x2] =	stream.indirect.gather [hbm4b:s1+s12], $0x80, s9, s12, $0xb8;
	[tilespmem:$0x1C900] =	vst v63  }
0x166: {  	_ =	swait.ge [sflag:s15], $0x4000  }
0x167: {  	[sflag:s15] =	ssyncset.done $0x0  }
0x168: {  	s7 =	rddreg [dreg:$0xd];
	[sflag:s15] =	ssyncadd.s32 $0xFFFFC000  }
0x169: {  	[spmem:s3] =	stream.indirect.scatter.add.f32 [tilespmem:s13], [sflag:$0x3], $0x80, s7, s12, $0xb8;
	[tilespmem:$0x1C900] =	vst v63  }
0x16a: {  	_ =	swait.ge [sflag:s10], $0x4000  }
0x16b: {  	[sflag:s10] =	ssyncset.done $0x0  }
0x16c: {  	s8 =	rddreg [dreg:$0xe];
	[sflag:s10] =	ssyncadd.s32 $0xFFFFC000  }
0x16d: {  	[tilespmem:s13], [sflag:$0x1] =	stream.indirect.gather [hbm4b:s1+s12], $0x80, s8, s12, $0xb8;
	[tilespmem:$0x1C900] =	vst v63  }
0x16e: {  	_ =	swait.ge [sflag:s16], $0x4000  }
0x16f: {  	[sflag:s16] =	ssyncset.done $0x0  }
0x170: {  	s9 =	rddreg [dreg:$0xf];
	[sflag:s16] =	ssyncadd.s32 $0xFFFFC000  }
0x171: {  	[spmem:s3] =	stream.indirect.scatter.add.f32 [tilespmem:s14], [sflag:$0x3], $0x80, s9, s12, $0xb8;
	[tilespmem:$0x1C900] =	vst v63  }
0x172: {  	_ =	swait.ge [sflag:s10], $0x4000  }
0x173: {  	[sflag:s10] =	ssyncset.done $0x0  }
0x174: {  	s7 =	rddreg [dreg:$0x10];
	[sflag:s10] =	ssyncadd.s32 $0xFFFFC000  }
0x175: {  	[tilespmem:s14], [sflag:$0x2] =	stream.indirect.gather [hbm4b:s1+s12], $0x80, s7, s12, $0xb8;
	[tilespmem:$0x1C900] =	vst v63  }
0x176: {  	_ =	swait.ge [sflag:s15], $0x4000  }
0x177: {  	[sflag:s15] =	ssyncset.done $0x0  }
0x178: {  	s8 =	rddreg [dreg:$0x11];
	[sflag:s15] =	ssyncadd.s32 $0xFFFFC000  }
0x179: {  	[spmem:s3] =	stream.indirect.scatter.add.f32 [tilespmem:s13], [sflag:$0x3], $0x80, s8, s12, $0xb8;
	[tilespmem:$0x1C900] =	vst v63  }
0x17a: {  	_ =	swait.ge [sflag:s10], $0x4000  }
0x17b: {  	[sflag:s10] =	ssyncset.done $0x0  }
0x17c: {  	[sflag:s10] =	ssyncadd.s32 $0xFFFFC000  }
0x17d: {  	[tilespmem:s13], [sflag:$0x1] =	stream.indirect.gather [hbm4b:s1+s12], $0x80, s17, s12, $0xb8;
	[tilespmem:$0x1C900] =	vst v63  }
0x17e: {  	_ =	swait.ge [sflag:s16], $0x4000  }
0x17f: {  	[sflag:s16] =	ssyncset.done $0x0  }
0x180: {  	[sflag:s16] =	ssyncadd.s32 $0xFFFFC000  }
0x181: {  	[spmem:s3] =	stream.indirect.scatter.add.f32 [tilespmem:s14], [sflag:$0x3], $0x80, s18, s12, $0xb8;
	[tilespmem:$0x1C900] =	vst v63  }
0x182: {  	_ =	swait.ge [sflag:s10], $0x4000  }
0x183: {  	[sflag:s10] =	ssyncset.done $0x0  }
0x184: {  	[sflag:s10] =	ssyncadd.s32 $0xFFFFC000  }
0x185: {  	[tilespmem:s14], [sflag:$0x2] =	stream.indirect.gather [hbm4b:s1+s12], $0x80, s19, s12, $0xb8;
	[tilespmem:$0x1C900] =	vst v63  }
0x186: {  	_ =	swait.ge [sflag:s15], $0x4000  }
0x187: {  	[sflag:s15] =	ssyncset.done $0x0  }
0x188: {  	[sflag:s15] =	ssyncadd.s32 $0xFFFFC000  }
0x189: {  	[spmem:s3] =	stream.indirect.scatter.add.f32 [tilespmem:s13], [sflag:$0x3], $0x80, s20, s12, $0xb8;
	[tilespmem:$0x1C900] =	vst v63  }
0x18a: {  	_ =	swait.ge [sflag:s10], $0x4000  }
0x18b: {  	[sflag:s10] =	ssyncset.done $0x0  }
0x18c: {  	[sflag:s10] =	ssyncadd.s32 $0xFFFFC000  }
0x18d: {  	[tilespmem:s13], [sflag:$0x1] =	stream.indirect.gather [hbm4b:s1+s12], $0x80, s21, s12, $0xb8;
	[tilespmem:$0x1C900] =	vst v63  }
0x18e: {  	_ =	swait.ge [sflag:s16], $0x4000  }
0x18f: {  	[sflag:s16] =	ssyncset.done $0x0  }
0x190: {  	[sflag:s16] =	ssyncadd.s32 $0xFFFFC000  }
0x191: {  	[spmem:s3] =	stream.indirect.scatter.add.f32 [tilespmem:s14], [sflag:$0x3], $0x80, s22, s12, $0xb8;
	[tilespmem:$0x1C900] =	vst v63  }
0x192: {  	_ =	swait.ge [sflag:s10], $0x4000  }
0x193: {  	[sflag:s10] =	ssyncset.done $0x0  }
0x194: {  	[sflag:s10] =	ssyncadd.s32 $0xFFFFC000  }
0x195: {  	[tilespmem:s14], [sflag:$0x2] =	stream.indirect.gather [hbm4b:s1+s12], $0x80, s23, s12, $0xb8;
	[tilespmem:$0x1C900] =	vst v63  }
0x196: {  	_ =	swait.ge [sflag:s15], $0x4000  }
0x197: {  	[sflag:s15] =	ssyncset.done $0x0  }
0x198: {  	[sflag:s15] =	ssyncadd.s32 $0xFFFFC000  }
0x199: {  	[spmem:s3] =	stream.indirect.scatter.add.f32 [tilespmem:s13], [sflag:$0x3], $0x80, s24, s12, $0xb8;
	[tilespmem:$0x1C900] =	vst v63  }
0x19a: {  	_ =	swait.ge [sflag:s10], $0x4000  }
0x19b: {  	[sflag:s10] =	ssyncset.done $0x0  }
0x19c: {  	[sflag:s10] =	ssyncadd.s32 $0xFFFFC000  }
0x19d: {  	[tilespmem:s13], [sflag:$0x1] =	stream.indirect.gather [hbm4b:s1+s12], $0x80, s25, s12, $0xb8;
	[tilespmem:$0x1C900] =	vst v63  }
0x19e: {  	_ =	swait.ge [sflag:s16], $0x4000  }
0x19f: {  	[sflag:s16] =	ssyncset.done $0x0  }
0x1a0: {  	[sflag:s16] =	ssyncadd.s32 $0xFFFFC000  }
0x1a1: {  	[spmem:s3] =	stream.indirect.scatter.add.f32 [tilespmem:s14], [sflag:$0x3], $0x80, s26, s12, $0xb8;
	[tilespmem:$0x1C900] =	vst v63  }
0x1a2: {  	_ =	swait.ge [sflag:s10], $0x4000  }
0x1a3: {  	[sflag:s10] =	ssyncset.done $0x0  }
0x1a4: {  	[sflag:s10] =	ssyncadd.s32 $0xFFFFC000  }
0x1a5: {  	[tilespmem:s14], [sflag:$0x2] =	stream.indirect.gather [hbm4b:s1+s12], $0x80, s28, s12, $0xb8;
	[tilespmem:$0x1C900] =	vst v63  }
0x1a6: {  	_ =	swait.ge [sflag:s15], $0x4000  }
0x1a7: {  	[sflag:s15] =	ssyncset.done $0x0  }
0x1a8: {  	[sflag:s15] =	ssyncadd.s32 $0xFFFFC000  }
0x1a9: {  	[spmem:s3] =	stream.indirect.scatter.add.f32 [tilespmem:s13], [sflag:$0x3], $0x80, s29, s12, $0xb8;
	[tilespmem:$0x1C900] =	vst v63  }
0x1aa: {  	_ =	swait.ge [sflag:s10], $0x4000  }
0x1ab: {  	[sflag:s10] =	ssyncset.done $0x0  }
0x1ac: {  	[sflag:s10] =	ssyncadd.s32 $0xFFFFC000  }
0x1ad: {  	[tilespmem:s13], [sflag:$0x1] =	stream.indirect.gather [hbm4b:s1+s12], $0x80, s30, s12, $0xb8;
	[tilespmem:$0x1C900] =	vst v63  }
0x1ae: {  	_ =	swait.ge [sflag:s16], $0x4000  }
0x1af: {  	[sflag:s16] =	ssyncset.done $0x0  }
0x1b0: {  	[sflag:s16] =	ssyncadd.s32 $0xFFFFC000  }
0x1b1: {  	[spmem:s3] =	stream.indirect.scatter.add.f32 [tilespmem:s14], [sflag:$0x3], $0x80, s31, s12, $0xb8;
	[tilespmem:$0x1C900] =	vst v63  }
0x1b2: {  	_ =	swait.ge [sflag:s10], $0x4000  }
0x1b3: {  	[sflag:s10] =	ssyncset.done $0x0  }
0x1b4: {  	[sflag:s10] =	ssyncadd.s32 $0xFFFFC000  }
0x1b5: {  	[tilespmem:s14], [sflag:$0x2] =	stream.indirect.gather [hbm4b:s1+s12], $0x80, s2, s12, $0xb8;
	[tilespmem:$0x1C900] =	vst v63  }
0x1b6: {  	_ =	swait.ge [sflag:s15], $0x4000  }
0x1b7: {  	[sflag:s15] =	ssyncset.done $0x0  }
0x1b8: {  	[sflag:s15] =	ssyncadd.s32 $0xFFFFC000  }
0x1b9: {  	[spmem:s3] =	stream.indirect.scatter.add.f32 [tilespmem:s13], [sflag:$0x3], $0x80, s0, s12, $0xb8;
	[tilespmem:$0x1C900] =	vst v63  }
0x1ba: {  	_ =	swait.ge [sflag:s10], $0x4000  }
0x1bb: {  	[sflag:s10] =	ssyncset.done $0x0  }
0x1bc: {  	[sflag:s10] =	ssyncadd.s32 $0xFFFFC000  }
0x1bd: {  	_ =	swait.ge [sflag:s16], $0x4000  }
0x1be: {  	[sflag:s16] =	ssyncset.done $0x0  }
0x1bf: {  	[sflag:s16] =	ssyncadd.s32 $0xFFFFC000  }
0x1c0: {  	[spmem:s3] =	stream.indirect.scatter.add.f32 [tilespmem:s14], [sflag:$0x3], $0x80, s5, s12, $0xb8;
	[tilespmem:$0x1C900] =	vst v63  }
0x1c1: {  	_ =	swait.ge [sflag:s10], $0x4000  }
0x1c2: {  	[sflag:s10] =	ssyncset.done $0x0  }
0x1c3: {  	[sflag:s10] =	ssyncadd.s32 $0xFFFFC000  }
0x1c4: {  	[bflag:$0x0] =	sbarrier.arrive $0xFFFF  }
0x1c5: {  	s8 =	rddreg [dreg:$0x13]  }
0x1c6: {  	s9 =	rddreg [dreg:$0x14]  }
0x1c7: {  	s7 =	rddreg [dreg:$0x16]  }
0x1c8: {  	[hbm:s9], [sflag:s8] =	dma.local [spmem:s7], $0x2800  }
0x1c9: {  	_ =	swait.ge [sflag:s10], $0x2800  }
0x1ca: {  	s6 =	rddreg [dreg:$0x17]  }
0x1cb: {  	s9 =	sadd.s32 $0x1, s6;
	s6 =	rddreg [dreg:$0x15]  }
0x1cc: {  	p0 =	sne.s32 s9, s6  }
.Ltmp1:
0x1cd: {  	_ = 	snop;
	(pc) =	sbr.rel @p0 .LBB2_1-.Ltmp1, $3  }
0x1ce: {  	_ =	sdelay $0x1  }
0x1cf: {  	[sflag:s10] =	ssyncset.done $0x0  }
0x1d0: {  	[sflag:s10] =	ssyncadd.s32 $0xFFFFD800  }
0x1d1: {  	_ =	sfence.sel $0x180000  }
0x1d2: {  	[bflag:$0x0] =	sbarrier.arrive $0xFFFF  }
0x1d3: {  	_ =	strace $0x90000047  }
0x1d4: {  	s0 =	stileid.u32;
	[bflag:$0x2] =	sbarrier.arrive $0xFFFF  }
0x1d5: {  	p0 =	sne.s32 s0, $0x0;
	s0 =	rddreg [dreg:$0x3]  }
0x1d6: {  	s0 =	sadd.s32 @!p0 $0x100000, s0  }
0x1d7: {  	[sflag:s0] =	ssyncadd.tile.s32 @!p0 $0x1;
	_ =	shalt  }
.Lfunc_end2:
_tile_overlayer_lowered:
.L_overlay_start_2:
0x1d8: {  	(tag) =	ssettag $0x2  }
0x1d9: {  	s0 =	rddreg [dreg:$0x0];
	s2 =	stileid.u32  }
0x1da: {  	s1 =	rddreg [dreg:$0x1];
	p0 =	sne.s32 s2, $0x0  }
0x1db: {  	s3 =	rddreg [dreg:$0x2];
	[bflag:$0x3] =	sbarrier.arrive $0xFFFF;
	s2 =	simm.s32 @!p0 $0x1C03  }
0x1dc: {  	[timem:s3], [sflag:s2] =	dma.local @!p0 [hbm:s0], s1  }
0x1dd: {  	s0 =	simm.s32 @!p0 $0x3  }
0x1de: {  	_ =	swait.ge @!p0 [sflag:s0], s1  }
0x1df: {  	s1 =	ssub.s32 @!p0 $0x0, s1;
	[sflag:s0] =	ssyncset.done @!p0 $0x0  }
0x1e0: {  	[sflag:s0] =	ssyncadd.s32 @!p0 s1  }
0x1e1: {  	[bflag:$0x3] =	sbarrier.arrive $0xFFFF  }
0x1e2: {  	_ =	shalt  }

</sc_bundles>
